<compile_context>
chip_gen: v7x
topology: tpu7x:2x2x1
jax: 0.10.2.dev20260603
libtpu: 0.0.44.dev20260713+nightly
codegen_flags: <defaults>
</compile_context>

<pallas_src>
import jax
import jax.numpy as jnp
from jax import lax
from jax.experimental import pallas as pl
from jax.experimental.pallas import tpu as pltpu
from jax.experimental.pallas import tpu_sc as plsc

_NC = 2
_NS = 16
_NW = _NC * _NS
_CH = 128


def _largest_div_le(n, cap):
    for cand in range(min(n, cap), 0, -1):
        if n % cand == 0:
            return cand
    return 1


def _acc_rows(n):
    nps = -(-n // (_NS * 8)) * 8
    return nps * _NS, nps


def _sc_edge_aggregate(table, src, dst):
    n, d = table.shape
    e = src.shape[0]
    nchunk = e // _CH
    steps = nchunk // _NW
    assert nchunk == steps * _NW and steps % 4 == 0 and steps >= 8
    npad, nps = _acc_rows(n)
    zr = _largest_div_le(nps, 128)
    nz = nps // zr

    scratch = [
        pltpu.VMEM((4, _CH), jnp.int32),
        pltpu.VMEM((4, _CH), jnp.int32),
        pltpu.VMEM((_CH, d), jnp.float32),
        pltpu.VMEM((_CH, d), jnp.float32),
        pltpu.VMEM((zr, d), jnp.float32),
        pltpu.VMEM_SHARED((npad, d), jnp.float32),
    ] + [pltpu.SemaphoreType.DMA] * 6

    def body(x_hbm, src_hbm, dst_hbm, out_hbm, srcb, dstb, rows0, rows1,
             zrow_v, acc_sh, si0, si1, si2, si3, sg0, sg1):
        cid = lax.axis_index("c")
        sid = lax.axis_index("s")
        w = sid * _NC + cid
        sem_i = (si0, si1, si2, si3)
        sem_g = (sg0, sg1)
        rows = (rows0, rows1)

        zero16 = jnp.zeros((16,), jnp.float32)

        @pl.loop(0, zr)
        def _(r):
            for j in range(d // 16):
                zrow_v[r, pl.ds(16 * j, 16)] = zero16

        base = sid * nps

        @pl.loop(0, nz)
        def _(z):
            pltpu.sync_copy(zrow_v, acc_sh.at[pl.ds(base + z * zr, zr)])

        plsc.subcore_barrier()

        def issue_i(step, bi):
            off = (w + step * _NW) * _CH
            pltpu.async_copy(src_hbm.at[pl.ds(off, _CH)], srcb.at[bi],
                             sem_i[bi])
            pltpu.async_copy(dst_hbm.at[pl.ds(off, _CH)], dstb.at[bi],
                             sem_i[bi])

        def wait_i(bi):
            pltpu.make_async_copy(src_hbm.at[pl.ds(0, _CH)], srcb.at[bi],
                                  sem_i[bi]).wait()
            pltpu.make_async_copy(dst_hbm.at[pl.ds(0, _CH)], dstb.at[bi],
                                  sem_i[bi]).wait()

        def issue_g(bi, rb):
            pltpu.async_copy(x_hbm.at[srcb.at[bi]], rows[rb], sem_g[rb])

        def wait_g(rb):
            pltpu.make_async_copy(x_hbm.at[pl.ds(0, _CH)], rows[rb],
                                  sem_g[rb]).wait()

        def sync_s(bi, rb):
            pltpu.sync_copy(rows[rb], acc_sh.at[dstb.at[bi]], add=True)

        issue_i(0, 0)
        issue_i(1, 1)
        wait_i(0)
        issue_g(0, 0)
        wait_g(0)
        wait_i(1)
        issue_g(1, 1)
        sync_s(0, 0)
        issue_i(2, 2)
        wait_g(1)
        wait_i(2)
        issue_g(2, 0)
        sync_s(1, 1)
        issue_i(3, 3)

        @pl.loop(0, (steps - 4) // 4)
        def _(o):
            for u in range(4):
                step = 2 + o * 4 + u
                b = u % 2
                bi = (2 + u) % 4
                wait_g(b)
                wait_i((bi + 1) % 4)
                issue_g((bi + 1) % 4, 1 - b)
                sync_s(bi, b)
                issue_i(step + 2, (bi + 2) % 4)

        wait_g(0)
        wait_i(3)
        issue_g(3, 1)
        sync_s(2, 0)
        wait_g(1)
        sync_s(3, 1)

        plsc.subcore_barrier()
        obase = cid * npad + base
        pltpu.sync_copy(acc_sh.at[pl.ds(base, nps)],
                        out_hbm.at[pl.ds(obase, nps)])

    mesh = plsc.VectorSubcoreMesh(core_axis_name="c", subcore_axis_name="s")
    f = pl.kernel(body,
                  out_type=jax.ShapeDtypeStruct((_NC * npad, d), jnp.float32),
                  mesh=mesh, scratch_types=scratch)
    return f(table, src, dst), npad


def _sc_degree_count(dst, n):
    e = dst.shape[0]
    nchunk = e // _CH
    steps = nchunk // _NW
    assert nchunk == steps * _NW and steps % 4 == 0 and steps >= 8
    npad, nps = _acc_rows(n)
    zr = _largest_div_le(nps, 128)
    nz = nps // zr

    scratch = [
        pltpu.VMEM((4, _CH), jnp.int32),
        pltpu.VMEM((zr, 128), jnp.float32),
        pltpu.VMEM((_CH, 128), jnp.float32),
        pltpu.VMEM_SHARED((npad, 128), jnp.float32),
    ] + [pltpu.SemaphoreType.DMA] * 6

    def body(dst_hbm, cnt_hbm, dstb, zc_v, ones_v, cacc_sh,
             si0, si1, si2, si3, ss0, ss1):
        cid = lax.axis_index("c")
        sid = lax.axis_index("s")
        w = sid * _NC + cid
        sem_i = (si0, si1, si2, si3)
        sem_s = (ss0, ss1)

        zero16 = jnp.zeros((16,), jnp.float32)
        one16 = jnp.ones((16,), jnp.float32)

        @pl.loop(0, zr)
        def _(r):
            for j in range(8):
                zc_v[r, pl.ds(16 * j, 16)] = zero16

        @pl.loop(0, _CH)
        def _(r):
            for j in range(8):
                ones_v[r, pl.ds(16 * j, 16)] = one16

        base = sid * nps

        @pl.loop(0, nz)
        def _(z):
            pltpu.sync_copy(zc_v, cacc_sh.at[pl.ds(base + z * zr, zr)])

        plsc.subcore_barrier()

        def issue_i(step, bi):
            off = (w + step * _NW) * _CH
            pltpu.async_copy(dst_hbm.at[pl.ds(off, _CH)], dstb.at[bi],
                             sem_i[bi])

        def wait_i(bi):
            pltpu.make_async_copy(dst_hbm.at[pl.ds(0, _CH)], dstb.at[bi],
                                  sem_i[bi]).wait()

        def issue_s(bi, b):
            pltpu.async_copy(ones_v, cacc_sh.at[dstb.at[bi]], sem_s[b],
                             add=True)

        def wait_s(b):
            pltpu.make_async_copy(cnt_hbm.at[pl.ds(0, _CH)], ones_v,
                                  sem_s[b]).wait()

        issue_i(0, 0)
        issue_i(1, 1)
        wait_i(0)
        issue_s(0, 0)
        issue_i(2, 2)
        wait_i(1)
        issue_s(1, 1)
        issue_i(3, 3)

        @pl.loop(0, (steps - 4) // 4)
        def _(o):
            for u in range(4):
                step = 2 + o * 4 + u
                b = u % 2
                bi = (2 + u) % 4
                wait_i(bi)
                issue_s(bi, b)
                wait_s(b)
                issue_i(step + 2, (bi + 2) % 4)

        wait_i(2)
        issue_s(2, 0)
        wait_s(0)
        wait_i(3)
        issue_s(3, 1)
        wait_s(1)
        wait_s(0)
        wait_s(1)

        plsc.subcore_barrier()
        obase = cid * npad + base
        pltpu.sync_copy(cacc_sh.at[pl.ds(base, nps)],
                        cnt_hbm.at[pl.ds(obase, nps)])

    mesh = plsc.VectorSubcoreMesh(core_axis_name="c", subcore_axis_name="s")
    f = pl.kernel(body,
                  out_type=jax.ShapeDtypeStruct((_NC * npad, 128),
                                                jnp.float32),
                  mesh=mesh, scratch_types=scratch)
    return f(dst)


def _sc_pool(h, batch, g):
    n, d = h.shape
    full = n // _CH
    assert full * _CH == n
    iters = -(-full // _NW)
    ga = g + 8
    assert g % 8 == 0 and ga // 8 <= _NS

    scratch = [
        pltpu.VMEM((_CH,), jnp.int32),
        pltpu.VMEM((_CH, d), jnp.float32),
        pltpu.VMEM((_CH, 128), jnp.float32),
        pltpu.VMEM((8, d), jnp.float32),
        pltpu.VMEM((8, 128), jnp.float32),
        pltpu.VMEM_SHARED((ga, d), jnp.float32),
        pltpu.VMEM_SHARED((ga, 128), jnp.float32),
        pltpu.SemaphoreType.DMA,
    ]

    def body(h_hbm, b_hbm, out_hbm, cnt_hbm, bidx_v, rows_v, ones_v,
             zrow_v, zc_v, acc_sh, cacc_sh, sem):
        cid = lax.axis_index("c")
        sid = lax.axis_index("s")
        w = sid * _NC + cid

        zero16 = jnp.zeros((16,), jnp.float32)
        one16 = jnp.ones((16,), jnp.float32)

        @pl.loop(0, 8)
        def _(r):
            for j in range(d // 16):
                zrow_v[r, pl.ds(16 * j, 16)] = zero16
            for j in range(8):
                zc_v[r, pl.ds(16 * j, 16)] = zero16

        @pl.loop(0, _CH)
        def _(r):
            for j in range(8):
                ones_v[r, pl.ds(16 * j, 16)] = one16

        base = sid * 8

        @pl.when(sid < ga // 8)
        def _():
            pltpu.sync_copy(zrow_v, acc_sh.at[pl.ds(base, 8)])
            pltpu.sync_copy(zc_v, cacc_sh.at[pl.ds(base, 8)])

        plsc.subcore_barrier()

        @pl.loop(0, iters)
        def _(i):
            c = w + i * _NW

            @pl.when(c < full)
            def _():
                off = c * _CH
                pltpu.sync_copy(b_hbm.at[pl.ds(off, _CH)], bidx_v)
                pltpu.sync_copy(h_hbm.at[pl.ds(off, _CH)], rows_v)
                pltpu.sync_copy(rows_v, acc_sh.at[bidx_v], add=True)
                pltpu.sync_copy(ones_v, cacc_sh.at[bidx_v], add=True)

        plsc.subcore_barrier()
        obase = cid * g + base

        @pl.when(sid < g // 8)
        def _():
            pltpu.sync_copy(acc_sh.at[pl.ds(base, 8)],
                            out_hbm.at[pl.ds(obase, 8)])
            pltpu.sync_copy(cacc_sh.at[pl.ds(base, 8)],
                            cnt_hbm.at[pl.ds(obase, 8)])

    mesh = plsc.VectorSubcoreMesh(core_axis_name="c", subcore_axis_name="s")
    f = pl.kernel(body,
                  out_type=(jax.ShapeDtypeStruct((_NC * g, d), jnp.float32),
                            jax.ShapeDtypeStruct((_NC * g, 128),
                                                 jnp.float32)),
                  mesh=mesh, scratch_types=scratch)
    return f(h, batch)


def _tc_sage_linear(parts, cnts, x, wl, bias, wr, npad):
    d = x.shape[1]
    br = _largest_div_le(npad, 1024)
    while br % 8 != 0:
        br //= 2
    nb = npad // br
    off = nb

    def body(p0, p1, c0, c1, x_ref, wl_ref, wr_ref, b_ref, o_ref):
        s = p0[...] + p1[...]
        c = c0[...][:, 0:1] + c1[...][:, 0:1]
        agg = s / jnp.maximum(c, 1.0)
        h = (lax.dot_general(agg, wl_ref[...], (((1,), (1,)), ((), ())),
                             preferred_element_type=jnp.float32)
             + lax.dot_general(x_ref[...], wr_ref[...],
                               (((1,), (1,)), ((), ())),
                               preferred_element_type=jnp.float32)
             + b_ref[...])
        o_ref[...] = jnp.maximum(h, 0.0)

    row_spec = pl.BlockSpec((br, d), lambda i: (i, 0))
    return pl.pallas_call(
        body,
        grid=(nb,),
        in_specs=[
            row_spec,
            pl.BlockSpec((br, d), lambda i: (i + off, 0)),
            pl.BlockSpec((br, 128), lambda i: (i, 0)),
            pl.BlockSpec((br, 128), lambda i: (i + off, 0)),
            row_spec,
            pl.BlockSpec((d, d), lambda i: (0, 0)),
            pl.BlockSpec((d, d), lambda i: (0, 0)),
            pl.BlockSpec((1, d), lambda i: (0, 0)),
        ],
        out_specs=row_spec,
        out_shape=jax.ShapeDtypeStruct((npad, d), jnp.float32),
    )(parts, parts, cnts, cnts, x, wl, wr, bias.reshape(1, d))


def _tc_head(pparts, pcnts, wc, bias, g, d):
    def body(p0, p1, c0, c1, w_ref, b_ref, o_ref):
        p = p0[...] + p1[...]
        c = c0[...][:, 0:1] + c1[...][:, 0:1]
        pooled = p / jnp.maximum(c, 1.0)
        o_ref[...] = (lax.dot_general(pooled, w_ref[...],
                                      (((1,), (1,)), ((), ())),
                                      preferred_element_type=jnp.float32)
                      + b_ref[...])

    return pl.pallas_call(
        body,
        grid=(1,),
        in_specs=[
            pl.BlockSpec((g, d), lambda i: (0, 0)),
            pl.BlockSpec((g, d), lambda i: (1, 0)),
            pl.BlockSpec((g, 128), lambda i: (0, 0)),
            pl.BlockSpec((g, 128), lambda i: (1, 0)),
            pl.BlockSpec((d, d), lambda i: (0, 0)),
            pl.BlockSpec((1, d), lambda i: (0, 0)),
        ],
        out_specs=pl.BlockSpec((g, d), lambda i: (0, 0)),
        out_shape=jax.ShapeDtypeStruct((g, d), jnp.float32),
    )(pparts, pparts, pcnts, pcnts, wc, bias.reshape(1, d))


def kernel(x, edge_index, batch, W1l, b1l, W1r, W2l, b2l, W2r, Wc, bc):
    g = 64
    n, d = x.shape
    e = edge_index.shape[1]
    npad, _ = _acc_rows(n)
    assert npad > n

    steps = -(-e // (_NW * _CH))
    steps = max(-(-steps // 4) * 4, 8)
    epad = steps * _NW * _CH
    pad_src = jnp.arange(epad - e, dtype=jnp.int32) % n
    src = jnp.concatenate([edge_index[0], pad_src])
    pad_dst = n + jnp.arange(epad - e, dtype=jnp.int32) % (npad - n)
    dst = jnp.concatenate([edge_index[1], pad_dst])
    parts1, npad1 = _sc_edge_aggregate(x, src, dst)
    cnts = _sc_degree_count(dst, n)
    h1 = _tc_sage_linear(parts1, cnts, x, W1l, b1l, W1r, npad1)
    parts2, npad2 = _sc_edge_aggregate(h1, src, dst)
    h2 = _tc_sage_linear(parts2, cnts, h1, W2l, b2l, W2r, npad2)

    batch_p = jnp.concatenate(
        [batch, jnp.full((h2.shape[0] - n,), g, jnp.int32)])
    pparts, pcnts = _sc_pool(h2, batch_p, g)
    return _tc_head(pparts, pcnts, Wc, bc, g, d)

# --- scband reference (transcript-rebuilt; emitter-appended) ---
"""Pipeline reference for scband-homo-sage-39977555591470 (READ-ONLY COPY).

The authoritative reference and input builder live on the scoring server;
editing this copy changes nothing except your own understanding.
"""

import jax, jax.numpy as jnp
import numpy as np

N = 10000
E = 320000
D = 128
G = 64

def setup_inputs(seed: int = 0):
    key = jax.random.key(seed)
    ks = jax.random.split(key, 12)
    x = jax.random.normal(ks[0], (N, D), dtype=jnp.float32)
    edge_index = jax.random.randint(ks[1], (2, E), 0, N, dtype=jnp.int32)
    batch = jnp.sort(jax.random.randint(ks[2], (N,), 0, G, dtype=jnp.int32))
    s = 0.05
    W1l = jax.random.normal(ks[3], (D, D), dtype=jnp.float32) * s
    b1l = jnp.zeros((D,), dtype=jnp.float32)
    W1r = jax.random.normal(ks[4], (D, D), dtype=jnp.float32) * s
    W2l = jax.random.normal(ks[5], (D, D), dtype=jnp.float32) * s
    b2l = jnp.zeros((D,), dtype=jnp.float32)
    W2r = jax.random.normal(ks[6], (D, D), dtype=jnp.float32) * s
    Wc = jax.random.normal(ks[7], (D, D), dtype=jnp.float32) * s
    bc = jnp.zeros((D,), dtype=jnp.float32)
    return {"x": x, "edge_index": edge_index, "batch": batch, "W1l": W1l, "b1l": b1l, "W1r": W1r, "W2l": W2l, "b2l": b2l, "W2r": W2r, "Wc": Wc, "bc": bc}

def _sage_conv(x, src, dst, Wl, bl, Wr):
    # PyG SAGEConv (aggr='mean'): out = lin_l(mean_{j->i} x_j) + lin_r(x_i)
    # lin_l has bias, lin_r has no bias
    msgs = jnp.take(x, src, axis=0)
    summed = jax.ops.segment_sum(msgs, dst, num_segments=N)
    cnt = jax.ops.segment_sum(jnp.ones((src.shape[0],), dtype=x.dtype), dst, num_segments=N)
    agg = summed / jnp.clip(cnt, 1.0)[:, None]
    return agg @ Wl.T + bl + x @ Wr.T

def reference(x, edge_index, batch, W1l, b1l, W1r, W2l, b2l, W2r, Wc, bc):
    src = edge_index[0]
    dst = edge_index[1]
    h = _sage_conv(x, src, dst, W1l, b1l, W1r)
    h = jax.nn.relu(h)
    # feat_dropout p=0.0 -> identity (eval mode)
    h = _sage_conv(h, src, dst, W2l, b2l, W2r)
    h = jax.nn.relu(h)
    # global_mean_pool over batch assignment
    summed = jax.ops.segment_sum(h, batch, num_segments=G)
    cnt = jax.ops.segment_sum(jnp.ones((N,), dtype=h.dtype), batch, num_segments=G)
    pooled = summed / jnp.clip(cnt, 1.0)[:, None]
    out = pooled @ Wc.T + bc
    return out

if __name__ == "__main__":
    import jax
    _d = setup_inputs()
    print(jax.jit(kernel)(*tuple(_d.values())))

</pallas_src>

<mosaic_0001>
#map = affine_map<(d0, d1) -> (0, 0)>
#map1 = affine_map<(d0, d1) -> (0)>
module attributes {stable_mosaic.version = 14 : i64} {
  func.func @body(%arg0: i32, %arg1: i32, %arg2: memref<10112x128xf32, #tpu.memory_space<hbm>>, %arg3: memref<327680xi32, #tpu.memory_space<hbm>>, %arg4: memref<327680xi32, #tpu.memory_space<hbm>>, %arg5: memref<20224x128xf32, #tpu.memory_space<hbm>>, %arg6: memref<4x128xi32, #tpu.memory_space<vmem>>, %arg7: memref<4x128xi32, #tpu.memory_space<vmem>>, %arg8: memref<128x128xf32, #tpu.memory_space<vmem>>, %arg9: memref<128x128xf32, #tpu.memory_space<vmem>>, %arg10: memref<79x128xf32, #tpu.memory_space<vmem>>, %arg11: memref<10112x128xf32, #tpu.memory_space<vmem_shared>>, %arg12: memref<!tpu.dma_semaphore, #tpu.memory_space<semaphore_mem>>, %arg13: memref<!tpu.dma_semaphore, #tpu.memory_space<semaphore_mem>>, %arg14: memref<!tpu.dma_semaphore, #tpu.memory_space<semaphore_mem>>, %arg15: memref<!tpu.dma_semaphore, #tpu.memory_space<semaphore_mem>>, %arg16: memref<!tpu.dma_semaphore, #tpu.memory_space<semaphore_mem>>, %arg17: memref<!tpu.dma_semaphore, #tpu.memory_space<semaphore_mem>>) attributes {dimension_semantics = [#tpu.dimension_semantics<core_parallel>, #tpu.dimension_semantics<subcore_parallel>], iteration_bounds = array<i64: 2, 16>, scalar_prefetch = 0 : i64, scratch_operands = 12 : i64, tpu.core_type = #tpu.core_type<sc_vector_subcore>, window_params = [{transform_indices = #map}, {transform_indices = #map1}, {transform_indices = #map1}, {transform_indices = #map}]} {
    %mul3A = arith.constant 2 : i32
    %mul3A_0 = arith.muli %arg1, %mul3A : i32
    %add3A = arith.addi %mul3A_0, %arg0 : i32
    %broadcast_in_dim3A = arith.constant 0.000000e+00 : f32
    %broadcast_in_dim3A_1 = vector.broadcast %broadcast_in_dim3A : f32 to vector<16xf32>
    %scan3A = arith.constant 0 : i32
    %scan3A_2 = arith.constant 79 : i32
    %scan3A_3 = arith.addi %scan3A, %scan3A_2 : i32
    %scan3A_4 = arith.constant 1 : i32
    scf.for %scan3A_251 = %scan3A to %scan3A_3 step %scan3A_4  : i32 {
      %mul3A_252 = arith.constant 1 : i32
      %mul3A_253 = arith.muli %scan3A_251, %mul3A_252 : i32
      %add3A_254 = arith.constant 0 : i32
      %add3A_255 = arith.addi %add3A_254, %mul3A_253 : i32
      %swap3A = arith.index_cast %add3A_255 : i32 to index
      %swap3A_256 = arith.constant 0 : index
      %swap3A_257 = tpu.vector_load %arg10[%swap3A, %swap3A_256] {strides = array<i32>} : memref<79x128xf32, #tpu.memory_space<vmem>>, vector<1x16xf32>,
      %swap3A_258 = vector.shape_cast %swap3A_257 : vector<1x16xf32> to vector<16xf32>
      %swap3A_259 = vector.shape_cast %broadcast_in_dim3A_1 : vector<16xf32> to vector<1x16xf32>
      tpu.vector_store %arg10[%swap3A, %swap3A_256], %swap3A_259 {strides = array<i32>} : memref<79x128xf32, #tpu.memory_space<vmem>>, vector<1x16xf32>,
      %swap3A_260 = arith.index_cast %add3A_255 : i32 to index
      %swap3A_261 = arith.constant 16 : index
      %swap3A_262 = tpu.vector_load %arg10[%swap3A_260, %swap3A_261] {strides = array<i32>} : memref<79x128xf32, #tpu.memory_space<vmem>>, vector<1x16xf32>,
      %swap3A_263 = vector.shape_cast %swap3A_262 : vector<1x16xf32> to vector<16xf32>
      %swap3A_264 = vector.shape_cast %broadcast_in_dim3A_1 : vector<16xf32> to vector<1x16xf32>
      tpu.vector_store %arg10[%swap3A_260, %swap3A_261], %swap3A_264 {strides = array<i32>} : memref<79x128xf32, #tpu.memory_space<vmem>>, vector<1x16xf32>,
      %swap3A_265 = arith.index_cast %add3A_255 : i32 to index
      %swap3A_266 = arith.constant 32 : index
      %swap3A_267 = tpu.vector_load %arg10[%swap3A_265, %swap3A_266] {strides = array<i32>} : memref<79x128xf32, #tpu.memory_space<vmem>>, vector<1x16xf32>,
      %swap3A_268 = vector.shape_cast %swap3A_267 : vector<1x16xf32> to vector<16xf32>
      %swap3A_269 = vector.shape_cast %broadcast_in_dim3A_1 : vector<16xf32> to vector<1x16xf32>
      tpu.vector_store %arg10[%swap3A_265, %swap3A_266], %swap3A_269 {strides = array<i32>} : memref<79x128xf32, #tpu.memory_space<vmem>>, vector<1x16xf32>,
      %swap3A_270 = arith.index_cast %add3A_255 : i32 to index
      %swap3A_271 = arith.constant 48 : index
      %swap3A_272 = tpu.vector_load %arg10[%swap3A_270, %swap3A_271] {strides = array<i32>} : memref<79x128xf32, #tpu.memory_space<vmem>>, vector<1x16xf32>,
      %swap3A_273 = vector.shape_cast %swap3A_272 : vector<1x16xf32> to vector<16xf32>
      %swap3A_274 = vector.shape_cast %broadcast_in_dim3A_1 : vector<16xf32> to vector<1x16xf32>
      tpu.vector_store %arg10[%swap3A_270, %swap3A_271], %swap3A_274 {strides = array<i32>} : memref<79x128xf32, #tpu.memory_space<vmem>>, vector<1x16xf32>,
      %swap3A_275 = arith.index_cast %add3A_255 : i32 to index
      %swap3A_276 = arith.constant 64 : index
      %swap3A_277 = tpu.vector_load %arg10[%swap3A_275, %swap3A_276] {strides = array<i32>} : memref<79x128xf32, #tpu.memory_space<vmem>>, vector<1x16xf32>,
      %swap3A_278 = vector.shape_cast %swap3A_277 : vector<1x16xf32> to vector<16xf32>
      %swap3A_279 = vector.shape_cast %broadcast_in_dim3A_1 : vector<16xf32> to vector<1x16xf32>
      tpu.vector_store %arg10[%swap3A_275, %swap3A_276], %swap3A_279 {strides = array<i32>} : memref<79x128xf32, #tpu.memory_space<vmem>>, vector<1x16xf32>,
      %swap3A_280 = arith.index_cast %add3A_255 : i32 to index
      %swap3A_281 = arith.constant 80 : index
      %swap3A_282 = tpu.vector_load %arg10[%swap3A_280, %swap3A_281] {strides = array<i32>} : memref<79x128xf32, #tpu.memory_space<vmem>>, vector<1x16xf32>,
      %swap3A_283 = vector.shape_cast %swap3A_282 : vector<1x16xf32> to vector<16xf32>
      %swap3A_284 = vector.shape_cast %broadcast_in_dim3A_1 : vector<16xf32> to vector<1x16xf32>
      tpu.vector_store %arg10[%swap3A_280, %swap3A_281], %swap3A_284 {strides = array<i32>} : memref<79x128xf32, #tpu.memory_space<vmem>>, vector<1x16xf32>,
      %swap3A_285 = arith.index_cast %add3A_255 : i32 to index
      %swap3A_286 = arith.constant 96 : index
      %swap3A_287 = tpu.vector_load %arg10[%swap3A_285, %swap3A_286] {strides = array<i32>} : memref<79x128xf32, #tpu.memory_space<vmem>>, vector<1x16xf32>,
      %swap3A_288 = vector.shape_cast %swap3A_287 : vector<1x16xf32> to vector<16xf32>
      %swap3A_289 = vector.shape_cast %broadcast_in_dim3A_1 : vector<16xf32> to vector<1x16xf32>
      tpu.vector_store %arg10[%swap3A_285, %swap3A_286], %swap3A_289 {strides = array<i32>} : memref<79x128xf32, #tpu.memory_space<vmem>>, vector<1x16xf32>,
      %swap3A_290 = arith.index_cast %add3A_255 : i32 to index
      %swap3A_291 = arith.constant 112 : index
      %swap3A_292 = tpu.vector_load %arg10[%swap3A_290, %swap3A_291] {strides = array<i32>} : memref<79x128xf32, #tpu.memory_space<vmem>>, vector<1x16xf32>,
      %swap3A_293 = vector.shape_cast %swap3A_292 : vector<1x16xf32> to vector<16xf32>
      %swap3A_294 = vector.shape_cast %broadcast_in_dim3A_1 : vector<16xf32> to vector<1x16xf32>
      tpu.vector_store %arg10[%swap3A_290, %swap3A_291], %swap3A_294 {strides = array<i32>} : memref<79x128xf32, #tpu.memory_space<vmem>>, vector<1x16xf32>,
    }
    %scan3A_5 = arith.constant 79 : i32
    %mul3A_6 = arith.constant 632 : i32
    %mul3A_7 = arith.muli %arg1, %mul3A_6 : i32
    %scan3A_8 = arith.constant 0 : i32
    %scan3A_9 = arith.constant 8 : i32
    %scan3A_10 = arith.addi %scan3A_8, %scan3A_9 : i32
    %scan3A_11 = arith.constant 1 : i32
    scf.for %scan3A_251 = %scan3A_8 to %scan3A_10 step %scan3A_11  : i32 {
      %mul3A_252 = arith.constant 1 : i32
      %mul3A_253 = arith.muli %scan3A_251, %mul3A_252 : i32
      %add3A_254 = arith.constant 0 : i32
      %add3A_255 = arith.addi %add3A_254, %mul3A_253 : i32
      %mul3A_256 = arith.constant 79 : i32
      %mul3A_257 = arith.muli %add3A_255, %mul3A_256 : i32
      %add3A_258 = arith.addi %mul3A_7, %mul3A_257 : i32
      "tpu.region"() ({
        %run_scoped3A_259 = tpu.sem_alloc : memref<!tpu.dma_semaphore, #tpu.memory_space<semaphore_mem>>
        %dma_start3A_260 = arith.constant 0 : i32
        %dma_start3A_261 = tpu.memref_slice %arg11[%add3A_258, %dma_start3A_260] : memref<10112x128xf32, #tpu.memory_space<vmem_shared>> -> memref<79x128xf32, #tpu.memory_space<vmem_shared>>
        %dma_start3A_262 = arith.constant 0 : i32
        %dma_start3A_263 = tpu.memref_slice %arg11[%add3A_258, %dma_start3A_262] : memref<10112x128xf32, #tpu.memory_space<vmem_shared>> -> memref<79x128xf32, #tpu.memory_space<vmem_shared>>
        tpu.enqueue_dma source(%arg10 : memref<79x128xf32, #tpu.memory_space<vmem>>) target(%dma_start3A_263 : memref<79x128xf32, #tpu.memory_space<vmem_shared>>) target_semaphore(%run_scoped3A_259 : memref<!tpu.dma_semaphore, #tpu.memory_space<semaphore_mem>>)
        %dma_wait3A_264 = arith.constant 0 : i32
        %dma_wait3A_265 = tpu.memref_slice %arg11[%add3A_258, %dma_wait3A_264] : memref<10112x128xf32, #tpu.memory_space<vmem_shared>> -> memref<79x128xf32, #tpu.memory_space<vmem_shared>>
        %dma_wait3A_266 = arith.constant 0 : i32
        %dma_wait3A_267 = tpu.memref_slice %arg11[%add3A_258, %dma_wait3A_266] : memref<10112x128xf32, #tpu.memory_space<vmem_shared>> -> memref<79x128xf32, #tpu.memory_space<vmem_shared>>
        tpu.wait_dma2 semaphore(%run_scoped3A_259 : memref<!tpu.dma_semaphore, #tpu.memory_space<semaphore_mem>>) src(%arg10 : memref<79x128xf32, #tpu.memory_space<vmem>>) dst(%dma_wait3A_267 : memref<79x128xf32, #tpu.memory_space<vmem_shared>>)
        tpu.yield
      }) : () -> ()
    }
    %scan3A_12 = arith.constant 8 : i32
    %barrier3A = arith.constant 0 : index
    tpu.barrier barrier_id(%barrier3A)
    %add3A_13 = arith.constant 0 : i32
    %add3A_14 = arith.addi %add3A, %add3A_13 : i32
    %mul3A_15 = arith.constant 128 : i32
    %mul3A_16 = arith.muli %add3A_14, %mul3A_15 : i32
    %dma_start3A = arith.constant 0 : i32
    %dma_start3A_17 = arith.constant 0 : i32
    %dma_start3A_18 = tpu.memref_slice %arg6[%dma_start3A, %dma_start3A_17] : memref<4x128xi32, #tpu.memory_space<vmem>> -> memref<1x128xi32, #tpu.memory_space<vmem>>
    %dma_start3A_19 = tpu.memref_squeeze %dma_start3A_18 : memref<1x128xi32, #tpu.memory_space<vmem>> -> memref<128xi32, #tpu.memory_space<vmem>>
    %dma_start3A_20 = tpu.memref_slice %arg3[%mul3A_16] : memref<327680xi32, #tpu.memory_space<hbm>> -> memref<128xi32, #tpu.memory_space<hbm>>
    %dma_start3A_21 = arith.constant 0 : i32
    %dma_start3A_22 = tpu.memref_slice %arg6[%dma_start3A, %dma_start3A_21] : memref<4x128xi32, #tpu.memory_space<vmem>> -> memref<1x128xi32, #tpu.memory_space<vmem>>
    %dma_start3A_23 = tpu.memref_squeeze %dma_start3A_22 : memref<1x128xi32, #tpu.memory_space<vmem>> -> memref<128xi32, #tpu.memory_space<vmem>>
    %dma_start3A_24 = tpu.memref_slice %arg3[%mul3A_16] : memref<327680xi32, #tpu.memory_space<hbm>> -> memref<128xi32, #tpu.memory_space<hbm>>
    tpu.enqueue_dma source(%dma_start3A_24 : memref<128xi32, #tpu.memory_space<hbm>>) target(%dma_start3A_23 : memref<128xi32, #tpu.memory_space<vmem>>) target_semaphore(%arg12 : memref<!tpu.dma_semaphore, #tpu.memory_space<semaphore_mem>>)
    %dma_start3A_25 = arith.constant 0 : i32
    %dma_start3A_26 = arith.constant 0 : i32
    %dma_start3A_27 = tpu.memref_slice %arg7[%dma_start3A_25, %dma_start3A_26] : memref<4x128xi32, #tpu.memory_space<vmem>> -> memref<1x128xi32, #tpu.memory_space<vmem>>
    %dma_start3A_28 = tpu.memref_squeeze %dma_start3A_27 : memref<1x128xi32, #tpu.memory_space<vmem>> -> memref<128xi32, #tpu.memory_space<vmem>>
    %dma_start3A_29 = tpu.memref_slice %arg4[%mul3A_16] : memref<327680xi32, #tpu.memory_space<hbm>> -> memref<128xi32, #tpu.memory_space<hbm>>
    %dma_start3A_30 = arith.constant 0 : i32
    %dma_start3A_31 = tpu.memref_slice %arg7[%dma_start3A_25, %dma_start3A_30] : memref<4x128xi32, #tpu.memory_space<vmem>> -> memref<1x128xi32, #tpu.memory_space<vmem>>
    %dma_start3A_32 = tpu.memref_squeeze %dma_start3A_31 : memref<1x128xi32, #tpu.memory_space<vmem>> -> memref<128xi32, #tpu.memory_space<vmem>>
    %dma_start3A_33 = tpu.memref_slice %arg4[%mul3A_16] : memref<327680xi32, #tpu.memory_space<hbm>> -> memref<128xi32, #tpu.memory_space<hbm>>
    tpu.enqueue_dma source(%dma_start3A_33 : memref<128xi32, #tpu.memory_space<hbm>>) target(%dma_start3A_32 : memref<128xi32, #tpu.memory_space<vmem>>) target_semaphore(%arg12 : memref<!tpu.dma_semaphore, #tpu.memory_space<semaphore_mem>>)
    %add3A_34 = arith.constant 32 : i32
    %add3A_35 = arith.addi %add3A, %add3A_34 : i32
    %mul3A_36 = arith.constant 128 : i32
    %mul3A_37 = arith.muli %add3A_35, %mul3A_36 : i32
    %dma_start3A_38 = arith.constant 1 : i32
    %dma_start3A_39 = arith.constant 0 : i32
    %dma_start3A_40 = tpu.memref_slice %arg6[%dma_start3A_38, %dma_start3A_39] : memref<4x128xi32, #tpu.memory_space<vmem>> -> memref<1x128xi32, #tpu.memory_space<vmem>>
    %dma_start3A_41 = tpu.memref_squeeze %dma_start3A_40 : memref<1x128xi32, #tpu.memory_space<vmem>> -> memref<128xi32, #tpu.memory_space<vmem>>
    %dma_start3A_42 = tpu.memref_slice %arg3[%mul3A_37] : memref<327680xi32, #tpu.memory_space<hbm>> -> memref<128xi32, #tpu.memory_space<hbm>>
    %dma_start3A_43 = arith.constant 0 : i32
    %dma_start3A_44 = tpu.memref_slice %arg6[%dma_start3A_38, %dma_start3A_43] : memref<4x128xi32, #tpu.memory_space<vmem>> -> memref<1x128xi32, #tpu.memory_space<vmem>>
    %dma_start3A_45 = tpu.memref_squeeze %dma_start3A_44 : memref<1x128xi32, #tpu.memory_space<vmem>> -> memref<128xi32, #tpu.memory_space<vmem>>
    %dma_start3A_46 = tpu.memref_slice %arg3[%mul3A_37] : memref<327680xi32, #tpu.memory_space<hbm>> -> memref<128xi32, #tpu.memory_space<hbm>>
    tpu.enqueue_dma source(%dma_start3A_46 : memref<128xi32, #tpu.memory_space<hbm>>) target(%dma_start3A_45 : memref<128xi32, #tpu.memory_space<vmem>>) target_semaphore(%arg13 : memref<!tpu.dma_semaphore, #tpu.memory_space<semaphore_mem>>)
    %dma_start3A_47 = arith.constant 1 : i32
    %dma_start3A_48 = arith.constant 0 : i32
    %dma_start3A_49 = tpu.memref_slice %arg7[%dma_start3A_47, %dma_start3A_48] : memref<4x128xi32, #tpu.memory_space<vmem>> -> memref<1x128xi32, #tpu.memory_space<vmem>>
    %dma_start3A_50 = tpu.memref_squeeze %dma_start3A_49 : memref<1x128xi32, #tpu.memory_space<vmem>> -> memref<128xi32, #tpu.memory_space<vmem>>
    %dma_start3A_51 = tpu.memref_slice %arg4[%mul3A_37] : memref<327680xi32, #tpu.memory_space<hbm>> -> memref<128xi32, #tpu.memory_space<hbm>>
    %dma_start3A_52 = arith.constant 0 : i32
    %dma_start3A_53 = tpu.memref_slice %arg7[%dma_start3A_47, %dma_start3A_52] : memref<4x128xi32, #tpu.memory_space<vmem>> -> memref<1x128xi32, #tpu.memory_space<vmem>>
    %dma_start3A_54 = tpu.memref_squeeze %dma_start3A_53 : memref<1x128xi32, #tpu.memory_space<vmem>> -> memref<128xi32, #tpu.memory_space<vmem>>
    %dma_start3A_55 = tpu.memref_slice %arg4[%mul3A_37] : memref<327680xi32, #tpu.memory_space<hbm>> -> memref<128xi32, #tpu.memory_space<hbm>>
    tpu.enqueue_dma source(%dma_start3A_55 : memref<128xi32, #tpu.memory_space<hbm>>) target(%dma_start3A_54 : memref<128xi32, #tpu.memory_space<vmem>>) target_semaphore(%arg13 : memref<!tpu.dma_semaphore, #tpu.memory_space<semaphore_mem>>)
    %dma_wait3A = arith.constant 0 : i32
    %dma_wait3A_56 = arith.constant 0 : i32
    %dma_wait3A_57 = tpu.memref_slice %arg6[%dma_wait3A, %dma_wait3A_56] : memref<4x128xi32, #tpu.memory_space<vmem>> -> memref<1x128xi32, #tpu.memory_space<vmem>>
    %dma_wait3A_58 = tpu.memref_squeeze %dma_wait3A_57 : memref<1x128xi32, #tpu.memory_space<vmem>> -> memref<128xi32, #tpu.memory_space<vmem>>
    %dma_wait3A_59 = arith.constant 0 : i32
    %dma_wait3A_60 = tpu.memref_slice %arg3[%dma_wait3A_59] : memref<327680xi32, #tpu.memory_space<hbm>> -> memref<128xi32, #tpu.memory_space<hbm>>
    %dma_wait3A_61 = arith.constant 0 : i32
    %dma_wait3A_62 = tpu.memref_slice %arg6[%dma_wait3A, %dma_wait3A_61] : memref<4x128xi32, #tpu.memory_space<vmem>> -> memref<1x128xi32, #tpu.memory_space<vmem>>
    %dma_wait3A_63 = tpu.memref_squeeze %dma_wait3A_62 : memref<1x128xi32, #tpu.memory_space<vmem>> -> memref<128xi32, #tpu.memory_space<vmem>>
    %dma_wait3A_64 = arith.constant 0 : i32
    %dma_wait3A_65 = tpu.memref_slice %arg3[%dma_wait3A_64] : memref<327680xi32, #tpu.memory_space<hbm>> -> memref<128xi32, #tpu.memory_space<hbm>>
    tpu.wait_dma2 semaphore(%arg12 : memref<!tpu.dma_semaphore, #tpu.memory_space<semaphore_mem>>) src(%dma_wait3A_65 : memref<128xi32, #tpu.memory_space<hbm>>) dst(%dma_wait3A_63 : memref<128xi32, #tpu.memory_space<vmem>>)
    %dma_wait3A_66 = arith.constant 0 : i32
    %dma_wait3A_67 = arith.constant 0 : i32
    %dma_wait3A_68 = tpu.memref_slice %arg7[%dma_wait3A_66, %dma_wait3A_67] : memref<4x128xi32, #tpu.memory_space<vmem>> -> memref<1x128xi32, #tpu.memory_space<vmem>>
    %dma_wait3A_69 = tpu.memref_squeeze %dma_wait3A_68 : memref<1x128xi32, #tpu.memory_space<vmem>> -> memref<128xi32, #tpu.memory_space<vmem>>
    %dma_wait3A_70 = arith.constant 0 : i32
    %dma_wait3A_71 = tpu.memref_slice %arg4[%dma_wait3A_70] : memref<327680xi32, #tpu.memory_space<hbm>> -> memref<128xi32, #tpu.memory_space<hbm>>
    %dma_wait3A_72 = arith.constant 0 : i32
    %dma_wait3A_73 = tpu.memref_slice %arg7[%dma_wait3A_66, %dma_wait3A_72] : memref<4x128xi32, #tpu.memory_space<vmem>> -> memref<1x128xi32, #tpu.memory_space<vmem>>
    %dma_wait3A_74 = tpu.memref_squeeze %dma_wait3A_73 : memref<1x128xi32, #tpu.memory_space<vmem>> -> memref<128xi32, #tpu.memory_space<vmem>>
    %dma_wait3A_75 = arith.constant 0 : i32
    %dma_wait3A_76 = tpu.memref_slice %arg4[%dma_wait3A_75] : memref<327680xi32, #tpu.memory_space<hbm>> -> memref<128xi32, #tpu.memory_space<hbm>>
    tpu.wait_dma2 semaphore(%arg12 : memref<!tpu.dma_semaphore, #tpu.memory_space<semaphore_mem>>) src(%dma_wait3A_76 : memref<128xi32, #tpu.memory_space<hbm>>) dst(%dma_wait3A_74 : memref<128xi32, #tpu.memory_space<vmem>>)
    %dma_start3A_77 = arith.constant 0 : i32
    %dma_start3A_78 = arith.constant 0 : i32
    %dma_start3A_79 = tpu.memref_slice %arg6[%dma_start3A_77, %dma_start3A_78] : memref<4x128xi32, #tpu.memory_space<vmem>> -> memref<1x128xi32, #tpu.memory_space<vmem>>
    %dma_start3A_80 = tpu.memref_squeeze %dma_start3A_79 : memref<1x128xi32, #tpu.memory_space<vmem>> -> memref<128xi32, #tpu.memory_space<vmem>>
    %dma_start3A_81 = arith.constant 0 : i32
    %dma_start3A_82 = arith.constant 0 : i32
    %dma_start3A_83 = tpu.memref_slice %arg2[%dma_start3A_81, %dma_start3A_82] : memref<10112x128xf32, #tpu.memory_space<hbm>> -> memref<10112x128xf32, #tpu.memory_space<hbm>>
    tpu.enqueue_indirect_dma source(%dma_start3A_83 : memref<10112x128xf32, #tpu.memory_space<hbm>>) target(%arg8 : memref<128x128xf32, #tpu.memory_space<vmem>>) offsets(%dma_start3A_80 : memref<128xi32, #tpu.memory_space<vmem>>) semaphore(%arg16 : memref<!tpu.dma_semaphore, #tpu.memory_space<semaphore_mem>>)
    %dma_wait3A_84 = arith.constant 0 : i32
    %dma_wait3A_85 = arith.constant 0 : i32
    %dma_wait3A_86 = tpu.memref_slice %arg2[%dma_wait3A_84, %dma_wait3A_85] : memref<10112x128xf32, #tpu.memory_space<hbm>> -> memref<128x128xf32, #tpu.memory_space<hbm>>
    %dma_wait3A_87 = arith.constant 0 : i32
    %dma_wait3A_88 = arith.constant 0 : i32
    %dma_wait3A_89 = tpu.memref_slice %arg2[%dma_wait3A_87, %dma_wait3A_88] : memref<10112x128xf32, #tpu.memory_space<hbm>> -> memref<128x128xf32, #tpu.memory_space<hbm>>
    tpu.wait_dma2 semaphore(%arg16 : memref<!tpu.dma_semaphore, #tpu.memory_space<semaphore_mem>>) src(%dma_wait3A_89 : memref<128x128xf32, #tpu.memory_space<hbm>>) dst(%arg8 : memref<128x128xf32, #tpu.memory_space<vmem>>)
    %dma_wait3A_90 = arith.constant 1 : i32
    %dma_wait3A_91 = arith.constant 0 : i32
    %dma_wait3A_92 = tpu.memref_slice %arg6[%dma_wait3A_90, %dma_wait3A_91] : memref<4x128xi32, #tpu.memory_space<vmem>> -> memref<1x128xi32, #tpu.memory_space<vmem>>
    %dma_wait3A_93 = tpu.memref_squeeze %dma_wait3A_92 : memref<1x128xi32, #tpu.memory_space<vmem>> -> memref<128xi32, #tpu.memory_space<vmem>>
    %dma_wait3A_94 = arith.constant 0 : i32
    %dma_wait3A_95 = tpu.memref_slice %arg3[%dma_wait3A_94] : memref<327680xi32, #tpu.memory_space<hbm>> -> memref<128xi32, #tpu.memory_space<hbm>>
    %dma_wait3A_96 = arith.constant 0 : i32
    %dma_wait3A_97 = tpu.memref_slice %arg6[%dma_wait3A_90, %dma_wait3A_96] : memref<4x128xi32, #tpu.memory_space<vmem>> -> memref<1x128xi32, #tpu.memory_space<vmem>>
    %dma_wait3A_98 = tpu.memref_squeeze %dma_wait3A_97 : memref<1x128xi32, #tpu.memory_space<vmem>> -> memref<128xi32, #tpu.memory_space<vmem>>
    %dma_wait3A_99 = arith.constant 0 : i32
    %dma_wait3A_100 = tpu.memref_slice %arg3[%dma_wait3A_99] : memref<327680xi32, #tpu.memory_space<hbm>> -> memref<128xi32, #tpu.memory_space<hbm>>
    tpu.wait_dma2 semaphore(%arg13 : memref<!tpu.dma_semaphore, #tpu.memory_space<semaphore_mem>>) src(%dma_wait3A_100 : memref<128xi32, #tpu.memory_space<hbm>>) dst(%dma_wait3A_98 : memref<128xi32, #tpu.memory_space<vmem>>)
    %dma_wait3A_101 = arith.constant 1 : i32
    %dma_wait3A_102 = arith.constant 0 : i32
    %dma_wait3A_103 = tpu.memref_slice %arg7[%dma_wait3A_101, %dma_wait3A_102] : memref<4x128xi32, #tpu.memory_space<vmem>> -> memref<1x128xi32, #tpu.memory_space<vmem>>
    %dma_wait3A_104 = tpu.memref_squeeze %dma_wait3A_103 : memref<1x128xi32, #tpu.memory_space<vmem>> -> memref<128xi32, #tpu.memory_space<vmem>>
    %dma_wait3A_105 = arith.constant 0 : i32
    %dma_wait3A_106 = tpu.memref_slice %arg4[%dma_wait3A_105] : memref<327680xi32, #tpu.memory_space<hbm>> -> memref<128xi32, #tpu.memory_space<hbm>>
    %dma_wait3A_107 = arith.constant 0 : i32
    %dma_wait3A_108 = tpu.memref_slice %arg7[%dma_wait3A_101, %dma_wait3A_107] : memref<4x128xi32, #tpu.memory_space<vmem>> -> memref<1x128xi32, #tpu.memory_space<vmem>>
    %dma_wait3A_109 = tpu.memref_squeeze %dma_wait3A_108 : memref<1x128xi32, #tpu.memory_space<vmem>> -> memref<128xi32, #tpu.memory_space<vmem>>
    %dma_wait3A_110 = arith.constant 0 : i32
    %dma_wait3A_111 = tpu.memref_slice %arg4[%dma_wait3A_110] : memref<327680xi32, #tpu.memory_space<hbm>> -> memref<128xi32, #tpu.memory_space<hbm>>
    tpu.wait_dma2 semaphore(%arg13 : memref<!tpu.dma_semaphore, #tpu.memory_space<semaphore_mem>>) src(%dma_wait3A_111 : memref<128xi32, #tpu.memory_space<hbm>>) dst(%dma_wait3A_109 : memref<128xi32, #tpu.memory_space<vmem>>)
    %dma_start3A_112 = arith.constant 1 : i32
    %dma_start3A_113 = arith.constant 0 : i32
    %dma_start3A_114 = tpu.memref_slice %arg6[%dma_start3A_112, %dma_start3A_113] : memref<4x128xi32, #tpu.memory_space<vmem>> -> memref<1x128xi32, #tpu.memory_space<vmem>>
    %dma_start3A_115 = tpu.memref_squeeze %dma_start3A_114 : memref<1x128xi32, #tpu.memory_space<vmem>> -> memref<128xi32, #tpu.memory_space<vmem>>
    %dma_start3A_116 = arith.constant 0 : i32
    %dma_start3A_117 = arith.constant 0 : i32
    %dma_start3A_118 = tpu.memref_slice %arg2[%dma_start3A_116, %dma_start3A_117] : memref<10112x128xf32, #tpu.memory_space<hbm>> -> memref<10112x128xf32, #tpu.memory_space<hbm>>
    tpu.enqueue_indirect_dma source(%dma_start3A_118 : memref<10112x128xf32, #tpu.memory_space<hbm>>) target(%arg9 : memref<128x128xf32, #tpu.memory_space<vmem>>) offsets(%dma_start3A_115 : memref<128xi32, #tpu.memory_space<vmem>>) semaphore(%arg17 : memref<!tpu.dma_semaphore, #tpu.memory_space<semaphore_mem>>)
    %run_scoped3A = arith.constant 0 : i32
    "tpu.region"() ({
      %run_scoped3A_251 = tpu.sem_alloc : memref<!tpu.dma_semaphore, #tpu.memory_space<semaphore_mem>>
      %dma_start3A_252 = arith.constant 0 : i32
      %dma_start3A_253 = tpu.memref_slice %arg7[%run_scoped3A, %dma_start3A_252] : memref<4x128xi32, #tpu.memory_space<vmem>> -> memref<1x128xi32, #tpu.memory_space<vmem>>
      %dma_start3A_254 = tpu.memref_squeeze %dma_start3A_253 : memref<1x128xi32, #tpu.memory_space<vmem>> -> memref<128xi32, #tpu.memory_space<vmem>>
      %dma_start3A_255 = arith.constant 0 : i32
      %dma_start3A_256 = arith.constant 0 : i32
      %dma_start3A_257 = tpu.memref_slice %arg11[%dma_start3A_255, %dma_start3A_256] : memref<10112x128xf32, #tpu.memory_space<vmem_shared>> -> memref<10112x128xf32, #tpu.memory_space<vmem_shared>>
      tpu.enqueue_indirect_dma source(%arg8 : memref<128x128xf32, #tpu.memory_space<vmem>>) target(%dma_start3A_257 : memref<10112x128xf32, #tpu.memory_space<vmem_shared>>) offsets(%dma_start3A_254 : memref<128xi32, #tpu.memory_space<vmem>>) semaphore(%run_scoped3A_251 : memref<!tpu.dma_semaphore, #tpu.memory_space<semaphore_mem>>) {add = true}
      %dma_wait3A_258 = arith.constant 0 : i32
      %dma_wait3A_259 = tpu.memref_slice %arg7[%run_scoped3A, %dma_wait3A_258] : memref<4x128xi32, #tpu.memory_space<vmem>> -> memref<1x128xi32, #tpu.memory_space<vmem>>
      %dma_wait3A_260 = tpu.memref_squeeze %dma_wait3A_259 : memref<1x128xi32, #tpu.memory_space<vmem>> -> memref<128xi32, #tpu.memory_space<vmem>>
      %dma_wait3A_261 = arith.constant 0 : i32
      %dma_wait3A_262 = arith.constant 0 : i32
      %dma_wait3A_263 = tpu.memref_slice %arg11[%dma_wait3A_261, %dma_wait3A_262] : memref<10112x128xf32, #tpu.memory_space<vmem_shared>> -> memref<10112x128xf32, #tpu.memory_space<vmem_shared>>
      tpu.wait_indirect_dma semaphore(%run_scoped3A_251 : memref<!tpu.dma_semaphore, #tpu.memory_space<semaphore_mem>>) src(%arg8 : memref<128x128xf32, #tpu.memory_space<vmem>>) dst(%dma_wait3A_263 : memref<10112x128xf32, #tpu.memory_space<vmem_shared>>)
      tpu.yield
    }) : () -> ()
    %add3A_119 = arith.constant 64 : i32
    %add3A_120 = arith.addi %add3A, %add3A_119 : i32
    %mul3A_121 = arith.constant 128 : i32
    %mul3A_122 = arith.muli %add3A_120, %mul3A_121 : i32
    %dma_start3A_123 = arith.constant 2 : i32
    %dma_start3A_124 = arith.constant 0 : i32
    %dma_start3A_125 = tpu.memref_slice %arg6[%dma_start3A_123, %dma_start3A_124] : memref<4x128xi32, #tpu.memory_space<vmem>> -> memref<1x128xi32, #tpu.memory_space<vmem>>
    %dma_start3A_126 = tpu.memref_squeeze %dma_start3A_125 : memref<1x128xi32, #tpu.memory_space<vmem>> -> memref<128xi32, #tpu.memory_space<vmem>>
    %dma_start3A_127 = tpu.memref_slice %arg3[%mul3A_122] : memref<327680xi32, #tpu.memory_space<hbm>> -> memref<128xi32, #tpu.memory_space<hbm>>
    %dma_start3A_128 = arith.constant 0 : i32
    %dma_start3A_129 = tpu.memref_slice %arg6[%dma_start3A_123, %dma_start3A_128] : memref<4x128xi32, #tpu.memory_space<vmem>> -> memref<1x128xi32, #tpu.memory_space<vmem>>
    %dma_start3A_130 = tpu.memref_squeeze %dma_start3A_129 : memref<1x128xi32, #tpu.memory_space<vmem>> -> memref<128xi32, #tpu.memory_space<vmem>>
    %dma_start3A_131 = tpu.memref_slice %arg3[%mul3A_122] : memref<327680xi32, #tpu.memory_space<hbm>> -> memref<128xi32, #tpu.memory_space<hbm>>
    tpu.enqueue_dma source(%dma_start3A_131 : memref<128xi32, #tpu.memory_space<hbm>>) target(%dma_start3A_130 : memref<128xi32, #tpu.memory_space<vmem>>) target_semaphore(%arg14 : memref<!tpu.dma_semaphore, #tpu.memory_space<semaphore_mem>>)
    %dma_start3A_132 = arith.constant 2 : i32
    %dma_start3A_133 = arith.constant 0 : i32
    %dma_start3A_134 = tpu.memref_slice %arg7[%dma_start3A_132, %dma_start3A_133] : memref<4x128xi32, #tpu.memory_space<vmem>> -> memref<1x128xi32, #tpu.memory_space<vmem>>
    %dma_start3A_135 = tpu.memref_squeeze %dma_start3A_134 : memref<1x128xi32, #tpu.memory_space<vmem>> -> memref<128xi32, #tpu.memory_space<vmem>>
    %dma_start3A_136 = tpu.memref_slice %arg4[%mul3A_122] : memref<327680xi32, #tpu.memory_space<hbm>> -> memref<128xi32, #tpu.memory_space<hbm>>
    %dma_start3A_137 = arith.constant 0 : i32
    %dma_start3A_138 = tpu.memref_slice %arg7[%dma_start3A_132, %dma_start3A_137] : memref<4x128xi32, #tpu.memory_space<vmem>> -> memref<1x128xi32, #tpu.memory_space<vmem>>
    %dma_start3A_139 = tpu.memref_squeeze %dma_start3A_138 : memref<1x128xi32, #tpu.memory_space<vmem>> -> memref<128xi32, #tpu.memory_space<vmem>>
    %dma_start3A_140 = tpu.memref_slice %arg4[%mul3A_122] : memref<327680xi32, #tpu.memory_space<hbm>> -> memref<128xi32, #tpu.memory_space<hbm>>
    tpu.enqueue_dma source(%dma_start3A_140 : memref<128xi32, #tpu.memory_space<hbm>>) target(%dma_start3A_139 : memref<128xi32, #tpu.memory_space<vmem>>) target_semaphore(%arg14 : memref<!tpu.dma_semaphore, #tpu.memory_space<semaphore_mem>>)
    %dma_wait3A_141 = arith.constant 0 : i32
    %dma_wait3A_142 = arith.constant 0 : i32
    %dma_wait3A_143 = tpu.memref_slice %arg2[%dma_wait3A_141, %dma_wait3A_142] : memref<10112x128xf32, #tpu.memory_space<hbm>> -> memref<128x128xf32, #tpu.memory_space<hbm>>
    %dma_wait3A_144 = arith.constant 0 : i32
    %dma_wait3A_145 = arith.constant 0 : i32
    %dma_wait3A_146 = tpu.memref_slice %arg2[%dma_wait3A_144, %dma_wait3A_145] : memref<10112x128xf32, #tpu.memory_space<hbm>> -> memref<128x128xf32, #tpu.memory_space<hbm>>
    tpu.wait_dma2 semaphore(%arg17 : memref<!tpu.dma_semaphore, #tpu.memory_space<semaphore_mem>>) src(%dma_wait3A_146 : memref<128x128xf32, #tpu.memory_space<hbm>>) dst(%arg9 : memref<128x128xf32, #tpu.memory_space<vmem>>)
    %dma_wait3A_147 = arith.constant 2 : i32
    %dma_wait3A_148 = arith.constant 0 : i32
    %dma_wait3A_149 = tpu.memref_slice %arg6[%dma_wait3A_147, %dma_wait3A_148] : memref<4x128xi32, #tpu.memory_space<vmem>> -> memref<1x128xi32, #tpu.memory_space<vmem>>
    %dma_wait3A_150 = tpu.memref_squeeze %dma_wait3A_149 : memref<1x128xi32, #tpu.memory_space<vmem>> -> memref<128xi32, #tpu.memory_space<vmem>>
    %dma_wait3A_151 = arith.constant 0 : i32
    %dma_wait3A_152 = tpu.memref_slice %arg3[%dma_wait3A_151] : memref<327680xi32, #tpu.memory_space<hbm>> -> memref<128xi32, #tpu.memory_space<hbm>>
    %dma_wait3A_153 = arith.constant 0 : i32
    %dma_wait3A_154 = tpu.memref_slice %arg6[%dma_wait3A_147, %dma_wait3A_153] : memref<4x128xi32, #tpu.memory_space<vmem>> -> memref<1x128xi32, #tpu.memory_space<vmem>>
    %dma_wait3A_155 = tpu.memref_squeeze %dma_wait3A_154 : memref<1x128xi32, #tpu.memory_space<vmem>> -> memref<128xi32, #tpu.memory_space<vmem>>
    %dma_wait3A_156 = arith.constant 0 : i32
    %dma_wait3A_157 = tpu.memref_slice %arg3[%dma_wait3A_156] : memref<327680xi32, #tpu.memory_space<hbm>> -> memref<128xi32, #tpu.memory_space<hbm>>
    tpu.wait_dma2 semaphore(%arg14 : memref<!tpu.dma_semaphore, #tpu.memory_space<semaphore_mem>>) src(%dma_wait3A_157 : memref<128xi32, #tpu.memory_space<hbm>>) dst(%dma_wait3A_155 : memref<128xi32, #tpu.memory_space<vmem>>)
    %dma_wait3A_158 = arith.constant 2 : i32
    %dma_wait3A_159 = arith.constant 0 : i32
    %dma_wait3A_160 = tpu.memref_slice %arg7[%dma_wait3A_158, %dma_wait3A_159] : memref<4x128xi32, #tpu.memory_space<vmem>> -> memref<1x128xi32, #tpu.memory_space<vmem>>
    %dma_wait3A_161 = tpu.memref_squeeze %dma_wait3A_160 : memref<1x128xi32, #tpu.memory_space<vmem>> -> memref<128xi32, #tpu.memory_space<vmem>>
    %dma_wait3A_162 = arith.constant 0 : i32
    %dma_wait3A_163 = tpu.memref_slice %arg4[%dma_wait3A_162] : memref<327680xi32, #tpu.memory_space<hbm>> -> memref<128xi32, #tpu.memory_space<hbm>>
    %dma_wait3A_164 = arith.constant 0 : i32
    %dma_wait3A_165 = tpu.memref_slice %arg7[%dma_wait3A_158, %dma_wait3A_164] : memref<4x128xi32, #tpu.memory_space<vmem>> -> memref<1x128xi32, #tpu.memory_space<vmem>>
    %dma_wait3A_166 = tpu.memref_squeeze %dma_wait3A_165 : memref<1x128xi32, #tpu.memory_space<vmem>> -> memref<128xi32, #tpu.memory_space<vmem>>
    %dma_wait3A_167 = arith.constant 0 : i32
    %dma_wait3A_168 = tpu.memref_slice %arg4[%dma_wait3A_167] : memref<327680xi32, #tpu.memory_space<hbm>> -> memref<128xi32, #tpu.memory_space<hbm>>
    tpu.wait_dma2 semaphore(%arg14 : memref<!tpu.dma_semaphore, #tpu.memory_space<semaphore_mem>>) src(%dma_wait3A_168 : memref<128xi32, #tpu.memory_space<hbm>>) dst(%dma_wait3A_166 : memref<128xi32, #tpu.memory_space<vmem>>)
    %dma_start3A_169 = arith.constant 2 : i32
    %dma_start3A_170 = arith.constant 0 : i32
    %dma_start3A_171 = tpu.memref_slice %arg6[%dma_start3A_169, %dma_start3A_170] : memref<4x128xi32, #tpu.memory_space<vmem>> -> memref<1x128xi32, #tpu.memory_space<vmem>>
    %dma_start3A_172 = tpu.memref_squeeze %dma_start3A_171 : memref<1x128xi32, #tpu.memory_space<vmem>> -> memref<128xi32, #tpu.memory_space<vmem>>
    %dma_start3A_173 = arith.constant 0 : i32
    %dma_start3A_174 = arith.constant 0 : i32
    %dma_start3A_175 = tpu.memref_slice %arg2[%dma_start3A_173, %dma_start3A_174] : memref<10112x128xf32, #tpu.memory_space<hbm>> -> memref<10112x128xf32, #tpu.memory_space<hbm>>
    tpu.enqueue_indirect_dma source(%dma_start3A_175 : memref<10112x128xf32, #tpu.memory_space<hbm>>) target(%arg8 : memref<128x128xf32, #tpu.memory_space<vmem>>) offsets(%dma_start3A_172 : memref<128xi32, #tpu.memory_space<vmem>>) semaphore(%arg16 : memref<!tpu.dma_semaphore, #tpu.memory_space<semaphore_mem>>)
    %run_scoped3A_176 = arith.constant 1 : i32
    "tpu.region"() ({
      %run_scoped3A_251 = tpu.sem_alloc : memref<!tpu.dma_semaphore, #tpu.memory_space<semaphore_mem>>
      %dma_start3A_252 = arith.constant 0 : i32
      %dma_start3A_253 = tpu.memref_slice %arg7[%run_scoped3A_176, %dma_start3A_252] : memref<4x128xi32, #tpu.memory_space<vmem>> -> memref<1x128xi32, #tpu.memory_space<vmem>>
      %dma_start3A_254 = tpu.memref_squeeze %dma_start3A_253 : memref<1x128xi32, #tpu.memory_space<vmem>> -> memref<128xi32, #tpu.memory_space<vmem>>
      %dma_start3A_255 = arith.constant 0 : i32
      %dma_start3A_256 = arith.constant 0 : i32
      %dma_start3A_257 = tpu.memref_slice %arg11[%dma_start3A_255, %dma_start3A_256] : memref<10112x128xf32, #tpu.memory_space<vmem_shared>> -> memref<10112x128xf32, #tpu.memory_space<vmem_shared>>
      tpu.enqueue_indirect_dma source(%arg9 : memref<128x128xf32, #tpu.memory_space<vmem>>) target(%dma_start3A_257 : memref<10112x128xf32, #tpu.memory_space<vmem_shared>>) offsets(%dma_start3A_254 : memref<128xi32, #tpu.memory_space<vmem>>) semaphore(%run_scoped3A_251 : memref<!tpu.dma_semaphore, #tpu.memory_space<semaphore_mem>>) {add = true}
      %dma_wait3A_258 = arith.constant 0 : i32
      %dma_wait3A_259 = tpu.memref_slice %arg7[%run_scoped3A_176, %dma_wait3A_258] : memref<4x128xi32, #tpu.memory_space<vmem>> -> memref<1x128xi32, #tpu.memory_space<vmem>>
      %dma_wait3A_260 = tpu.memref_squeeze %dma_wait3A_259 : memref<1x128xi32, #tpu.memory_space<vmem>> -> memref<128xi32, #tpu.memory_space<vmem>>
      %dma_wait3A_261 = arith.constant 0 : i32
      %dma_wait3A_262 = arith.constant 0 : i32
      %dma_wait3A_263 = tpu.memref_slice %arg11[%dma_wait3A_261, %dma_wait3A_262] : memref<10112x128xf32, #tpu.memory_space<vmem_shared>> -> memref<10112x128xf32, #tpu.memory_space<vmem_shared>>
      tpu.wait_indirect_dma semaphore(%run_scoped3A_251 : memref<!tpu.dma_semaphore, #tpu.memory_space<semaphore_mem>>) src(%arg9 : memref<128x128xf32, #tpu.memory_space<vmem>>) dst(%dma_wait3A_263 : memref<10112x128xf32, #tpu.memory_space<vmem_shared>>)
      tpu.yield
    }) : () -> ()
    %add3A_177 = arith.constant 96 : i32
    %add3A_178 = arith.addi %add3A, %add3A_177 : i32
    %mul3A_179 = arith.constant 128 : i32
    %mul3A_180 = arith.muli %add3A_178, %mul3A_179 : i32
    %dma_start3A_181 = arith.constant 3 : i32
    %dma_start3A_182 = arith.constant 0 : i32
    %dma_start3A_183 = tpu.memref_slice %arg6[%dma_start3A_181, %dma_start3A_182] : memref<4x128xi32, #tpu.memory_space<vmem>> -> memref<1x128xi32, #tpu.memory_space<vmem>>
    %dma_start3A_184 = tpu.memref_squeeze %dma_start3A_183 : memref<1x128xi32, #tpu.memory_space<vmem>> -> memref<128xi32, #tpu.memory_space<vmem>>
    %dma_start3A_185 = tpu.memref_slice %arg3[%mul3A_180] : memref<327680xi32, #tpu.memory_space<hbm>> -> memref<128xi32, #tpu.memory_space<hbm>>
    %dma_start3A_186 = arith.constant 0 : i32
    %dma_start3A_187 = tpu.memref_slice %arg6[%dma_start3A_181, %dma_start3A_186] : memref<4x128xi32, #tpu.memory_space<vmem>> -> memref<1x128xi32, #tpu.memory_space<vmem>>
    %dma_start3A_188 = tpu.memref_squeeze %dma_start3A_187 : memref<1x128xi32, #tpu.memory_space<vmem>> -> memref<128xi32, #tpu.memory_space<vmem>>
    %dma_start3A_189 = tpu.memref_slice %arg3[%mul3A_180] : memref<327680xi32, #tpu.memory_space<hbm>> -> memref<128xi32, #tpu.memory_space<hbm>>
    tpu.enqueue_dma source(%dma_start3A_189 : memref<128xi32, #tpu.memory_space<hbm>>) target(%dma_start3A_188 : memref<128xi32, #tpu.memory_space<vmem>>) target_semaphore(%arg15 : memref<!tpu.dma_semaphore, #tpu.memory_space<semaphore_mem>>)
    %dma_start3A_190 = arith.constant 3 : i32
    %dma_start3A_191 = arith.constant 0 : i32
    %dma_start3A_192 = tpu.memref_slice %arg7[%dma_start3A_190, %dma_start3A_191] : memref<4x128xi32, #tpu.memory_space<vmem>> -> memref<1x128xi32, #tpu.memory_space<vmem>>
    %dma_start3A_193 = tpu.memref_squeeze %dma_start3A_192 : memref<1x128xi32, #tpu.memory_space<vmem>> -> memref<128xi32, #tpu.memory_space<vmem>>
    %dma_start3A_194 = tpu.memref_slice %arg4[%mul3A_180] : memref<327680xi32, #tpu.memory_space<hbm>> -> memref<128xi32, #tpu.memory_space<hbm>>
    %dma_start3A_195 = arith.constant 0 : i32
    %dma_start3A_196 = tpu.memref_slice %arg7[%dma_start3A_190, %dma_start3A_195] : memref<4x128xi32, #tpu.memory_space<vmem>> -> memref<1x128xi32, #tpu.memory_space<vmem>>
    %dma_start3A_197 = tpu.memref_squeeze %dma_start3A_196 : memref<1x128xi32, #tpu.memory_space<vmem>> -> memref<128xi32, #tpu.memory_space<vmem>>
    %dma_start3A_198 = tpu.memref_slice %arg4[%mul3A_180] : memref<327680xi32, #tpu.memory_space<hbm>> -> memref<128xi32, #tpu.memory_space<hbm>>
    tpu.enqueue_dma source(%dma_start3A_198 : memref<128xi32, #tpu.memory_space<hbm>>) target(%dma_start3A_197 : memref<128xi32, #tpu.memory_space<vmem>>) target_semaphore(%arg15 : memref<!tpu.dma_semaphore, #tpu.memory_space<semaphore_mem>>)
    %scan3A_199 = arith.constant 0 : i32
    %scan3A_200 = arith.constant 19 : i32
    %scan3A_201 = arith.addi %scan3A_199, %scan3A_200 : i32
    %scan3A_202 = arith.constant 1 : i32
    scf.for %scan3A_251 = %scan3A_199 to %scan3A_201 step %scan3A_202  : i32 {
      %mul3A_252 = arith.constant 1 : i32
      %mul3A_253 = arith.muli %scan3A_251, %mul3A_252 : i32
      %add3A_254 = arith.constant 0 : i32
      %add3A_255 = arith.addi %add3A_254, %mul3A_253 : i32
      %mul3A_256 = arith.constant 4 : i32
      %mul3A_257 = arith.muli %add3A_255, %mul3A_256 : i32
      %add3A_258 = arith.constant 2 : i32
      %add3A_259 = arith.addi %add3A_258, %mul3A_257 : i32
      %add3A_260 = arith.constant 0 : i32
      %add3A_261 = arith.addi %add3A_259, %add3A_260 : i32
      %dma_wait3A_262 = arith.constant 0 : i32
      %dma_wait3A_263 = arith.constant 0 : i32
      %dma_wait3A_264 = tpu.memref_slice %arg2[%dma_wait3A_262, %dma_wait3A_263] : memref<10112x128xf32, #tpu.memory_space<hbm>> -> memref<128x128xf32, #tpu.memory_space<hbm>>
      %dma_wait3A_265 = arith.constant 0 : i32
      %dma_wait3A_266 = arith.constant 0 : i32
      %dma_wait3A_267 = tpu.memref_slice %arg2[%dma_wait3A_265, %dma_wait3A_266] : memref<10112x128xf32, #tpu.memory_space<hbm>> -> memref<128x128xf32, #tpu.memory_space<hbm>>
      tpu.wait_dma2 semaphore(%arg16 : memref<!tpu.dma_semaphore, #tpu.memory_space<semaphore_mem>>) src(%dma_wait3A_267 : memref<128x128xf32, #tpu.memory_space<hbm>>) dst(%arg8 : memref<128x128xf32, #tpu.memory_space<vmem>>)
      %dma_wait3A_268 = arith.constant 3 : i32
      %dma_wait3A_269 = arith.constant 0 : i32
      %dma_wait3A_270 = tpu.memref_slice %arg6[%dma_wait3A_268, %dma_wait3A_269] : memref<4x128xi32, #tpu.memory_space<vmem>> -> memref<1x128xi32, #tpu.memory_space<vmem>>
      %dma_wait3A_271 = tpu.memref_squeeze %dma_wait3A_270 : memref<1x128xi32, #tpu.memory_space<vmem>> -> memref<128xi32, #tpu.memory_space<vmem>>
      %dma_wait3A_272 = arith.constant 0 : i32
      %dma_wait3A_273 = tpu.memref_slice %arg3[%dma_wait3A_272] : memref<327680xi32, #tpu.memory_space<hbm>> -> memref<128xi32, #tpu.memory_space<hbm>>
      %dma_wait3A_274 = arith.constant 0 : i32
      %dma_wait3A_275 = tpu.memref_slice %arg6[%dma_wait3A_268, %dma_wait3A_274] : memref<4x128xi32, #tpu.memory_space<vmem>> -> memref<1x128xi32, #tpu.memory_space<vmem>>
      %dma_wait3A_276 = tpu.memref_squeeze %dma_wait3A_275 : memref<1x128xi32, #tpu.memory_space<vmem>> -> memref<128xi32, #tpu.memory_space<vmem>>
      %dma_wait3A_277 = arith.constant 0 : i32
      %dma_wait3A_278 = tpu.memref_slice %arg3[%dma_wait3A_277] : memref<327680xi32, #tpu.memory_space<hbm>> -> memref<128xi32, #tpu.memory_space<hbm>>
      tpu.wait_dma2 semaphore(%arg15 : memref<!tpu.dma_semaphore, #tpu.memory_space<semaphore_mem>>) src(%dma_wait3A_278 : memref<128xi32, #tpu.memory_space<hbm>>) dst(%dma_wait3A_276 : memref<128xi32, #tpu.memory_space<vmem>>)
      %dma_wait3A_279 = arith.constant 3 : i32
      %dma_wait3A_280 = arith.constant 0 : i32
      %dma_wait3A_281 = tpu.memref_slice %arg7[%dma_wait3A_279, %dma_wait3A_280] : memref<4x128xi32, #tpu.memory_space<vmem>> -> memref<1x128xi32, #tpu.memory_space<vmem>>
      %dma_wait3A_282 = tpu.memref_squeeze %dma_wait3A_281 : memref<1x128xi32, #tpu.memory_space<vmem>> -> memref<128xi32, #tpu.memory_space<vmem>>
      %dma_wait3A_283 = arith.constant 0 : i32
      %dma_wait3A_284 = tpu.memref_slice %arg4[%dma_wait3A_283] : memref<327680xi32, #tpu.memory_space<hbm>> -> memref<128xi32, #tpu.memory_space<hbm>>
      %dma_wait3A_285 = arith.constant 0 : i32
      %dma_wait3A_286 = tpu.memref_slice %arg7[%dma_wait3A_279, %dma_wait3A_285] : memref<4x128xi32, #tpu.memory_space<vmem>> -> memref<1x128xi32, #tpu.memory_space<vmem>>
      %dma_wait3A_287 = tpu.memref_squeeze %dma_wait3A_286 : memref<1x128xi32, #tpu.memory_space<vmem>> -> memref<128xi32, #tpu.memory_space<vmem>>
      %dma_wait3A_288 = arith.constant 0 : i32
      %dma_wait3A_289 = tpu.memref_slice %arg4[%dma_wait3A_288] : memref<327680xi32, #tpu.memory_space<hbm>> -> memref<128xi32, #tpu.memory_space<hbm>>
      tpu.wait_dma2 semaphore(%arg15 : memref<!tpu.dma_semaphore, #tpu.memory_space<semaphore_mem>>) src(%dma_wait3A_289 : memref<128xi32, #tpu.memory_space<hbm>>) dst(%dma_wait3A_287 : memref<128xi32, #tpu.memory_space<vmem>>)
      %dma_start3A_290 = arith.constant 3 : i32
      %dma_start3A_291 = arith.constant 0 : i32
      %dma_start3A_292 = tpu.memref_slice %arg6[%dma_start3A_290, %dma_start3A_291] : memref<4x128xi32, #tpu.memory_space<vmem>> -> memref<1x128xi32, #tpu.memory_space<vmem>>
      %dma_start3A_293 = tpu.memref_squeeze %dma_start3A_292 : memref<1x128xi32, #tpu.memory_space<vmem>> -> memref<128xi32, #tpu.memory_space<vmem>>
      %dma_start3A_294 = arith.constant 0 : i32
      %dma_start3A_295 = arith.constant 0 : i32
      %dma_start3A_296 = tpu.memref_slice %arg2[%dma_start3A_294, %dma_start3A_295] : memref<10112x128xf32, #tpu.memory_space<hbm>> -> memref<10112x128xf32, #tpu.memory_space<hbm>>
      tpu.enqueue_indirect_dma source(%dma_start3A_296 : memref<10112x128xf32, #tpu.memory_space<hbm>>) target(%arg9 : memref<128x128xf32, #tpu.memory_space<vmem>>) offsets(%dma_start3A_293 : memref<128xi32, #tpu.memory_space<vmem>>) semaphore(%arg17 : memref<!tpu.dma_semaphore, #tpu.memory_space<semaphore_mem>>)
      %run_scoped3A_297 = arith.constant 2 : i32
      "tpu.region"() ({
        %run_scoped3A_524 = tpu.sem_alloc : memref<!tpu.dma_semaphore, #tpu.memory_space<semaphore_mem>>
        %dma_start3A_525 = arith.constant 0 : i32
        %dma_start3A_526 = tpu.memref_slice %arg7[%run_scoped3A_297, %dma_start3A_525] : memref<4x128xi32, #tpu.memory_space<vmem>> -> memref<1x128xi32, #tpu.memory_space<vmem>>
        %dma_start3A_527 = tpu.memref_squeeze %dma_start3A_526 : memref<1x128xi32, #tpu.memory_space<vmem>> -> memref<128xi32, #tpu.memory_space<vmem>>
        %dma_start3A_528 = arith.constant 0 : i32
        %dma_start3A_529 = arith.constant 0 : i32
        %dma_start3A_530 = tpu.memref_slice %arg11[%dma_start3A_528, %dma_start3A_529] : memref<10112x128xf32, #tpu.memory_space<vmem_shared>> -> memref<10112x128xf32, #tpu.memory_space<vmem_shared>>
        tpu.enqueue_indirect_dma source(%arg8 : memref<128x128xf32, #tpu.memory_space<vmem>>) target(%dma_start3A_530 : memref<10112x128xf32, #tpu.memory_space<vmem_shared>>) offsets(%dma_start3A_527 : memref<128xi32, #tpu.memory_space<vmem>>) semaphore(%run_scoped3A_524 : memref<!tpu.dma_semaphore, #tpu.memory_space<semaphore_mem>>) {add = true}
        %dma_wait3A_531 = arith.constant 0 : i32
        %dma_wait3A_532 = tpu.memref_slice %arg7[%run_scoped3A_297, %dma_wait3A_531] : memref<4x128xi32, #tpu.memory_space<vmem>> -> memref<1x128xi32, #tpu.memory_space<vmem>>
        %dma_wait3A_533 = tpu.memref_squeeze %dma_wait3A_532 : memref<1x128xi32, #tpu.memory_space<vmem>> -> memref<128xi32, #tpu.memory_space<vmem>>
        %dma_wait3A_534 = arith.constant 0 : i32
        %dma_wait3A_535 = arith.constant 0 : i32
        %dma_wait3A_536 = tpu.memref_slice %arg11[%dma_wait3A_534, %dma_wait3A_535] : memref<10112x128xf32, #tpu.memory_space<vmem_shared>> -> memref<10112x128xf32, #tpu.memory_space<vmem_shared>>
        tpu.wait_indirect_dma semaphore(%run_scoped3A_524 : memref<!tpu.dma_semaphore, #tpu.memory_space<semaphore_mem>>) src(%arg8 : memref<128x128xf32, #tpu.memory_space<vmem>>) dst(%dma_wait3A_536 : memref<10112x128xf32, #tpu.memory_space<vmem_shared>>)
        tpu.yield
      }) : () -> ()
      %add3A_298 = arith.constant 2 : i32
      %add3A_299 = arith.addi %add3A_261, %add3A_298 : i32
      %mul3A_300 = arith.constant 32 : i32
      %mul3A_301 = arith.muli %add3A_299, %mul3A_300 : i32
      %add3A_302 = arith.addi %add3A, %mul3A_301 : i32
      %mul3A_303 = arith.constant 128 : i32
      %mul3A_304 = arith.muli %add3A_302, %mul3A_303 : i32
      %dma_start3A_305 = arith.constant 0 : i32
      %dma_start3A_306 = arith.constant 0 : i32
      %dma_start3A_307 = tpu.memref_slice %arg6[%dma_start3A_305, %dma_start3A_306] : memref<4x128xi32, #tpu.memory_space<vmem>> -> memref<1x128xi32, #tpu.memory_space<vmem>>
      %dma_start3A_308 = tpu.memref_squeeze %dma_start3A_307 : memref<1x128xi32, #tpu.memory_space<vmem>> -> memref<128xi32, #tpu.memory_space<vmem>>
      %dma_start3A_309 = tpu.memref_slice %arg3[%mul3A_304] : memref<327680xi32, #tpu.memory_space<hbm>> -> memref<128xi32, #tpu.memory_space<hbm>>
      %dma_start3A_310 = arith.constant 0 : i32
      %dma_start3A_311 = tpu.memref_slice %arg6[%dma_start3A_305, %dma_start3A_310] : memref<4x128xi32, #tpu.memory_space<vmem>> -> memref<1x128xi32, #tpu.memory_space<vmem>>
      %dma_start3A_312 = tpu.memref_squeeze %dma_start3A_311 : memref<1x128xi32, #tpu.memory_space<vmem>> -> memref<128xi32, #tpu.memory_space<vmem>>
      %dma_start3A_313 = tpu.memref_slice %arg3[%mul3A_304] : memref<327680xi32, #tpu.memory_space<hbm>> -> memref<128xi32, #tpu.memory_space<hbm>>
      tpu.enqueue_dma source(%dma_start3A_313 : memref<128xi32, #tpu.memory_space<hbm>>) target(%dma_start3A_312 : memref<128xi32, #tpu.memory_space<vmem>>) target_semaphore(%arg12 : memref<!tpu.dma_semaphore, #tpu.memory_space<semaphore_mem>>)
      %dma_start3A_314 = arith.constant 0 : i32
      %dma_start3A_315 = arith.constant 0 : i32
      %dma_start3A_316 = tpu.memref_slice %arg7[%dma_start3A_314, %dma_start3A_315] : memref<4x128xi32, #tpu.memory_space<vmem>> -> memref<1x128xi32, #tpu.memory_space<vmem>>
      %dma_start3A_317 = tpu.memref_squeeze %dma_start3A_316 : memref<1x128xi32, #tpu.memory_space<vmem>> -> memref<128xi32, #tpu.memory_space<vmem>>
      %dma_start3A_318 = tpu.memref_slice %arg4[%mul3A_304] : memref<327680xi32, #tpu.memory_space<hbm>> -> memref<128xi32, #tpu.memory_space<hbm>>
      %dma_start3A_319 = arith.constant 0 : i32
      %dma_start3A_320 = tpu.memref_slice %arg7[%dma_start3A_314, %dma_start3A_319] : memref<4x128xi32, #tpu.memory_space<vmem>> -> memref<1x128xi32, #tpu.memory_space<vmem>>
      %dma_start3A_321 = tpu.memref_squeeze %dma_start3A_320 : memref<1x128xi32, #tpu.memory_space<vmem>> -> memref<128xi32, #tpu.memory_space<vmem>>
      %dma_start3A_322 = tpu.memref_slice %arg4[%mul3A_304] : memref<327680xi32, #tpu.memory_space<hbm>> -> memref<128xi32, #tpu.memory_space<hbm>>
      tpu.enqueue_dma source(%dma_start3A_322 : memref<128xi32, #tpu.memory_space<hbm>>) target(%dma_start3A_321 : memref<128xi32, #tpu.memory_space<vmem>>) target_semaphore(%arg12 : memref<!tpu.dma_semaphore, #tpu.memory_space<semaphore_mem>>)
      %mul3A_323 = arith.constant 4 : i32
      %mul3A_324 = arith.muli %add3A_255, %mul3A_323 : i32
      %add3A_325 = arith.constant 2 : i32
      %add3A_326 = arith.addi %add3A_325, %mul3A_324 : i32
      %add3A_327 = arith.constant 1 : i32
      %add3A_328 = arith.addi %add3A_326, %add3A_327 : i32
      %dma_wait3A_329 = arith.constant 0 : i32
      %dma_wait3A_330 = arith.constant 0 : i32
      %dma_wait3A_331 = tpu.memref_slice %arg2[%dma_wait3A_329, %dma_wait3A_330] : memref<10112x128xf32, #tpu.memory_space<hbm>> -> memref<128x128xf32, #tpu.memory_space<hbm>>
      %dma_wait3A_332 = arith.constant 0 : i32
      %dma_wait3A_333 = arith.constant 0 : i32
      %dma_wait3A_334 = tpu.memref_slice %arg2[%dma_wait3A_332, %dma_wait3A_333] : memref<10112x128xf32, #tpu.memory_space<hbm>> -> memref<128x128xf32, #tpu.memory_space<hbm>>
      tpu.wait_dma2 semaphore(%arg17 : memref<!tpu.dma_semaphore, #tpu.memory_space<semaphore_mem>>) src(%dma_wait3A_334 : memref<128x128xf32, #tpu.memory_space<hbm>>) dst(%arg9 : memref<128x128xf32, #tpu.memory_space<vmem>>)
      %dma_wait3A_335 = arith.constant 0 : i32
      %dma_wait3A_336 = arith.constant 0 : i32
      %dma_wait3A_337 = tpu.memref_slice %arg6[%dma_wait3A_335, %dma_wait3A_336] : memref<4x128xi32, #tpu.memory_space<vmem>> -> memref<1x128xi32, #tpu.memory_space<vmem>>
      %dma_wait3A_338 = tpu.memref_squeeze %dma_wait3A_337 : memref<1x128xi32, #tpu.memory_space<vmem>> -> memref<128xi32, #tpu.memory_space<vmem>>
      %dma_wait3A_339 = arith.constant 0 : i32
      %dma_wait3A_340 = tpu.memref_slice %arg3[%dma_wait3A_339] : memref<327680xi32, #tpu.memory_space<hbm>> -> memref<128xi32, #tpu.memory_space<hbm>>
      %dma_wait3A_341 = arith.constant 0 : i32
      %dma_wait3A_342 = tpu.memref_slice %arg6[%dma_wait3A_335, %dma_wait3A_341] : memref<4x128xi32, #tpu.memory_space<vmem>> -> memref<1x128xi32, #tpu.memory_space<vmem>>
      %dma_wait3A_343 = tpu.memref_squeeze %dma_wait3A_342 : memref<1x128xi32, #tpu.memory_space<vmem>> -> memref<128xi32, #tpu.memory_space<vmem>>
      %dma_wait3A_344 = arith.constant 0 : i32
      %dma_wait3A_345 = tpu.memref_slice %arg3[%dma_wait3A_344] : memref<327680xi32, #tpu.memory_space<hbm>> -> memref<128xi32, #tpu.memory_space<hbm>>
      tpu.wait_dma2 semaphore(%arg12 : memref<!tpu.dma_semaphore, #tpu.memory_space<semaphore_mem>>) src(%dma_wait3A_345 : memref<128xi32, #tpu.memory_space<hbm>>) dst(%dma_wait3A_343 : memref<128xi32, #tpu.memory_space<vmem>>)
      %dma_wait3A_346 = arith.constant 0 : i32
      %dma_wait3A_347 = arith.constant 0 : i32
      %dma_wait3A_348 = tpu.memref_slice %arg7[%dma_wait3A_346, %dma_wait3A_347] : memref<4x128xi32, #tpu.memory_space<vmem>> -> memref<1x128xi32, #tpu.memory_space<vmem>>
      %dma_wait3A_349 = tpu.memref_squeeze %dma_wait3A_348 : memref<1x128xi32, #tpu.memory_space<vmem>> -> memref<128xi32, #tpu.memory_space<vmem>>
      %dma_wait3A_350 = arith.constant 0 : i32
      %dma_wait3A_351 = tpu.memref_slice %arg4[%dma_wait3A_350] : memref<327680xi32, #tpu.memory_space<hbm>> -> memref<128xi32, #tpu.memory_space<hbm>>
      %dma_wait3A_352 = arith.constant 0 : i32
      %dma_wait3A_353 = tpu.memref_slice %arg7[%dma_wait3A_346, %dma_wait3A_352] : memref<4x128xi32, #tpu.memory_space<vmem>> -> memref<1x128xi32, #tpu.memory_space<vmem>>
      %dma_wait3A_354 = tpu.memref_squeeze %dma_wait3A_353 : memref<1x128xi32, #tpu.memory_space<vmem>> -> memref<128xi32, #tpu.memory_space<vmem>>
      %dma_wait3A_355 = arith.constant 0 : i32
      %dma_wait3A_356 = tpu.memref_slice %arg4[%dma_wait3A_355] : memref<327680xi32, #tpu.memory_space<hbm>> -> memref<128xi32, #tpu.memory_space<hbm>>
      tpu.wait_dma2 semaphore(%arg12 : memref<!tpu.dma_semaphore, #tpu.memory_space<semaphore_mem>>) src(%dma_wait3A_356 : memref<128xi32, #tpu.memory_space<hbm>>) dst(%dma_wait3A_354 : memref<128xi32, #tpu.memory_space<vmem>>)
      %dma_start3A_357 = arith.constant 0 : i32
      %dma_start3A_358 = arith.constant 0 : i32
      %dma_start3A_359 = tpu.memref_slice %arg6[%dma_start3A_357, %dma_start3A_358] : memref<4x128xi32, #tpu.memory_space<vmem>> -> memref<1x128xi32, #tpu.memory_space<vmem>>
      %dma_start3A_360 = tpu.memref_squeeze %dma_start3A_359 : memref<1x128xi32, #tpu.memory_space<vmem>> -> memref<128xi32, #tpu.memory_space<vmem>>
      %dma_start3A_361 = arith.constant 0 : i32
      %dma_start3A_362 = arith.constant 0 : i32
      %dma_start3A_363 = tpu.memref_slice %arg2[%dma_start3A_361, %dma_start3A_362] : memref<10112x128xf32, #tpu.memory_space<hbm>> -> memref<10112x128xf32, #tpu.memory_space<hbm>>
      tpu.enqueue_indirect_dma source(%dma_start3A_363 : memref<10112x128xf32, #tpu.memory_space<hbm>>) target(%arg8 : memref<128x128xf32, #tpu.memory_space<vmem>>) offsets(%dma_start3A_360 : memref<128xi32, #tpu.memory_space<vmem>>) semaphore(%arg16 : memref<!tpu.dma_semaphore, #tpu.memory_space<semaphore_mem>>)
      %run_scoped3A_364 = arith.constant 3 : i32
      "tpu.region"() ({
        %run_scoped3A_524 = tpu.sem_alloc : memref<!tpu.dma_semaphore, #tpu.memory_space<semaphore_mem>>
        %dma_start3A_525 = arith.constant 0 : i32
        %dma_start3A_526 = tpu.memref_slice %arg7[%run_scoped3A_364, %dma_start3A_525] : memref<4x128xi32, #tpu.memory_space<vmem>> -> memref<1x128xi32, #tpu.memory_space<vmem>>
        %dma_start3A_527 = tpu.memref_squeeze %dma_start3A_526 : memref<1x128xi32, #tpu.memory_space<vmem>> -> memref<128xi32, #tpu.memory_space<vmem>>
        %dma_start3A_528 = arith.constant 0 : i32
        %dma_start3A_529 = arith.constant 0 : i32
        %dma_start3A_530 = tpu.memref_slice %arg11[%dma_start3A_528, %dma_start3A_529] : memref<10112x128xf32, #tpu.memory_space<vmem_shared>> -> memref<10112x128xf32, #tpu.memory_space<vmem_shared>>
        tpu.enqueue_indirect_dma source(%arg9 : memref<128x128xf32, #tpu.memory_space<vmem>>) target(%dma_start3A_530 : memref<10112x128xf32, #tpu.memory_space<vmem_shared>>) offsets(%dma_start3A_527 : memref<128xi32, #tpu.memory_space<vmem>>) semaphore(%run_scoped3A_524 : memref<!tpu.dma_semaphore, #tpu.memory_space<semaphore_mem>>) {add = true}
        %dma_wait3A_531 = arith.constant 0 : i32
        %dma_wait3A_532 = tpu.memref_slice %arg7[%run_scoped3A_364, %dma_wait3A_531] : memref<4x128xi32, #tpu.memory_space<vmem>> -> memref<1x128xi32, #tpu.memory_space<vmem>>
        %dma_wait3A_533 = tpu.memref_squeeze %dma_wait3A_532 : memref<1x128xi32, #tpu.memory_space<vmem>> -> memref<128xi32, #tpu.memory_space<vmem>>
        %dma_wait3A_534 = arith.constant 0 : i32
        %dma_wait3A_535 = arith.constant 0 : i32
        %dma_wait3A_536 = tpu.memref_slice %arg11[%dma_wait3A_534, %dma_wait3A_535] : memref<10112x128xf32, #tpu.memory_space<vmem_shared>> -> memref<10112x128xf32, #tpu.memory_space<vmem_shared>>
        tpu.wait_indirect_dma semaphore(%run_scoped3A_524 : memref<!tpu.dma_semaphore, #tpu.memory_space<semaphore_mem>>) src(%arg9 : memref<128x128xf32, #tpu.memory_space<vmem>>) dst(%dma_wait3A_536 : memref<10112x128xf32, #tpu.memory_space<vmem_shared>>)
        tpu.yield
      }) : () -> ()
      %add3A_365 = arith.constant 2 : i32
      %add3A_366 = arith.addi %add3A_328, %add3A_365 : i32
      %mul3A_367 = arith.constant 32 : i32
      %mul3A_368 = arith.muli %add3A_366, %mul3A_367 : i32
      %add3A_369 = arith.addi %add3A, %mul3A_368 : i32
      %mul3A_370 = arith.constant 128 : i32
      %mul3A_371 = arith.muli %add3A_369, %mul3A_370 : i32
      %dma_start3A_372 = arith.constant 1 : i32
      %dma_start3A_373 = arith.constant 0 : i32
      %dma_start3A_374 = tpu.memref_slice %arg6[%dma_start3A_372, %dma_start3A_373] : memref<4x128xi32, #tpu.memory_space<vmem>> -> memref<1x128xi32, #tpu.memory_space<vmem>>
      %dma_start3A_375 = tpu.memref_squeeze %dma_start3A_374 : memref<1x128xi32, #tpu.memory_space<vmem>> -> memref<128xi32, #tpu.memory_space<vmem>>
      %dma_start3A_376 = tpu.memref_slice %arg3[%mul3A_371] : memref<327680xi32, #tpu.memory_space<hbm>> -> memref<128xi32, #tpu.memory_space<hbm>>
      %dma_start3A_377 = arith.constant 0 : i32
      %dma_start3A_378 = tpu.memref_slice %arg6[%dma_start3A_372, %dma_start3A_377] : memref<4x128xi32, #tpu.memory_space<vmem>> -> memref<1x128xi32, #tpu.memory_space<vmem>>
      %dma_start3A_379 = tpu.memref_squeeze %dma_start3A_378 : memref<1x128xi32, #tpu.memory_space<vmem>> -> memref<128xi32, #tpu.memory_space<vmem>>
      %dma_start3A_380 = tpu.memref_slice %arg3[%mul3A_371] : memref<327680xi32, #tpu.memory_space<hbm>> -> memref<128xi32, #tpu.memory_space<hbm>>
      tpu.enqueue_dma source(%dma_start3A_380 : memref<128xi32, #tpu.memory_space<hbm>>) target(%dma_start3A_379 : memref<128xi32, #tpu.memory_space<vmem>>) target_semaphore(%arg13 : memref<!tpu.dma_semaphore, #tpu.memory_space<semaphore_mem>>)
      %dma_start3A_381 = arith.constant 1 : i32
      %dma_start3A_382 = arith.constant 0 : i32
      %dma_start3A_383 = tpu.memref_slice %arg7[%dma_start3A_381, %dma_start3A_382] : memref<4x128xi32, #tpu.memory_space<vmem>> -> memref<1x128xi32, #tpu.memory_space<vmem>>
      %dma_start3A_384 = tpu.memref_squeeze %dma_start3A_383 : memref<1x128xi32, #tpu.memory_space<vmem>> -> memref<128xi32, #tpu.memory_space<vmem>>
      %dma_start3A_385 = tpu.memref_slice %arg4[%mul3A_371] : memref<327680xi32, #tpu.memory_space<hbm>> -> memref<128xi32, #tpu.memory_space<hbm>>
      %dma_start3A_386 = arith.constant 0 : i32
      %dma_start3A_387 = tpu.memref_slice %arg7[%dma_start3A_381, %dma_start3A_386] : memref<4x128xi32, #tpu.memory_space<vmem>> -> memref<1x128xi32, #tpu.memory_space<vmem>>
      %dma_start3A_388 = tpu.memref_squeeze %dma_start3A_387 : memref<1x128xi32, #tpu.memory_space<vmem>> -> memref<128xi32, #tpu.memory_space<vmem>>
      %dma_start3A_389 = tpu.memref_slice %arg4[%mul3A_371] : memref<327680xi32, #tpu.memory_space<hbm>> -> memref<128xi32, #tpu.memory_space<hbm>>
      tpu.enqueue_dma source(%dma_start3A_389 : memref<128xi32, #tpu.memory_space<hbm>>) target(%dma_start3A_388 : memref<128xi32, #tpu.memory_space<vmem>>) target_semaphore(%arg13 : memref<!tpu.dma_semaphore, #tpu.memory_space<semaphore_mem>>)
      %mul3A_390 = arith.constant 4 : i32
      %mul3A_391 = arith.muli %add3A_255, %mul3A_390 : i32
      %add3A_392 = arith.constant 2 : i32
      %add3A_393 = arith.addi %add3A_392, %mul3A_391 : i32
      %add3A_394 = arith.constant 2 : i32
      %add3A_395 = arith.addi %add3A_393, %add3A_394 : i32
      %dma_wait3A_396 = arith.constant 0 : i32
      %dma_wait3A_397 = arith.constant 0 : i32
      %dma_wait3A_398 = tpu.memref_slice %arg2[%dma_wait3A_396, %dma_wait3A_397] : memref<10112x128xf32, #tpu.memory_space<hbm>> -> memref<128x128xf32, #tpu.memory_space<hbm>>
      %dma_wait3A_399 = arith.constant 0 : i32
      %dma_wait3A_400 = arith.constant 0 : i32
      %dma_wait3A_401 = tpu.memref_slice %arg2[%dma_wait3A_399, %dma_wait3A_400] : memref<10112x128xf32, #tpu.memory_space<hbm>> -> memref<128x128xf32, #tpu.memory_space<hbm>>
      tpu.wait_dma2 semaphore(%arg16 : memref<!tpu.dma_semaphore, #tpu.memory_space<semaphore_mem>>) src(%dma_wait3A_401 : memref<128x128xf32, #tpu.memory_space<hbm>>) dst(%arg8 : memref<128x128xf32, #tpu.memory_space<vmem>>)
      %dma_wait3A_402 = arith.constant 1 : i32
      %dma_wait3A_403 = arith.constant 0 : i32
      %dma_wait3A_404 = tpu.memref_slice %arg6[%dma_wait3A_402, %dma_wait3A_403] : memref<4x128xi32, #tpu.memory_space<vmem>> -> memref<1x128xi32, #tpu.memory_space<vmem>>
      %dma_wait3A_405 = tpu.memref_squeeze %dma_wait3A_404 : memref<1x128xi32, #tpu.memory_space<vmem>> -> memref<128xi32, #tpu.memory_space<vmem>>
      %dma_wait3A_406 = arith.constant 0 : i32
      %dma_wait3A_407 = tpu.memref_slice %arg3[%dma_wait3A_406] : memref<327680xi32, #tpu.memory_space<hbm>> -> memref<128xi32, #tpu.memory_space<hbm>>
      %dma_wait3A_408 = arith.constant 0 : i32
      %dma_wait3A_409 = tpu.memref_slice %arg6[%dma_wait3A_402, %dma_wait3A_408] : memref<4x128xi32, #tpu.memory_space<vmem>> -> memref<1x128xi32, #tpu.memory_space<vmem>>
      %dma_wait3A_410 = tpu.memref_squeeze %dma_wait3A_409 : memref<1x128xi32, #tpu.memory_space<vmem>> -> memref<128xi32, #tpu.memory_space<vmem>>
      %dma_wait3A_411 = arith.constant 0 : i32
      %dma_wait3A_412 = tpu.memref_slice %arg3[%dma_wait3A_411] : memref<327680xi32, #tpu.memory_space<hbm>> -> memref<128xi32, #tpu.memory_space<hbm>>
      tpu.wait_dma2 semaphore(%arg13 : memref<!tpu.dma_semaphore, #tpu.memory_space<semaphore_mem>>) src(%dma_wait3A_412 : memref<128xi32, #tpu.memory_space<hbm>>) dst(%dma_wait3A_410 : memref<128xi32, #tpu.memory_space<vmem>>)
      %dma_wait3A_413 = arith.constant 1 : i32
      %dma_wait3A_414 = arith.constant 0 : i32
      %dma_wait3A_415 = tpu.memref_slice %arg7[%dma_wait3A_413, %dma_wait3A_414] : memref<4x128xi32, #tpu.memory_space<vmem>> -> memref<1x128xi32, #tpu.memory_space<vmem>>
      %dma_wait3A_416 = tpu.memref_squeeze %dma_wait3A_415 : memref<1x128xi32, #tpu.memory_space<vmem>> -> memref<128xi32, #tpu.memory_space<vmem>>
      %dma_wait3A_417 = arith.constant 0 : i32
      %dma_wait3A_418 = tpu.memref_slice %arg4[%dma_wait3A_417] : memref<327680xi32, #tpu.memory_space<hbm>> -> memref<128xi32, #tpu.memory_space<hbm>>
      %dma_wait3A_419 = arith.constant 0 : i32
      %dma_wait3A_420 = tpu.memref_slice %arg7[%dma_wait3A_413, %dma_wait3A_419] : memref<4x128xi32, #tpu.memory_space<vmem>> -> memref<1x128xi32, #tpu.memory_space<vmem>>
      %dma_wait3A_421 = tpu.memref_squeeze %dma_wait3A_420 : memref<1x128xi32, #tpu.memory_space<vmem>> -> memref<128xi32, #tpu.memory_space<vmem>>
      %dma_wait3A_422 = arith.constant 0 : i32
      %dma_wait3A_423 = tpu.memref_slice %arg4[%dma_wait3A_422] : memref<327680xi32, #tpu.memory_space<hbm>> -> memref<128xi32, #tpu.memory_space<hbm>>
      tpu.wait_dma2 semaphore(%arg13 : memref<!tpu.dma_semaphore, #tpu.memory_space<semaphore_mem>>) src(%dma_wait3A_423 : memref<128xi32, #tpu.memory_space<hbm>>) dst(%dma_wait3A_421 : memref<128xi32, #tpu.memory_space<vmem>>)
      %dma_start3A_424 = arith.constant 1 : i32
      %dma_start3A_425 = arith.constant 0 : i32
      %dma_start3A_426 = tpu.memref_slice %arg6[%dma_start3A_424, %dma_start3A_425] : memref<4x128xi32, #tpu.memory_space<vmem>> -> memref<1x128xi32, #tpu.memory_space<vmem>>
      %dma_start3A_427 = tpu.memref_squeeze %dma_start3A_426 : memref<1x128xi32, #tpu.memory_space<vmem>> -> memref<128xi32, #tpu.memory_space<vmem>>
      %dma_start3A_428 = arith.constant 0 : i32
      %dma_start3A_429 = arith.constant 0 : i32
      %dma_start3A_430 = tpu.memref_slice %arg2[%dma_start3A_428, %dma_start3A_429] : memref<10112x128xf32, #tpu.memory_space<hbm>> -> memref<10112x128xf32, #tpu.memory_space<hbm>>
      tpu.enqueue_indirect_dma source(%dma_start3A_430 : memref<10112x128xf32, #tpu.memory_space<hbm>>) target(%arg9 : memref<128x128xf32, #tpu.memory_space<vmem>>) offsets(%dma_start3A_427 : memref<128xi32, #tpu.memory_space<vmem>>) semaphore(%arg17 : memref<!tpu.dma_semaphore, #tpu.memory_space<semaphore_mem>>)
      %run_scoped3A_431 = arith.constant 0 : i32
      "tpu.region"() ({
        %run_scoped3A_524 = tpu.sem_alloc : memref<!tpu.dma_semaphore, #tpu.memory_space<semaphore_mem>>
        %dma_start3A_525 = arith.constant 0 : i32
        %dma_start3A_526 = tpu.memref_slice %arg7[%run_scoped3A_431, %dma_start3A_525] : memref<4x128xi32, #tpu.memory_space<vmem>> -> memref<1x128xi32, #tpu.memory_space<vmem>>
        %dma_start3A_527 = tpu.memref_squeeze %dma_start3A_526 : memref<1x128xi32, #tpu.memory_space<vmem>> -> memref<128xi32, #tpu.memory_space<vmem>>
        %dma_start3A_528 = arith.constant 0 : i32
        %dma_start3A_529 = arith.constant 0 : i32
        %dma_start3A_530 = tpu.memref_slice %arg11[%dma_start3A_528, %dma_start3A_529] : memref<10112x128xf32, #tpu.memory_space<vmem_shared>> -> memref<10112x128xf32, #tpu.memory_space<vmem_shared>>
        tpu.enqueue_indirect_dma source(%arg8 : memref<128x128xf32, #tpu.memory_space<vmem>>) target(%dma_start3A_530 : memref<10112x128xf32, #tpu.memory_space<vmem_shared>>) offsets(%dma_start3A_527 : memref<128xi32, #tpu.memory_space<vmem>>) semaphore(%run_scoped3A_524 : memref<!tpu.dma_semaphore, #tpu.memory_space<semaphore_mem>>) {add = true}
        %dma_wait3A_531 = arith.constant 0 : i32
        %dma_wait3A_532 = tpu.memref_slice %arg7[%run_scoped3A_431, %dma_wait3A_531] : memref<4x128xi32, #tpu.memory_space<vmem>> -> memref<1x128xi32, #tpu.memory_space<vmem>>
        %dma_wait3A_533 = tpu.memref_squeeze %dma_wait3A_532 : memref<1x128xi32, #tpu.memory_space<vmem>> -> memref<128xi32, #tpu.memory_space<vmem>>
        %dma_wait3A_534 = arith.constant 0 : i32
        %dma_wait3A_535 = arith.constant 0 : i32
        %dma_wait3A_536 = tpu.memref_slice %arg11[%dma_wait3A_534, %dma_wait3A_535] : memref<10112x128xf32, #tpu.memory_space<vmem_shared>> -> memref<10112x128xf32, #tpu.memory_space<vmem_shared>>
        tpu.wait_indirect_dma semaphore(%run_scoped3A_524 : memref<!tpu.dma_semaphore, #tpu.memory_space<semaphore_mem>>) src(%arg8 : memref<128x128xf32, #tpu.memory_space<vmem>>) dst(%dma_wait3A_536 : memref<10112x128xf32, #tpu.memory_space<vmem_shared>>)
        tpu.yield
      }) : () -> ()
      %add3A_432 = arith.constant 2 : i32
      %add3A_433 = arith.addi %add3A_395, %add3A_432 : i32
      %mul3A_434 = arith.constant 32 : i32
      %mul3A_435 = arith.muli %add3A_433, %mul3A_434 : i32
      %add3A_436 = arith.addi %add3A, %mul3A_435 : i32
      %mul3A_437 = arith.constant 128 : i32
      %mul3A_438 = arith.muli %add3A_436, %mul3A_437 : i32
      %dma_start3A_439 = arith.constant 2 : i32
      %dma_start3A_440 = arith.constant 0 : i32
      %dma_start3A_441 = tpu.memref_slice %arg6[%dma_start3A_439, %dma_start3A_440] : memref<4x128xi32, #tpu.memory_space<vmem>> -> memref<1x128xi32, #tpu.memory_space<vmem>>
      %dma_start3A_442 = tpu.memref_squeeze %dma_start3A_441 : memref<1x128xi32, #tpu.memory_space<vmem>> -> memref<128xi32, #tpu.memory_space<vmem>>
      %dma_start3A_443 = tpu.memref_slice %arg3[%mul3A_438] : memref<327680xi32, #tpu.memory_space<hbm>> -> memref<128xi32, #tpu.memory_space<hbm>>
      %dma_start3A_444 = arith.constant 0 : i32
      %dma_start3A_445 = tpu.memref_slice %arg6[%dma_start3A_439, %dma_start3A_444] : memref<4x128xi32, #tpu.memory_space<vmem>> -> memref<1x128xi32, #tpu.memory_space<vmem>>
      %dma_start3A_446 = tpu.memref_squeeze %dma_start3A_445 : memref<1x128xi32, #tpu.memory_space<vmem>> -> memref<128xi32, #tpu.memory_space<vmem>>
      %dma_start3A_447 = tpu.memref_slice %arg3[%mul3A_438] : memref<327680xi32, #tpu.memory_space<hbm>> -> memref<128xi32, #tpu.memory_space<hbm>>
      tpu.enqueue_dma source(%dma_start3A_447 : memref<128xi32, #tpu.memory_space<hbm>>) target(%dma_start3A_446 : memref<128xi32, #tpu.memory_space<vmem>>) target_semaphore(%arg14 : memref<!tpu.dma_semaphore, #tpu.memory_space<semaphore_mem>>)
      %dma_start3A_448 = arith.constant 2 : i32
      %dma_start3A_449 = arith.constant 0 : i32
      %dma_start3A_450 = tpu.memref_slice %arg7[%dma_start3A_448, %dma_start3A_449] : memref<4x128xi32, #tpu.memory_space<vmem>> -> memref<1x128xi32, #tpu.memory_space<vmem>>
      %dma_start3A_451 = tpu.memref_squeeze %dma_start3A_450 : memref<1x128xi32, #tpu.memory_space<vmem>> -> memref<128xi32, #tpu.memory_space<vmem>>
      %dma_start3A_452 = tpu.memref_slice %arg4[%mul3A_438] : memref<327680xi32, #tpu.memory_space<hbm>> -> memref<128xi32, #tpu.memory_space<hbm>>
      %dma_start3A_453 = arith.constant 0 : i32
      %dma_start3A_454 = tpu.memref_slice %arg7[%dma_start3A_448, %dma_start3A_453] : memref<4x128xi32, #tpu.memory_space<vmem>> -> memref<1x128xi32, #tpu.memory_space<vmem>>
      %dma_start3A_455 = tpu.memref_squeeze %dma_start3A_454 : memref<1x128xi32, #tpu.memory_space<vmem>> -> memref<128xi32, #tpu.memory_space<vmem>>
      %dma_start3A_456 = tpu.memref_slice %arg4[%mul3A_438] : memref<327680xi32, #tpu.memory_space<hbm>> -> memref<128xi32, #tpu.memory_space<hbm>>
      tpu.enqueue_dma source(%dma_start3A_456 : memref<128xi32, #tpu.memory_space<hbm>>) target(%dma_start3A_455 : memref<128xi32, #tpu.memory_space<vmem>>) target_semaphore(%arg14 : memref<!tpu.dma_semaphore, #tpu.memory_space<semaphore_mem>>)
      %mul3A_457 = arith.constant 4 : i32
      %mul3A_458 = arith.muli %add3A_255, %mul3A_457 : i32
      %add3A_459 = arith.constant 2 : i32
      %add3A_460 = arith.addi %add3A_459, %mul3A_458 : i32
      %add3A_461 = arith.constant 3 : i32
      %add3A_462 = arith.addi %add3A_460, %add3A_461 : i32
      %dma_wait3A_463 = arith.constant 0 : i32
      %dma_wait3A_464 = arith.constant 0 : i32
      %dma_wait3A_465 = tpu.memref_slice %arg2[%dma_wait3A_463, %dma_wait3A_464] : memref<10112x128xf32, #tpu.memory_space<hbm>> -> memref<128x128xf32, #tpu.memory_space<hbm>>
      %dma_wait3A_466 = arith.constant 0 : i32
      %dma_wait3A_467 = arith.constant 0 : i32
      %dma_wait3A_468 = tpu.memref_slice %arg2[%dma_wait3A_466, %dma_wait3A_467] : memref<10112x128xf32, #tpu.memory_space<hbm>> -> memref<128x128xf32, #tpu.memory_space<hbm>>
      tpu.wait_dma2 semaphore(%arg17 : memref<!tpu.dma_semaphore, #tpu.memory_space<semaphore_mem>>) src(%dma_wait3A_468 : memref<128x128xf32, #tpu.memory_space<hbm>>) dst(%arg9 : memref<128x128xf32, #tpu.memory_space<vmem>>)
      %dma_wait3A_469 = arith.constant 2 : i32
      %dma_wait3A_470 = arith.constant 0 : i32
      %dma_wait3A_471 = tpu.memref_slice %arg6[%dma_wait3A_469, %dma_wait3A_470] : memref<4x128xi32, #tpu.memory_space<vmem>> -> memref<1x128xi32, #tpu.memory_space<vmem>>
      %dma_wait3A_472 = tpu.memref_squeeze %dma_wait3A_471 : memref<1x128xi32, #tpu.memory_space<vmem>> -> memref<128xi32, #tpu.memory_space<vmem>>
      %dma_wait3A_473 = arith.constant 0 : i32
      %dma_wait3A_474 = tpu.memref_slice %arg3[%dma_wait3A_473] : memref<327680xi32, #tpu.memory_space<hbm>> -> memref<128xi32, #tpu.memory_space<hbm>>
      %dma_wait3A_475 = arith.constant 0 : i32
      %dma_wait3A_476 = tpu.memref_slice %arg6[%dma_wait3A_469, %dma_wait3A_475] : memref<4x128xi32, #tpu.memory_space<vmem>> -> memref<1x128xi32, #tpu.memory_space<vmem>>
      %dma_wait3A_477 = tpu.memref_squeeze %dma_wait3A_476 : memref<1x128xi32, #tpu.memory_space<vmem>> -> memref<128xi32, #tpu.memory_space<vmem>>
      %dma_wait3A_478 = arith.constant 0 : i32
      %dma_wait3A_479 = tpu.memref_slice %arg3[%dma_wait3A_478] : memref<327680xi32, #tpu.memory_space<hbm>> -> memref<128xi32, #tpu.memory_space<hbm>>
      tpu.wait_dma2 semaphore(%arg14 : memref<!tpu.dma_semaphore, #tpu.memory_space<semaphore_mem>>) src(%dma_wait3A_479 : memref<128xi32, #tpu.memory_space<hbm>>) dst(%dma_wait3A_477 : memref<128xi32, #tpu.memory_space<vmem>>)
      %dma_wait3A_480 = arith.constant 2 : i32
      %dma_wait3A_481 = arith.constant 0 : i32
      %dma_wait3A_482 = tpu.memref_slice %arg7[%dma_wait3A_480, %dma_wait3A_481] : memref<4x128xi32, #tpu.memory_space<vmem>> -> memref<1x128xi32, #tpu.memory_space<vmem>>
      %dma_wait3A_483 = tpu.memref_squeeze %dma_wait3A_482 : memref<1x128xi32, #tpu.memory_space<vmem>> -> memref<128xi32, #tpu.memory_space<vmem>>
      %dma_wait3A_484 = arith.constant 0 : i32
      %dma_wait3A_485 = tpu.memref_slice %arg4[%dma_wait3A_484] : memref<327680xi32, #tpu.memory_space<hbm>> -> memref<128xi32, #tpu.memory_space<hbm>>
      %dma_wait3A_486 = arith.constant 0 : i32
      %dma_wait3A_487 = tpu.memref_slice %arg7[%dma_wait3A_480, %dma_wait3A_486] : memref<4x128xi32, #tpu.memory_space<vmem>> -> memref<1x128xi32, #tpu.memory_space<vmem>>
      %dma_wait3A_488 = tpu.memref_squeeze %dma_wait3A_487 : memref<1x128xi32, #tpu.memory_space<vmem>> -> memref<128xi32, #tpu.memory_space<vmem>>
      %dma_wait3A_489 = arith.constant 0 : i32
      %dma_wait3A_490 = tpu.memref_slice %arg4[%dma_wait3A_489] : memref<327680xi32, #tpu.memory_space<hbm>> -> memref<128xi32, #tpu.memory_space<hbm>>
      tpu.wait_dma2 semaphore(%arg14 : memref<!tpu.dma_semaphore, #tpu.memory_space<semaphore_mem>>) src(%dma_wait3A_490 : memref<128xi32, #tpu.memory_space<hbm>>) dst(%dma_wait3A_488 : memref<128xi32, #tpu.memory_space<vmem>>)
      %dma_start3A_491 = arith.constant 2 : i32
      %dma_start3A_492 = arith.constant 0 : i32
      %dma_start3A_493 = tpu.memref_slice %arg6[%dma_start3A_491, %dma_start3A_492] : memref<4x128xi32, #tpu.memory_space<vmem>> -> memref<1x128xi32, #tpu.memory_space<vmem>>
      %dma_start3A_494 = tpu.memref_squeeze %dma_start3A_493 : memref<1x128xi32, #tpu.memory_space<vmem>> -> memref<128xi32, #tpu.memory_space<vmem>>
      %dma_start3A_495 = arith.constant 0 : i32
      %dma_start3A_496 = arith.constant 0 : i32
      %dma_start3A_497 = tpu.memref_slice %arg2[%dma_start3A_495, %dma_start3A_496] : memref<10112x128xf32, #tpu.memory_space<hbm>> -> memref<10112x128xf32, #tpu.memory_space<hbm>>
      tpu.enqueue_indirect_dma source(%dma_start3A_497 : memref<10112x128xf32, #tpu.memory_space<hbm>>) target(%arg8 : memref<128x128xf32, #tpu.memory_space<vmem>>) offsets(%dma_start3A_494 : memref<128xi32, #tpu.memory_space<vmem>>) semaphore(%arg16 : memref<!tpu.dma_semaphore, #tpu.memory_space<semaphore_mem>>)
      %run_scoped3A_498 = arith.constant 1 : i32
      "tpu.region"() ({
        %run_scoped3A_524 = tpu.sem_alloc : memref<!tpu.dma_semaphore, #tpu.memory_space<semaphore_mem>>
        %dma_start3A_525 = arith.constant 0 : i32
        %dma_start3A_526 = tpu.memref_slice %arg7[%run_scoped3A_498, %dma_start3A_525] : memref<4x128xi32, #tpu.memory_space<vmem>> -> memref<1x128xi32, #tpu.memory_space<vmem>>
        %dma_start3A_527 = tpu.memref_squeeze %dma_start3A_526 : memref<1x128xi32, #tpu.memory_space<vmem>> -> memref<128xi32, #tpu.memory_space<vmem>>
        %dma_start3A_528 = arith.constant 0 : i32
        %dma_start3A_529 = arith.constant 0 : i32
        %dma_start3A_530 = tpu.memref_slice %arg11[%dma_start3A_528, %dma_start3A_529] : memref<10112x128xf32, #tpu.memory_space<vmem_shared>> -> memref<10112x128xf32, #tpu.memory_space<vmem_shared>>
        tpu.enqueue_indirect_dma source(%arg9 : memref<128x128xf32, #tpu.memory_space<vmem>>) target(%dma_start3A_530 : memref<10112x128xf32, #tpu.memory_space<vmem_shared>>) offsets(%dma_start3A_527 : memref<128xi32, #tpu.memory_space<vmem>>) semaphore(%run_scoped3A_524 : memref<!tpu.dma_semaphore, #tpu.memory_space<semaphore_mem>>) {add = true}
        %dma_wait3A_531 = arith.constant 0 : i32
        %dma_wait3A_532 = tpu.memref_slice %arg7[%run_scoped3A_498, %dma_wait3A_531] : memref<4x128xi32, #tpu.memory_space<vmem>> -> memref<1x128xi32, #tpu.memory_space<vmem>>
        %dma_wait3A_533 = tpu.memref_squeeze %dma_wait3A_532 : memref<1x128xi32, #tpu.memory_space<vmem>> -> memref<128xi32, #tpu.memory_space<vmem>>
        %dma_wait3A_534 = arith.constant 0 : i32
        %dma_wait3A_535 = arith.constant 0 : i32
        %dma_wait3A_536 = tpu.memref_slice %arg11[%dma_wait3A_534, %dma_wait3A_535] : memref<10112x128xf32, #tpu.memory_space<vmem_shared>> -> memref<10112x128xf32, #tpu.memory_space<vmem_shared>>
        tpu.wait_indirect_dma semaphore(%run_scoped3A_524 : memref<!tpu.dma_semaphore, #tpu.memory_space<semaphore_mem>>) src(%arg9 : memref<128x128xf32, #tpu.memory_space<vmem>>) dst(%dma_wait3A_536 : memref<10112x128xf32, #tpu.memory_space<vmem_shared>>)
        tpu.yield
      }) : () -> ()
      %add3A_499 = arith.constant 2 : i32
      %add3A_500 = arith.addi %add3A_462, %add3A_499 : i32
      %mul3A_501 = arith.constant 32 : i32
      %mul3A_502 = arith.muli %add3A_500, %mul3A_501 : i32
      %add3A_503 = arith.addi %add3A, %mul3A_502 : i32
      %mul3A_504 = arith.constant 128 : i32
      %mul3A_505 = arith.muli %add3A_503, %mul3A_504 : i32
      %dma_start3A_506 = arith.constant 3 : i32
      %dma_start3A_507 = arith.constant 0 : i32
      %dma_start3A_508 = tpu.memref_slice %arg6[%dma_start3A_506, %dma_start3A_507] : memref<4x128xi32, #tpu.memory_space<vmem>> -> memref<1x128xi32, #tpu.memory_space<vmem>>
      %dma_start3A_509 = tpu.memref_squeeze %dma_start3A_508 : memref<1x128xi32, #tpu.memory_space<vmem>> -> memref<128xi32, #tpu.memory_space<vmem>>
      %dma_start3A_510 = tpu.memref_slice %arg3[%mul3A_505] : memref<327680xi32, #tpu.memory_space<hbm>> -> memref<128xi32, #tpu.memory_space<hbm>>
      %dma_start3A_511 = arith.constant 0 : i32
      %dma_start3A_512 = tpu.memref_slice %arg6[%dma_start3A_506, %dma_start3A_511] : memref<4x128xi32, #tpu.memory_space<vmem>> -> memref<1x128xi32, #tpu.memory_space<vmem>>
      %dma_start3A_513 = tpu.memref_squeeze %dma_start3A_512 : memref<1x128xi32, #tpu.memory_space<vmem>> -> memref<128xi32, #tpu.memory_space<vmem>>
      %dma_start3A_514 = tpu.memref_slice %arg3[%mul3A_505] : memref<327680xi32, #tpu.memory_space<hbm>> -> memref<128xi32, #tpu.memory_space<hbm>>
      tpu.enqueue_dma source(%dma_start3A_514 : memref<128xi32, #tpu.memory_space<hbm>>) target(%dma_start3A_513 : memref<128xi32, #tpu.memory_space<vmem>>) target_semaphore(%arg15 : memref<!tpu.dma_semaphore, #tpu.memory_space<semaphore_mem>>)
      %dma_start3A_515 = arith.constant 3 : i32
      %dma_start3A_516 = arith.constant 0 : i32
      %dma_start3A_517 = tpu.memref_slice %arg7[%dma_start3A_515, %dma_start3A_516] : memref<4x128xi32, #tpu.memory_space<vmem>> -> memref<1x128xi32, #tpu.memory_space<vmem>>
      %dma_start3A_518 = tpu.memref_squeeze %dma_start3A_517 : memref<1x128xi32, #tpu.memory_space<vmem>> -> memref<128xi32, #tpu.memory_space<vmem>>
      %dma_start3A_519 = tpu.memref_slice %arg4[%mul3A_505] : memref<327680xi32, #tpu.memory_space<hbm>> -> memref<128xi32, #tpu.memory_space<hbm>>
      %dma_start3A_520 = arith.constant 0 : i32
      %dma_start3A_521 = tpu.memref_slice %arg7[%dma_start3A_515, %dma_start3A_520] : memref<4x128xi32, #tpu.memory_space<vmem>> -> memref<1x128xi32, #tpu.memory_space<vmem>>
      %dma_start3A_522 = tpu.memref_squeeze %dma_start3A_521 : memref<1x128xi32, #tpu.memory_space<vmem>> -> memref<128xi32, #tpu.memory_space<vmem>>
      %dma_start3A_523 = tpu.memref_slice %arg4[%mul3A_505] : memref<327680xi32, #tpu.memory_space<hbm>> -> memref<128xi32, #tpu.memory_space<hbm>>
      tpu.enqueue_dma source(%dma_start3A_523 : memref<128xi32, #tpu.memory_space<hbm>>) target(%dma_start3A_522 : memref<128xi32, #tpu.memory_space<vmem>>) target_semaphore(%arg15 : memref<!tpu.dma_semaphore, #tpu.memory_space<semaphore_mem>>)
    }
    %scan3A_203 = arith.constant 19 : i32
    %dma_wait3A_204 = arith.constant 0 : i32
    %dma_wait3A_205 = arith.constant 0 : i32
    %dma_wait3A_206 = tpu.memref_slice %arg2[%dma_wait3A_204, %dma_wait3A_205] : memref<10112x128xf32, #tpu.memory_space<hbm>> -> memref<128x128xf32, #tpu.memory_space<hbm>>
    %dma_wait3A_207 = arith.constant 0 : i32
    %dma_wait3A_208 = arith.constant 0 : i32
    %dma_wait3A_209 = tpu.memref_slice %arg2[%dma_wait3A_207, %dma_wait3A_208] : memref<10112x128xf32, #tpu.memory_space<hbm>> -> memref<128x128xf32, #tpu.memory_space<hbm>>
    tpu.wait_dma2 semaphore(%arg16 : memref<!tpu.dma_semaphore, #tpu.memory_space<semaphore_mem>>) src(%dma_wait3A_209 : memref<128x128xf32, #tpu.memory_space<hbm>>) dst(%arg8 : memref<128x128xf32, #tpu.memory_space<vmem>>)
    %dma_wait3A_210 = arith.constant 3 : i32
    %dma_wait3A_211 = arith.constant 0 : i32
    %dma_wait3A_212 = tpu.memref_slice %arg6[%dma_wait3A_210, %dma_wait3A_211] : memref<4x128xi32, #tpu.memory_space<vmem>> -> memref<1x128xi32, #tpu.memory_space<vmem>>
    %dma_wait3A_213 = tpu.memref_squeeze %dma_wait3A_212 : memref<1x128xi32, #tpu.memory_space<vmem>> -> memref<128xi32, #tpu.memory_space<vmem>>
    %dma_wait3A_214 = arith.constant 0 : i32
    %dma_wait3A_215 = tpu.memref_slice %arg3[%dma_wait3A_214] : memref<327680xi32, #tpu.memory_space<hbm>> -> memref<128xi32, #tpu.memory_space<hbm>>
    %dma_wait3A_216 = arith.constant 0 : i32
    %dma_wait3A_217 = tpu.memref_slice %arg6[%dma_wait3A_210, %dma_wait3A_216] : memref<4x128xi32, #tpu.memory_space<vmem>> -> memref<1x128xi32, #tpu.memory_space<vmem>>
    %dma_wait3A_218 = tpu.memref_squeeze %dma_wait3A_217 : memref<1x128xi32, #tpu.memory_space<vmem>> -> memref<128xi32, #tpu.memory_space<vmem>>
    %dma_wait3A_219 = arith.constant 0 : i32
    %dma_wait3A_220 = tpu.memref_slice %arg3[%dma_wait3A_219] : memref<327680xi32, #tpu.memory_space<hbm>> -> memref<128xi32, #tpu.memory_space<hbm>>
    tpu.wait_dma2 semaphore(%arg15 : memref<!tpu.dma_semaphore, #tpu.memory_space<semaphore_mem>>) src(%dma_wait3A_220 : memref<128xi32, #tpu.memory_space<hbm>>) dst(%dma_wait3A_218 : memref<128xi32, #tpu.memory_space<vmem>>)
    %dma_wait3A_221 = arith.constant 3 : i32
    %dma_wait3A_222 = arith.constant 0 : i32
    %dma_wait3A_223 = tpu.memref_slice %arg7[%dma_wait3A_221, %dma_wait3A_222] : memref<4x128xi32, #tpu.memory_space<vmem>> -> memref<1x128xi32, #tpu.memory_space<vmem>>
    %dma_wait3A_224 = tpu.memref_squeeze %dma_wait3A_223 : memref<1x128xi32, #tpu.memory_space<vmem>> -> memref<128xi32, #tpu.memory_space<vmem>>
    %dma_wait3A_225 = arith.constant 0 : i32
    %dma_wait3A_226 = tpu.memref_slice %arg4[%dma_wait3A_225] : memref<327680xi32, #tpu.memory_space<hbm>> -> memref<128xi32, #tpu.memory_space<hbm>>
    %dma_wait3A_227 = arith.constant 0 : i32
    %dma_wait3A_228 = tpu.memref_slice %arg7[%dma_wait3A_221, %dma_wait3A_227] : memref<4x128xi32, #tpu.memory_space<vmem>> -> memref<1x128xi32, #tpu.memory_space<vmem>>
    %dma_wait3A_229 = tpu.memref_squeeze %dma_wait3A_228 : memref<1x128xi32, #tpu.memory_space<vmem>> -> memref<128xi32, #tpu.memory_space<vmem>>
    %dma_wait3A_230 = arith.constant 0 : i32
    %dma_wait3A_231 = tpu.memref_slice %arg4[%dma_wait3A_230] : memref<327680xi32, #tpu.memory_space<hbm>> -> memref<128xi32, #tpu.memory_space<hbm>>
    tpu.wait_dma2 semaphore(%arg15 : memref<!tpu.dma_semaphore, #tpu.memory_space<semaphore_mem>>) src(%dma_wait3A_231 : memref<128xi32, #tpu.memory_space<hbm>>) dst(%dma_wait3A_229 : memref<128xi32, #tpu.memory_space<vmem>>)
    %dma_start3A_232 = arith.constant 3 : i32
    %dma_start3A_233 = arith.constant 0 : i32
    %dma_start3A_234 = tpu.memref_slice %arg6[%dma_start3A_232, %dma_start3A_233] : memref<4x128xi32, #tpu.memory_space<vmem>> -> memref<1x128xi32, #tpu.memory_space<vmem>>
    %dma_start3A_235 = tpu.memref_squeeze %dma_start3A_234 : memref<1x128xi32, #tpu.memory_space<vmem>> -> memref<128xi32, #tpu.memory_space<vmem>>
    %dma_start3A_236 = arith.constant 0 : i32
    %dma_start3A_237 = arith.constant 0 : i32
    %dma_start3A_238 = tpu.memref_slice %arg2[%dma_start3A_236, %dma_start3A_237] : memref<10112x128xf32, #tpu.memory_space<hbm>> -> memref<10112x128xf32, #tpu.memory_space<hbm>>
    tpu.enqueue_indirect_dma source(%dma_start3A_238 : memref<10112x128xf32, #tpu.memory_space<hbm>>) target(%arg9 : memref<128x128xf32, #tpu.memory_space<vmem>>) offsets(%dma_start3A_235 : memref<128xi32, #tpu.memory_space<vmem>>) semaphore(%arg17 : memref<!tpu.dma_semaphore, #tpu.memory_space<semaphore_mem>>)
    %run_scoped3A_239 = arith.constant 2 : i32
    "tpu.region"() ({
      %run_scoped3A_251 = tpu.sem_alloc : memref<!tpu.dma_semaphore, #tpu.memory_space<semaphore_mem>>
      %dma_start3A_252 = arith.constant 0 : i32
      %dma_start3A_253 = tpu.memref_slice %arg7[%run_scoped3A_239, %dma_start3A_252] : memref<4x128xi32, #tpu.memory_space<vmem>> -> memref<1x128xi32, #tpu.memory_space<vmem>>
      %dma_start3A_254 = tpu.memref_squeeze %dma_start3A_253 : memref<1x128xi32, #tpu.memory_space<vmem>> -> memref<128xi32, #tpu.memory_space<vmem>>
      %dma_start3A_255 = arith.constant 0 : i32
      %dma_start3A_256 = arith.constant 0 : i32
      %dma_start3A_257 = tpu.memref_slice %arg11[%dma_start3A_255, %dma_start3A_256] : memref<10112x128xf32, #tpu.memory_space<vmem_shared>> -> memref<10112x128xf32, #tpu.memory_space<vmem_shared>>
      tpu.enqueue_indirect_dma source(%arg8 : memref<128x128xf32, #tpu.memory_space<vmem>>) target(%dma_start3A_257 : memref<10112x128xf32, #tpu.memory_space<vmem_shared>>) offsets(%dma_start3A_254 : memref<128xi32, #tpu.memory_space<vmem>>) semaphore(%run_scoped3A_251 : memref<!tpu.dma_semaphore, #tpu.memory_space<semaphore_mem>>) {add = true}
      %dma_wait3A_258 = arith.constant 0 : i32
      %dma_wait3A_259 = tpu.memref_slice %arg7[%run_scoped3A_239, %dma_wait3A_258] : memref<4x128xi32, #tpu.memory_space<vmem>> -> memref<1x128xi32, #tpu.memory_space<vmem>>
      %dma_wait3A_260 = tpu.memref_squeeze %dma_wait3A_259 : memref<1x128xi32, #tpu.memory_space<vmem>> -> memref<128xi32, #tpu.memory_space<vmem>>
      %dma_wait3A_261 = arith.constant 0 : i32
      %dma_wait3A_262 = arith.constant 0 : i32
      %dma_wait3A_263 = tpu.memref_slice %arg11[%dma_wait3A_261, %dma_wait3A_262] : memref<10112x128xf32, #tpu.memory_space<vmem_shared>> -> memref<10112x128xf32, #tpu.memory_space<vmem_shared>>
      tpu.wait_indirect_dma semaphore(%run_scoped3A_251 : memref<!tpu.dma_semaphore, #tpu.memory_space<semaphore_mem>>) src(%arg8 : memref<128x128xf32, #tpu.memory_space<vmem>>) dst(%dma_wait3A_263 : memref<10112x128xf32, #tpu.memory_space<vmem_shared>>)
      tpu.yield
    }) : () -> ()
    %dma_wait3A_240 = arith.constant 0 : i32
    %dma_wait3A_241 = arith.constant 0 : i32
    %dma_wait3A_242 = tpu.memref_slice %arg2[%dma_wait3A_240, %dma_wait3A_241] : memref<10112x128xf32, #tpu.memory_space<hbm>> -> memref<128x128xf32, #tpu.memory_space<hbm>>
    %dma_wait3A_243 = arith.constant 0 : i32
    %dma_wait3A_244 = arith.constant 0 : i32
    %dma_wait3A_245 = tpu.memref_slice %arg2[%dma_wait3A_243, %dma_wait3A_244] : memref<10112x128xf32, #tpu.memory_space<hbm>> -> memref<128x128xf32, #tpu.memory_space<hbm>>
    tpu.wait_dma2 semaphore(%arg17 : memref<!tpu.dma_semaphore, #tpu.memory_space<semaphore_mem>>) src(%dma_wait3A_245 : memref<128x128xf32, #tpu.memory_space<hbm>>) dst(%arg9 : memref<128x128xf32, #tpu.memory_space<vmem>>)
    %run_scoped3A_246 = arith.constant 3 : i32
    "tpu.region"() ({
      %run_scoped3A_251 = tpu.sem_alloc : memref<!tpu.dma_semaphore, #tpu.memory_space<semaphore_mem>>
      %dma_start3A_252 = arith.constant 0 : i32
      %dma_start3A_253 = tpu.memref_slice %arg7[%run_scoped3A_246, %dma_start3A_252] : memref<4x128xi32, #tpu.memory_space<vmem>> -> memref<1x128xi32, #tpu.memory_space<vmem>>
      %dma_start3A_254 = tpu.memref_squeeze %dma_start3A_253 : memref<1x128xi32, #tpu.memory_space<vmem>> -> memref<128xi32, #tpu.memory_space<vmem>>
      %dma_start3A_255 = arith.constant 0 : i32
      %dma_start3A_256 = arith.constant 0 : i32
      %dma_start3A_257 = tpu.memref_slice %arg11[%dma_start3A_255, %dma_start3A_256] : memref<10112x128xf32, #tpu.memory_space<vmem_shared>> -> memref<10112x128xf32, #tpu.memory_space<vmem_shared>>
      tpu.enqueue_indirect_dma source(%arg9 : memref<128x128xf32, #tpu.memory_space<vmem>>) target(%dma_start3A_257 : memref<10112x128xf32, #tpu.memory_space<vmem_shared>>) offsets(%dma_start3A_254 : memref<128xi32, #tpu.memory_space<vmem>>) semaphore(%run_scoped3A_251 : memref<!tpu.dma_semaphore, #tpu.memory_space<semaphore_mem>>) {add = true}
      %dma_wait3A_258 = arith.constant 0 : i32
      %dma_wait3A_259 = tpu.memref_slice %arg7[%run_scoped3A_246, %dma_wait3A_258] : memref<4x128xi32, #tpu.memory_space<vmem>> -> memref<1x128xi32, #tpu.memory_space<vmem>>
      %dma_wait3A_260 = tpu.memref_squeeze %dma_wait3A_259 : memref<1x128xi32, #tpu.memory_space<vmem>> -> memref<128xi32, #tpu.memory_space<vmem>>
      %dma_wait3A_261 = arith.constant 0 : i32
      %dma_wait3A_262 = arith.constant 0 : i32
      %dma_wait3A_263 = tpu.memref_slice %arg11[%dma_wait3A_261, %dma_wait3A_262] : memref<10112x128xf32, #tpu.memory_space<vmem_shared>> -> memref<10112x128xf32, #tpu.memory_space<vmem_shared>>
      tpu.wait_indirect_dma semaphore(%run_scoped3A_251 : memref<!tpu.dma_semaphore, #tpu.memory_space<semaphore_mem>>) src(%arg9 : memref<128x128xf32, #tpu.memory_space<vmem>>) dst(%dma_wait3A_263 : memref<10112x128xf32, #tpu.memory_space<vmem_shared>>)
      tpu.yield
    }) : () -> ()
    %barrier3A_247 = arith.constant 0 : index
    tpu.barrier barrier_id(%barrier3A_247)
    %mul3A_248 = arith.constant 10112 : i32
    %mul3A_249 = arith.muli %arg0, %mul3A_248 : i32
    %add3A_250 = arith.addi %mul3A_249, %mul3A_7 : i32
    "tpu.region"() ({
      %run_scoped3A_251 = tpu.sem_alloc : memref<!tpu.dma_semaphore, #tpu.memory_space<semaphore_mem>>
      %dma_start3A_252 = arith.constant 0 : i32
      %dma_start3A_253 = tpu.memref_slice %arg5[%add3A_250, %dma_start3A_252] : memref<20224x128xf32, #tpu.memory_space<hbm>> -> memref<632x128xf32, #tpu.memory_space<hbm>>
      %dma_start3A_254 = arith.constant 0 : i32
      %dma_start3A_255 = tpu.memref_slice %arg11[%mul3A_7, %dma_start3A_254] : memref<10112x128xf32, #tpu.memory_space<vmem_shared>> -> memref<632x128xf32, #tpu.memory_space<vmem_shared>>
      tpu.enqueue_dma source(%dma_start3A_255 : memref<632x128xf32, #tpu.memory_space<vmem_shared>>) target(%dma_start3A_253 : memref<632x128xf32, #tpu.memory_space<hbm>>) target_semaphore(%run_scoped3A_251 : memref<!tpu.dma_semaphore, #tpu.memory_space<semaphore_mem>>)
      %dma_wait3A_256 = arith.constant 0 : i32
      %dma_wait3A_257 = tpu.memref_slice %arg5[%add3A_250, %dma_wait3A_256] : memref<20224x128xf32, #tpu.memory_space<hbm>> -> memref<632x128xf32, #tpu.memory_space<hbm>>
      %dma_wait3A_258 = arith.constant 0 : i32
      %dma_wait3A_259 = tpu.memref_slice %arg11[%mul3A_7, %dma_wait3A_258] : memref<10112x128xf32, #tpu.memory_space<vmem_shared>> -> memref<632x128xf32, #tpu.memory_space<vmem_shared>>
      tpu.wait_dma2 semaphore(%run_scoped3A_251 : memref<!tpu.dma_semaphore, #tpu.memory_space<semaphore_mem>>) src(%dma_wait3A_259 : memref<632x128xf32, #tpu.memory_space<vmem_shared>>) dst(%dma_wait3A_257 : memref<632x128xf32, #tpu.memory_space<hbm>>)
      tpu.yield
    }) : () -> ()
    return
  }
}

#map = affine_map<(d0, d1) -> (0, 0)>
#map1 = affine_map<(d0, d1) -> (0)>
module attributes {stable_mosaic.version = 14 : i64} {
  func.func @body(%arg0: i32, %arg1: i32, %arg2: memref<10000x128xf32, #tpu.memory_space<hbm>>, %arg3: memref<327680xi32, #tpu.memory_space<hbm>>, %arg4: memref<327680xi32, #tpu.memory_space<hbm>>, %arg5: memref<20224x128xf32, #tpu.memory_space<hbm>>, %arg6: memref<4x128xi32, #tpu.memory_space<vmem>>, %arg7: memref<4x128xi32, #tpu.memory_space<vmem>>, %arg8: memref<128x128xf32, #tpu.memory_space<vmem>>, %arg9: memref<128x128xf32, #tpu.memory_space<vmem>>, %arg10: memref<79x128xf32, #tpu.memory_space<vmem>>, %arg11: memref<10112x128xf32, #tpu.memory_space<vmem_shared>>, %arg12: memref<!tpu.dma_semaphore, #tpu.memory_space<semaphore_mem>>, %arg13: memref<!tpu.dma_semaphore, #tpu.memory_space<semaphore_mem>>, %arg14: memref<!tpu.dma_semaphore, #tpu.memory_space<semaphore_mem>>, %arg15: memref<!tpu.dma_semaphore, #tpu.memory_space<semaphore_mem>>, %arg16: memref<!tpu.dma_semaphore, #tpu.memory_space<semaphore_mem>>, %arg17: memref<!tpu.dma_semaphore, #tpu.memory_space<semaphore_mem>>) attributes {dimension_semantics = [#tpu.dimension_semantics<core_parallel>, #tpu.dimension_semantics<subcore_parallel>], iteration_bounds = array<i64: 2, 16>, scalar_prefetch = 0 : i64, scratch_operands = 12 : i64, tpu.core_type = #tpu.core_type<sc_vector_subcore>, window_params = [{transform_indices = #map}, {transform_indices = #map1}, {transform_indices = #map1}, {transform_indices = #map}]} {
    %mul3A = arith.constant 2 : i32
    %mul3A_0 = arith.muli %arg1, %mul3A : i32
    %add3A = arith.addi %mul3A_0, %arg0 : i32
    %broadcast_in_dim3A = arith.constant 0.000000e+00 : f32
    %broadcast_in_dim3A_1 = vector.broadcast %broadcast_in_dim3A : f32 to vector<16xf32>
    %scan3A = arith.constant 0 : i32
    %scan3A_2 = arith.constant 79 : i32
    %scan3A_3 = arith.addi %scan3A, %scan3A_2 : i32
    %scan3A_4 = arith.constant 1 : i32
    scf.for %scan3A_251 = %scan3A to %scan3A_3 step %scan3A_4  : i32 {
      %mul3A_252 = arith.constant 1 : i32
      %mul3A_253 = arith.muli %scan3A_251, %mul3A_252 : i32
      %add3A_254 = arith.constant 0 : i32
      %add3A_255 = arith.addi %add3A_254, %mul3A_253 : i32
      %swap3A = arith.index_cast %add3A_255 : i32 to index
      %swap3A_256 = arith.constant 0 : index
      %swap3A_257 = tpu.vector_load %arg10[%swap3A, %swap3A_256] {strides = array<i32>} : memref<79x128xf32, #tpu.memory_space<vmem>>, vector<1x16xf32>,
      %swap3A_258 = vector.shape_cast %swap3A_257 : vector<1x16xf32> to vector<16xf32>
      %swap3A_259 = vector.shape_cast %broadcast_in_dim3A_1 : vector<16xf32> to vector<1x16xf32>
      tpu.vector_store %arg10[%swap3A, %swap3A_256], %swap3A_259 {strides = array<i32>} : memref<79x128xf32, #tpu.memory_space<vmem>>, vector<1x16xf32>,
      %swap3A_260 = arith.index_cast %add3A_255 : i32 to index
      %swap3A_261 = arith.constant 16 : index
      %swap3A_262 = tpu.vector_load %arg10[%swap3A_260, %swap3A_261] {strides = array<i32>} : memref<79x128xf32, #tpu.memory_space<vmem>>, vector<1x16xf32>,
      %swap3A_263 = vector.shape_cast %swap3A_262 : vector<1x16xf32> to vector<16xf32>
      %swap3A_264 = vector.shape_cast %broadcast_in_dim3A_1 : vector<16xf32> to vector<1x16xf32>
      tpu.vector_store %arg10[%swap3A_260, %swap3A_261], %swap3A_264 {strides = array<i32>} : memref<79x128xf32, #tpu.memory_space<vmem>>, vector<1x16xf32>,
      %swap3A_265 = arith.index_cast %add3A_255 : i32 to index
      %swap3A_266 = arith.constant 32 : index
      %swap3A_267 = tpu.vector_load %arg10[%swap3A_265, %swap3A_266] {strides = array<i32>} : memref<79x128xf32, #tpu.memory_space<vmem>>, vector<1x16xf32>,
      %swap3A_268 = vector.shape_cast %swap3A_267 : vector<1x16xf32> to vector<16xf32>
      %swap3A_269 = vector.shape_cast %broadcast_in_dim3A_1 : vector<16xf32> to vector<1x16xf32>
      tpu.vector_store %arg10[%swap3A_265, %swap3A_266], %swap3A_269 {strides = array<i32>} : memref<79x128xf32, #tpu.memory_space<vmem>>, vector<1x16xf32>,
      %swap3A_270 = arith.index_cast %add3A_255 : i32 to index
      %swap3A_271 = arith.constant 48 : index
      %swap3A_272 = tpu.vector_load %arg10[%swap3A_270, %swap3A_271] {strides = array<i32>} : memref<79x128xf32, #tpu.memory_space<vmem>>, vector<1x16xf32>,
      %swap3A_273 = vector.shape_cast %swap3A_272 : vector<1x16xf32> to vector<16xf32>
      %swap3A_274 = vector.shape_cast %broadcast_in_dim3A_1 : vector<16xf32> to vector<1x16xf32>
      tpu.vector_store %arg10[%swap3A_270, %swap3A_271], %swap3A_274 {strides = array<i32>} : memref<79x128xf32, #tpu.memory_space<vmem>>, vector<1x16xf32>,
      %swap3A_275 = arith.index_cast %add3A_255 : i32 to index
      %swap3A_276 = arith.constant 64 : index
      %swap3A_277 = tpu.vector_load %arg10[%swap3A_275, %swap3A_276] {strides = array<i32>} : memref<79x128xf32, #tpu.memory_space<vmem>>, vector<1x16xf32>,
      %swap3A_278 = vector.shape_cast %swap3A_277 : vector<1x16xf32> to vector<16xf32>
      %swap3A_279 = vector.shape_cast %broadcast_in_dim3A_1 : vector<16xf32> to vector<1x16xf32>
      tpu.vector_store %arg10[%swap3A_275, %swap3A_276], %swap3A_279 {strides = array<i32>} : memref<79x128xf32, #tpu.memory_space<vmem>>, vector<1x16xf32>,
      %swap3A_280 = arith.index_cast %add3A_255 : i32 to index
      %swap3A_281 = arith.constant 80 : index
      %swap3A_282 = tpu.vector_load %arg10[%swap3A_280, %swap3A_281] {strides = array<i32>} : memref<79x128xf32, #tpu.memory_space<vmem>>, vector<1x16xf32>,
      %swap3A_283 = vector.shape_cast %swap3A_282 : vector<1x16xf32> to vector<16xf32>
      %swap3A_284 = vector.shape_cast %broadcast_in_dim3A_1 : vector<16xf32> to vector<1x16xf32>
      tpu.vector_store %arg10[%swap3A_280, %swap3A_281], %swap3A_284 {strides = array<i32>} : memref<79x128xf32, #tpu.memory_space<vmem>>, vector<1x16xf32>,
      %swap3A_285 = arith.index_cast %add3A_255 : i32 to index
      %swap3A_286 = arith.constant 96 : index
      %swap3A_287 = tpu.vector_load %arg10[%swap3A_285, %swap3A_286] {strides = array<i32>} : memref<79x128xf32, #tpu.memory_space<vmem>>, vector<1x16xf32>,
      %swap3A_288 = vector.shape_cast %swap3A_287 : vector<1x16xf32> to vector<16xf32>
      %swap3A_289 = vector.shape_cast %broadcast_in_dim3A_1 : vector<16xf32> to vector<1x16xf32>
      tpu.vector_store %arg10[%swap3A_285, %swap3A_286], %swap3A_289 {strides = array<i32>} : memref<79x128xf32, #tpu.memory_space<vmem>>, vector<1x16xf32>,
      %swap3A_290 = arith.index_cast %add3A_255 : i32 to index
      %swap3A_291 = arith.constant 112 : index
      %swap3A_292 = tpu.vector_load %arg10[%swap3A_290, %swap3A_291] {strides = array<i32>} : memref<79x128xf32, #tpu.memory_space<vmem>>, vector<1x16xf32>,
      %swap3A_293 = vector.shape_cast %swap3A_292 : vector<1x16xf32> to vector<16xf32>
      %swap3A_294 = vector.shape_cast %broadcast_in_dim3A_1 : vector<16xf32> to vector<1x16xf32>
      tpu.vector_store %arg10[%swap3A_290, %swap3A_291], %swap3A_294 {strides = array<i32>} : memref<79x128xf32, #tpu.memory_space<vmem>>, vector<1x16xf32>,
    }
    %scan3A_5 = arith.constant 79 : i32
    %mul3A_6 = arith.constant 632 : i32
    %mul3A_7 = arith.muli %arg1, %mul3A_6 : i32
    %scan3A_8 = arith.constant 0 : i32
    %scan3A_9 = arith.constant 8 : i32
    %scan3A_10 = arith.addi %scan3A_8, %scan3A_9 : i32
    %scan3A_11 = arith.constant 1 : i32
    scf.for %scan3A_251 = %scan3A_8 to %scan3A_10 step %scan3A_11  : i32 {
      %mul3A_252 = arith.constant 1 : i32
      %mul3A_253 = arith.muli %scan3A_251, %mul3A_252 : i32
      %add3A_254 = arith.constant 0 : i32
      %add3A_255 = arith.addi %add3A_254, %mul3A_253 : i32
      %mul3A_256 = arith.constant 79 : i32
      %mul3A_257 = arith.muli %add3A_255, %mul3A_256 : i32
      %add3A_258 = arith.addi %mul3A_7, %mul3A_257 : i32
      "tpu.region"() ({
        %run_scoped3A_259 = tpu.sem_alloc : memref<!tpu.dma_semaphore, #tpu.memory_space<semaphore_mem>>
        %dma_start3A_260 = arith.constant 0 : i32
        %dma_start3A_261 = tpu.memref_slice %arg11[%add3A_258, %dma_start3A_260] : memref<10112x128xf32, #tpu.memory_space<vmem_shared>> -> memref<79x128xf32, #tpu.memory_space<vmem_shared>>
        %dma_start3A_262 = arith.constant 0 : i32
        %dma_start3A_263 = tpu.memref_slice %arg11[%add3A_258, %dma_start3A_262] : memref<10112x128xf32, #tpu.memory_space<vmem_shared>> -> memref<79x128xf32, #tpu.memory_space<vmem_shared>>
        tpu.enqueue_dma source(%arg10 : memref<79x128xf32, #tpu.memory_space<vmem>>) target(%dma_start3A_263 : memref<79x128xf32, #tpu.memory_space<vmem_shared>>) target_semaphore(%run_scoped3A_259 : memref<!tpu.dma_semaphore, #tpu.memory_space<semaphore_mem>>)
        %dma_wait3A_264 = arith.constant 0 : i32
        %dma_wait3A_265 = tpu.memref_slice %arg11[%add3A_258, %dma_wait3A_264] : memref<10112x128xf32, #tpu.memory_space<vmem_shared>> -> memref<79x128xf32, #tpu.memory_space<vmem_shared>>
        %dma_wait3A_266 = arith.constant 0 : i32
        %dma_wait3A_267 = tpu.memref_slice %arg11[%add3A_258, %dma_wait3A_266] : memref<10112x128xf32, #tpu.memory_space<vmem_shared>> -> memref<79x128xf32, #tpu.memory_space<vmem_shared>>
        tpu.wait_dma2 semaphore(%run_scoped3A_259 : memref<!tpu.dma_semaphore, #tpu.memory_space<semaphore_mem>>) src(%arg10 : memref<79x128xf32, #tpu.memory_space<vmem>>) dst(%dma_wait3A_267 : memref<79x128xf32, #tpu.memory_space<vmem_shared>>)
        tpu.yield
      }) : () -> ()
    }
    %scan3A_12 = arith.constant 8 : i32
    %barrier3A = arith.constant 0 : index
    tpu.barrier barrier_id(%barrier3A)
    %add3A_13 = arith.constant 0 : i32
    %add3A_14 = arith.addi %add3A, %add3A_13 : i32
    %mul3A_15 = arith.constant 128 : i32
    %mul3A_16 = arith.muli %add3A_14, %mul3A_15 : i32
    %dma_start3A = arith.constant 0 : i32
    %dma_start3A_17 = arith.constant 0 : i32
    %dma_start3A_18 = tpu.memref_slice %arg6[%dma_start3A, %dma_start3A_17] : memref<4x128xi32, #tpu.memory_space<vmem>> -> memref<1x128xi32, #tpu.memory_space<vmem>>
    %dma_start3A_19 = tpu.memref_squeeze %dma_start3A_18 : memref<1x128xi32, #tpu.memory_space<vmem>> -> memref<128xi32, #tpu.memory_space<vmem>>
    %dma_start3A_20 = tpu.memref_slice %arg3[%mul3A_16] : memref<327680xi32, #tpu.memory_space<hbm>> -> memref<128xi32, #tpu.memory_space<hbm>>
    %dma_start3A_21 = arith.constant 0 : i32
    %dma_start3A_22 = tpu.memref_slice %arg6[%dma_start3A, %dma_start3A_21] : memref<4x128xi32, #tpu.memory_space<vmem>> -> memref<1x128xi32, #tpu.memory_space<vmem>>
    %dma_start3A_23 = tpu.memref_squeeze %dma_start3A_22 : memref<1x128xi32, #tpu.memory_space<vmem>> -> memref<128xi32, #tpu.memory_space<vmem>>
    %dma_start3A_24 = tpu.memref_slice %arg3[%mul3A_16] : memref<327680xi32, #tpu.memory_space<hbm>> -> memref<128xi32, #tpu.memory_space<hbm>>
    tpu.enqueue_dma source(%dma_start3A_24 : memref<128xi32, #tpu.memory_space<hbm>>) target(%dma_start3A_23 : memref<128xi32, #tpu.memory_space<vmem>>) target_semaphore(%arg12 : memref<!tpu.dma_semaphore, #tpu.memory_space<semaphore_mem>>)
    %dma_start3A_25 = arith.constant 0 : i32
    %dma_start3A_26 = arith.constant 0 : i32
    %dma_start3A_27 = tpu.memref_slice %arg7[%dma_start3A_25, %dma_start3A_26] : memref<4x128xi32, #tpu.memory_space<vmem>> -> memref<1x128xi32, #tpu.memory_space<vmem>>
    %dma_start3A_28 = tpu.memref_squeeze %dma_start3A_27 : memref<1x128xi32, #tpu.memory_space<vmem>> -> memref<128xi32, #tpu.memory_space<vmem>>
    %dma_start3A_29 = tpu.memref_slice %arg4[%mul3A_16] : memref<327680xi32, #tpu.memory_space<hbm>> -> memref<128xi32, #tpu.memory_space<hbm>>
    %dma_start3A_30 = arith.constant 0 : i32
    %dma_start3A_31 = tpu.memref_slice %arg7[%dma_start3A_25, %dma_start3A_30] : memref<4x128xi32, #tpu.memory_space<vmem>> -> memref<1x128xi32, #tpu.memory_space<vmem>>
    %dma_start3A_32 = tpu.memref_squeeze %dma_start3A_31 : memref<1x128xi32, #tpu.memory_space<vmem>> -> memref<128xi32, #tpu.memory_space<vmem>>
    %dma_start3A_33 = tpu.memref_slice %arg4[%mul3A_16] : memref<327680xi32, #tpu.memory_space<hbm>> -> memref<128xi32, #tpu.memory_space<hbm>>
    tpu.enqueue_dma source(%dma_start3A_33 : memref<128xi32, #tpu.memory_space<hbm>>) target(%dma_start3A_32 : memref<128xi32, #tpu.memory_space<vmem>>) target_semaphore(%arg12 : memref<!tpu.dma_semaphore, #tpu.memory_space<semaphore_mem>>)
    %add3A_34 = arith.constant 32 : i32
    %add3A_35 = arith.addi %add3A, %add3A_34 : i32
    %mul3A_36 = arith.constant 128 : i32
    %mul3A_37 = arith.muli %add3A_35, %mul3A_36 : i32
    %dma_start3A_38 = arith.constant 1 : i32
    %dma_start3A_39 = arith.constant 0 : i32
    %dma_start3A_40 = tpu.memref_slice %arg6[%dma_start3A_38, %dma_start3A_39] : memref<4x128xi32, #tpu.memory_space<vmem>> -> memref<1x128xi32, #tpu.memory_space<vmem>>
    %dma_start3A_41 = tpu.memref_squeeze %dma_start3A_40 : memref<1x128xi32, #tpu.memory_space<vmem>> -> memref<128xi32, #tpu.memory_space<vmem>>
    %dma_start3A_42 = tpu.memref_slice %arg3[%mul3A_37] : memref<327680xi32, #tpu.memory_space<hbm>> -> memref<128xi32, #tpu.memory_space<hbm>>
    %dma_start3A_43 = arith.constant 0 : i32
    %dma_start3A_44 = tpu.memref_slice %arg6[%dma_start3A_38, %dma_start3A_43] : memref<4x128xi32, #tpu.memory_space<vmem>> -> memref<1x128xi32, #tpu.memory_space<vmem>>
    %dma_start3A_45 = tpu.memref_squeeze %dma_start3A_44 : memref<1x128xi32, #tpu.memory_space<vmem>> -> memref<128xi32, #tpu.memory_space<vmem>>
    %dma_start3A_46 = tpu.memref_slice %arg3[%mul3A_37] : memref<327680xi32, #tpu.memory_space<hbm>> -> memref<128xi32, #tpu.memory_space<hbm>>
    tpu.enqueue_dma source(%dma_start3A_46 : memref<128xi32, #tpu.memory_space<hbm>>) target(%dma_start3A_45 : memref<128xi32, #tpu.memory_space<vmem>>) target_semaphore(%arg13 : memref<!tpu.dma_semaphore, #tpu.memory_space<semaphore_mem>>)
    %dma_start3A_47 = arith.constant 1 : i32
    %dma_start3A_48 = arith.constant 0 : i32
    %dma_start3A_49 = tpu.memref_slice %arg7[%dma_start3A_47, %dma_start3A_48] : memref<4x128xi32, #tpu.memory_space<vmem>> -> memref<1x128xi32, #tpu.memory_space<vmem>>
    %dma_start3A_50 = tpu.memref_squeeze %dma_start3A_49 : memref<1x128xi32, #tpu.memory_space<vmem>> -> memref<128xi32, #tpu.memory_space<vmem>>
    %dma_start3A_51 = tpu.memref_slice %arg4[%mul3A_37] : memref<327680xi32, #tpu.memory_space<hbm>> -> memref<128xi32, #tpu.memory_space<hbm>>
    %dma_start3A_52 = arith.constant 0 : i32
    %dma_start3A_53 = tpu.memref_slice %arg7[%dma_start3A_47, %dma_start3A_52] : memref<4x128xi32, #tpu.memory_space<vmem>> -> memref<1x128xi32, #tpu.memory_space<vmem>>
    %dma_start3A_54 = tpu.memref_squeeze %dma_start3A_53 : memref<1x128xi32, #tpu.memory_space<vmem>> -> memref<128xi32, #tpu.memory_space<vmem>>
    %dma_start3A_55 = tpu.memref_slice %arg4[%mul3A_37] : memref<327680xi32, #tpu.memory_space<hbm>> -> memref<128xi32, #tpu.memory_space<hbm>>
    tpu.enqueue_dma source(%dma_start3A_55 : memref<128xi32, #tpu.memory_space<hbm>>) target(%dma_start3A_54 : memref<128xi32, #tpu.memory_space<vmem>>) target_semaphore(%arg13 : memref<!tpu.dma_semaphore, #tpu.memory_space<semaphore_mem>>)
    %dma_wait3A = arith.constant 0 : i32
    %dma_wait3A_56 = arith.constant 0 : i32
    %dma_wait3A_57 = tpu.memref_slice %arg6[%dma_wait3A, %dma_wait3A_56] : memref<4x128xi32, #tpu.memory_space<vmem>> -> memref<1x128xi32, #tpu.memory_space<vmem>>
    %dma_wait3A_58 = tpu.memref_squeeze %dma_wait3A_57 : memref<1x128xi32, #tpu.memory_space<vmem>> -> memref<128xi32, #tpu.memory_space<vmem>>
    %dma_wait3A_59 = arith.constant 0 : i32
    %dma_wait3A_60 = tpu.memref_slice %arg3[%dma_wait3A_59] : memref<327680xi32, #tpu.memory_space<hbm>> -> memref<128xi32, #tpu.memory_space<hbm>>
    %dma_wait3A_61 = arith.constant 0 : i32
    %dma_wait3A_62 = tpu.memref_slice %arg6[%dma_wait3A, %dma_wait3A_61] : memref<4x128xi32, #tpu.memory_space<vmem>> -> memref<1x128xi32, #tpu.memory_space<vmem>>
    %dma_wait3A_63 = tpu.memref_squeeze %dma_wait3A_62 : memref<1x128xi32, #tpu.memory_space<vmem>> -> memref<128xi32, #tpu.memory_space<vmem>>
    %dma_wait3A_64 = arith.constant 0 : i32
    %dma_wait3A_65 = tpu.memref_slice %arg3[%dma_wait3A_64] : memref<327680xi32, #tpu.memory_space<hbm>> -> memref<128xi32, #tpu.memory_space<hbm>>
    tpu.wait_dma2 semaphore(%arg12 : memref<!tpu.dma_semaphore, #tpu.memory_space<semaphore_mem>>) src(%dma_wait3A_65 : memref<128xi32, #tpu.memory_space<hbm>>) dst(%dma_wait3A_63 : memref<128xi32, #tpu.memory_space<vmem>>)
    %dma_wait3A_66 = arith.constant 0 : i32
    %dma_wait3A_67 = arith.constant 0 : i32
    %dma_wait3A_68 = tpu.memref_slice %arg7[%dma_wait3A_66, %dma_wait3A_67] : memref<4x128xi32, #tpu.memory_space<vmem>> -> memref<1x128xi32, #tpu.memory_space<vmem>>
    %dma_wait3A_69 = tpu.memref_squeeze %dma_wait3A_68 : memref<1x128xi32, #tpu.memory_space<vmem>> -> memref<128xi32, #tpu.memory_space<vmem>>
    %dma_wait3A_70 = arith.constant 0 : i32
    %dma_wait3A_71 = tpu.memref_slice %arg4[%dma_wait3A_70] : memref<327680xi32, #tpu.memory_space<hbm>> -> memref<128xi32, #tpu.memory_space<hbm>>
    %dma_wait3A_72 = arith.constant 0 : i32
    %dma_wait3A_73 = tpu.memref_slice %arg7[%dma_wait3A_66, %dma_wait3A_72] : memref<4x128xi32, #tpu.memory_space<vmem>> -> memref<1x128xi32, #tpu.memory_space<vmem>>
    %dma_wait3A_74 = tpu.memref_squeeze %dma_wait3A_73 : memref<1x128xi32, #tpu.memory_space<vmem>> -> memref<128xi32, #tpu.memory_space<vmem>>
    %dma_wait3A_75 = arith.constant 0 : i32
    %dma_wait3A_76 = tpu.memref_slice %arg4[%dma_wait3A_75] : memref<327680xi32, #tpu.memory_space<hbm>> -> memref<128xi32, #tpu.memory_space<hbm>>
    tpu.wait_dma2 semaphore(%arg12 : memref<!tpu.dma_semaphore, #tpu.memory_space<semaphore_mem>>) src(%dma_wait3A_76 : memref<128xi32, #tpu.memory_space<hbm>>) dst(%dma_wait3A_74 : memref<128xi32, #tpu.memory_space<vmem>>)
    %dma_start3A_77 = arith.constant 0 : i32
    %dma_start3A_78 = arith.constant 0 : i32
    %dma_start3A_79 = tpu.memref_slice %arg6[%dma_start3A_77, %dma_start3A_78] : memref<4x128xi32, #tpu.memory_space<vmem>> -> memref<1x128xi32, #tpu.memory_space<vmem>>
    %dma_start3A_80 = tpu.memref_squeeze %dma_start3A_79 : memref<1x128xi32, #tpu.memory_space<vmem>> -> memref<128xi32, #tpu.memory_space<vmem>>
    %dma_start3A_81 = arith.constant 0 : i32
    %dma_start3A_82 = arith.constant 0 : i32
    %dma_start3A_83 = tpu.memref_slice %arg2[%dma_start3A_81, %dma_start3A_82] : memref<10000x128xf32, #tpu.memory_space<hbm>> -> memref<10000x128xf32, #tpu.memory_space<hbm>>
    tpu.enqueue_indirect_dma source(%dma_start3A_83 : memref<10000x128xf32, #tpu.memory_space<hbm>>) target(%arg8 : memref<128x128xf32, #tpu.memory_space<vmem>>) offsets(%dma_start3A_80 : memref<128xi32, #tpu.memory_space<vmem>>) semaphore(%arg16 : memref<!tpu.dma_semaphore, #tpu.memory_space<semaphore_mem>>)
    %dma_wait3A_84 = arith.constant 0 : i32
    %dma_wait3A_85 = arith.constant 0 : i32
    %dma_wait3A_86 = tpu.memref_slice %arg2[%dma_wait3A_84, %dma_wait3A_85] : memref<10000x128xf32, #tpu.memory_space<hbm>> -> memref<128x128xf32, #tpu.memory_space<hbm>>
    %dma_wait3A_87 = arith.constant 0 : i32
    %dma_wait3A_88 = arith.constant 0 : i32
    %dma_wait3A_89 = tpu.memref_slice %arg2[%dma_wait3A_87, %dma_wait3A_88] : memref<10000x128xf32, #tpu.memory_space<hbm>> -> memref<128x128xf32, #tpu.memory_space<hbm>>
    tpu.wait_dma2 semaphore(%arg16 : memref<!tpu.dma_semaphore, #tpu.memory_space<semaphore_mem>>) src(%dma_wait3A_89 : memref<128x128xf32, #tpu.memory_space<hbm>>) dst(%arg8 : memref<128x128xf32, #tpu.memory_space<vmem>>)
    %dma_wait3A_90 = arith.constant 1 : i32
    %dma_wait3A_91 = arith.constant 0 : i32
    %dma_wait3A_92 = tpu.memref_slice %arg6[%dma_wait3A_90, %dma_wait3A_91] : memref<4x128xi32, #tpu.memory_space<vmem>> -> memref<1x128xi32, #tpu.memory_space<vmem>>
    %dma_wait3A_93 = tpu.memref_squeeze %dma_wait3A_92 : memref<1x128xi32, #tpu.memory_space<vmem>> -> memref<128xi32, #tpu.memory_space<vmem>>
    %dma_wait3A_94 = arith.constant 0 : i32
    %dma_wait3A_95 = tpu.memref_slice %arg3[%dma_wait3A_94] : memref<327680xi32, #tpu.memory_space<hbm>> -> memref<128xi32, #tpu.memory_space<hbm>>
    %dma_wait3A_96 = arith.constant 0 : i32
    %dma_wait3A_97 = tpu.memref_slice %arg6[%dma_wait3A_90, %dma_wait3A_96] : memref<4x128xi32, #tpu.memory_space<vmem>> -> memref<1x128xi32, #tpu.memory_space<vmem>>
    %dma_wait3A_98 = tpu.memref_squeeze %dma_wait3A_97 : memref<1x128xi32, #tpu.memory_space<vmem>> -> memref<128xi32, #tpu.memory_space<vmem>>
    %dma_wait3A_99 = arith.constant 0 : i32
    %dma_wait3A_100 = tpu.memref_slice %arg3[%dma_wait3A_99] : memref<327680xi32, #tpu.memory_space<hbm>> -> memref<128xi32, #tpu.memory_space<hbm>>
    tpu.wait_dma2 semaphore(%arg13 : memref<!tpu.dma_semaphore, #tpu.memory_space<semaphore_mem>>) src(%dma_wait3A_100 : memref<128xi32, #tpu.memory_space<hbm>>) dst(%dma_wait3A_98 : memref<128xi32, #tpu.memory_space<vmem>>)
    %dma_wait3A_101 = arith.constant 1 : i32
    %dma_wait3A_102 = arith.constant 0 : i32
    %dma_wait3A_103 = tpu.memref_slice %arg7[%dma_wait3A_101, %dma_wait3A_102] : memref<4x128xi32, #tpu.memory_space<vmem>> -> memref<1x128xi32, #tpu.memory_space<vmem>>
    %dma_wait3A_104 = tpu.memref_squeeze %dma_wait3A_103 : memref<1x128xi32, #tpu.memory_space<vmem>> -> memref<128xi32, #tpu.memory_space<vmem>>
    %dma_wait3A_105 = arith.constant 0 : i32
    %dma_wait3A_106 = tpu.memref_slice %arg4[%dma_wait3A_105] : memref<327680xi32, #tpu.memory_space<hbm>> -> memref<128xi32, #tpu.memory_space<hbm>>
    %dma_wait3A_107 = arith.constant 0 : i32
    %dma_wait3A_108 = tpu.memref_slice %arg7[%dma_wait3A_101, %dma_wait3A_107] : memref<4x128xi32, #tpu.memory_space<vmem>> -> memref<1x128xi32, #tpu.memory_space<vmem>>
    %dma_wait3A_109 = tpu.memref_squeeze %dma_wait3A_108 : memref<1x128xi32, #tpu.memory_space<vmem>> -> memref<128xi32, #tpu.memory_space<vmem>>
    %dma_wait3A_110 = arith.constant 0 : i32
    %dma_wait3A_111 = tpu.memref_slice %arg4[%dma_wait3A_110] : memref<327680xi32, #tpu.memory_space<hbm>> -> memref<128xi32, #tpu.memory_space<hbm>>
    tpu.wait_dma2 semaphore(%arg13 : memref<!tpu.dma_semaphore, #tpu.memory_space<semaphore_mem>>) src(%dma_wait3A_111 : memref<128xi32, #tpu.memory_space<hbm>>) dst(%dma_wait3A_109 : memref<128xi32, #tpu.memory_space<vmem>>)
    %dma_start3A_112 = arith.constant 1 : i32
    %dma_start3A_113 = arith.constant 0 : i32
    %dma_start3A_114 = tpu.memref_slice %arg6[%dma_start3A_112, %dma_start3A_113] : memref<4x128xi32, #tpu.memory_space<vmem>> -> memref<1x128xi32, #tpu.memory_space<vmem>>
    %dma_start3A_115 = tpu.memref_squeeze %dma_start3A_114 : memref<1x128xi32, #tpu.memory_space<vmem>> -> memref<128xi32, #tpu.memory_space<vmem>>
    %dma_start3A_116 = arith.constant 0 : i32
    %dma_start3A_117 = arith.constant 0 : i32
    %dma_start3A_118 = tpu.memref_slice %arg2[%dma_start3A_116, %dma_start3A_117] : memref<10000x128xf32, #tpu.memory_space<hbm>> -> memref<10000x128xf32, #tpu.memory_space<hbm>>
    tpu.enqueue_indirect_dma source(%dma_start3A_118 : memref<10000x128xf32, #tpu.memory_space<hbm>>) target(%arg9 : memref<128x128xf32, #tpu.memory_space<vmem>>) offsets(%dma_start3A_115 : memref<128xi32, #tpu.memory_space<vmem>>) semaphore(%arg17 : memref<!tpu.dma_semaphore, #tpu.memory_space<semaphore_mem>>)
    %run_scoped3A = arith.constant 0 : i32
    "tpu.region"() ({
      %run_scoped3A_251 = tpu.sem_alloc : memref<!tpu.dma_semaphore, #tpu.memory_space<semaphore_mem>>
      %dma_start3A_252 = arith.constant 0 : i32
      %dma_start3A_253 = tpu.memref_slice %arg7[%run_scoped3A, %dma_start3A_252] : memref<4x128xi32, #tpu.memory_space<vmem>> -> memref<1x128xi32, #tpu.memory_space<vmem>>
      %dma_start3A_254 = tpu.memref_squeeze %dma_start3A_253 : memref<1x128xi32, #tpu.memory_space<vmem>> -> memref<128xi32, #tpu.memory_space<vmem>>
      %dma_start3A_255 = arith.constant 0 : i32
      %dma_start3A_256 = arith.constant 0 : i32
      %dma_start3A_257 = tpu.memref_slice %arg11[%dma_start3A_255, %dma_start3A_256] : memref<10112x128xf32, #tpu.memory_space<vmem_shared>> -> memref<10112x128xf32, #tpu.memory_space<vmem_shared>>
      tpu.enqueue_indirect_dma source(%arg8 : memref<128x128xf32, #tpu.memory_space<vmem>>) target(%dma_start3A_257 : memref<10112x128xf32, #tpu.memory_space<vmem_shared>>) offsets(%dma_start3A_254 : memref<128xi32, #tpu.memory_space<vmem>>) semaphore(%run_scoped3A_251 : memref<!tpu.dma_semaphore, #tpu.memory_space<semaphore_mem>>) {add = true}
      %dma_wait3A_258 = arith.constant 0 : i32
      %dma_wait3A_259 = tpu.memref_slice %arg7[%run_scoped3A, %dma_wait3A_258] : memref<4x128xi32, #tpu.memory_space<vmem>> -> memref<1x128xi32, #tpu.memory_space<vmem>>
      %dma_wait3A_260 = tpu.memref_squeeze %dma_wait3A_259 : memref<1x128xi32, #tpu.memory_space<vmem>> -> memref<128xi32, #tpu.memory_space<vmem>>
      %dma_wait3A_261 = arith.constant 0 : i32
      %dma_wait3A_262 = arith.constant 0 : i32
      %dma_wait3A_263 = tpu.memref_slice %arg11[%dma_wait3A_261, %dma_wait3A_262] : memref<10112x128xf32, #tpu.memory_space<vmem_shared>> -> memref<10112x128xf32, #tpu.memory_space<vmem_shared>>
      tpu.wait_indirect_dma semaphore(%run_scoped3A_251 : memref<!tpu.dma_semaphore, #tpu.memory_space<semaphore_mem>>) src(%arg8 : memref<128x128xf32, #tpu.memory_space<vmem>>) dst(%dma_wait3A_263 : memref<10112x128xf32, #tpu.memory_space<vmem_shared>>)
      tpu.yield
    }) : () -> ()
    %add3A_119 = arith.constant 64 : i32
    %add3A_120 = arith.addi %add3A, %add3A_119 : i32
    %mul3A_121 = arith.constant 128 : i32
    %mul3A_122 = arith.muli %add3A_120, %mul3A_121 : i32
    %dma_start3A_123 = arith.constant 2 : i32
    %dma_start3A_124 = arith.constant 0 : i32
    %dma_start3A_125 = tpu.memref_slice %arg6[%dma_start3A_123, %dma_start3A_124] : memref<4x128xi32, #tpu.memory_space<vmem>> -> memref<1x128xi32, #tpu.memory_space<vmem>>
    %dma_start3A_126 = tpu.memref_squeeze %dma_start3A_125 : memref<1x128xi32, #tpu.memory_space<vmem>> -> memref<128xi32, #tpu.memory_space<vmem>>
    %dma_start3A_127 = tpu.memref_slice %arg3[%mul3A_122] : memref<327680xi32, #tpu.memory_space<hbm>> -> memref<128xi32, #tpu.memory_space<hbm>>
    %dma_start3A_128 = arith.constant 0 : i32
    %dma_start3A_129 = tpu.memref_slice %arg6[%dma_start3A_123, %dma_start3A_128] : memref<4x128xi32, #tpu.memory_space<vmem>> -> memref<1x128xi32, #tpu.memory_space<vmem>>
    %dma_start3A_130 = tpu.memref_squeeze %dma_start3A_129 : memref<1x128xi32, #tpu.memory_space<vmem>> -> memref<128xi32, #tpu.memory_space<vmem>>
    %dma_start3A_131 = tpu.memref_slice %arg3[%mul3A_122] : memref<327680xi32, #tpu.memory_space<hbm>> -> memref<128xi32, #tpu.memory_space<hbm>>
    tpu.enqueue_dma source(%dma_start3A_131 : memref<128xi32, #tpu.memory_space<hbm>>) target(%dma_start3A_130 : memref<128xi32, #tpu.memory_space<vmem>>) target_semaphore(%arg14 : memref<!tpu.dma_semaphore, #tpu.memory_space<semaphore_mem>>)
    %dma_start3A_132 = arith.constant 2 : i32
    %dma_start3A_133 = arith.constant 0 : i32
    %dma_start3A_134 = tpu.memref_slice %arg7[%dma_start3A_132, %dma_start3A_133] : memref<4x128xi32, #tpu.memory_space<vmem>> -> memref<1x128xi32, #tpu.memory_space<vmem>>
    %dma_start3A_135 = tpu.memref_squeeze %dma_start3A_134 : memref<1x128xi32, #tpu.memory_space<vmem>> -> memref<128xi32, #tpu.memory_space<vmem>>
    %dma_start3A_136 = tpu.memref_slice %arg4[%mul3A_122] : memref<327680xi32, #tpu.memory_space<hbm>> -> memref<128xi32, #tpu.memory_space<hbm>>
    %dma_start3A_137 = arith.constant 0 : i32
    %dma_start3A_138 = tpu.memref_slice %arg7[%dma_start3A_132, %dma_start3A_137] : memref<4x128xi32, #tpu.memory_space<vmem>> -> memref<1x128xi32, #tpu.memory_space<vmem>>
    %dma_start3A_139 = tpu.memref_squeeze %dma_start3A_138 : memref<1x128xi32, #tpu.memory_space<vmem>> -> memref<128xi32, #tpu.memory_space<vmem>>
    %dma_start3A_140 = tpu.memref_slice %arg4[%mul3A_122] : memref<327680xi32, #tpu.memory_space<hbm>> -> memref<128xi32, #tpu.memory_space<hbm>>
    tpu.enqueue_dma source(%dma_start3A_140 : memref<128xi32, #tpu.memory_space<hbm>>) target(%dma_start3A_139 : memref<128xi32, #tpu.memory_space<vmem>>) target_semaphore(%arg14 : memref<!tpu.dma_semaphore, #tpu.memory_space<semaphore_mem>>)
    %dma_wait3A_141 = arith.constant 0 : i32
    %dma_wait3A_142 = arith.constant 0 : i32
    %dma_wait3A_143 = tpu.memref_slice %arg2[%dma_wait3A_141, %dma_wait3A_142] : memref<10000x128xf32, #tpu.memory_space<hbm>> -> memref<128x128xf32, #tpu.memory_space<hbm>>
    %dma_wait3A_144 = arith.constant 0 : i32
    %dma_wait3A_145 = arith.constant 0 : i32
    %dma_wait3A_146 = tpu.memref_slice %arg2[%dma_wait3A_144, %dma_wait3A_145] : memref<10000x128xf32, #tpu.memory_space<hbm>> -> memref<128x128xf32, #tpu.memory_space<hbm>>
    tpu.wait_dma2 semaphore(%arg17 : memref<!tpu.dma_semaphore, #tpu.memory_space<semaphore_mem>>) src(%dma_wait3A_146 : memref<128x128xf32, #tpu.memory_space<hbm>>) dst(%arg9 : memref<128x128xf32, #tpu.memory_space<vmem>>)
    %dma_wait3A_147 = arith.constant 2 : i32
    %dma_wait3A_148 = arith.constant 0 : i32
    %dma_wait3A_149 = tpu.memref_slice %arg6[%dma_wait3A_147, %dma_wait3A_148] : memref<4x128xi32, #tpu.memory_space<vmem>> -> memref<1x128xi32, #tpu.memory_space<vmem>>
    %dma_wait3A_150 = tpu.memref_squeeze %dma_wait3A_149 : memref<1x128xi32, #tpu.memory_space<vmem>> -> memref<128xi32, #tpu.memory_space<vmem>>
    %dma_wait3A_151 = arith.constant 0 : i32
    %dma_wait3A_152 = tpu.memref_slice %arg3[%dma_wait3A_151] : memref<327680xi32, #tpu.memory_space<hbm>> -> memref<128xi32, #tpu.memory_space<hbm>>
    %dma_wait3A_153 = arith.constant 0 : i32
    %dma_wait3A_154 = tpu.memref_slice %arg6[%dma_wait3A_147, %dma_wait3A_153] : memref<4x128xi32, #tpu.memory_space<vmem>> -> memref<1x128xi32, #tpu.memory_space<vmem>>
    %dma_wait3A_155 = tpu.memref_squeeze %dma_wait3A_154 : memref<1x128xi32, #tpu.memory_space<vmem>> -> memref<128xi32, #tpu.memory_space<vmem>>
    %dma_wait3A_156 = arith.constant 0 : i32
    %dma_wait3A_157 = tpu.memref_slice %arg3[%dma_wait3A_156] : memref<327680xi32, #tpu.memory_space<hbm>> -> memref<128xi32, #tpu.memory_space<hbm>>
    tpu.wait_dma2 semaphore(%arg14 : memref<!tpu.dma_semaphore, #tpu.memory_space<semaphore_mem>>) src(%dma_wait3A_157 : memref<128xi32, #tpu.memory_space<hbm>>) dst(%dma_wait3A_155 : memref<128xi32, #tpu.memory_space<vmem>>)
    %dma_wait3A_158 = arith.constant 2 : i32
    %dma_wait3A_159 = arith.constant 0 : i32
    %dma_wait3A_160 = tpu.memref_slice %arg7[%dma_wait3A_158, %dma_wait3A_159] : memref<4x128xi32, #tpu.memory_space<vmem>> -> memref<1x128xi32, #tpu.memory_space<vmem>>
    %dma_wait3A_161 = tpu.memref_squeeze %dma_wait3A_160 : memref<1x128xi32, #tpu.memory_space<vmem>> -> memref<128xi32, #tpu.memory_space<vmem>>
    %dma_wait3A_162 = arith.constant 0 : i32
    %dma_wait3A_163 = tpu.memref_slice %arg4[%dma_wait3A_162] : memref<327680xi32, #tpu.memory_space<hbm>> -> memref<128xi32, #tpu.memory_space<hbm>>
    %dma_wait3A_164 = arith.constant 0 : i32
    %dma_wait3A_165 = tpu.memref_slice %arg7[%dma_wait3A_158, %dma_wait3A_164] : memref<4x128xi32, #tpu.memory_space<vmem>> -> memref<1x128xi32, #tpu.memory_space<vmem>>
    %dma_wait3A_166 = tpu.memref_squeeze %dma_wait3A_165 : memref<1x128xi32, #tpu.memory_space<vmem>> -> memref<128xi32, #tpu.memory_space<vmem>>
    %dma_wait3A_167 = arith.constant 0 : i32
    %dma_wait3A_168 = tpu.memref_slice %arg4[%dma_wait3A_167] : memref<327680xi32, #tpu.memory_space<hbm>> -> memref<128xi32, #tpu.memory_space<hbm>>
    tpu.wait_dma2 semaphore(%arg14 : memref<!tpu.dma_semaphore, #tpu.memory_space<semaphore_mem>>) src(%dma_wait3A_168 : memref<128xi32, #tpu.memory_space<hbm>>) dst(%dma_wait3A_166 : memref<128xi32, #tpu.memory_space<vmem>>)
    %dma_start3A_169 = arith.constant 2 : i32
    %dma_start3A_170 = arith.constant 0 : i32
    %dma_start3A_171 = tpu.memref_slice %arg6[%dma_start3A_169, %dma_start3A_170] : memref<4x128xi32, #tpu.memory_space<vmem>> -> memref<1x128xi32, #tpu.memory_space<vmem>>
    %dma_start3A_172 = tpu.memref_squeeze %dma_start3A_171 : memref<1x128xi32, #tpu.memory_space<vmem>> -> memref<128xi32, #tpu.memory_space<vmem>>
    %dma_start3A_173 = arith.constant 0 : i32
    %dma_start3A_174 = arith.constant 0 : i32
    %dma_start3A_175 = tpu.memref_slice %arg2[%dma_start3A_173, %dma_start3A_174] : memref<10000x128xf32, #tpu.memory_space<hbm>> -> memref<10000x128xf32, #tpu.memory_space<hbm>>
    tpu.enqueue_indirect_dma source(%dma_start3A_175 : memref<10000x128xf32, #tpu.memory_space<hbm>>) target(%arg8 : memref<128x128xf32, #tpu.memory_space<vmem>>) offsets(%dma_start3A_172 : memref<128xi32, #tpu.memory_space<vmem>>) semaphore(%arg16 : memref<!tpu.dma_semaphore, #tpu.memory_space<semaphore_mem>>)
    %run_scoped3A_176 = arith.constant 1 : i32
    "tpu.region"() ({
      %run_scoped3A_251 = tpu.sem_alloc : memref<!tpu.dma_semaphore, #tpu.memory_space<semaphore_mem>>
      %dma_start3A_252 = arith.constant 0 : i32
      %dma_start3A_253 = tpu.memref_slice %arg7[%run_scoped3A_176, %dma_start3A_252] : memref<4x128xi32, #tpu.memory_space<vmem>> -> memref<1x128xi32, #tpu.memory_space<vmem>>
      %dma_start3A_254 = tpu.memref_squeeze %dma_start3A_253 : memref<1x128xi32, #tpu.memory_space<vmem>> -> memref<128xi32, #tpu.memory_space<vmem>>
      %dma_start3A_255 = arith.constant 0 : i32
      %dma_start3A_256 = arith.constant 0 : i32
      %dma_start3A_257 = tpu.memref_slice %arg11[%dma_start3A_255, %dma_start3A_256] : memref<10112x128xf32, #tpu.memory_space<vmem_shared>> -> memref<10112x128xf32, #tpu.memory_space<vmem_shared>>
      tpu.enqueue_indirect_dma source(%arg9 : memref<128x128xf32, #tpu.memory_space<vmem>>) target(%dma_start3A_257 : memref<10112x128xf32, #tpu.memory_space<vmem_shared>>) offsets(%dma_start3A_254 : memref<128xi32, #tpu.memory_space<vmem>>) semaphore(%run_scoped3A_251 : memref<!tpu.dma_semaphore, #tpu.memory_space<semaphore_mem>>) {add = true}
      %dma_wait3A_258 = arith.constant 0 : i32
      %dma_wait3A_259 = tpu.memref_slice %arg7[%run_scoped3A_176, %dma_wait3A_258] : memref<4x128xi32, #tpu.memory_space<vmem>> -> memref<1x128xi32, #tpu.memory_space<vmem>>
      %dma_wait3A_260 = tpu.memref_squeeze %dma_wait3A_259 : memref<1x128xi32, #tpu.memory_space<vmem>> -> memref<128xi32, #tpu.memory_space<vmem>>
      %dma_wait3A_261 = arith.constant 0 : i32
      %dma_wait3A_262 = arith.constant 0 : i32
      %dma_wait3A_263 = tpu.memref_slice %arg11[%dma_wait3A_261, %dma_wait3A_262] : memref<10112x128xf32, #tpu.memory_space<vmem_shared>> -> memref<10112x128xf32, #tpu.memory_space<vmem_shared>>
      tpu.wait_indirect_dma semaphore(%run_scoped3A_251 : memref<!tpu.dma_semaphore, #tpu.memory_space<semaphore_mem>>) src(%arg9 : memref<128x128xf32, #tpu.memory_space<vmem>>) dst(%dma_wait3A_263 : memref<10112x128xf32, #tpu.memory_space<vmem_shared>>)
      tpu.yield
    }) : () -> ()
    %add3A_177 = arith.constant 96 : i32
    %add3A_178 = arith.addi %add3A, %add3A_177 : i32
    %mul3A_179 = arith.constant 128 : i32
    %mul3A_180 = arith.muli %add3A_178, %mul3A_179 : i32
    %dma_start3A_181 = arith.constant 3 : i32
    %dma_start3A_182 = arith.constant 0 : i32
    %dma_start3A_183 = tpu.memref_slice %arg6[%dma_start3A_181, %dma_start3A_182] : memref<4x128xi32, #tpu.memory_space<vmem>> -> memref<1x128xi32, #tpu.memory_space<vmem>>
    %dma_start3A_184 = tpu.memref_squeeze %dma_start3A_183 : memref<1x128xi32, #tpu.memory_space<vmem>> -> memref<128xi32, #tpu.memory_space<vmem>>
    %dma_start3A_185 = tpu.memref_slice %arg3[%mul3A_180] : memref<327680xi32, #tpu.memory_space<hbm>> -> memref<128xi32, #tpu.memory_space<hbm>>
    %dma_start3A_186 = arith.constant 0 : i32
    %dma_start3A_187 = tpu.memref_slice %arg6[%dma_start3A_181, %dma_start3A_186] : memref<4x128xi32, #tpu.memory_space<vmem>> -> memref<1x128xi32, #tpu.memory_space<vmem>>
    %dma_start3A_188 = tpu.memref_squeeze %dma_start3A_187 : memref<1x128xi32, #tpu.memory_space<vmem>> -> memref<128xi32, #tpu.memory_space<vmem>>
    %dma_start3A_189 = tpu.memref_slice %arg3[%mul3A_180] : memref<327680xi32, #tpu.memory_space<hbm>> -> memref<128xi32, #tpu.memory_space<hbm>>
    tpu.enqueue_dma source(%dma_start3A_189 : memref<128xi32, #tpu.memory_space<hbm>>) target(%dma_start3A_188 : memref<128xi32, #tpu.memory_space<vmem>>) target_semaphore(%arg15 : memref<!tpu.dma_semaphore, #tpu.memory_space<semaphore_mem>>)
    %dma_start3A_190 = arith.constant 3 : i32
    %dma_start3A_191 = arith.constant 0 : i32
    %dma_start3A_192 = tpu.memref_slice %arg7[%dma_start3A_190, %dma_start3A_191] : memref<4x128xi32, #tpu.memory_space<vmem>> -> memref<1x128xi32, #tpu.memory_space<vmem>>
    %dma_start3A_193 = tpu.memref_squeeze %dma_start3A_192 : memref<1x128xi32, #tpu.memory_space<vmem>> -> memref<128xi32, #tpu.memory_space<vmem>>
    %dma_start3A_194 = tpu.memref_slice %arg4[%mul3A_180] : memref<327680xi32, #tpu.memory_space<hbm>> -> memref<128xi32, #tpu.memory_space<hbm>>
    %dma_start3A_195 = arith.constant 0 : i32
    %dma_start3A_196 = tpu.memref_slice %arg7[%dma_start3A_190, %dma_start3A_195] : memref<4x128xi32, #tpu.memory_space<vmem>> -> memref<1x128xi32, #tpu.memory_space<vmem>>
    %dma_start3A_197 = tpu.memref_squeeze %dma_start3A_196 : memref<1x128xi32, #tpu.memory_space<vmem>> -> memref<128xi32, #tpu.memory_space<vmem>>
    %dma_start3A_198 = tpu.memref_slice %arg4[%mul3A_180] : memref<327680xi32, #tpu.memory_space<hbm>> -> memref<128xi32, #tpu.memory_space<hbm>>
    tpu.enqueue_dma source(%dma_start3A_198 : memref<128xi32, #tpu.memory_space<hbm>>) target(%dma_start3A_197 : memref<128xi32, #tpu.memory_space<vmem>>) target_semaphore(%arg15 : memref<!tpu.dma_semaphore, #tpu.memory_space<semaphore_mem>>)
    %scan3A_199 = arith.constant 0 : i32
    %scan3A_200 = arith.constant 19 : i32
    %scan3A_201 = arith.addi %scan3A_199, %scan3A_200 : i32
    %scan3A_202 = arith.constant 1 : i32
    scf.for %scan3A_251 = %scan3A_199 to %scan3A_201 step %scan3A_202  : i32 {
      %mul3A_252 = arith.constant 1 : i32
      %mul3A_253 = arith.muli %scan3A_251, %mul3A_252 : i32
      %add3A_254 = arith.constant 0 : i32
      %add3A_255 = arith.addi %add3A_254, %mul3A_253 : i32
      %mul3A_256 = arith.constant 4 : i32
      %mul3A_257 = arith.muli %add3A_255, %mul3A_256 : i32
      %add3A_258 = arith.constant 2 : i32
      %add3A_259 = arith.addi %add3A_258, %mul3A_257 : i32
      %add3A_260 = arith.constant 0 : i32
      %add3A_261 = arith.addi %add3A_259, %add3A_260 : i32
      %dma_wait3A_262 = arith.constant 0 : i32
      %dma_wait3A_263 = arith.constant 0 : i32
      %dma_wait3A_264 = tpu.memref_slice %arg2[%dma_wait3A_262, %dma_wait3A_263] : memref<10000x128xf32, #tpu.memory_space<hbm>> -> memref<128x128xf32, #tpu.memory_space<hbm>>
      %dma_wait3A_265 = arith.constant 0 : i32
      %dma_wait3A_266 = arith.constant 0 : i32
      %dma_wait3A_267 = tpu.memref_slice %arg2[%dma_wait3A_265, %dma_wait3A_266] : memref<10000x128xf32, #tpu.memory_space<hbm>> -> memref<128x128xf32, #tpu.memory_space<hbm>>
      tpu.wait_dma2 semaphore(%arg16 : memref<!tpu.dma_semaphore, #tpu.memory_space<semaphore_mem>>) src(%dma_wait3A_267 : memref<128x128xf32, #tpu.memory_space<hbm>>) dst(%arg8 : memref<128x128xf32, #tpu.memory_space<vmem>>)
      %dma_wait3A_268 = arith.constant 3 : i32
      %dma_wait3A_269 = arith.constant 0 : i32
      %dma_wait3A_270 = tpu.memref_slice %arg6[%dma_wait3A_268, %dma_wait3A_269] : memref<4x128xi32, #tpu.memory_space<vmem>> -> memref<1x128xi32, #tpu.memory_space<vmem>>
      %dma_wait3A_271 = tpu.memref_squeeze %dma_wait3A_270 : memref<1x128xi32, #tpu.memory_space<vmem>> -> memref<128xi32, #tpu.memory_space<vmem>>
      %dma_wait3A_272 = arith.constant 0 : i32
      %dma_wait3A_273 = tpu.memref_slice %arg3[%dma_wait3A_272] : memref<327680xi32, #tpu.memory_space<hbm>> -> memref<128xi32, #tpu.memory_space<hbm>>
      %dma_wait3A_274 = arith.constant 0 : i32
      %dma_wait3A_275 = tpu.memref_slice %arg6[%dma_wait3A_268, %dma_wait3A_274] : memref<4x128xi32, #tpu.memory_space<vmem>> -> memref<1x128xi32, #tpu.memory_space<vmem>>
      %dma_wait3A_276 = tpu.memref_squeeze %dma_wait3A_275 : memref<1x128xi32, #tpu.memory_space<vmem>> -> memref<128xi32, #tpu.memory_space<vmem>>
      %dma_wait3A_277 = arith.constant 0 : i32
      %dma_wait3A_278 = tpu.memref_slice %arg3[%dma_wait3A_277] : memref<327680xi32, #tpu.memory_space<hbm>> -> memref<128xi32, #tpu.memory_space<hbm>>
      tpu.wait_dma2 semaphore(%arg15 : memref<!tpu.dma_semaphore, #tpu.memory_space<semaphore_mem>>) src(%dma_wait3A_278 : memref<128xi32, #tpu.memory_space<hbm>>) dst(%dma_wait3A_276 : memref<128xi32, #tpu.memory_space<vmem>>)
      %dma_wait3A_279 = arith.constant 3 : i32
      %dma_wait3A_280 = arith.constant 0 : i32
      %dma_wait3A_281 = tpu.memref_slice %arg7[%dma_wait3A_279, %dma_wait3A_280] : memref<4x128xi32, #tpu.memory_space<vmem>> -> memref<1x128xi32, #tpu.memory_space<vmem>>
      %dma_wait3A_282 = tpu.memref_squeeze %dma_wait3A_281 : memref<1x128xi32, #tpu.memory_space<vmem>> -> memref<128xi32, #tpu.memory_space<vmem>>
      %dma_wait3A_283 = arith.constant 0 : i32
      %dma_wait3A_284 = tpu.memref_slice %arg4[%dma_wait3A_283] : memref<327680xi32, #tpu.memory_space<hbm>> -> memref<128xi32, #tpu.memory_space<hbm>>
      %dma_wait3A_285 = arith.constant 0 : i32
      %dma_wait3A_286 = tpu.memref_slice %arg7[%dma_wait3A_279, %dma_wait3A_285] : memref<4x128xi32, #tpu.memory_space<vmem>> -> memref<1x128xi32, #tpu.memory_space<vmem>>
      %dma_wait3A_287 = tpu.memref_squeeze %dma_wait3A_286 : memref<1x128xi32, #tpu.memory_space<vmem>> -> memref<128xi32, #tpu.memory_space<vmem>>
      %dma_wait3A_288 = arith.constant 0 : i32
      %dma_wait3A_289 = tpu.memref_slice %arg4[%dma_wait3A_288] : memref<327680xi32, #tpu.memory_space<hbm>> -> memref<128xi32, #tpu.memory_space<hbm>>
      tpu.wait_dma2 semaphore(%arg15 : memref<!tpu.dma_semaphore, #tpu.memory_space<semaphore_mem>>) src(%dma_wait3A_289 : memref<128xi32, #tpu.memory_space<hbm>>) dst(%dma_wait3A_287 : memref<128xi32, #tpu.memory_space<vmem>>)
      %dma_start3A_290 = arith.constant 3 : i32
      %dma_start3A_291 = arith.constant 0 : i32
      %dma_start3A_292 = tpu.memref_slice %arg6[%dma_start3A_290, %dma_start3A_291] : memref<4x128xi32, #tpu.memory_space<vmem>> -> memref<1x128xi32, #tpu.memory_space<vmem>>
      %dma_start3A_293 = tpu.memref_squeeze %dma_start3A_292 : memref<1x128xi32, #tpu.memory_space<vmem>> -> memref<128xi32, #tpu.memory_space<vmem>>
      %dma_start3A_294 = arith.constant 0 : i32
      %dma_start3A_295 = arith.constant 0 : i32
      %dma_start3A_296 = tpu.memref_slice %arg2[%dma_start3A_294, %dma_start3A_295] : memref<10000x128xf32, #tpu.memory_space<hbm>> -> memref<10000x128xf32, #tpu.memory_space<hbm>>
      tpu.enqueue_indirect_dma source(%dma_start3A_296 : memref<10000x128xf32, #tpu.memory_space<hbm>>) target(%arg9 : memref<128x128xf32, #tpu.memory_space<vmem>>) offsets(%dma_start3A_293 : memref<128xi32, #tpu.memory_space<vmem>>) semaphore(%arg17 : memref<!tpu.dma_semaphore, #tpu.memory_space<semaphore_mem>>)
      %run_scoped3A_297 = arith.constant 2 : i32
      "tpu.region"() ({
        %run_scoped3A_524 = tpu.sem_alloc : memref<!tpu.dma_semaphore, #tpu.memory_space<semaphore_mem>>
        %dma_start3A_525 = arith.constant 0 : i32
        %dma_start3A_526 = tpu.memref_slice %arg7[%run_scoped3A_297, %dma_start3A_525] : memref<4x128xi32, #tpu.memory_space<vmem>> -> memref<1x128xi32, #tpu.memory_space<vmem>>
        %dma_start3A_527 = tpu.memref_squeeze %dma_start3A_526 : memref<1x128xi32, #tpu.memory_space<vmem>> -> memref<128xi32, #tpu.memory_space<vmem>>
        %dma_start3A_528 = arith.constant 0 : i32
        %dma_start3A_529 = arith.constant 0 : i32
        %dma_start3A_530 = tpu.memref_slice %arg11[%dma_start3A_528, %dma_start3A_529] : memref<10112x128xf32, #tpu.memory_space<vmem_shared>> -> memref<10112x128xf32, #tpu.memory_space<vmem_shared>>
        tpu.enqueue_indirect_dma source(%arg8 : memref<128x128xf32, #tpu.memory_space<vmem>>) target(%dma_start3A_530 : memref<10112x128xf32, #tpu.memory_space<vmem_shared>>) offsets(%dma_start3A_527 : memref<128xi32, #tpu.memory_space<vmem>>) semaphore(%run_scoped3A_524 : memref<!tpu.dma_semaphore, #tpu.memory_space<semaphore_mem>>) {add = true}
        %dma_wait3A_531 = arith.constant 0 : i32
        %dma_wait3A_532 = tpu.memref_slice %arg7[%run_scoped3A_297, %dma_wait3A_531] : memref<4x128xi32, #tpu.memory_space<vmem>> -> memref<1x128xi32, #tpu.memory_space<vmem>>
        %dma_wait3A_533 = tpu.memref_squeeze %dma_wait3A_532 : memref<1x128xi32, #tpu.memory_space<vmem>> -> memref<128xi32, #tpu.memory_space<vmem>>
        %dma_wait3A_534 = arith.constant 0 : i32
        %dma_wait3A_535 = arith.constant 0 : i32
        %dma_wait3A_536 = tpu.memref_slice %arg11[%dma_wait3A_534, %dma_wait3A_535] : memref<10112x128xf32, #tpu.memory_space<vmem_shared>> -> memref<10112x128xf32, #tpu.memory_space<vmem_shared>>
        tpu.wait_indirect_dma semaphore(%run_scoped3A_524 : memref<!tpu.dma_semaphore, #tpu.memory_space<semaphore_mem>>) src(%arg8 : memref<128x128xf32, #tpu.memory_space<vmem>>) dst(%dma_wait3A_536 : memref<10112x128xf32, #tpu.memory_space<vmem_shared>>)
        tpu.yield
      }) : () -> ()
      %add3A_298 = arith.constant 2 : i32
      %add3A_299 = arith.addi %add3A_261, %add3A_298 : i32
      %mul3A_300 = arith.constant 32 : i32
      %mul3A_301 = arith.muli %add3A_299, %mul3A_300 : i32
      %add3A_302 = arith.addi %add3A, %mul3A_301 : i32
      %mul3A_303 = arith.constant 128 : i32
      %mul3A_304 = arith.muli %add3A_302, %mul3A_303 : i32
      %dma_start3A_305 = arith.constant 0 : i32
      %dma_start3A_306 = arith.constant 0 : i32
      %dma_start3A_307 = tpu.memref_slice %arg6[%dma_start3A_305, %dma_start3A_306] : memref<4x128xi32, #tpu.memory_space<vmem>> -> memref<1x128xi32, #tpu.memory_space<vmem>>
      %dma_start3A_308 = tpu.memref_squeeze %dma_start3A_307 : memref<1x128xi32, #tpu.memory_space<vmem>> -> memref<128xi32, #tpu.memory_space<vmem>>
      %dma_start3A_309 = tpu.memref_slice %arg3[%mul3A_304] : memref<327680xi32, #tpu.memory_space<hbm>> -> memref<128xi32, #tpu.memory_space<hbm>>
      %dma_start3A_310 = arith.constant 0 : i32
      %dma_start3A_311 = tpu.memref_slice %arg6[%dma_start3A_305, %dma_start3A_310] : memref<4x128xi32, #tpu.memory_space<vmem>> -> memref<1x128xi32, #tpu.memory_space<vmem>>
      %dma_start3A_312 = tpu.memref_squeeze %dma_start3A_311 : memref<1x128xi32, #tpu.memory_space<vmem>> -> memref<128xi32, #tpu.memory_space<vmem>>
      %dma_start3A_313 = tpu.memref_slice %arg3[%mul3A_304] : memref<327680xi32, #tpu.memory_space<hbm>> -> memref<128xi32, #tpu.memory_space<hbm>>
      tpu.enqueue_dma source(%dma_start3A_313 : memref<128xi32, #tpu.memory_space<hbm>>) target(%dma_start3A_312 : memref<128xi32, #tpu.memory_space<vmem>>) target_semaphore(%arg12 : memref<!tpu.dma_semaphore, #tpu.memory_space<semaphore_mem>>)
      %dma_start3A_314 = arith.constant 0 : i32
      %dma_start3A_315 = arith.constant 0 : i32
      %dma_start3A_316 = tpu.memref_slice %arg7[%dma_start3A_314, %dma_start3A_315] : memref<4x128xi32, #tpu.memory_space<vmem>> -> memref<1x128xi32, #tpu.memory_space<vmem>>
      %dma_start3A_317 = tpu.memref_squeeze %dma_start3A_316 : memref<1x128xi32, #tpu.memory_space<vmem>> -> memref<128xi32, #tpu.memory_space<vmem>>
      %dma_start3A_318 = tpu.memref_slice %arg4[%mul3A_304] : memref<327680xi32, #tpu.memory_space<hbm>> -> memref<128xi32, #tpu.memory_space<hbm>>
      %dma_start3A_319 = arith.constant 0 : i32
      %dma_start3A_320 = tpu.memref_slice %arg7[%dma_start3A_314, %dma_start3A_319] : memref<4x128xi32, #tpu.memory_space<vmem>> -> memref<1x128xi32, #tpu.memory_space<vmem>>
      %dma_start3A_321 = tpu.memref_squeeze %dma_start3A_320 : memref<1x128xi32, #tpu.memory_space<vmem>> -> memref<128xi32, #tpu.memory_space<vmem>>
      %dma_start3A_322 = tpu.memref_slice %arg4[%mul3A_304] : memref<327680xi32, #tpu.memory_space<hbm>> -> memref<128xi32, #tpu.memory_space<hbm>>
      tpu.enqueue_dma source(%dma_start3A_322 : memref<128xi32, #tpu.memory_space<hbm>>) target(%dma_start3A_321 : memref<128xi32, #tpu.memory_space<vmem>>) target_semaphore(%arg12 : memref<!tpu.dma_semaphore, #tpu.memory_space<semaphore_mem>>)
      %mul3A_323 = arith.constant 4 : i32
      %mul3A_324 = arith.muli %add3A_255, %mul3A_323 : i32
      %add3A_325 = arith.constant 2 : i32
      %add3A_326 = arith.addi %add3A_325, %mul3A_324 : i32
      %add3A_327 = arith.constant 1 : i32
      %add3A_328 = arith.addi %add3A_326, %add3A_327 : i32
      %dma_wait3A_329 = arith.constant 0 : i32
      %dma_wait3A_330 = arith.constant 0 : i32
      %dma_wait3A_331 = tpu.memref_slice %arg2[%dma_wait3A_329, %dma_wait3A_330] : memref<10000x128xf32, #tpu.memory_space<hbm>> -> memref<128x128xf32, #tpu.memory_space<hbm>>
      %dma_wait3A_332 = arith.constant 0 : i32
      %dma_wait3A_333 = arith.constant 0 : i32
      %dma_wait3A_334 = tpu.memref_slice %arg2[%dma_wait3A_332, %dma_wait3A_333] : memref<10000x128xf32, #tpu.memory_space<hbm>> -> memref<128x128xf32, #tpu.memory_space<hbm>>
      tpu.wait_dma2 semaphore(%arg17 : memref<!tpu.dma_semaphore, #tpu.memory_space<semaphore_mem>>) src(%dma_wait3A_334 : memref<128x128xf32, #tpu.memory_space<hbm>>) dst(%arg9 : memref<128x128xf32, #tpu.memory_space<vmem>>)
      %dma_wait3A_335 = arith.constant 0 : i32
      %dma_wait3A_336 = arith.constant 0 : i32
      %dma_wait3A_337 = tpu.memref_slice %arg6[%dma_wait3A_335, %dma_wait3A_336] : memref<4x128xi32, #tpu.memory_space<vmem>> -> memref<1x128xi32, #tpu.memory_space<vmem>>
      %dma_wait3A_338 = tpu.memref_squeeze %dma_wait3A_337 : memref<1x128xi32, #tpu.memory_space<vmem>> -> memref<128xi32, #tpu.memory_space<vmem>>
      %dma_wait3A_339 = arith.constant 0 : i32
      %dma_wait3A_340 = tpu.memref_slice %arg3[%dma_wait3A_339] : memref<327680xi32, #tpu.memory_space<hbm>> -> memref<128xi32, #tpu.memory_space<hbm>>
      %dma_wait3A_341 = arith.constant 0 : i32
      %dma_wait3A_342 = tpu.memref_slice %arg6[%dma_wait3A_335, %dma_wait3A_341] : memref<4x128xi32, #tpu.memory_space<vmem>> -> memref<1x128xi32, #tpu.memory_space<vmem>>
      %dma_wait3A_343 = tpu.memref_squeeze %dma_wait3A_342 : memref<1x128xi32, #tpu.memory_space<vmem>> -> memref<128xi32, #tpu.memory_space<vmem>>
      %dma_wait3A_344 = arith.constant 0 : i32
      %dma_wait3A_345 = tpu.memref_slice %arg3[%dma_wait3A_344] : memref<327680xi32, #tpu.memory_space<hbm>> -> memref<128xi32, #tpu.memory_space<hbm>>
      tpu.wait_dma2 semaphore(%arg12 : memref<!tpu.dma_semaphore, #tpu.memory_space<semaphore_mem>>) src(%dma_wait3A_345 : memref<128xi32, #tpu.memory_space<hbm>>) dst(%dma_wait3A_343 : memref<128xi32, #tpu.memory_space<vmem>>)
      %dma_wait3A_346 = arith.constant 0 : i32
      %dma_wait3A_347 = arith.constant 0 : i32
      %dma_wait3A_348 = tpu.memref_slice %arg7[%dma_wait3A_346, %dma_wait3A_347] : memref<4x128xi32, #tpu.memory_space<vmem>> -> memref<1x128xi32, #tpu.memory_space<vmem>>
      %dma_wait3A_349 = tpu.memref_squeeze %dma_wait3A_348 : memref<1x128xi32, #tpu.memory_space<vmem>> -> memref<128xi32, #tpu.memory_space<vmem>>
      %dma_wait3A_350 = arith.constant 0 : i32
      %dma_wait3A_351 = tpu.memref_slice %arg4[%dma_wait3A_350] : memref<327680xi32, #tpu.memory_space<hbm>> -> memref<128xi32, #tpu.memory_space<hbm>>
      %dma_wait3A_352 = arith.constant 0 : i32
      %dma_wait3A_353 = tpu.memref_slice %arg7[%dma_wait3A_346, %dma_wait3A_352] : memref<4x128xi32, #tpu.memory_space<vmem>> -> memref<1x128xi32, #tpu.memory_space<vmem>>
      %dma_wait3A_354 = tpu.memref_squeeze %dma_wait3A_353 : memref<1x128xi32, #tpu.memory_space<vmem>> -> memref<128xi32, #tpu.memory_space<vmem>>
      %dma_wait3A_355 = arith.constant 0 : i32
      %dma_wait3A_356 = tpu.memref_slice %arg4[%dma_wait3A_355] : memref<327680xi32, #tpu.memory_space<hbm>> -> memref<128xi32, #tpu.memory_space<hbm>>
      tpu.wait_dma2 semaphore(%arg12 : memref<!tpu.dma_semaphore, #tpu.memory_space<semaphore_mem>>) src(%dma_wait3A_356 : memref<128xi32, #tpu.memory_space<hbm>>) dst(%dma_wait3A_354 : memref<128xi32, #tpu.memory_space<vmem>>)
      %dma_start3A_357 = arith.constant 0 : i32
      %dma_start3A_358 = arith.constant 0 : i32
      %dma_start3A_359 = tpu.memref_slice %arg6[%dma_start3A_357, %dma_start3A_358] : memref<4x128xi32, #tpu.memory_space<vmem>> -> memref<1x128xi32, #tpu.memory_space<vmem>>
      %dma_start3A_360 = tpu.memref_squeeze %dma_start3A_359 : memref<1x128xi32, #tpu.memory_space<vmem>> -> memref<128xi32, #tpu.memory_space<vmem>>
      %dma_start3A_361 = arith.constant 0 : i32
      %dma_start3A_362 = arith.constant 0 : i32
      %dma_start3A_363 = tpu.memref_slice %arg2[%dma_start3A_361, %dma_start3A_362] : memref<10000x128xf32, #tpu.memory_space<hbm>> -> memref<10000x128xf32, #tpu.memory_space<hbm>>
      tpu.enqueue_indirect_dma source(%dma_start3A_363 : memref<10000x128xf32, #tpu.memory_space<hbm>>) target(%arg8 : memref<128x128xf32, #tpu.memory_space<vmem>>) offsets(%dma_start3A_360 : memref<128xi32, #tpu.memory_space<vmem>>) semaphore(%arg16 : memref<!tpu.dma_semaphore, #tpu.memory_space<semaphore_mem>>)
      %run_scoped3A_364 = arith.constant 3 : i32
      "tpu.region"() ({
        %run_scoped3A_524 = tpu.sem_alloc : memref<!tpu.dma_semaphore, #tpu.memory_space<semaphore_mem>>
        %dma_start3A_525 = arith.constant 0 : i32
        %dma_start3A_526 = tpu.memref_slice %arg7[%run_scoped3A_364, %dma_start3A_525] : memref<4x128xi32, #tpu.memory_space<vmem>> -> memref<1x128xi32, #tpu.memory_space<vmem>>
        %dma_start3A_527 = tpu.memref_squeeze %dma_start3A_526 : memref<1x128xi32, #tpu.memory_space<vmem>> -> memref<128xi32, #tpu.memory_space<vmem>>
        %dma_start3A_528 = arith.constant 0 : i32
        %dma_start3A_529 = arith.constant 0 : i32
        %dma_start3A_530 = tpu.memref_slice %arg11[%dma_start3A_528, %dma_start3A_529] : memref<10112x128xf32, #tpu.memory_space<vmem_shared>> -> memref<10112x128xf32, #tpu.memory_space<vmem_shared>>
        tpu.enqueue_indirect_dma source(%arg9 : memref<128x128xf32, #tpu.memory_space<vmem>>) target(%dma_start3A_530 : memref<10112x128xf32, #tpu.memory_space<vmem_shared>>) offsets(%dma_start3A_527 : memref<128xi32, #tpu.memory_space<vmem>>) semaphore(%run_scoped3A_524 : memref<!tpu.dma_semaphore, #tpu.memory_space<semaphore_mem>>) {add = true}
        %dma_wait3A_531 = arith.constant 0 : i32
        %dma_wait3A_532 = tpu.memref_slice %arg7[%run_scoped3A_364, %dma_wait3A_531] : memref<4x128xi32, #tpu.memory_space<vmem>> -> memref<1x128xi32, #tpu.memory_space<vmem>>
        %dma_wait3A_533 = tpu.memref_squeeze %dma_wait3A_532 : memref<1x128xi32, #tpu.memory_space<vmem>> -> memref<128xi32, #tpu.memory_space<vmem>>
        %dma_wait3A_534 = arith.constant 0 : i32
        %dma_wait3A_535 = arith.constant 0 : i32
        %dma_wait3A_536 = tpu.memref_slice %arg11[%dma_wait3A_534, %dma_wait3A_535] : memref<10112x128xf32, #tpu.memory_space<vmem_shared>> -> memref<10112x128xf32, #tpu.memory_space<vmem_shared>>
        tpu.wait_indirect_dma semaphore(%run_scoped3A_524 : memref<!tpu.dma_semaphore, #tpu.memory_space<semaphore_mem>>) src(%arg9 : memref<128x128xf32, #tpu.memory_space<vmem>>) dst(%dma_wait3A_536 : memref<10112x128xf32, #tpu.memory_space<vmem_shared>>)
        tpu.yield
      }) : () -> ()
      %add3A_365 = arith.constant 2 : i32
      %add3A_366 = arith.addi %add3A_328, %add3A_365 : i32
      %mul3A_367 = arith.constant 32 : i32
      %mul3A_368 = arith.muli %add3A_366, %mul3A_367 : i32
      %add3A_369 = arith.addi %add3A, %mul3A_368 : i32
      %mul3A_370 = arith.constant 128 : i32
      %mul3A_371 = arith.muli %add3A_369, %mul3A_370 : i32
      %dma_start3A_372 = arith.constant 1 : i32
      %dma_start3A_373 = arith.constant 0 : i32
      %dma_start3A_374 = tpu.memref_slice %arg6[%dma_start3A_372, %dma_start3A_373] : memref<4x128xi32, #tpu.memory_space<vmem>> -> memref<1x128xi32, #tpu.memory_space<vmem>>
      %dma_start3A_375 = tpu.memref_squeeze %dma_start3A_374 : memref<1x128xi32, #tpu.memory_space<vmem>> -> memref<128xi32, #tpu.memory_space<vmem>>
      %dma_start3A_376 = tpu.memref_slice %arg3[%mul3A_371] : memref<327680xi32, #tpu.memory_space<hbm>> -> memref<128xi32, #tpu.memory_space<hbm>>
      %dma_start3A_377 = arith.constant 0 : i32
      %dma_start3A_378 = tpu.memref_slice %arg6[%dma_start3A_372, %dma_start3A_377] : memref<4x128xi32, #tpu.memory_space<vmem>> -> memref<1x128xi32, #tpu.memory_space<vmem>>
      %dma_start3A_379 = tpu.memref_squeeze %dma_start3A_378 : memref<1x128xi32, #tpu.memory_space<vmem>> -> memref<128xi32, #tpu.memory_space<vmem>>
      %dma_start3A_380 = tpu.memref_slice %arg3[%mul3A_371] : memref<327680xi32, #tpu.memory_space<hbm>> -> memref<128xi32, #tpu.memory_space<hbm>>
      tpu.enqueue_dma source(%dma_start3A_380 : memref<128xi32, #tpu.memory_space<hbm>>) target(%dma_start3A_379 : memref<128xi32, #tpu.memory_space<vmem>>) target_semaphore(%arg13 : memref<!tpu.dma_semaphore, #tpu.memory_space<semaphore_mem>>)
      %dma_start3A_381 = arith.constant 1 : i32
      %dma_start3A_382 = arith.constant 0 : i32
      %dma_start3A_383 = tpu.memref_slice %arg7[%dma_start3A_381, %dma_start3A_382] : memref<4x128xi32, #tpu.memory_space<vmem>> -> memref<1x128xi32, #tpu.memory_space<vmem>>
      %dma_start3A_384 = tpu.memref_squeeze %dma_start3A_383 : memref<1x128xi32, #tpu.memory_space<vmem>> -> memref<128xi32, #tpu.memory_space<vmem>>
      %dma_start3A_385 = tpu.memref_slice %arg4[%mul3A_371] : memref<327680xi32, #tpu.memory_space<hbm>> -> memref<128xi32, #tpu.memory_space<hbm>>
      %dma_start3A_386 = arith.constant 0 : i32
      %dma_start3A_387 = tpu.memref_slice %arg7[%dma_start3A_381, %dma_start3A_386] : memref<4x128xi32, #tpu.memory_space<vmem>> -> memref<1x128xi32, #tpu.memory_space<vmem>>
      %dma_start3A_388 = tpu.memref_squeeze %dma_start3A_387 : memref<1x128xi32, #tpu.memory_space<vmem>> -> memref<128xi32, #tpu.memory_space<vmem>>
      %dma_start3A_389 = tpu.memref_slice %arg4[%mul3A_371] : memref<327680xi32, #tpu.memory_space<hbm>> -> memref<128xi32, #tpu.memory_space<hbm>>
      tpu.enqueue_dma source(%dma_start3A_389 : memref<128xi32, #tpu.memory_space<hbm>>) target(%dma_start3A_388 : memref<128xi32, #tpu.memory_space<vmem>>) target_semaphore(%arg13 : memref<!tpu.dma_semaphore, #tpu.memory_space<semaphore_mem>>)
      %mul3A_390 = arith.constant 4 : i32
      %mul3A_391 = arith.muli %add3A_255, %mul3A_390 : i32
      %add3A_392 = arith.constant 2 : i32
      %add3A_393 = arith.addi %add3A_392, %mul3A_391 : i32
      %add3A_394 = arith.constant 2 : i32
      %add3A_395 = arith.addi %add3A_393, %add3A_394 : i32
      %dma_wait3A_396 = arith.constant 0 : i32
      %dma_wait3A_397 = arith.constant 0 : i32
      %dma_wait3A_398 = tpu.memref_slice %arg2[%dma_wait3A_396, %dma_wait3A_397] : memref<10000x128xf32, #tpu.memory_space<hbm>> -> memref<128x128xf32, #tpu.memory_space<hbm>>
      %dma_wait3A_399 = arith.constant 0 : i32
      %dma_wait3A_400 = arith.constant 0 : i32
      %dma_wait3A_401 = tpu.memref_slice %arg2[%dma_wait3A_399, %dma_wait3A_400] : memref<10000x128xf32, #tpu.memory_space<hbm>> -> memref<128x128xf32, #tpu.memory_space<hbm>>
      tpu.wait_dma2 semaphore(%arg16 : memref<!tpu.dma_semaphore, #tpu.memory_space<semaphore_mem>>) src(%dma_wait3A_401 : memref<128x128xf32, #tpu.memory_space<hbm>>) dst(%arg8 : memref<128x128xf32, #tpu.memory_space<vmem>>)
      %dma_wait3A_402 = arith.constant 1 : i32
      %dma_wait3A_403 = arith.constant 0 : i32
      %dma_wait3A_404 = tpu.memref_slice %arg6[%dma_wait3A_402, %dma_wait3A_403] : memref<4x128xi32, #tpu.memory_space<vmem>> -> memref<1x128xi32, #tpu.memory_space<vmem>>
      %dma_wait3A_405 = tpu.memref_squeeze %dma_wait3A_404 : memref<1x128xi32, #tpu.memory_space<vmem>> -> memref<128xi32, #tpu.memory_space<vmem>>
      %dma_wait3A_406 = arith.constant 0 : i32
      %dma_wait3A_407 = tpu.memref_slice %arg3[%dma_wait3A_406] : memref<327680xi32, #tpu.memory_space<hbm>> -> memref<128xi32, #tpu.memory_space<hbm>>
      %dma_wait3A_408 = arith.constant 0 : i32
      %dma_wait3A_409 = tpu.memref_slice %arg6[%dma_wait3A_402, %dma_wait3A_408] : memref<4x128xi32, #tpu.memory_space<vmem>> -> memref<1x128xi32, #tpu.memory_space<vmem>>
      %dma_wait3A_410 = tpu.memref_squeeze %dma_wait3A_409 : memref<1x128xi32, #tpu.memory_space<vmem>> -> memref<128xi32, #tpu.memory_space<vmem>>
      %dma_wait3A_411 = arith.constant 0 : i32
      %dma_wait3A_412 = tpu.memref_slice %arg3[%dma_wait3A_411] : memref<327680xi32, #tpu.memory_space<hbm>> -> memref<128xi32, #tpu.memory_space<hbm>>
      tpu.wait_dma2 semaphore(%arg13 : memref<!tpu.dma_semaphore, #tpu.memory_space<semaphore_mem>>) src(%dma_wait3A_412 : memref<128xi32, #tpu.memory_space<hbm>>) dst(%dma_wait3A_410 : memref<128xi32, #tpu.memory_space<vmem>>)
      %dma_wait3A_413 = arith.constant 1 : i32
      %dma_wait3A_414 = arith.constant 0 : i32
      %dma_wait3A_415 = tpu.memref_slice %arg7[%dma_wait3A_413, %dma_wait3A_414] : memref<4x128xi32, #tpu.memory_space<vmem>> -> memref<1x128xi32, #tpu.memory_space<vmem>>
      %dma_wait3A_416 = tpu.memref_squeeze %dma_wait3A_415 : memref<1x128xi32, #tpu.memory_space<vmem>> -> memref<128xi32, #tpu.memory_space<vmem>>
      %dma_wait3A_417 = arith.constant 0 : i32
      %dma_wait3A_418 = tpu.memref_slice %arg4[%dma_wait3A_417] : memref<327680xi32, #tpu.memory_space<hbm>> -> memref<128xi32, #tpu.memory_space<hbm>>
      %dma_wait3A_419 = arith.constant 0 : i32
      %dma_wait3A_420 = tpu.memref_slice %arg7[%dma_wait3A_413, %dma_wait3A_419] : memref<4x128xi32, #tpu.memory_space<vmem>> -> memref<1x128xi32, #tpu.memory_space<vmem>>
      %dma_wait3A_421 = tpu.memref_squeeze %dma_wait3A_420 : memref<1x128xi32, #tpu.memory_space<vmem>> -> memref<128xi32, #tpu.memory_space<vmem>>
      %dma_wait3A_422 = arith.constant 0 : i32
      %dma_wait3A_423 = tpu.memref_slice %arg4[%dma_wait3A_422] : memref<327680xi32, #tpu.memory_space<hbm>> -> memref<128xi32, #tpu.memory_space<hbm>>
      tpu.wait_dma2 semaphore(%arg13 : memref<!tpu.dma_semaphore, #tpu.memory_space<semaphore_mem>>) src(%dma_wait3A_423 : memref<128xi32, #tpu.memory_space<hbm>>) dst(%dma_wait3A_421 : memref<128xi32, #tpu.memory_space<vmem>>)
      %dma_start3A_424 = arith.constant 1 : i32
      %dma_start3A_425 = arith.constant 0 : i32
      %dma_start3A_426 = tpu.memref_slice %arg6[%dma_start3A_424, %dma_start3A_425] : memref<4x128xi32, #tpu.memory_space<vmem>> -> memref<1x128xi32, #tpu.memory_space<vmem>>
      %dma_start3A_427 = tpu.memref_squeeze %dma_start3A_426 : memref<1x128xi32, #tpu.memory_space<vmem>> -> memref<128xi32, #tpu.memory_space<vmem>>
      %dma_start3A_428 = arith.constant 0 : i32
      %dma_start3A_429 = arith.constant 0 : i32
      %dma_start3A_430 = tpu.memref_slice %arg2[%dma_start3A_428, %dma_start3A_429] : memref<10000x128xf32, #tpu.memory_space<hbm>> -> memref<10000x128xf32, #tpu.memory_space<hbm>>
      tpu.enqueue_indirect_dma source(%dma_start3A_430 : memref<10000x128xf32, #tpu.memory_space<hbm>>) target(%arg9 : memref<128x128xf32, #tpu.memory_space<vmem>>) offsets(%dma_start3A_427 : memref<128xi32, #tpu.memory_space<vmem>>) semaphore(%arg17 : memref<!tpu.dma_semaphore, #tpu.memory_space<semaphore_mem>>)
      %run_scoped3A_431 = arith.constant 0 : i32
      "tpu.region"() ({
        %run_scoped3A_524 = tpu.sem_alloc : memref<!tpu.dma_semaphore, #tpu.memory_space<semaphore_mem>>
        %dma_start3A_525 = arith.constant 0 : i32
        %dma_start3A_526 = tpu.memref_slice %arg7[%run_scoped3A_431, %dma_start3A_525] : memref<4x128xi32, #tpu.memory_space<vmem>> -> memref<1x128xi32, #tpu.memory_space<vmem>>
        %dma_start3A_527 = tpu.memref_squeeze %dma_start3A_526 : memref<1x128xi32, #tpu.memory_space<vmem>> -> memref<128xi32, #tpu.memory_space<vmem>>
        %dma_start3A_528 = arith.constant 0 : i32
        %dma_start3A_529 = arith.constant 0 : i32
        %dma_start3A_530 = tpu.memref_slice %arg11[%dma_start3A_528, %dma_start3A_529] : memref<10112x128xf32, #tpu.memory_space<vmem_shared>> -> memref<10112x128xf32, #tpu.memory_space<vmem_shared>>
        tpu.enqueue_indirect_dma source(%arg8 : memref<128x128xf32, #tpu.memory_space<vmem>>) target(%dma_start3A_530 : memref<10112x128xf32, #tpu.memory_space<vmem_shared>>) offsets(%dma_start3A_527 : memref<128xi32, #tpu.memory_space<vmem>>) semaphore(%run_scoped3A_524 : memref<!tpu.dma_semaphore, #tpu.memory_space<semaphore_mem>>) {add = true}
        %dma_wait3A_531 = arith.constant 0 : i32
        %dma_wait3A_532 = tpu.memref_slice %arg7[%run_scoped3A_431, %dma_wait3A_531] : memref<4x128xi32, #tpu.memory_space<vmem>> -> memref<1x128xi32, #tpu.memory_space<vmem>>
        %dma_wait3A_533 = tpu.memref_squeeze %dma_wait3A_532 : memref<1x128xi32, #tpu.memory_space<vmem>> -> memref<128xi32, #tpu.memory_space<vmem>>
        %dma_wait3A_534 = arith.constant 0 : i32
        %dma_wait3A_535 = arith.constant 0 : i32
        %dma_wait3A_536 = tpu.memref_slice %arg11[%dma_wait3A_534, %dma_wait3A_535] : memref<10112x128xf32, #tpu.memory_space<vmem_shared>> -> memref<10112x128xf32, #tpu.memory_space<vmem_shared>>
        tpu.wait_indirect_dma semaphore(%run_scoped3A_524 : memref<!tpu.dma_semaphore, #tpu.memory_space<semaphore_mem>>) src(%arg8 : memref<128x128xf32, #tpu.memory_space<vmem>>) dst(%dma_wait3A_536 : memref<10112x128xf32, #tpu.memory_space<vmem_shared>>)
        tpu.yield
      }) : () -> ()
      %add3A_432 = arith.constant 2 : i32
      %add3A_433 = arith.addi %add3A_395, %add3A_432 : i32
      %mul3A_434 = arith.constant 32 : i32
      %mul3A_435 = arith.muli %add3A_433, %mul3A_434 : i32
      %add3A_436 = arith.addi %add3A, %mul3A_435 : i32
      %mul3A_437 = arith.constant 128 : i32
      %mul3A_438 = arith.muli %add3A_436, %mul3A_437 : i32
      %dma_start3A_439 = arith.constant 2 : i32
      %dma_start3A_440 = arith.constant 0 : i32
      %dma_start3A_441 = tpu.memref_slice %arg6[%dma_start3A_439, %dma_start3A_440] : memref<4x128xi32, #tpu.memory_space<vmem>> -> memref<1x128xi32, #tpu.memory_space<vmem>>
      %dma_start3A_442 = tpu.memref_squeeze %dma_start3A_441 : memref<1x128xi32, #tpu.memory_space<vmem>> -> memref<128xi32, #tpu.memory_space<vmem>>
      %dma_start3A_443 = tpu.memref_slice %arg3[%mul3A_438] : memref<327680xi32, #tpu.memory_space<hbm>> -> memref<128xi32, #tpu.memory_space<hbm>>
      %dma_start3A_444 = arith.constant 0 : i32
      %dma_start3A_445 = tpu.memref_slice %arg6[%dma_start3A_439, %dma_start3A_444] : memref<4x128xi32, #tpu.memory_space<vmem>> -> memref<1x128xi32, #tpu.memory_space<vmem>>
      %dma_start3A_446 = tpu.memref_squeeze %dma_start3A_445 : memref<1x128xi32, #tpu.memory_space<vmem>> -> memref<128xi32, #tpu.memory_space<vmem>>
      %dma_start3A_447 = tpu.memref_slice %arg3[%mul3A_438] : memref<327680xi32, #tpu.memory_space<hbm>> -> memref<128xi32, #tpu.memory_space<hbm>>
      tpu.enqueue_dma source(%dma_start3A_447 : memref<128xi32, #tpu.memory_space<hbm>>) target(%dma_start3A_446 : memref<128xi32, #tpu.memory_space<vmem>>) target_semaphore(%arg14 : memref<!tpu.dma_semaphore, #tpu.memory_space<semaphore_mem>>)
      %dma_start3A_448 = arith.constant 2 : i32
      %dma_start3A_449 = arith.constant 0 : i32
      %dma_start3A_450 = tpu.memref_slice %arg7[%dma_start3A_448, %dma_start3A_449] : memref<4x128xi32, #tpu.memory_space<vmem>> -> memref<1x128xi32, #tpu.memory_space<vmem>>
      %dma_start3A_451 = tpu.memref_squeeze %dma_start3A_450 : memref<1x128xi32, #tpu.memory_space<vmem>> -> memref<128xi32, #tpu.memory_space<vmem>>
      %dma_start3A_452 = tpu.memref_slice %arg4[%mul3A_438] : memref<327680xi32, #tpu.memory_space<hbm>> -> memref<128xi32, #tpu.memory_space<hbm>>
      %dma_start3A_453 = arith.constant 0 : i32
      %dma_start3A_454 = tpu.memref_slice %arg7[%dma_start3A_448, %dma_start3A_453] : memref<4x128xi32, #tpu.memory_space<vmem>> -> memref<1x128xi32, #tpu.memory_space<vmem>>
      %dma_start3A_455 = tpu.memref_squeeze %dma_start3A_454 : memref<1x128xi32, #tpu.memory_space<vmem>> -> memref<128xi32, #tpu.memory_space<vmem>>
      %dma_start3A_456 = tpu.memref_slice %arg4[%mul3A_438] : memref<327680xi32, #tpu.memory_space<hbm>> -> memref<128xi32, #tpu.memory_space<hbm>>
      tpu.enqueue_dma source(%dma_start3A_456 : memref<128xi32, #tpu.memory_space<hbm>>) target(%dma_start3A_455 : memref<128xi32, #tpu.memory_space<vmem>>) target_semaphore(%arg14 : memref<!tpu.dma_semaphore, #tpu.memory_space<semaphore_mem>>)
      %mul3A_457 = arith.constant 4 : i32
      %mul3A_458 = arith.muli %add3A_255, %mul3A_457 : i32
      %add3A_459 = arith.constant 2 : i32
      %add3A_460 = arith.addi %add3A_459, %mul3A_458 : i32
      %add3A_461 = arith.constant 3 : i32
      %add3A_462 = arith.addi %add3A_460, %add3A_461 : i32
      %dma_wait3A_463 = arith.constant 0 : i32
      %dma_wait3A_464 = arith.constant 0 : i32
      %dma_wait3A_465 = tpu.memref_slice %arg2[%dma_wait3A_463, %dma_wait3A_464] : memref<10000x128xf32, #tpu.memory_space<hbm>> -> memref<128x128xf32, #tpu.memory_space<hbm>>
      %dma_wait3A_466 = arith.constant 0 : i32
      %dma_wait3A_467 = arith.constant 0 : i32
      %dma_wait3A_468 = tpu.memref_slice %arg2[%dma_wait3A_466, %dma_wait3A_467] : memref<10000x128xf32, #tpu.memory_space<hbm>> -> memref<128x128xf32, #tpu.memory_space<hbm>>
      tpu.wait_dma2 semaphore(%arg17 : memref<!tpu.dma_semaphore, #tpu.memory_space<semaphore_mem>>) src(%dma_wait3A_468 : memref<128x128xf32, #tpu.memory_space<hbm>>) dst(%arg9 : memref<128x128xf32, #tpu.memory_space<vmem>>)
      %dma_wait3A_469 = arith.constant 2 : i32
      %dma_wait3A_470 = arith.constant 0 : i32
      %dma_wait3A_471 = tpu.memref_slice %arg6[%dma_wait3A_469, %dma_wait3A_470] : memref<4x128xi32, #tpu.memory_space<vmem>> -> memref<1x128xi32, #tpu.memory_space<vmem>>
      %dma_wait3A_472 = tpu.memref_squeeze %dma_wait3A_471 : memref<1x128xi32, #tpu.memory_space<vmem>> -> memref<128xi32, #tpu.memory_space<vmem>>
      %dma_wait3A_473 = arith.constant 0 : i32
      %dma_wait3A_474 = tpu.memref_slice %arg3[%dma_wait3A_473] : memref<327680xi32, #tpu.memory_space<hbm>> -> memref<128xi32, #tpu.memory_space<hbm>>
      %dma_wait3A_475 = arith.constant 0 : i32
      %dma_wait3A_476 = tpu.memref_slice %arg6[%dma_wait3A_469, %dma_wait3A_475] : memref<4x128xi32, #tpu.memory_space<vmem>> -> memref<1x128xi32, #tpu.memory_space<vmem>>
      %dma_wait3A_477 = tpu.memref_squeeze %dma_wait3A_476 : memref<1x128xi32, #tpu.memory_space<vmem>> -> memref<128xi32, #tpu.memory_space<vmem>>
      %dma_wait3A_478 = arith.constant 0 : i32
      %dma_wait3A_479 = tpu.memref_slice %arg3[%dma_wait3A_478] : memref<327680xi32, #tpu.memory_space<hbm>> -> memref<128xi32, #tpu.memory_space<hbm>>
      tpu.wait_dma2 semaphore(%arg14 : memref<!tpu.dma_semaphore, #tpu.memory_space<semaphore_mem>>) src(%dma_wait3A_479 : memref<128xi32, #tpu.memory_space<hbm>>) dst(%dma_wait3A_477 : memref<128xi32, #tpu.memory_space<vmem>>)
      %dma_wait3A_480 = arith.constant 2 : i32
      %dma_wait3A_481 = arith.constant 0 : i32
      %dma_wait3A_482 = tpu.memref_slice %arg7[%dma_wait3A_480, %dma_wait3A_481] : memref<4x128xi32, #tpu.memory_space<vmem>> -> memref<1x128xi32, #tpu.memory_space<vmem>>
      %dma_wait3A_483 = tpu.memref_squeeze %dma_wait3A_482 : memref<1x128xi32, #tpu.memory_space<vmem>> -> memref<128xi32, #tpu.memory_space<vmem>>
      %dma_wait3A_484 = arith.constant 0 : i32
      %dma_wait3A_485 = tpu.memref_slice %arg4[%dma_wait3A_484] : memref<327680xi32, #tpu.memory_space<hbm>> -> memref<128xi32, #tpu.memory_space<hbm>>
      %dma_wait3A_486 = arith.constant 0 : i32
      %dma_wait3A_487 = tpu.memref_slice %arg7[%dma_wait3A_480, %dma_wait3A_486] : memref<4x128xi32, #tpu.memory_space<vmem>> -> memref<1x128xi32, #tpu.memory_space<vmem>>
      %dma_wait3A_488 = tpu.memref_squeeze %dma_wait3A_487 : memref<1x128xi32, #tpu.memory_space<vmem>> -> memref<128xi32, #tpu.memory_space<vmem>>
      %dma_wait3A_489 = arith.constant 0 : i32
      %dma_wait3A_490 = tpu.memref_slice %arg4[%dma_wait3A_489] : memref<327680xi32, #tpu.memory_space<hbm>> -> memref<128xi32, #tpu.memory_space<hbm>>
      tpu.wait_dma2 semaphore(%arg14 : memref<!tpu.dma_semaphore, #tpu.memory_space<semaphore_mem>>) src(%dma_wait3A_490 : memref<128xi32, #tpu.memory_space<hbm>>) dst(%dma_wait3A_488 : memref<128xi32, #tpu.memory_space<vmem>>)
      %dma_start3A_491 = arith.constant 2 : i32
      %dma_start3A_492 = arith.constant 0 : i32
      %dma_start3A_493 = tpu.memref_slice %arg6[%dma_start3A_491, %dma_start3A_492] : memref<4x128xi32, #tpu.memory_space<vmem>> -> memref<1x128xi32, #tpu.memory_space<vmem>>
      %dma_start3A_494 = tpu.memref_squeeze %dma_start3A_493 : memref<1x128xi32, #tpu.memory_space<vmem>> -> memref<128xi32, #tpu.memory_space<vmem>>
      %dma_start3A_495 = arith.constant 0 : i32
      %dma_start3A_496 = arith.constant 0 : i32
      %dma_start3A_497 = tpu.memref_slice %arg2[%dma_start3A_495, %dma_start3A_496] : memref<10000x128xf32, #tpu.memory_space<hbm>> -> memref<10000x128xf32, #tpu.memory_space<hbm>>
      tpu.enqueue_indirect_dma source(%dma_start3A_497 : memref<10000x128xf32, #tpu.memory_space<hbm>>) target(%arg8 : memref<128x128xf32, #tpu.memory_space<vmem>>) offsets(%dma_start3A_494 : memref<128xi32, #tpu.memory_space<vmem>>) semaphore(%arg16 : memref<!tpu.dma_semaphore, #tpu.memory_space<semaphore_mem>>)
      %run_scoped3A_498 = arith.constant 1 : i32
      "tpu.region"() ({
        %run_scoped3A_524 = tpu.sem_alloc : memref<!tpu.dma_semaphore, #tpu.memory_space<semaphore_mem>>
        %dma_start3A_525 = arith.constant 0 : i32
        %dma_start3A_526 = tpu.memref_slice %arg7[%run_scoped3A_498, %dma_start3A_525] : memref<4x128xi32, #tpu.memory_space<vmem>> -> memref<1x128xi32, #tpu.memory_space<vmem>>
        %dma_start3A_527 = tpu.memref_squeeze %dma_start3A_526 : memref<1x128xi32, #tpu.memory_space<vmem>> -> memref<128xi32, #tpu.memory_space<vmem>>
        %dma_start3A_528 = arith.constant 0 : i32
        %dma_start3A_529 = arith.constant 0 : i32
        %dma_start3A_530 = tpu.memref_slice %arg11[%dma_start3A_528, %dma_start3A_529] : memref<10112x128xf32, #tpu.memory_space<vmem_shared>> -> memref<10112x128xf32, #tpu.memory_space<vmem_shared>>
        tpu.enqueue_indirect_dma source(%arg9 : memref<128x128xf32, #tpu.memory_space<vmem>>) target(%dma_start3A_530 : memref<10112x128xf32, #tpu.memory_space<vmem_shared>>) offsets(%dma_start3A_527 : memref<128xi32, #tpu.memory_space<vmem>>) semaphore(%run_scoped3A_524 : memref<!tpu.dma_semaphore, #tpu.memory_space<semaphore_mem>>) {add = true}
        %dma_wait3A_531 = arith.constant 0 : i32
        %dma_wait3A_532 = tpu.memref_slice %arg7[%run_scoped3A_498, %dma_wait3A_531] : memref<4x128xi32, #tpu.memory_space<vmem>> -> memref<1x128xi32, #tpu.memory_space<vmem>>
        %dma_wait3A_533 = tpu.memref_squeeze %dma_wait3A_532 : memref<1x128xi32, #tpu.memory_space<vmem>> -> memref<128xi32, #tpu.memory_space<vmem>>
        %dma_wait3A_534 = arith.constant 0 : i32
        %dma_wait3A_535 = arith.constant 0 : i32
        %dma_wait3A_536 = tpu.memref_slice %arg11[%dma_wait3A_534, %dma_wait3A_535] : memref<10112x128xf32, #tpu.memory_space<vmem_shared>> -> memref<10112x128xf32, #tpu.memory_space<vmem_shared>>
        tpu.wait_indirect_dma semaphore(%run_scoped3A_524 : memref<!tpu.dma_semaphore, #tpu.memory_space<semaphore_mem>>) src(%arg9 : memref<128x128xf32, #tpu.memory_space<vmem>>) dst(%dma_wait3A_536 : memref<10112x128xf32, #tpu.memory_space<vmem_shared>>)
        tpu.yield
      }) : () -> ()
      %add3A_499 = arith.constant 2 : i32
      %add3A_500 = arith.addi %add3A_462, %add3A_499 : i32
      %mul3A_501 = arith.constant 32 : i32
      %mul3A_502 = arith.muli %add3A_500, %mul3A_501 : i32
      %add3A_503 = arith.addi %add3A, %mul3A_502 : i32
      %mul3A_504 = arith.constant 128 : i32
      %mul3A_505 = arith.muli %add3A_503, %mul3A_504 : i32
      %dma_start3A_506 = arith.constant 3 : i32
      %dma_start3A_507 = arith.constant 0 : i32
      %dma_start3A_508 = tpu.memref_slice %arg6[%dma_start3A_506, %dma_start3A_507] : memref<4x128xi32, #tpu.memory_space<vmem>> -> memref<1x128xi32, #tpu.memory_space<vmem>>
      %dma_start3A_509 = tpu.memref_squeeze %dma_start3A_508 : memref<1x128xi32, #tpu.memory_space<vmem>> -> memref<128xi32, #tpu.memory_space<vmem>>
      %dma_start3A_510 = tpu.memref_slice %arg3[%mul3A_505] : memref<327680xi32, #tpu.memory_space<hbm>> -> memref<128xi32, #tpu.memory_space<hbm>>
      %dma_start3A_511 = arith.constant 0 : i32
      %dma_start3A_512 = tpu.memref_slice %arg6[%dma_start3A_506, %dma_start3A_511] : memref<4x128xi32, #tpu.memory_space<vmem>> -> memref<1x128xi32, #tpu.memory_space<vmem>>
      %dma_start3A_513 = tpu.memref_squeeze %dma_start3A_512 : memref<1x128xi32, #tpu.memory_space<vmem>> -> memref<128xi32, #tpu.memory_space<vmem>>
      %dma_start3A_514 = tpu.memref_slice %arg3[%mul3A_505] : memref<327680xi32, #tpu.memory_space<hbm>> -> memref<128xi32, #tpu.memory_space<hbm>>
      tpu.enqueue_dma source(%dma_start3A_514 : memref<128xi32, #tpu.memory_space<hbm>>) target(%dma_start3A_513 : memref<128xi32, #tpu.memory_space<vmem>>) target_semaphore(%arg15 : memref<!tpu.dma_semaphore, #tpu.memory_space<semaphore_mem>>)
      %dma_start3A_515 = arith.constant 3 : i32
      %dma_start3A_516 = arith.constant 0 : i32
      %dma_start3A_517 = tpu.memref_slice %arg7[%dma_start3A_515, %dma_start3A_516] : memref<4x128xi32, #tpu.memory_space<vmem>> -> memref<1x128xi32, #tpu.memory_space<vmem>>
      %dma_start3A_518 = tpu.memref_squeeze %dma_start3A_517 : memref<1x128xi32, #tpu.memory_space<vmem>> -> memref<128xi32, #tpu.memory_space<vmem>>
      %dma_start3A_519 = tpu.memref_slice %arg4[%mul3A_505] : memref<327680xi32, #tpu.memory_space<hbm>> -> memref<128xi32, #tpu.memory_space<hbm>>
      %dma_start3A_520 = arith.constant 0 : i32
      %dma_start3A_521 = tpu.memref_slice %arg7[%dma_start3A_515, %dma_start3A_520] : memref<4x128xi32, #tpu.memory_space<vmem>> -> memref<1x128xi32, #tpu.memory_space<vmem>>
      %dma_start3A_522 = tpu.memref_squeeze %dma_start3A_521 : memref<1x128xi32, #tpu.memory_space<vmem>> -> memref<128xi32, #tpu.memory_space<vmem>>
      %dma_start3A_523 = tpu.memref_slice %arg4[%mul3A_505] : memref<327680xi32, #tpu.memory_space<hbm>> -> memref<128xi32, #tpu.memory_space<hbm>>
      tpu.enqueue_dma source(%dma_start3A_523 : memref<128xi32, #tpu.memory_space<hbm>>) target(%dma_start3A_522 : memref<128xi32, #tpu.memory_space<vmem>>) target_semaphore(%arg15 : memref<!tpu.dma_semaphore, #tpu.memory_space<semaphore_mem>>)
    }
    %scan3A_203 = arith.constant 19 : i32
    %dma_wait3A_204 = arith.constant 0 : i32
    %dma_wait3A_205 = arith.constant 0 : i32
    %dma_wait3A_206 = tpu.memref_slice %arg2[%dma_wait3A_204, %dma_wait3A_205] : memref<10000x128xf32, #tpu.memory_space<hbm>> -> memref<128x128xf32, #tpu.memory_space<hbm>>
    %dma_wait3A_207 = arith.constant 0 : i32
    %dma_wait3A_208 = arith.constant 0 : i32
    %dma_wait3A_209 = tpu.memref_slice %arg2[%dma_wait3A_207, %dma_wait3A_208] : memref<10000x128xf32, #tpu.memory_space<hbm>> -> memref<128x128xf32, #tpu.memory_space<hbm>>
    tpu.wait_dma2 semaphore(%arg16 : memref<!tpu.dma_semaphore, #tpu.memory_space<semaphore_mem>>) src(%dma_wait3A_209 : memref<128x128xf32, #tpu.memory_space<hbm>>) dst(%arg8 : memref<128x128xf32, #tpu.memory_space<vmem>>)
    %dma_wait3A_210 = arith.constant 3 : i32
    %dma_wait3A_211 = arith.constant 0 : i32
    %dma_wait3A_212 = tpu.memref_slice %arg6[%dma_wait3A_210, %dma_wait3A_211] : memref<4x128xi32, #tpu.memory_space<vmem>> -> memref<1x128xi32, #tpu.memory_space<vmem>>
    %dma_wait3A_213 = tpu.memref_squeeze %dma_wait3A_212 : memref<1x128xi32, #tpu.memory_space<vmem>> -> memref<128xi32, #tpu.memory_space<vmem>>
    %dma_wait3A_214 = arith.constant 0 : i32
    %dma_wait3A_215 = tpu.memref_slice %arg3[%dma_wait3A_214] : memref<327680xi32, #tpu.memory_space<hbm>> -> memref<128xi32, #tpu.memory_space<hbm>>
    %dma_wait3A_216 = arith.constant 0 : i32
    %dma_wait3A_217 = tpu.memref_slice %arg6[%dma_wait3A_210, %dma_wait3A_216] : memref<4x128xi32, #tpu.memory_space<vmem>> -> memref<1x128xi32, #tpu.memory_space<vmem>>
    %dma_wait3A_218 = tpu.memref_squeeze %dma_wait3A_217 : memref<1x128xi32, #tpu.memory_space<vmem>> -> memref<128xi32, #tpu.memory_space<vmem>>
    %dma_wait3A_219 = arith.constant 0 : i32
    %dma_wait3A_220 = tpu.memref_slice %arg3[%dma_wait3A_219] : memref<327680xi32, #tpu.memory_space<hbm>> -> memref<128xi32, #tpu.memory_space<hbm>>
    tpu.wait_dma2 semaphore(%arg15 : memref<!tpu.dma_semaphore, #tpu.memory_space<semaphore_mem>>) src(%dma_wait3A_220 : memref<128xi32, #tpu.memory_space<hbm>>) dst(%dma_wait3A_218 : memref<128xi32, #tpu.memory_space<vmem>>)
    %dma_wait3A_221 = arith.constant 3 : i32
    %dma_wait3A_222 = arith.constant 0 : i32
    %dma_wait3A_223 = tpu.memref_slice %arg7[%dma_wait3A_221, %dma_wait3A_222] : memref<4x128xi32, #tpu.memory_space<vmem>> -> memref<1x128xi32, #tpu.memory_space<vmem>>
    %dma_wait3A_224 = tpu.memref_squeeze %dma_wait3A_223 : memref<1x128xi32, #tpu.memory_space<vmem>> -> memref<128xi32, #tpu.memory_space<vmem>>
    %dma_wait3A_225 = arith.constant 0 : i32
    %dma_wait3A_226 = tpu.memref_slice %arg4[%dma_wait3A_225] : memref<327680xi32, #tpu.memory_space<hbm>> -> memref<128xi32, #tpu.memory_space<hbm>>
    %dma_wait3A_227 = arith.constant 0 : i32
    %dma_wait3A_228 = tpu.memref_slice %arg7[%dma_wait3A_221, %dma_wait3A_227] : memref<4x128xi32, #tpu.memory_space<vmem>> -> memref<1x128xi32, #tpu.memory_space<vmem>>
    %dma_wait3A_229 = tpu.memref_squeeze %dma_wait3A_228 : memref<1x128xi32, #tpu.memory_space<vmem>> -> memref<128xi32, #tpu.memory_space<vmem>>
    %dma_wait3A_230 = arith.constant 0 : i32
    %dma_wait3A_231 = tpu.memref_slice %arg4[%dma_wait3A_230] : memref<327680xi32, #tpu.memory_space<hbm>> -> memref<128xi32, #tpu.memory_space<hbm>>
    tpu.wait_dma2 semaphore(%arg15 : memref<!tpu.dma_semaphore, #tpu.memory_space<semaphore_mem>>) src(%dma_wait3A_231 : memref<128xi32, #tpu.memory_space<hbm>>) dst(%dma_wait3A_229 : memref<128xi32, #tpu.memory_space<vmem>>)
    %dma_start3A_232 = arith.constant 3 : i32
    %dma_start3A_233 = arith.constant 0 : i32
    %dma_start3A_234 = tpu.memref_slice %arg6[%dma_start3A_232, %dma_start3A_233] : memref<4x128xi32, #tpu.memory_space<vmem>> -> memref<1x128xi32, #tpu.memory_space<vmem>>
    %dma_start3A_235 = tpu.memref_squeeze %dma_start3A_234 : memref<1x128xi32, #tpu.memory_space<vmem>> -> memref<128xi32, #tpu.memory_space<vmem>>
    %dma_start3A_236 = arith.constant 0 : i32
    %dma_start3A_237 = arith.constant 0 : i32
    %dma_start3A_238 = tpu.memref_slice %arg2[%dma_start3A_236, %dma_start3A_237] : memref<10000x128xf32, #tpu.memory_space<hbm>> -> memref<10000x128xf32, #tpu.memory_space<hbm>>
    tpu.enqueue_indirect_dma source(%dma_start3A_238 : memref<10000x128xf32, #tpu.memory_space<hbm>>) target(%arg9 : memref<128x128xf32, #tpu.memory_space<vmem>>) offsets(%dma_start3A_235 : memref<128xi32, #tpu.memory_space<vmem>>) semaphore(%arg17 : memref<!tpu.dma_semaphore, #tpu.memory_space<semaphore_mem>>)
    %run_scoped3A_239 = arith.constant 2 : i32
    "tpu.region"() ({
      %run_scoped3A_251 = tpu.sem_alloc : memref<!tpu.dma_semaphore, #tpu.memory_space<semaphore_mem>>
      %dma_start3A_252 = arith.constant 0 : i32
      %dma_start3A_253 = tpu.memref_slice %arg7[%run_scoped3A_239, %dma_start3A_252] : memref<4x128xi32, #tpu.memory_space<vmem>> -> memref<1x128xi32, #tpu.memory_space<vmem>>
      %dma_start3A_254 = tpu.memref_squeeze %dma_start3A_253 : memref<1x128xi32, #tpu.memory_space<vmem>> -> memref<128xi32, #tpu.memory_space<vmem>>
      %dma_start3A_255 = arith.constant 0 : i32
      %dma_start3A_256 = arith.constant 0 : i32
      %dma_start3A_257 = tpu.memref_slice %arg11[%dma_start3A_255, %dma_start3A_256] : memref<10112x128xf32, #tpu.memory_space<vmem_shared>> -> memref<10112x128xf32, #tpu.memory_space<vmem_shared>>
      tpu.enqueue_indirect_dma source(%arg8 : memref<128x128xf32, #tpu.memory_space<vmem>>) target(%dma_start3A_257 : memref<10112x128xf32, #tpu.memory_space<vmem_shared>>) offsets(%dma_start3A_254 : memref<128xi32, #tpu.memory_space<vmem>>) semaphore(%run_scoped3A_251 : memref<!tpu.dma_semaphore, #tpu.memory_space<semaphore_mem>>) {add = true}
      %dma_wait3A_258 = arith.constant 0 : i32
      %dma_wait3A_259 = tpu.memref_slice %arg7[%run_scoped3A_239, %dma_wait3A_258] : memref<4x128xi32, #tpu.memory_space<vmem>> -> memref<1x128xi32, #tpu.memory_space<vmem>>
      %dma_wait3A_260 = tpu.memref_squeeze %dma_wait3A_259 : memref<1x128xi32, #tpu.memory_space<vmem>> -> memref<128xi32, #tpu.memory_space<vmem>>
      %dma_wait3A_261 = arith.constant 0 : i32
      %dma_wait3A_262 = arith.constant 0 : i32
      %dma_wait3A_263 = tpu.memref_slice %arg11[%dma_wait3A_261, %dma_wait3A_262] : memref<10112x128xf32, #tpu.memory_space<vmem_shared>> -> memref<10112x128xf32, #tpu.memory_space<vmem_shared>>
      tpu.wait_indirect_dma semaphore(%run_scoped3A_251 : memref<!tpu.dma_semaphore, #tpu.memory_space<semaphore_mem>>) src(%arg8 : memref<128x128xf32, #tpu.memory_space<vmem>>) dst(%dma_wait3A_263 : memref<10112x128xf32, #tpu.memory_space<vmem_shared>>)
      tpu.yield
    }) : () -> ()
    %dma_wait3A_240 = arith.constant 0 : i32
    %dma_wait3A_241 = arith.constant 0 : i32
    %dma_wait3A_242 = tpu.memref_slice %arg2[%dma_wait3A_240, %dma_wait3A_241] : memref<10000x128xf32, #tpu.memory_space<hbm>> -> memref<128x128xf32, #tpu.memory_space<hbm>>
    %dma_wait3A_243 = arith.constant 0 : i32
    %dma_wait3A_244 = arith.constant 0 : i32
    %dma_wait3A_245 = tpu.memref_slice %arg2[%dma_wait3A_243, %dma_wait3A_244] : memref<10000x128xf32, #tpu.memory_space<hbm>> -> memref<128x128xf32, #tpu.memory_space<hbm>>
    tpu.wait_dma2 semaphore(%arg17 : memref<!tpu.dma_semaphore, #tpu.memory_space<semaphore_mem>>) src(%dma_wait3A_245 : memref<128x128xf32, #tpu.memory_space<hbm>>) dst(%arg9 : memref<128x128xf32, #tpu.memory_space<vmem>>)
    %run_scoped3A_246 = arith.constant 3 : i32
    "tpu.region"() ({
      %run_scoped3A_251 = tpu.sem_alloc : memref<!tpu.dma_semaphore, #tpu.memory_space<semaphore_mem>>
      %dma_start3A_252 = arith.constant 0 : i32
      %dma_start3A_253 = tpu.memref_slice %arg7[%run_scoped3A_246, %dma_start3A_252] : memref<4x128xi32, #tpu.memory_space<vmem>> -> memref<1x128xi32, #tpu.memory_space<vmem>>
      %dma_start3A_254 = tpu.memref_squeeze %dma_start3A_253 : memref<1x128xi32, #tpu.memory_space<vmem>> -> memref<128xi32, #tpu.memory_space<vmem>>
      %dma_start3A_255 = arith.constant 0 : i32
      %dma_start3A_256 = arith.constant 0 : i32
      %dma_start3A_257 = tpu.memref_slice %arg11[%dma_start3A_255, %dma_start3A_256] : memref<10112x128xf32, #tpu.memory_space<vmem_shared>> -> memref<10112x128xf32, #tpu.memory_space<vmem_shared>>
      tpu.enqueue_indirect_dma source(%arg9 : memref<128x128xf32, #tpu.memory_space<vmem>>) target(%dma_start3A_257 : memref<10112x128xf32, #tpu.memory_space<vmem_shared>>) offsets(%dma_start3A_254 : memref<128xi32, #tpu.memory_space<vmem>>) semaphore(%run_scoped3A_251 : memref<!tpu.dma_semaphore, #tpu.memory_space<semaphore_mem>>) {add = true}
      %dma_wait3A_258 = arith.constant 0 : i32
      %dma_wait3A_259 = tpu.memref_slice %arg7[%run_scoped3A_246, %dma_wait3A_258] : memref<4x128xi32, #tpu.memory_space<vmem>> -> memref<1x128xi32, #tpu.memory_space<vmem>>
      %dma_wait3A_260 = tpu.memref_squeeze %dma_wait3A_259 : memref<1x128xi32, #tpu.memory_space<vmem>> -> memref<128xi32, #tpu.memory_space<vmem>>
      %dma_wait3A_261 = arith.constant 0 : i32
      %dma_wait3A_262 = arith.constant 0 : i32
      %dma_wait3A_263 = tpu.memref_slice %arg11[%dma_wait3A_261, %dma_wait3A_262] : memref<10112x128xf32, #tpu.memory_space<vmem_shared>> -> memref<10112x128xf32, #tpu.memory_space<vmem_shared>>
      tpu.wait_indirect_dma semaphore(%run_scoped3A_251 : memref<!tpu.dma_semaphore, #tpu.memory_space<semaphore_mem>>) src(%arg9 : memref<128x128xf32, #tpu.memory_space<vmem>>) dst(%dma_wait3A_263 : memref<10112x128xf32, #tpu.memory_space<vmem_shared>>)
      tpu.yield
    }) : () -> ()
    %barrier3A_247 = arith.constant 0 : index
    tpu.barrier barrier_id(%barrier3A_247)
    %mul3A_248 = arith.constant 10112 : i32
    %mul3A_249 = arith.muli %arg0, %mul3A_248 : i32
    %add3A_250 = arith.addi %mul3A_249, %mul3A_7 : i32
    "tpu.region"() ({
      %run_scoped3A_251 = tpu.sem_alloc : memref<!tpu.dma_semaphore, #tpu.memory_space<semaphore_mem>>
      %dma_start3A_252 = arith.constant 0 : i32
      %dma_start3A_253 = tpu.memref_slice %arg5[%add3A_250, %dma_start3A_252] : memref<20224x128xf32, #tpu.memory_space<hbm>> -> memref<632x128xf32, #tpu.memory_space<hbm>>
      %dma_start3A_254 = arith.constant 0 : i32
      %dma_start3A_255 = tpu.memref_slice %arg11[%mul3A_7, %dma_start3A_254] : memref<10112x128xf32, #tpu.memory_space<vmem_shared>> -> memref<632x128xf32, #tpu.memory_space<vmem_shared>>
      tpu.enqueue_dma source(%dma_start3A_255 : memref<632x128xf32, #tpu.memory_space<vmem_shared>>) target(%dma_start3A_253 : memref<632x128xf32, #tpu.memory_space<hbm>>) target_semaphore(%run_scoped3A_251 : memref<!tpu.dma_semaphore, #tpu.memory_space<semaphore_mem>>)
      %dma_wait3A_256 = arith.constant 0 : i32
      %dma_wait3A_257 = tpu.memref_slice %arg5[%add3A_250, %dma_wait3A_256] : memref<20224x128xf32, #tpu.memory_space<hbm>> -> memref<632x128xf32, #tpu.memory_space<hbm>>
      %dma_wait3A_258 = arith.constant 0 : i32
      %dma_wait3A_259 = tpu.memref_slice %arg11[%mul3A_7, %dma_wait3A_258] : memref<10112x128xf32, #tpu.memory_space<vmem_shared>> -> memref<632x128xf32, #tpu.memory_space<vmem_shared>>
      tpu.wait_dma2 semaphore(%run_scoped3A_251 : memref<!tpu.dma_semaphore, #tpu.memory_space<semaphore_mem>>) src(%dma_wait3A_259 : memref<632x128xf32, #tpu.memory_space<vmem_shared>>) dst(%dma_wait3A_257 : memref<632x128xf32, #tpu.memory_space<hbm>>)
      tpu.yield
    }) : () -> ()
    return
  }
}

#map = affine_map<(d0, d1) -> (0, 0)>
#map1 = affine_map<(d0, d1) -> (0)>
module attributes {stable_mosaic.version = 14 : i64} {
  func.func @body(%arg0: i32, %arg1: i32, %arg2: memref<10112x128xf32, #tpu.memory_space<hbm>>, %arg3: memref<10112xi32, #tpu.memory_space<hbm>>, %arg4: memref<128x128xf32, #tpu.memory_space<hbm>>, %arg5: memref<128x128xf32, #tpu.memory_space<hbm>>, %arg6: memref<128xi32, #tpu.memory_space<vmem>>, %arg7: memref<128x128xf32, #tpu.memory_space<vmem>>, %arg8: memref<128x128xf32, #tpu.memory_space<vmem>>, %arg9: memref<8x128xf32, #tpu.memory_space<vmem>>, %arg10: memref<8x128xf32, #tpu.memory_space<vmem>>, %arg11: memref<72x128xf32, #tpu.memory_space<vmem_shared>>, %arg12: memref<72x128xf32, #tpu.memory_space<vmem_shared>>, %arg13: memref<!tpu.dma_semaphore, #tpu.memory_space<semaphore_mem>>) attributes {dimension_semantics = [#tpu.dimension_semantics<core_parallel>, #tpu.dimension_semantics<subcore_parallel>], iteration_bounds = array<i64: 2, 16>, scalar_prefetch = 0 : i64, scratch_operands = 8 : i64, tpu.core_type = #tpu.core_type<sc_vector_subcore>, window_params = [{transform_indices = #map}, {transform_indices = #map1}, {transform_indices = #map}, {transform_indices = #map}]} {
    %mul3A = arith.constant 2 : i32
    %mul3A_0 = arith.muli %arg1, %mul3A : i32
    %add3A = arith.addi %mul3A_0, %arg0 : i32
    %broadcast_in_dim3A = arith.constant 0.000000e+00 : f32
    %broadcast_in_dim3A_1 = vector.broadcast %broadcast_in_dim3A : f32 to vector<16xf32>
    %broadcast_in_dim3A_2 = arith.constant 1.000000e+00 : f32
    %broadcast_in_dim3A_3 = vector.broadcast %broadcast_in_dim3A_2 : f32 to vector<16xf32>
    %scan3A = arith.constant 0 : i32
    %scan3A_4 = arith.constant 8 : i32
    %scan3A_5 = arith.addi %scan3A, %scan3A_4 : i32
    %scan3A_6 = arith.constant 1 : i32
    scf.for %scan3A_31 = %scan3A to %scan3A_5 step %scan3A_6  : i32 {
      %mul3A_32 = arith.constant 1 : i32
      %mul3A_33 = arith.muli %scan3A_31, %mul3A_32 : i32
      %add3A_34 = arith.constant 0 : i32
      %add3A_35 = arith.addi %add3A_34, %mul3A_33 : i32
      %swap3A = arith.index_cast %add3A_35 : i32 to index
      %swap3A_36 = arith.constant 0 : index
      %swap3A_37 = tpu.vector_load %arg9[%swap3A, %swap3A_36] {strides = array<i32>} : memref<8x128xf32, #tpu.memory_space<vmem>>, vector<1x16xf32>,
      %swap3A_38 = vector.shape_cast %swap3A_37 : vector<1x16xf32> to vector<16xf32>
      %swap3A_39 = vector.shape_cast %broadcast_in_dim3A_1 : vector<16xf32> to vector<1x16xf32>
      tpu.vector_store %arg9[%swap3A, %swap3A_36], %swap3A_39 {strides = array<i32>} : memref<8x128xf32, #tpu.memory_space<vmem>>, vector<1x16xf32>,
      %swap3A_40 = arith.index_cast %add3A_35 : i32 to index
      %swap3A_41 = arith.constant 16 : index
      %swap3A_42 = tpu.vector_load %arg9[%swap3A_40, %swap3A_41] {strides = array<i32>} : memref<8x128xf32, #tpu.memory_space<vmem>>, vector<1x16xf32>,
      %swap3A_43 = vector.shape_cast %swap3A_42 : vector<1x16xf32> to vector<16xf32>
      %swap3A_44 = vector.shape_cast %broadcast_in_dim3A_1 : vector<16xf32> to vector<1x16xf32>
      tpu.vector_store %arg9[%swap3A_40, %swap3A_41], %swap3A_44 {strides = array<i32>} : memref<8x128xf32, #tpu.memory_space<vmem>>, vector<1x16xf32>,
      %swap3A_45 = arith.index_cast %add3A_35 : i32 to index
      %swap3A_46 = arith.constant 32 : index
      %swap3A_47 = tpu.vector_load %arg9[%swap3A_45, %swap3A_46] {strides = array<i32>} : memref<8x128xf32, #tpu.memory_space<vmem>>, vector<1x16xf32>,
      %swap3A_48 = vector.shape_cast %swap3A_47 : vector<1x16xf32> to vector<16xf32>
      %swap3A_49 = vector.shape_cast %broadcast_in_dim3A_1 : vector<16xf32> to vector<1x16xf32>
      tpu.vector_store %arg9[%swap3A_45, %swap3A_46], %swap3A_49 {strides = array<i32>} : memref<8x128xf32, #tpu.memory_space<vmem>>, vector<1x16xf32>,
      %swap3A_50 = arith.index_cast %add3A_35 : i32 to index
      %swap3A_51 = arith.constant 48 : index
      %swap3A_52 = tpu.vector_load %arg9[%swap3A_50, %swap3A_51] {strides = array<i32>} : memref<8x128xf32, #tpu.memory_space<vmem>>, vector<1x16xf32>,
      %swap3A_53 = vector.shape_cast %swap3A_52 : vector<1x16xf32> to vector<16xf32>
      %swap3A_54 = vector.shape_cast %broadcast_in_dim3A_1 : vector<16xf32> to vector<1x16xf32>
      tpu.vector_store %arg9[%swap3A_50, %swap3A_51], %swap3A_54 {strides = array<i32>} : memref<8x128xf32, #tpu.memory_space<vmem>>, vector<1x16xf32>,
      %swap3A_55 = arith.index_cast %add3A_35 : i32 to index
      %swap3A_56 = arith.constant 64 : index
      %swap3A_57 = tpu.vector_load %arg9[%swap3A_55, %swap3A_56] {strides = array<i32>} : memref<8x128xf32, #tpu.memory_space<vmem>>, vector<1x16xf32>,
      %swap3A_58 = vector.shape_cast %swap3A_57 : vector<1x16xf32> to vector<16xf32>
      %swap3A_59 = vector.shape_cast %broadcast_in_dim3A_1 : vector<16xf32> to vector<1x16xf32>
      tpu.vector_store %arg9[%swap3A_55, %swap3A_56], %swap3A_59 {strides = array<i32>} : memref<8x128xf32, #tpu.memory_space<vmem>>, vector<1x16xf32>,
      %swap3A_60 = arith.index_cast %add3A_35 : i32 to index
      %swap3A_61 = arith.constant 80 : index
      %swap3A_62 = tpu.vector_load %arg9[%swap3A_60, %swap3A_61] {strides = array<i32>} : memref<8x128xf32, #tpu.memory_space<vmem>>, vector<1x16xf32>,
      %swap3A_63 = vector.shape_cast %swap3A_62 : vector<1x16xf32> to vector<16xf32>
      %swap3A_64 = vector.shape_cast %broadcast_in_dim3A_1 : vector<16xf32> to vector<1x16xf32>
      tpu.vector_store %arg9[%swap3A_60, %swap3A_61], %swap3A_64 {strides = array<i32>} : memref<8x128xf32, #tpu.memory_space<vmem>>, vector<1x16xf32>,
      %swap3A_65 = arith.index_cast %add3A_35 : i32 to index
      %swap3A_66 = arith.constant 96 : index
      %swap3A_67 = tpu.vector_load %arg9[%swap3A_65, %swap3A_66] {strides = array<i32>} : memref<8x128xf32, #tpu.memory_space<vmem>>, vector<1x16xf32>,
      %swap3A_68 = vector.shape_cast %swap3A_67 : vector<1x16xf32> to vector<16xf32>
      %swap3A_69 = vector.shape_cast %broadcast_in_dim3A_1 : vector<16xf32> to vector<1x16xf32>
      tpu.vector_store %arg9[%swap3A_65, %swap3A_66], %swap3A_69 {strides = array<i32>} : memref<8x128xf32, #tpu.memory_space<vmem>>, vector<1x16xf32>,
      %swap3A_70 = arith.index_cast %add3A_35 : i32 to index
      %swap3A_71 = arith.constant 112 : index
      %swap3A_72 = tpu.vector_load %arg9[%swap3A_70, %swap3A_71] {strides = array<i32>} : memref<8x128xf32, #tpu.memory_space<vmem>>, vector<1x16xf32>,
      %swap3A_73 = vector.shape_cast %swap3A_72 : vector<1x16xf32> to vector<16xf32>
      %swap3A_74 = vector.shape_cast %broadcast_in_dim3A_1 : vector<16xf32> to vector<1x16xf32>
      tpu.vector_store %arg9[%swap3A_70, %swap3A_71], %swap3A_74 {strides = array<i32>} : memref<8x128xf32, #tpu.memory_space<vmem>>, vector<1x16xf32>,
      %swap3A_75 = arith.index_cast %add3A_35 : i32 to index
      %swap3A_76 = arith.constant 0 : index
      %swap3A_77 = tpu.vector_load %arg10[%swap3A_75, %swap3A_76] {strides = array<i32>} : memref<8x128xf32, #tpu.memory_space<vmem>>, vector<1x16xf32>,
      %swap3A_78 = vector.shape_cast %swap3A_77 : vector<1x16xf32> to vector<16xf32>
      %swap3A_79 = vector.shape_cast %broadcast_in_dim3A_1 : vector<16xf32> to vector<1x16xf32>
      tpu.vector_store %arg10[%swap3A_75, %swap3A_76], %swap3A_79 {strides = array<i32>} : memref<8x128xf32, #tpu.memory_space<vmem>>, vector<1x16xf32>,
      %swap3A_80 = arith.index_cast %add3A_35 : i32 to index
      %swap3A_81 = arith.constant 16 : index
      %swap3A_82 = tpu.vector_load %arg10[%swap3A_80, %swap3A_81] {strides = array<i32>} : memref<8x128xf32, #tpu.memory_space<vmem>>, vector<1x16xf32>,
      %swap3A_83 = vector.shape_cast %swap3A_82 : vector<1x16xf32> to vector<16xf32>
      %swap3A_84 = vector.shape_cast %broadcast_in_dim3A_1 : vector<16xf32> to vector<1x16xf32>
      tpu.vector_store %arg10[%swap3A_80, %swap3A_81], %swap3A_84 {strides = array<i32>} : memref<8x128xf32, #tpu.memory_space<vmem>>, vector<1x16xf32>,
      %swap3A_85 = arith.index_cast %add3A_35 : i32 to index
      %swap3A_86 = arith.constant 32 : index
      %swap3A_87 = tpu.vector_load %arg10[%swap3A_85, %swap3A_86] {strides = array<i32>} : memref<8x128xf32, #tpu.memory_space<vmem>>, vector<1x16xf32>,
      %swap3A_88 = vector.shape_cast %swap3A_87 : vector<1x16xf32> to vector<16xf32>
      %swap3A_89 = vector.shape_cast %broadcast_in_dim3A_1 : vector<16xf32> to vector<1x16xf32>
      tpu.vector_store %arg10[%swap3A_85, %swap3A_86], %swap3A_89 {strides = array<i32>} : memref<8x128xf32, #tpu.memory_space<vmem>>, vector<1x16xf32>,
      %swap3A_90 = arith.index_cast %add3A_35 : i32 to index
      %swap3A_91 = arith.constant 48 : index
      %swap3A_92 = tpu.vector_load %arg10[%swap3A_90, %swap3A_91] {strides = array<i32>} : memref<8x128xf32, #tpu.memory_space<vmem>>, vector<1x16xf32>,
      %swap3A_93 = vector.shape_cast %swap3A_92 : vector<1x16xf32> to vector<16xf32>
      %swap3A_94 = vector.shape_cast %broadcast_in_dim3A_1 : vector<16xf32> to vector<1x16xf32>
      tpu.vector_store %arg10[%swap3A_90, %swap3A_91], %swap3A_94 {strides = array<i32>} : memref<8x128xf32, #tpu.memory_space<vmem>>, vector<1x16xf32>,
      %swap3A_95 = arith.index_cast %add3A_35 : i32 to index
      %swap3A_96 = arith.constant 64 : index
      %swap3A_97 = tpu.vector_load %arg10[%swap3A_95, %swap3A_96] {strides = array<i32>} : memref<8x128xf32, #tpu.memory_space<vmem>>, vector<1x16xf32>,
      %swap3A_98 = vector.shape_cast %swap3A_97 : vector<1x16xf32> to vector<16xf32>
      %swap3A_99 = vector.shape_cast %broadcast_in_dim3A_1 : vector<16xf32> to vector<1x16xf32>
      tpu.vector_store %arg10[%swap3A_95, %swap3A_96], %swap3A_99 {strides = array<i32>} : memref<8x128xf32, #tpu.memory_space<vmem>>, vector<1x16xf32>,
      %swap3A_100 = arith.index_cast %add3A_35 : i32 to index
      %swap3A_101 = arith.constant 80 : index
      %swap3A_102 = tpu.vector_load %arg10[%swap3A_100, %swap3A_101] {strides = array<i32>} : memref<8x128xf32, #tpu.memory_space<vmem>>, vector<1x16xf32>,
      %swap3A_103 = vector.shape_cast %swap3A_102 : vector<1x16xf32> to vector<16xf32>
      %swap3A_104 = vector.shape_cast %broadcast_in_dim3A_1 : vector<16xf32> to vector<1x16xf32>
      tpu.vector_store %arg10[%swap3A_100, %swap3A_101], %swap3A_104 {strides = array<i32>} : memref<8x128xf32, #tpu.memory_space<vmem>>, vector<1x16xf32>,
      %swap3A_105 = arith.index_cast %add3A_35 : i32 to index
      %swap3A_106 = arith.constant 96 : index
      %swap3A_107 = tpu.vector_load %arg10[%swap3A_105, %swap3A_106] {strides = array<i32>} : memref<8x128xf32, #tpu.memory_space<vmem>>, vector<1x16xf32>,
      %swap3A_108 = vector.shape_cast %swap3A_107 : vector<1x16xf32> to vector<16xf32>
      %swap3A_109 = vector.shape_cast %broadcast_in_dim3A_1 : vector<16xf32> to vector<1x16xf32>
      tpu.vector_store %arg10[%swap3A_105, %swap3A_106], %swap3A_109 {strides = array<i32>} : memref<8x128xf32, #tpu.memory_space<vmem>>, vector<1x16xf32>,
      %swap3A_110 = arith.index_cast %add3A_35 : i32 to index
      %swap3A_111 = arith.constant 112 : index
      %swap3A_112 = tpu.vector_load %arg10[%swap3A_110, %swap3A_111] {strides = array<i32>} : memref<8x128xf32, #tpu.memory_space<vmem>>, vector<1x16xf32>,
      %swap3A_113 = vector.shape_cast %swap3A_112 : vector<1x16xf32> to vector<16xf32>
      %swap3A_114 = vector.shape_cast %broadcast_in_dim3A_1 : vector<16xf32> to vector<1x16xf32>
      tpu.vector_store %arg10[%swap3A_110, %swap3A_111], %swap3A_114 {strides = array<i32>} : memref<8x128xf32, #tpu.memory_space<vmem>>, vector<1x16xf32>,
    }
    %scan3A_7 = arith.constant 8 : i32
    %scan3A_8 = arith.constant 0 : i32
    %scan3A_9 = arith.constant 128 : i32
    %scan3A_10 = arith.addi %scan3A_8, %scan3A_9 : i32
    %scan3A_11 = arith.constant 1 : i32
    scf.for %scan3A_31 = %scan3A_8 to %scan3A_10 step %scan3A_11  : i32 {
      %mul3A_32 = arith.constant 1 : i32
      %mul3A_33 = arith.muli %scan3A_31, %mul3A_32 : i32
      %add3A_34 = arith.constant 0 : i32
      %add3A_35 = arith.addi %add3A_34, %mul3A_33 : i32
      %swap3A = arith.index_cast %add3A_35 : i32 to index
      %swap3A_36 = arith.constant 0 : index
      %swap3A_37 = tpu.vector_load %arg8[%swap3A, %swap3A_36] {strides = array<i32>} : memref<128x128xf32, #tpu.memory_space<vmem>>, vector<1x16xf32>,
      %swap3A_38 = vector.shape_cast %swap3A_37 : vector<1x16xf32> to vector<16xf32>
      %swap3A_39 = vector.shape_cast %broadcast_in_dim3A_3 : vector<16xf32> to vector<1x16xf32>
      tpu.vector_store %arg8[%swap3A, %swap3A_36], %swap3A_39 {strides = array<i32>} : memref<128x128xf32, #tpu.memory_space<vmem>>, vector<1x16xf32>,
      %swap3A_40 = arith.index_cast %add3A_35 : i32 to index
      %swap3A_41 = arith.constant 16 : index
      %swap3A_42 = tpu.vector_load %arg8[%swap3A_40, %swap3A_41] {strides = array<i32>} : memref<128x128xf32, #tpu.memory_space<vmem>>, vector<1x16xf32>,
      %swap3A_43 = vector.shape_cast %swap3A_42 : vector<1x16xf32> to vector<16xf32>
      %swap3A_44 = vector.shape_cast %broadcast_in_dim3A_3 : vector<16xf32> to vector<1x16xf32>
      tpu.vector_store %arg8[%swap3A_40, %swap3A_41], %swap3A_44 {strides = array<i32>} : memref<128x128xf32, #tpu.memory_space<vmem>>, vector<1x16xf32>,
      %swap3A_45 = arith.index_cast %add3A_35 : i32 to index
      %swap3A_46 = arith.constant 32 : index
      %swap3A_47 = tpu.vector_load %arg8[%swap3A_45, %swap3A_46] {strides = array<i32>} : memref<128x128xf32, #tpu.memory_space<vmem>>, vector<1x16xf32>,
      %swap3A_48 = vector.shape_cast %swap3A_47 : vector<1x16xf32> to vector<16xf32>
      %swap3A_49 = vector.shape_cast %broadcast_in_dim3A_3 : vector<16xf32> to vector<1x16xf32>
      tpu.vector_store %arg8[%swap3A_45, %swap3A_46], %swap3A_49 {strides = array<i32>} : memref<128x128xf32, #tpu.memory_space<vmem>>, vector<1x16xf32>,
      %swap3A_50 = arith.index_cast %add3A_35 : i32 to index
      %swap3A_51 = arith.constant 48 : index
      %swap3A_52 = tpu.vector_load %arg8[%swap3A_50, %swap3A_51] {strides = array<i32>} : memref<128x128xf32, #tpu.memory_space<vmem>>, vector<1x16xf32>,
      %swap3A_53 = vector.shape_cast %swap3A_52 : vector<1x16xf32> to vector<16xf32>
      %swap3A_54 = vector.shape_cast %broadcast_in_dim3A_3 : vector<16xf32> to vector<1x16xf32>
      tpu.vector_store %arg8[%swap3A_50, %swap3A_51], %swap3A_54 {strides = array<i32>} : memref<128x128xf32, #tpu.memory_space<vmem>>, vector<1x16xf32>,
      %swap3A_55 = arith.index_cast %add3A_35 : i32 to index
      %swap3A_56 = arith.constant 64 : index
      %swap3A_57 = tpu.vector_load %arg8[%swap3A_55, %swap3A_56] {strides = array<i32>} : memref<128x128xf32, #tpu.memory_space<vmem>>, vector<1x16xf32>,
      %swap3A_58 = vector.shape_cast %swap3A_57 : vector<1x16xf32> to vector<16xf32>
      %swap3A_59 = vector.shape_cast %broadcast_in_dim3A_3 : vector<16xf32> to vector<1x16xf32>
      tpu.vector_store %arg8[%swap3A_55, %swap3A_56], %swap3A_59 {strides = array<i32>} : memref<128x128xf32, #tpu.memory_space<vmem>>, vector<1x16xf32>,
      %swap3A_60 = arith.index_cast %add3A_35 : i32 to index
      %swap3A_61 = arith.constant 80 : index
      %swap3A_62 = tpu.vector_load %arg8[%swap3A_60, %swap3A_61] {strides = array<i32>} : memref<128x128xf32, #tpu.memory_space<vmem>>, vector<1x16xf32>,
      %swap3A_63 = vector.shape_cast %swap3A_62 : vector<1x16xf32> to vector<16xf32>
      %swap3A_64 = vector.shape_cast %broadcast_in_dim3A_3 : vector<16xf32> to vector<1x16xf32>
      tpu.vector_store %arg8[%swap3A_60, %swap3A_61], %swap3A_64 {strides = array<i32>} : memref<128x128xf32, #tpu.memory_space<vmem>>, vector<1x16xf32>,
      %swap3A_65 = arith.index_cast %add3A_35 : i32 to index
      %swap3A_66 = arith.constant 96 : index
      %swap3A_67 = tpu.vector_load %arg8[%swap3A_65, %swap3A_66] {strides = array<i32>} : memref<128x128xf32, #tpu.memory_space<vmem>>, vector<1x16xf32>,
      %swap3A_68 = vector.shape_cast %swap3A_67 : vector<1x16xf32> to vector<16xf32>
      %swap3A_69 = vector.shape_cast %broadcast_in_dim3A_3 : vector<16xf32> to vector<1x16xf32>
      tpu.vector_store %arg8[%swap3A_65, %swap3A_66], %swap3A_69 {strides = array<i32>} : memref<128x128xf32, #tpu.memory_space<vmem>>, vector<1x16xf32>,
      %swap3A_70 = arith.index_cast %add3A_35 : i32 to index
      %swap3A_71 = arith.constant 112 : index
      %swap3A_72 = tpu.vector_load %arg8[%swap3A_70, %swap3A_71] {strides = array<i32>} : memref<128x128xf32, #tpu.memory_space<vmem>>, vector<1x16xf32>,
      %swap3A_73 = vector.shape_cast %swap3A_72 : vector<1x16xf32> to vector<16xf32>
      %swap3A_74 = vector.shape_cast %broadcast_in_dim3A_3 : vector<16xf32> to vector<1x16xf32>
      tpu.vector_store %arg8[%swap3A_70, %swap3A_71], %swap3A_74 {strides = array<i32>} : memref<128x128xf32, #tpu.memory_space<vmem>>, vector<1x16xf32>,
    }
    %scan3A_12 = arith.constant 128 : i32
    %mul3A_13 = arith.constant 8 : i32
    %mul3A_14 = arith.muli %arg1, %mul3A_13 : i32
    %lt3A = arith.constant 9 : i32
    %lt3A_15 = arith.cmpi slt, %arg1, %lt3A : i32
    %convert_element_type3A = arith.extui %lt3A_15 : i1 to i32
    %cond3A = arith.constant 0 : i32
    %cond3A_16 = arith.cmpi ne, %convert_element_type3A, %cond3A : i32
    scf.if %cond3A_16 {
      "tpu.region"() ({
        %run_scoped3A = tpu.sem_alloc : memref<!tpu.dma_semaphore, #tpu.memory_space<semaphore_mem>>
        %dma_start3A = arith.constant 0 : i32
        %dma_start3A_31 = tpu.memref_slice %arg11[%mul3A_14, %dma_start3A] : memref<72x128xf32, #tpu.memory_space<vmem_shared>> -> memref<8x128xf32, #tpu.memory_space<vmem_shared>>
        %dma_start3A_32 = arith.constant 0 : i32
        %dma_start3A_33 = tpu.memref_slice %arg11[%mul3A_14, %dma_start3A_32] : memref<72x128xf32, #tpu.memory_space<vmem_shared>> -> memref<8x128xf32, #tpu.memory_space<vmem_shared>>
        tpu.enqueue_dma source(%arg9 : memref<8x128xf32, #tpu.memory_space<vmem>>) target(%dma_start3A_33 : memref<8x128xf32, #tpu.memory_space<vmem_shared>>) target_semaphore(%run_scoped3A : memref<!tpu.dma_semaphore, #tpu.memory_space<semaphore_mem>>)
        %dma_wait3A = arith.constant 0 : i32
        %dma_wait3A_34 = tpu.memref_slice %arg11[%mul3A_14, %dma_wait3A] : memref<72x128xf32, #tpu.memory_space<vmem_shared>> -> memref<8x128xf32, #tpu.memory_space<vmem_shared>>
        %dma_wait3A_35 = arith.constant 0 : i32
        %dma_wait3A_36 = tpu.memref_slice %arg11[%mul3A_14, %dma_wait3A_35] : memref<72x128xf32, #tpu.memory_space<vmem_shared>> -> memref<8x128xf32, #tpu.memory_space<vmem_shared>>
        tpu.wait_dma2 semaphore(%run_scoped3A : memref<!tpu.dma_semaphore, #tpu.memory_space<semaphore_mem>>) src(%arg9 : memref<8x128xf32, #tpu.memory_space<vmem>>) dst(%dma_wait3A_36 : memref<8x128xf32, #tpu.memory_space<vmem_shared>>)
        tpu.yield
      }) : () -> ()
      "tpu.region"() ({
        %run_scoped3A = tpu.sem_alloc : memref<!tpu.dma_semaphore, #tpu.memory_space<semaphore_mem>>
        %dma_start3A = arith.constant 0 : i32
        %dma_start3A_31 = tpu.memref_slice %arg12[%mul3A_14, %dma_start3A] : memref<72x128xf32, #tpu.memory_space<vmem_shared>> -> memref<8x128xf32, #tpu.memory_space<vmem_shared>>
        %dma_start3A_32 = arith.constant 0 : i32
        %dma_start3A_33 = tpu.memref_slice %arg12[%mul3A_14, %dma_start3A_32] : memref<72x128xf32, #tpu.memory_space<vmem_shared>> -> memref<8x128xf32, #tpu.memory_space<vmem_shared>>
        tpu.enqueue_dma source(%arg10 : memref<8x128xf32, #tpu.memory_space<vmem>>) target(%dma_start3A_33 : memref<8x128xf32, #tpu.memory_space<vmem_shared>>) target_semaphore(%run_scoped3A : memref<!tpu.dma_semaphore, #tpu.memory_space<semaphore_mem>>)
        %dma_wait3A = arith.constant 0 : i32
        %dma_wait3A_34 = tpu.memref_slice %arg12[%mul3A_14, %dma_wait3A] : memref<72x128xf32, #tpu.memory_space<vmem_shared>> -> memref<8x128xf32, #tpu.memory_space<vmem_shared>>
        %dma_wait3A_35 = arith.constant 0 : i32
        %dma_wait3A_36 = tpu.memref_slice %arg12[%mul3A_14, %dma_wait3A_35] : memref<72x128xf32, #tpu.memory_space<vmem_shared>> -> memref<8x128xf32, #tpu.memory_space<vmem_shared>>
        tpu.wait_dma2 semaphore(%run_scoped3A : memref<!tpu.dma_semaphore, #tpu.memory_space<semaphore_mem>>) src(%arg10 : memref<8x128xf32, #tpu.memory_space<vmem>>) dst(%dma_wait3A_36 : memref<8x128xf32, #tpu.memory_space<vmem_shared>>)
        tpu.yield
      }) : () -> ()
    } else {
    }
    %barrier3A = arith.constant 0 : index
    tpu.barrier barrier_id(%barrier3A)
    %scan3A_17 = arith.constant 0 : i32
    %scan3A_18 = arith.constant 3 : i32
    %scan3A_19 = arith.addi %scan3A_17, %scan3A_18 : i32
    %scan3A_20 = arith.constant 1 : i32
    scf.for %scan3A_31 = %scan3A_17 to %scan3A_19 step %scan3A_20  : i32 {
      %mul3A_32 = arith.constant 1 : i32
      %mul3A_33 = arith.muli %scan3A_31, %mul3A_32 : i32
      %add3A_34 = arith.constant 0 : i32
      %add3A_35 = arith.addi %add3A_34, %mul3A_33 : i32
      %mul3A_36 = arith.constant 32 : i32
      %mul3A_37 = arith.muli %add3A_35, %mul3A_36 : i32
      %add3A_38 = arith.addi %add3A, %mul3A_37 : i32
      %lt3A_39 = arith.constant 79 : i32
      %lt3A_40 = arith.cmpi slt, %add3A_38, %lt3A_39 : i32
      %convert_element_type3A_41 = arith.extui %lt3A_40 : i1 to i32
      %cond3A_42 = arith.constant 0 : i32
      %cond3A_43 = arith.cmpi ne, %convert_element_type3A_41, %cond3A_42 : i32
      scf.if %cond3A_43 {
        %mul3A_44 = arith.constant 128 : i32
        %mul3A_45 = arith.muli %add3A_38, %mul3A_44 : i32
        "tpu.region"() ({
          %run_scoped3A = tpu.sem_alloc : memref<!tpu.dma_semaphore, #tpu.memory_space<semaphore_mem>>
          %dma_start3A = tpu.memref_slice %arg3[%mul3A_45] : memref<10112xi32, #tpu.memory_space<hbm>> -> memref<128xi32, #tpu.memory_space<hbm>>
          %dma_start3A_46 = tpu.memref_slice %arg3[%mul3A_45] : memref<10112xi32, #tpu.memory_space<hbm>> -> memref<128xi32, #tpu.memory_space<hbm>>
          tpu.enqueue_dma source(%dma_start3A_46 : memref<128xi32, #tpu.memory_space<hbm>>) target(%arg6 : memref<128xi32, #tpu.memory_space<vmem>>) target_semaphore(%run_scoped3A : memref<!tpu.dma_semaphore, #tpu.memory_space<semaphore_mem>>)
          %dma_wait3A = tpu.memref_slice %arg3[%mul3A_45] : memref<10112xi32, #tpu.memory_space<hbm>> -> memref<128xi32, #tpu.memory_space<hbm>>
          %dma_wait3A_47 = tpu.memref_slice %arg3[%mul3A_45] : memref<10112xi32, #tpu.memory_space<hbm>> -> memref<128xi32, #tpu.memory_space<hbm>>
          tpu.wait_dma2 semaphore(%run_scoped3A : memref<!tpu.dma_semaphore, #tpu.memory_space<semaphore_mem>>) src(%dma_wait3A_47 : memref<128xi32, #tpu.memory_space<hbm>>) dst(%arg6 : memref<128xi32, #tpu.memory_space<vmem>>)
          tpu.yield
        }) : () -> ()
        "tpu.region"() ({
          %run_scoped3A = tpu.sem_alloc : memref<!tpu.dma_semaphore, #tpu.memory_space<semaphore_mem>>
          %dma_start3A = arith.constant 0 : i32
          %dma_start3A_46 = tpu.memref_slice %arg2[%mul3A_45, %dma_start3A] : memref<10112x128xf32, #tpu.memory_space<hbm>> -> memref<128x128xf32, #tpu.memory_space<hbm>>
          %dma_start3A_47 = arith.constant 0 : i32
          %dma_start3A_48 = tpu.memref_slice %arg2[%mul3A_45, %dma_start3A_47] : memref<10112x128xf32, #tpu.memory_space<hbm>> -> memref<128x128xf32, #tpu.memory_space<hbm>>
          tpu.enqueue_dma source(%dma_start3A_48 : memref<128x128xf32, #tpu.memory_space<hbm>>) target(%arg7 : memref<128x128xf32, #tpu.memory_space<vmem>>) target_semaphore(%run_scoped3A : memref<!tpu.dma_semaphore, #tpu.memory_space<semaphore_mem>>)
          %dma_wait3A = arith.constant 0 : i32
          %dma_wait3A_49 = tpu.memref_slice %arg2[%mul3A_45, %dma_wait3A] : memref<10112x128xf32, #tpu.memory_space<hbm>> -> memref<128x128xf32, #tpu.memory_space<hbm>>
          %dma_wait3A_50 = arith.constant 0 : i32
          %dma_wait3A_51 = tpu.memref_slice %arg2[%mul3A_45, %dma_wait3A_50] : memref<10112x128xf32, #tpu.memory_space<hbm>> -> memref<128x128xf32, #tpu.memory_space<hbm>>
          tpu.wait_dma2 semaphore(%run_scoped3A : memref<!tpu.dma_semaphore, #tpu.memory_space<semaphore_mem>>) src(%dma_wait3A_51 : memref<128x128xf32, #tpu.memory_space<hbm>>) dst(%arg7 : memref<128x128xf32, #tpu.memory_space<vmem>>)
          tpu.yield
        }) : () -> ()
        "tpu.region"() ({
          %run_scoped3A = tpu.sem_alloc : memref<!tpu.dma_semaphore, #tpu.memory_space<semaphore_mem>>
          %dma_start3A = arith.constant 0 : i32
          %dma_start3A_46 = arith.constant 0 : i32
          %dma_start3A_47 = tpu.memref_slice %arg11[%dma_start3A, %dma_start3A_46] : memref<72x128xf32, #tpu.memory_space<vmem_shared>> -> memref<72x128xf32, #tpu.memory_space<vmem_shared>>
          tpu.enqueue_indirect_dma source(%arg7 : memref<128x128xf32, #tpu.memory_space<vmem>>) target(%dma_start3A_47 : memref<72x128xf32, #tpu.memory_space<vmem_shared>>) offsets(%arg6 : memref<128xi32, #tpu.memory_space<vmem>>) semaphore(%run_scoped3A : memref<!tpu.dma_semaphore, #tpu.memory_space<semaphore_mem>>) {add = true}
          %dma_wait3A = arith.constant 0 : i32
          %dma_wait3A_48 = arith.constant 0 : i32
          %dma_wait3A_49 = tpu.memref_slice %arg11[%dma_wait3A, %dma_wait3A_48] : memref<72x128xf32, #tpu.memory_space<vmem_shared>> -> memref<72x128xf32, #tpu.memory_space<vmem_shared>>
          tpu.wait_indirect_dma semaphore(%run_scoped3A : memref<!tpu.dma_semaphore, #tpu.memory_space<semaphore_mem>>) src(%arg7 : memref<128x128xf32, #tpu.memory_space<vmem>>) dst(%dma_wait3A_49 : memref<72x128xf32, #tpu.memory_space<vmem_shared>>)
          tpu.yield
        }) : () -> ()
        "tpu.region"() ({
          %run_scoped3A = tpu.sem_alloc : memref<!tpu.dma_semaphore, #tpu.memory_space<semaphore_mem>>
          %dma_start3A = arith.constant 0 : i32
          %dma_start3A_46 = arith.constant 0 : i32
          %dma_start3A_47 = tpu.memref_slice %arg12[%dma_start3A, %dma_start3A_46] : memref<72x128xf32, #tpu.memory_space<vmem_shared>> -> memref<72x128xf32, #tpu.memory_space<vmem_shared>>
          tpu.enqueue_indirect_dma source(%arg8 : memref<128x128xf32, #tpu.memory_space<vmem>>) target(%dma_start3A_47 : memref<72x128xf32, #tpu.memory_space<vmem_shared>>) offsets(%arg6 : memref<128xi32, #tpu.memory_space<vmem>>) semaphore(%run_scoped3A : memref<!tpu.dma_semaphore, #tpu.memory_space<semaphore_mem>>) {add = true}
          %dma_wait3A = arith.constant 0 : i32
          %dma_wait3A_48 = arith.constant 0 : i32
          %dma_wait3A_49 = tpu.memref_slice %arg12[%dma_wait3A, %dma_wait3A_48] : memref<72x128xf32, #tpu.memory_space<vmem_shared>> -> memref<72x128xf32, #tpu.memory_space<vmem_shared>>
          tpu.wait_indirect_dma semaphore(%run_scoped3A : memref<!tpu.dma_semaphore, #tpu.memory_space<semaphore_mem>>) src(%arg8 : memref<128x128xf32, #tpu.memory_space<vmem>>) dst(%dma_wait3A_49 : memref<72x128xf32, #tpu.memory_space<vmem_shared>>)
          tpu.yield
        }) : () -> ()
      } else {
      }
    }
    %scan3A_21 = arith.constant 3 : i32
    %barrier3A_22 = arith.constant 0 : index
    tpu.barrier barrier_id(%barrier3A_22)
    %mul3A_23 = arith.constant 64 : i32
    %mul3A_24 = arith.muli %arg0, %mul3A_23 : i32
    %add3A_25 = arith.addi %mul3A_24, %mul3A_14 : i32
    %lt3A_26 = arith.constant 8 : i32
    %lt3A_27 = arith.cmpi slt, %arg1, %lt3A_26 : i32
    %convert_element_type3A_28 = arith.extui %lt3A_27 : i1 to i32
    %cond3A_29 = arith.constant 0 : i32
    %cond3A_30 = arith.cmpi ne, %convert_element_type3A_28, %cond3A_29 : i32
    scf.if %cond3A_30 {
      "tpu.region"() ({
        %run_scoped3A = tpu.sem_alloc : memref<!tpu.dma_semaphore, #tpu.memory_space<semaphore_mem>>
        %dma_start3A = arith.constant 0 : i32
        %dma_start3A_31 = tpu.memref_slice %arg4[%add3A_25, %dma_start3A] : memref<128x128xf32, #tpu.memory_space<hbm>> -> memref<8x128xf32, #tpu.memory_space<hbm>>
        %dma_start3A_32 = arith.constant 0 : i32
        %dma_start3A_33 = tpu.memref_slice %arg11[%mul3A_14, %dma_start3A_32] : memref<72x128xf32, #tpu.memory_space<vmem_shared>> -> memref<8x128xf32, #tpu.memory_space<vmem_shared>>
        tpu.enqueue_dma source(%dma_start3A_33 : memref<8x128xf32, #tpu.memory_space<vmem_shared>>) target(%dma_start3A_31 : memref<8x128xf32, #tpu.memory_space<hbm>>) target_semaphore(%run_scoped3A : memref<!tpu.dma_semaphore, #tpu.memory_space<semaphore_mem>>)
        %dma_wait3A = arith.constant 0 : i32
        %dma_wait3A_34 = tpu.memref_slice %arg4[%add3A_25, %dma_wait3A] : memref<128x128xf32, #tpu.memory_space<hbm>> -> memref<8x128xf32, #tpu.memory_space<hbm>>
        %dma_wait3A_35 = arith.constant 0 : i32
        %dma_wait3A_36 = tpu.memref_slice %arg11[%mul3A_14, %dma_wait3A_35] : memref<72x128xf32, #tpu.memory_space<vmem_shared>> -> memref<8x128xf32, #tpu.memory_space<vmem_shared>>
        tpu.wait_dma2 semaphore(%run_scoped3A : memref<!tpu.dma_semaphore, #tpu.memory_space<semaphore_mem>>) src(%dma_wait3A_36 : memref<8x128xf32, #tpu.memory_space<vmem_shared>>) dst(%dma_wait3A_34 : memref<8x128xf32, #tpu.memory_space<hbm>>)
        tpu.yield
      }) : () -> ()
      "tpu.region"() ({
        %run_scoped3A = tpu.sem_alloc : memref<!tpu.dma_semaphore, #tpu.memory_space<semaphore_mem>>
        %dma_start3A = arith.constant 0 : i32
        %dma_start3A_31 = tpu.memref_slice %arg5[%add3A_25, %dma_start3A] : memref<128x128xf32, #tpu.memory_space<hbm>> -> memref<8x128xf32, #tpu.memory_space<hbm>>
        %dma_start3A_32 = arith.constant 0 : i32
        %dma_start3A_33 = tpu.memref_slice %arg12[%mul3A_14, %dma_start3A_32] : memref<72x128xf32, #tpu.memory_space<vmem_shared>> -> memref<8x128xf32, #tpu.memory_space<vmem_shared>>
        tpu.enqueue_dma source(%dma_start3A_33 : memref<8x128xf32, #tpu.memory_space<vmem_shared>>) target(%dma_start3A_31 : memref<8x128xf32, #tpu.memory_space<hbm>>) target_semaphore(%run_scoped3A : memref<!tpu.dma_semaphore, #tpu.memory_space<semaphore_mem>>)
        %dma_wait3A = arith.constant 0 : i32
        %dma_wait3A_34 = tpu.memref_slice %arg5[%add3A_25, %dma_wait3A] : memref<128x128xf32, #tpu.memory_space<hbm>> -> memref<8x128xf32, #tpu.memory_space<hbm>>
        %dma_wait3A_35 = arith.constant 0 : i32
        %dma_wait3A_36 = tpu.memref_slice %arg12[%mul3A_14, %dma_wait3A_35] : memref<72x128xf32, #tpu.memory_space<vmem_shared>> -> memref<8x128xf32, #tpu.memory_space<vmem_shared>>
        tpu.wait_dma2 semaphore(%run_scoped3A : memref<!tpu.dma_semaphore, #tpu.memory_space<semaphore_mem>>) src(%dma_wait3A_36 : memref<8x128xf32, #tpu.memory_space<vmem_shared>>) dst(%dma_wait3A_34 : memref<8x128xf32, #tpu.memory_space<hbm>>)
        tpu.yield
      }) : () -> ()
    } else {
    }
    return
  }
}

#map = affine_map<(d0, d1) -> (0)>
#map1 = affine_map<(d0, d1) -> (0, 0)>
module attributes {stable_mosaic.version = 14 : i64} {
  func.func @body(%arg0: i32, %arg1: i32, %arg2: memref<327680xi32, #tpu.memory_space<hbm>>, %arg3: memref<20224x128xf32, #tpu.memory_space<hbm>>, %arg4: memref<4x128xi32, #tpu.memory_space<vmem>>, %arg5: memref<79x128xf32, #tpu.memory_space<vmem>>, %arg6: memref<128x128xf32, #tpu.memory_space<vmem>>, %arg7: memref<10112x128xf32, #tpu.memory_space<vmem_shared>>, %arg8: memref<!tpu.dma_semaphore, #tpu.memory_space<semaphore_mem>>, %arg9: memref<!tpu.dma_semaphore, #tpu.memory_space<semaphore_mem>>, %arg10: memref<!tpu.dma_semaphore, #tpu.memory_space<semaphore_mem>>, %arg11: memref<!tpu.dma_semaphore, #tpu.memory_space<semaphore_mem>>, %arg12: memref<!tpu.dma_semaphore, #tpu.memory_space<semaphore_mem>>, %arg13: memref<!tpu.dma_semaphore, #tpu.memory_space<semaphore_mem>>) attributes {dimension_semantics = [#tpu.dimension_semantics<core_parallel>, #tpu.dimension_semantics<subcore_parallel>], iteration_bounds = array<i64: 2, 16>, scalar_prefetch = 0 : i64, scratch_operands = 10 : i64, tpu.core_type = #tpu.core_type<sc_vector_subcore>, window_params = [{transform_indices = #map}, {transform_indices = #map1}]} {
    %mul3A = arith.constant 2 : i32
    %mul3A_0 = arith.muli %arg1, %mul3A : i32
    %add3A = arith.addi %mul3A_0, %arg0 : i32
    %broadcast_in_dim3A = arith.constant 0.000000e+00 : f32
    %broadcast_in_dim3A_1 = vector.broadcast %broadcast_in_dim3A : f32 to vector<16xf32>
    %broadcast_in_dim3A_2 = arith.constant 1.000000e+00 : f32
    %broadcast_in_dim3A_3 = vector.broadcast %broadcast_in_dim3A_2 : f32 to vector<16xf32>
    %scan3A = arith.constant 0 : i32
    %scan3A_4 = arith.constant 79 : i32
    %scan3A_5 = arith.addi %scan3A, %scan3A_4 : i32
    %scan3A_6 = arith.constant 1 : i32
    scf.for %scan3A_175 = %scan3A to %scan3A_5 step %scan3A_6  : i32 {
      %mul3A_176 = arith.constant 1 : i32
      %mul3A_177 = arith.muli %scan3A_175, %mul3A_176 : i32
      %add3A_178 = arith.constant 0 : i32
      %add3A_179 = arith.addi %add3A_178, %mul3A_177 : i32
      %swap3A = arith.index_cast %add3A_179 : i32 to index
      %swap3A_180 = arith.constant 0 : index
      %swap3A_181 = tpu.vector_load %arg5[%swap3A, %swap3A_180] {strides = array<i32>} : memref<79x128xf32, #tpu.memory_space<vmem>>, vector<1x16xf32>,
      %swap3A_182 = vector.shape_cast %swap3A_181 : vector<1x16xf32> to vector<16xf32>
      %swap3A_183 = vector.shape_cast %broadcast_in_dim3A_1 : vector<16xf32> to vector<1x16xf32>
      tpu.vector_store %arg5[%swap3A, %swap3A_180], %swap3A_183 {strides = array<i32>} : memref<79x128xf32, #tpu.memory_space<vmem>>, vector<1x16xf32>,
      %swap3A_184 = arith.index_cast %add3A_179 : i32 to index
      %swap3A_185 = arith.constant 16 : index
      %swap3A_186 = tpu.vector_load %arg5[%swap3A_184, %swap3A_185] {strides = array<i32>} : memref<79x128xf32, #tpu.memory_space<vmem>>, vector<1x16xf32>,
      %swap3A_187 = vector.shape_cast %swap3A_186 : vector<1x16xf32> to vector<16xf32>
      %swap3A_188 = vector.shape_cast %broadcast_in_dim3A_1 : vector<16xf32> to vector<1x16xf32>
      tpu.vector_store %arg5[%swap3A_184, %swap3A_185], %swap3A_188 {strides = array<i32>} : memref<79x128xf32, #tpu.memory_space<vmem>>, vector<1x16xf32>,
      %swap3A_189 = arith.index_cast %add3A_179 : i32 to index
      %swap3A_190 = arith.constant 32 : index
      %swap3A_191 = tpu.vector_load %arg5[%swap3A_189, %swap3A_190] {strides = array<i32>} : memref<79x128xf32, #tpu.memory_space<vmem>>, vector<1x16xf32>,
      %swap3A_192 = vector.shape_cast %swap3A_191 : vector<1x16xf32> to vector<16xf32>
      %swap3A_193 = vector.shape_cast %broadcast_in_dim3A_1 : vector<16xf32> to vector<1x16xf32>
      tpu.vector_store %arg5[%swap3A_189, %swap3A_190], %swap3A_193 {strides = array<i32>} : memref<79x128xf32, #tpu.memory_space<vmem>>, vector<1x16xf32>,
      %swap3A_194 = arith.index_cast %add3A_179 : i32 to index
      %swap3A_195 = arith.constant 48 : index
      %swap3A_196 = tpu.vector_load %arg5[%swap3A_194, %swap3A_195] {strides = array<i32>} : memref<79x128xf32, #tpu.memory_space<vmem>>, vector<1x16xf32>,
      %swap3A_197 = vector.shape_cast %swap3A_196 : vector<1x16xf32> to vector<16xf32>
      %swap3A_198 = vector.shape_cast %broadcast_in_dim3A_1 : vector<16xf32> to vector<1x16xf32>
      tpu.vector_store %arg5[%swap3A_194, %swap3A_195], %swap3A_198 {strides = array<i32>} : memref<79x128xf32, #tpu.memory_space<vmem>>, vector<1x16xf32>,
      %swap3A_199 = arith.index_cast %add3A_179 : i32 to index
      %swap3A_200 = arith.constant 64 : index
      %swap3A_201 = tpu.vector_load %arg5[%swap3A_199, %swap3A_200] {strides = array<i32>} : memref<79x128xf32, #tpu.memory_space<vmem>>, vector<1x16xf32>,
      %swap3A_202 = vector.shape_cast %swap3A_201 : vector<1x16xf32> to vector<16xf32>
      %swap3A_203 = vector.shape_cast %broadcast_in_dim3A_1 : vector<16xf32> to vector<1x16xf32>
      tpu.vector_store %arg5[%swap3A_199, %swap3A_200], %swap3A_203 {strides = array<i32>} : memref<79x128xf32, #tpu.memory_space<vmem>>, vector<1x16xf32>,
      %swap3A_204 = arith.index_cast %add3A_179 : i32 to index
      %swap3A_205 = arith.constant 80 : index
      %swap3A_206 = tpu.vector_load %arg5[%swap3A_204, %swap3A_205] {strides = array<i32>} : memref<79x128xf32, #tpu.memory_space<vmem>>, vector<1x16xf32>,
      %swap3A_207 = vector.shape_cast %swap3A_206 : vector<1x16xf32> to vector<16xf32>
      %swap3A_208 = vector.shape_cast %broadcast_in_dim3A_1 : vector<16xf32> to vector<1x16xf32>
      tpu.vector_store %arg5[%swap3A_204, %swap3A_205], %swap3A_208 {strides = array<i32>} : memref<79x128xf32, #tpu.memory_space<vmem>>, vector<1x16xf32>,
      %swap3A_209 = arith.index_cast %add3A_179 : i32 to index
      %swap3A_210 = arith.constant 96 : index
      %swap3A_211 = tpu.vector_load %arg5[%swap3A_209, %swap3A_210] {strides = array<i32>} : memref<79x128xf32, #tpu.memory_space<vmem>>, vector<1x16xf32>,
      %swap3A_212 = vector.shape_cast %swap3A_211 : vector<1x16xf32> to vector<16xf32>
      %swap3A_213 = vector.shape_cast %broadcast_in_dim3A_1 : vector<16xf32> to vector<1x16xf32>
      tpu.vector_store %arg5[%swap3A_209, %swap3A_210], %swap3A_213 {strides = array<i32>} : memref<79x128xf32, #tpu.memory_space<vmem>>, vector<1x16xf32>,
      %swap3A_214 = arith.index_cast %add3A_179 : i32 to index
      %swap3A_215 = arith.constant 112 : index
      %swap3A_216 = tpu.vector_load %arg5[%swap3A_214, %swap3A_215] {strides = array<i32>} : memref<79x128xf32, #tpu.memory_space<vmem>>, vector<1x16xf32>,
      %swap3A_217 = vector.shape_cast %swap3A_216 : vector<1x16xf32> to vector<16xf32>
      %swap3A_218 = vector.shape_cast %broadcast_in_dim3A_1 : vector<16xf32> to vector<1x16xf32>
      tpu.vector_store %arg5[%swap3A_214, %swap3A_215], %swap3A_218 {strides = array<i32>} : memref<79x128xf32, #tpu.memory_space<vmem>>, vector<1x16xf32>,
    }
    %scan3A_7 = arith.constant 79 : i32
    %scan3A_8 = arith.constant 0 : i32
    %scan3A_9 = arith.constant 128 : i32
    %scan3A_10 = arith.addi %scan3A_8, %scan3A_9 : i32
    %scan3A_11 = arith.constant 1 : i32
    scf.for %scan3A_175 = %scan3A_8 to %scan3A_10 step %scan3A_11  : i32 {
      %mul3A_176 = arith.constant 1 : i32
      %mul3A_177 = arith.muli %scan3A_175, %mul3A_176 : i32
      %add3A_178 = arith.constant 0 : i32
      %add3A_179 = arith.addi %add3A_178, %mul3A_177 : i32
      %swap3A = arith.index_cast %add3A_179 : i32 to index
      %swap3A_180 = arith.constant 0 : index
      %swap3A_181 = tpu.vector_load %arg6[%swap3A, %swap3A_180] {strides = array<i32>} : memref<128x128xf32, #tpu.memory_space<vmem>>, vector<1x16xf32>,
      %swap3A_182 = vector.shape_cast %swap3A_181 : vector<1x16xf32> to vector<16xf32>
      %swap3A_183 = vector.shape_cast %broadcast_in_dim3A_3 : vector<16xf32> to vector<1x16xf32>
      tpu.vector_store %arg6[%swap3A, %swap3A_180], %swap3A_183 {strides = array<i32>} : memref<128x128xf32, #tpu.memory_space<vmem>>, vector<1x16xf32>,
      %swap3A_184 = arith.index_cast %add3A_179 : i32 to index
      %swap3A_185 = arith.constant 16 : index
      %swap3A_186 = tpu.vector_load %arg6[%swap3A_184, %swap3A_185] {strides = array<i32>} : memref<128x128xf32, #tpu.memory_space<vmem>>, vector<1x16xf32>,
      %swap3A_187 = vector.shape_cast %swap3A_186 : vector<1x16xf32> to vector<16xf32>
      %swap3A_188 = vector.shape_cast %broadcast_in_dim3A_3 : vector<16xf32> to vector<1x16xf32>
      tpu.vector_store %arg6[%swap3A_184, %swap3A_185], %swap3A_188 {strides = array<i32>} : memref<128x128xf32, #tpu.memory_space<vmem>>, vector<1x16xf32>,
      %swap3A_189 = arith.index_cast %add3A_179 : i32 to index
      %swap3A_190 = arith.constant 32 : index
      %swap3A_191 = tpu.vector_load %arg6[%swap3A_189, %swap3A_190] {strides = array<i32>} : memref<128x128xf32, #tpu.memory_space<vmem>>, vector<1x16xf32>,
      %swap3A_192 = vector.shape_cast %swap3A_191 : vector<1x16xf32> to vector<16xf32>
      %swap3A_193 = vector.shape_cast %broadcast_in_dim3A_3 : vector<16xf32> to vector<1x16xf32>
      tpu.vector_store %arg6[%swap3A_189, %swap3A_190], %swap3A_193 {strides = array<i32>} : memref<128x128xf32, #tpu.memory_space<vmem>>, vector<1x16xf32>,
      %swap3A_194 = arith.index_cast %add3A_179 : i32 to index
      %swap3A_195 = arith.constant 48 : index
      %swap3A_196 = tpu.vector_load %arg6[%swap3A_194, %swap3A_195] {strides = array<i32>} : memref<128x128xf32, #tpu.memory_space<vmem>>, vector<1x16xf32>,
      %swap3A_197 = vector.shape_cast %swap3A_196 : vector<1x16xf32> to vector<16xf32>
      %swap3A_198 = vector.shape_cast %broadcast_in_dim3A_3 : vector<16xf32> to vector<1x16xf32>
      tpu.vector_store %arg6[%swap3A_194, %swap3A_195], %swap3A_198 {strides = array<i32>} : memref<128x128xf32, #tpu.memory_space<vmem>>, vector<1x16xf32>,
      %swap3A_199 = arith.index_cast %add3A_179 : i32 to index
      %swap3A_200 = arith.constant 64 : index
      %swap3A_201 = tpu.vector_load %arg6[%swap3A_199, %swap3A_200] {strides = array<i32>} : memref<128x128xf32, #tpu.memory_space<vmem>>, vector<1x16xf32>,
      %swap3A_202 = vector.shape_cast %swap3A_201 : vector<1x16xf32> to vector<16xf32>
      %swap3A_203 = vector.shape_cast %broadcast_in_dim3A_3 : vector<16xf32> to vector<1x16xf32>
      tpu.vector_store %arg6[%swap3A_199, %swap3A_200], %swap3A_203 {strides = array<i32>} : memref<128x128xf32, #tpu.memory_space<vmem>>, vector<1x16xf32>,
      %swap3A_204 = arith.index_cast %add3A_179 : i32 to index
      %swap3A_205 = arith.constant 80 : index
      %swap3A_206 = tpu.vector_load %arg6[%swap3A_204, %swap3A_205] {strides = array<i32>} : memref<128x128xf32, #tpu.memory_space<vmem>>, vector<1x16xf32>,
      %swap3A_207 = vector.shape_cast %swap3A_206 : vector<1x16xf32> to vector<16xf32>
      %swap3A_208 = vector.shape_cast %broadcast_in_dim3A_3 : vector<16xf32> to vector<1x16xf32>
      tpu.vector_store %arg6[%swap3A_204, %swap3A_205], %swap3A_208 {strides = array<i32>} : memref<128x128xf32, #tpu.memory_space<vmem>>, vector<1x16xf32>,
      %swap3A_209 = arith.index_cast %add3A_179 : i32 to index
      %swap3A_210 = arith.constant 96 : index
      %swap3A_211 = tpu.vector_load %arg6[%swap3A_209, %swap3A_210] {strides = array<i32>} : memref<128x128xf32, #tpu.memory_space<vmem>>, vector<1x16xf32>,
      %swap3A_212 = vector.shape_cast %swap3A_211 : vector<1x16xf32> to vector<16xf32>
      %swap3A_213 = vector.shape_cast %broadcast_in_dim3A_3 : vector<16xf32> to vector<1x16xf32>
      tpu.vector_store %arg6[%swap3A_209, %swap3A_210], %swap3A_213 {strides = array<i32>} : memref<128x128xf32, #tpu.memory_space<vmem>>, vector<1x16xf32>,
      %swap3A_214 = arith.index_cast %add3A_179 : i32 to index
      %swap3A_215 = arith.constant 112 : index
      %swap3A_216 = tpu.vector_load %arg6[%swap3A_214, %swap3A_215] {strides = array<i32>} : memref<128x128xf32, #tpu.memory_space<vmem>>, vector<1x16xf32>,
      %swap3A_217 = vector.shape_cast %swap3A_216 : vector<1x16xf32> to vector<16xf32>
      %swap3A_218 = vector.shape_cast %broadcast_in_dim3A_3 : vector<16xf32> to vector<1x16xf32>
      tpu.vector_store %arg6[%swap3A_214, %swap3A_215], %swap3A_218 {strides = array<i32>} : memref<128x128xf32, #tpu.memory_space<vmem>>, vector<1x16xf32>,
    }
    %scan3A_12 = arith.constant 128 : i32
    %mul3A_13 = arith.constant 632 : i32
    %mul3A_14 = arith.muli %arg1, %mul3A_13 : i32
    %scan3A_15 = arith.constant 0 : i32
    %scan3A_16 = arith.constant 8 : i32
    %scan3A_17 = arith.addi %scan3A_15, %scan3A_16 : i32
    %scan3A_18 = arith.constant 1 : i32
    scf.for %scan3A_175 = %scan3A_15 to %scan3A_17 step %scan3A_18  : i32 {
      %mul3A_176 = arith.constant 1 : i32
      %mul3A_177 = arith.muli %scan3A_175, %mul3A_176 : i32
      %add3A_178 = arith.constant 0 : i32
      %add3A_179 = arith.addi %add3A_178, %mul3A_177 : i32
      %mul3A_180 = arith.constant 79 : i32
      %mul3A_181 = arith.muli %add3A_179, %mul3A_180 : i32
      %add3A_182 = arith.addi %mul3A_14, %mul3A_181 : i32
      "tpu.region"() ({
        %run_scoped3A = tpu.sem_alloc : memref<!tpu.dma_semaphore, #tpu.memory_space<semaphore_mem>>
        %dma_start3A_183 = arith.constant 0 : i32
        %dma_start3A_184 = tpu.memref_slice %arg7[%add3A_182, %dma_start3A_183] : memref<10112x128xf32, #tpu.memory_space<vmem_shared>> -> memref<79x128xf32, #tpu.memory_space<vmem_shared>>
        %dma_start3A_185 = arith.constant 0 : i32
        %dma_start3A_186 = tpu.memref_slice %arg7[%add3A_182, %dma_start3A_185] : memref<10112x128xf32, #tpu.memory_space<vmem_shared>> -> memref<79x128xf32, #tpu.memory_space<vmem_shared>>
        tpu.enqueue_dma source(%arg5 : memref<79x128xf32, #tpu.memory_space<vmem>>) target(%dma_start3A_186 : memref<79x128xf32, #tpu.memory_space<vmem_shared>>) target_semaphore(%run_scoped3A : memref<!tpu.dma_semaphore, #tpu.memory_space<semaphore_mem>>)
        %dma_wait3A_187 = arith.constant 0 : i32
        %dma_wait3A_188 = tpu.memref_slice %arg7[%add3A_182, %dma_wait3A_187] : memref<10112x128xf32, #tpu.memory_space<vmem_shared>> -> memref<79x128xf32, #tpu.memory_space<vmem_shared>>
        %dma_wait3A_189 = arith.constant 0 : i32
        %dma_wait3A_190 = tpu.memref_slice %arg7[%add3A_182, %dma_wait3A_189] : memref<10112x128xf32, #tpu.memory_space<vmem_shared>> -> memref<79x128xf32, #tpu.memory_space<vmem_shared>>
        tpu.wait_dma2 semaphore(%run_scoped3A : memref<!tpu.dma_semaphore, #tpu.memory_space<semaphore_mem>>) src(%arg5 : memref<79x128xf32, #tpu.memory_space<vmem>>) dst(%dma_wait3A_190 : memref<79x128xf32, #tpu.memory_space<vmem_shared>>)
        tpu.yield
      }) : () -> ()
    }
    %scan3A_19 = arith.constant 8 : i32
    %barrier3A = arith.constant 0 : index
    tpu.barrier barrier_id(%barrier3A)
    %add3A_20 = arith.constant 0 : i32
    %add3A_21 = arith.addi %add3A, %add3A_20 : i32
    %mul3A_22 = arith.constant 128 : i32
    %mul3A_23 = arith.muli %add3A_21, %mul3A_22 : i32
    %dma_start3A = arith.constant 0 : i32
    %dma_start3A_24 = arith.constant 0 : i32
    %dma_start3A_25 = tpu.memref_slice %arg4[%dma_start3A, %dma_start3A_24] : memref<4x128xi32, #tpu.memory_space<vmem>> -> memref<1x128xi32, #tpu.memory_space<vmem>>
    %dma_start3A_26 = tpu.memref_squeeze %dma_start3A_25 : memref<1x128xi32, #tpu.memory_space<vmem>> -> memref<128xi32, #tpu.memory_space<vmem>>
    %dma_start3A_27 = tpu.memref_slice %arg2[%mul3A_23] : memref<327680xi32, #tpu.memory_space<hbm>> -> memref<128xi32, #tpu.memory_space<hbm>>
    %dma_start3A_28 = arith.constant 0 : i32
    %dma_start3A_29 = tpu.memref_slice %arg4[%dma_start3A, %dma_start3A_28] : memref<4x128xi32, #tpu.memory_space<vmem>> -> memref<1x128xi32, #tpu.memory_space<vmem>>
    %dma_start3A_30 = tpu.memref_squeeze %dma_start3A_29 : memref<1x128xi32, #tpu.memory_space<vmem>> -> memref<128xi32, #tpu.memory_space<vmem>>
    %dma_start3A_31 = tpu.memref_slice %arg2[%mul3A_23] : memref<327680xi32, #tpu.memory_space<hbm>> -> memref<128xi32, #tpu.memory_space<hbm>>
    tpu.enqueue_dma source(%dma_start3A_31 : memref<128xi32, #tpu.memory_space<hbm>>) target(%dma_start3A_30 : memref<128xi32, #tpu.memory_space<vmem>>) target_semaphore(%arg8 : memref<!tpu.dma_semaphore, #tpu.memory_space<semaphore_mem>>)
    %add3A_32 = arith.constant 32 : i32
    %add3A_33 = arith.addi %add3A, %add3A_32 : i32
    %mul3A_34 = arith.constant 128 : i32
    %mul3A_35 = arith.muli %add3A_33, %mul3A_34 : i32
    %dma_start3A_36 = arith.constant 1 : i32
    %dma_start3A_37 = arith.constant 0 : i32
    %dma_start3A_38 = tpu.memref_slice %arg4[%dma_start3A_36, %dma_start3A_37] : memref<4x128xi32, #tpu.memory_space<vmem>> -> memref<1x128xi32, #tpu.memory_space<vmem>>
    %dma_start3A_39 = tpu.memref_squeeze %dma_start3A_38 : memref<1x128xi32, #tpu.memory_space<vmem>> -> memref<128xi32, #tpu.memory_space<vmem>>
    %dma_start3A_40 = tpu.memref_slice %arg2[%mul3A_35] : memref<327680xi32, #tpu.memory_space<hbm>> -> memref<128xi32, #tpu.memory_space<hbm>>
    %dma_start3A_41 = arith.constant 0 : i32
    %dma_start3A_42 = tpu.memref_slice %arg4[%dma_start3A_36, %dma_start3A_41] : memref<4x128xi32, #tpu.memory_space<vmem>> -> memref<1x128xi32, #tpu.memory_space<vmem>>
    %dma_start3A_43 = tpu.memref_squeeze %dma_start3A_42 : memref<1x128xi32, #tpu.memory_space<vmem>> -> memref<128xi32, #tpu.memory_space<vmem>>
    %dma_start3A_44 = tpu.memref_slice %arg2[%mul3A_35] : memref<327680xi32, #tpu.memory_space<hbm>> -> memref<128xi32, #tpu.memory_space<hbm>>
    tpu.enqueue_dma source(%dma_start3A_44 : memref<128xi32, #tpu.memory_space<hbm>>) target(%dma_start3A_43 : memref<128xi32, #tpu.memory_space<vmem>>) target_semaphore(%arg9 : memref<!tpu.dma_semaphore, #tpu.memory_space<semaphore_mem>>)
    %dma_wait3A = arith.constant 0 : i32
    %dma_wait3A_45 = arith.constant 0 : i32
    %dma_wait3A_46 = tpu.memref_slice %arg4[%dma_wait3A, %dma_wait3A_45] : memref<4x128xi32, #tpu.memory_space<vmem>> -> memref<1x128xi32, #tpu.memory_space<vmem>>
    %dma_wait3A_47 = tpu.memref_squeeze %dma_wait3A_46 : memref<1x128xi32, #tpu.memory_space<vmem>> -> memref<128xi32, #tpu.memory_space<vmem>>
    %dma_wait3A_48 = arith.constant 0 : i32
    %dma_wait3A_49 = tpu.memref_slice %arg2[%dma_wait3A_48] : memref<327680xi32, #tpu.memory_space<hbm>> -> memref<128xi32, #tpu.memory_space<hbm>>
    %dma_wait3A_50 = arith.constant 0 : i32
    %dma_wait3A_51 = tpu.memref_slice %arg4[%dma_wait3A, %dma_wait3A_50] : memref<4x128xi32, #tpu.memory_space<vmem>> -> memref<1x128xi32, #tpu.memory_space<vmem>>
    %dma_wait3A_52 = tpu.memref_squeeze %dma_wait3A_51 : memref<1x128xi32, #tpu.memory_space<vmem>> -> memref<128xi32, #tpu.memory_space<vmem>>
    %dma_wait3A_53 = arith.constant 0 : i32
    %dma_wait3A_54 = tpu.memref_slice %arg2[%dma_wait3A_53] : memref<327680xi32, #tpu.memory_space<hbm>> -> memref<128xi32, #tpu.memory_space<hbm>>
    tpu.wait_dma2 semaphore(%arg8 : memref<!tpu.dma_semaphore, #tpu.memory_space<semaphore_mem>>) src(%dma_wait3A_54 : memref<128xi32, #tpu.memory_space<hbm>>) dst(%dma_wait3A_52 : memref<128xi32, #tpu.memory_space<vmem>>)
    %dma_start3A_55 = arith.constant 0 : i32
    %dma_start3A_56 = arith.constant 0 : i32
    %dma_start3A_57 = tpu.memref_slice %arg4[%dma_start3A_55, %dma_start3A_56] : memref<4x128xi32, #tpu.memory_space<vmem>> -> memref<1x128xi32, #tpu.memory_space<vmem>>
    %dma_start3A_58 = tpu.memref_squeeze %dma_start3A_57 : memref<1x128xi32, #tpu.memory_space<vmem>> -> memref<128xi32, #tpu.memory_space<vmem>>
    %dma_start3A_59 = arith.constant 0 : i32
    %dma_start3A_60 = arith.constant 0 : i32
    %dma_start3A_61 = tpu.memref_slice %arg7[%dma_start3A_59, %dma_start3A_60] : memref<10112x128xf32, #tpu.memory_space<vmem_shared>> -> memref<10112x128xf32, #tpu.memory_space<vmem_shared>>
    tpu.enqueue_indirect_dma source(%arg6 : memref<128x128xf32, #tpu.memory_space<vmem>>) target(%dma_start3A_61 : memref<10112x128xf32, #tpu.memory_space<vmem_shared>>) offsets(%dma_start3A_58 : memref<128xi32, #tpu.memory_space<vmem>>) semaphore(%arg12 : memref<!tpu.dma_semaphore, #tpu.memory_space<semaphore_mem>>) {add = true}
    %add3A_62 = arith.constant 64 : i32
    %add3A_63 = arith.addi %add3A, %add3A_62 : i32
    %mul3A_64 = arith.constant 128 : i32
    %mul3A_65 = arith.muli %add3A_63, %mul3A_64 : i32
    %dma_start3A_66 = arith.constant 2 : i32
    %dma_start3A_67 = arith.constant 0 : i32
    %dma_start3A_68 = tpu.memref_slice %arg4[%dma_start3A_66, %dma_start3A_67] : memref<4x128xi32, #tpu.memory_space<vmem>> -> memref<1x128xi32, #tpu.memory_space<vmem>>
    %dma_start3A_69 = tpu.memref_squeeze %dma_start3A_68 : memref<1x128xi32, #tpu.memory_space<vmem>> -> memref<128xi32, #tpu.memory_space<vmem>>
    %dma_start3A_70 = tpu.memref_slice %arg2[%mul3A_65] : memref<327680xi32, #tpu.memory_space<hbm>> -> memref<128xi32, #tpu.memory_space<hbm>>
    %dma_start3A_71 = arith.constant 0 : i32
    %dma_start3A_72 = tpu.memref_slice %arg4[%dma_start3A_66, %dma_start3A_71] : memref<4x128xi32, #tpu.memory_space<vmem>> -> memref<1x128xi32, #tpu.memory_space<vmem>>
    %dma_start3A_73 = tpu.memref_squeeze %dma_start3A_72 : memref<1x128xi32, #tpu.memory_space<vmem>> -> memref<128xi32, #tpu.memory_space<vmem>>
    %dma_start3A_74 = tpu.memref_slice %arg2[%mul3A_65] : memref<327680xi32, #tpu.memory_space<hbm>> -> memref<128xi32, #tpu.memory_space<hbm>>
    tpu.enqueue_dma source(%dma_start3A_74 : memref<128xi32, #tpu.memory_space<hbm>>) target(%dma_start3A_73 : memref<128xi32, #tpu.memory_space<vmem>>) target_semaphore(%arg10 : memref<!tpu.dma_semaphore, #tpu.memory_space<semaphore_mem>>)
    %dma_wait3A_75 = arith.constant 1 : i32
    %dma_wait3A_76 = arith.constant 0 : i32
    %dma_wait3A_77 = tpu.memref_slice %arg4[%dma_wait3A_75, %dma_wait3A_76] : memref<4x128xi32, #tpu.memory_space<vmem>> -> memref<1x128xi32, #tpu.memory_space<vmem>>
    %dma_wait3A_78 = tpu.memref_squeeze %dma_wait3A_77 : memref<1x128xi32, #tpu.memory_space<vmem>> -> memref<128xi32, #tpu.memory_space<vmem>>
    %dma_wait3A_79 = arith.constant 0 : i32
    %dma_wait3A_80 = tpu.memref_slice %arg2[%dma_wait3A_79] : memref<327680xi32, #tpu.memory_space<hbm>> -> memref<128xi32, #tpu.memory_space<hbm>>
    %dma_wait3A_81 = arith.constant 0 : i32
    %dma_wait3A_82 = tpu.memref_slice %arg4[%dma_wait3A_75, %dma_wait3A_81] : memref<4x128xi32, #tpu.memory_space<vmem>> -> memref<1x128xi32, #tpu.memory_space<vmem>>
    %dma_wait3A_83 = tpu.memref_squeeze %dma_wait3A_82 : memref<1x128xi32, #tpu.memory_space<vmem>> -> memref<128xi32, #tpu.memory_space<vmem>>
    %dma_wait3A_84 = arith.constant 0 : i32
    %dma_wait3A_85 = tpu.memref_slice %arg2[%dma_wait3A_84] : memref<327680xi32, #tpu.memory_space<hbm>> -> memref<128xi32, #tpu.memory_space<hbm>>
    tpu.wait_dma2 semaphore(%arg9 : memref<!tpu.dma_semaphore, #tpu.memory_space<semaphore_mem>>) src(%dma_wait3A_85 : memref<128xi32, #tpu.memory_space<hbm>>) dst(%dma_wait3A_83 : memref<128xi32, #tpu.memory_space<vmem>>)
    %dma_start3A_86 = arith.constant 1 : i32
    %dma_start3A_87 = arith.constant 0 : i32
    %dma_start3A_88 = tpu.memref_slice %arg4[%dma_start3A_86, %dma_start3A_87] : memref<4x128xi32, #tpu.memory_space<vmem>> -> memref<1x128xi32, #tpu.memory_space<vmem>>
    %dma_start3A_89 = tpu.memref_squeeze %dma_start3A_88 : memref<1x128xi32, #tpu.memory_space<vmem>> -> memref<128xi32, #tpu.memory_space<vmem>>
    %dma_start3A_90 = arith.constant 0 : i32
    %dma_start3A_91 = arith.constant 0 : i32
    %dma_start3A_92 = tpu.memref_slice %arg7[%dma_start3A_90, %dma_start3A_91] : memref<10112x128xf32, #tpu.memory_space<vmem_shared>> -> memref<10112x128xf32, #tpu.memory_space<vmem_shared>>
    tpu.enqueue_indirect_dma source(%arg6 : memref<128x128xf32, #tpu.memory_space<vmem>>) target(%dma_start3A_92 : memref<10112x128xf32, #tpu.memory_space<vmem_shared>>) offsets(%dma_start3A_89 : memref<128xi32, #tpu.memory_space<vmem>>) semaphore(%arg13 : memref<!tpu.dma_semaphore, #tpu.memory_space<semaphore_mem>>) {add = true}
    %add3A_93 = arith.constant 96 : i32
    %add3A_94 = arith.addi %add3A, %add3A_93 : i32
    %mul3A_95 = arith.constant 128 : i32
    %mul3A_96 = arith.muli %add3A_94, %mul3A_95 : i32
    %dma_start3A_97 = arith.constant 3 : i32
    %dma_start3A_98 = arith.constant 0 : i32
    %dma_start3A_99 = tpu.memref_slice %arg4[%dma_start3A_97, %dma_start3A_98] : memref<4x128xi32, #tpu.memory_space<vmem>> -> memref<1x128xi32, #tpu.memory_space<vmem>>
    %dma_start3A_100 = tpu.memref_squeeze %dma_start3A_99 : memref<1x128xi32, #tpu.memory_space<vmem>> -> memref<128xi32, #tpu.memory_space<vmem>>
    %dma_start3A_101 = tpu.memref_slice %arg2[%mul3A_96] : memref<327680xi32, #tpu.memory_space<hbm>> -> memref<128xi32, #tpu.memory_space<hbm>>
    %dma_start3A_102 = arith.constant 0 : i32
    %dma_start3A_103 = tpu.memref_slice %arg4[%dma_start3A_97, %dma_start3A_102] : memref<4x128xi32, #tpu.memory_space<vmem>> -> memref<1x128xi32, #tpu.memory_space<vmem>>
    %dma_start3A_104 = tpu.memref_squeeze %dma_start3A_103 : memref<1x128xi32, #tpu.memory_space<vmem>> -> memref<128xi32, #tpu.memory_space<vmem>>
    %dma_start3A_105 = tpu.memref_slice %arg2[%mul3A_96] : memref<327680xi32, #tpu.memory_space<hbm>> -> memref<128xi32, #tpu.memory_space<hbm>>
    tpu.enqueue_dma source(%dma_start3A_105 : memref<128xi32, #tpu.memory_space<hbm>>) target(%dma_start3A_104 : memref<128xi32, #tpu.memory_space<vmem>>) target_semaphore(%arg11 : memref<!tpu.dma_semaphore, #tpu.memory_space<semaphore_mem>>)
    %scan3A_106 = arith.constant 0 : i32
    %scan3A_107 = arith.constant 19 : i32
    %scan3A_108 = arith.addi %scan3A_106, %scan3A_107 : i32
    %scan3A_109 = arith.constant 1 : i32
    scf.for %scan3A_175 = %scan3A_106 to %scan3A_108 step %scan3A_109  : i32 {
      %mul3A_176 = arith.constant 1 : i32
      %mul3A_177 = arith.muli %scan3A_175, %mul3A_176 : i32
      %add3A_178 = arith.constant 0 : i32
      %add3A_179 = arith.addi %add3A_178, %mul3A_177 : i32
      %mul3A_180 = arith.constant 4 : i32
      %mul3A_181 = arith.muli %add3A_179, %mul3A_180 : i32
      %add3A_182 = arith.constant 2 : i32
      %add3A_183 = arith.addi %add3A_182, %mul3A_181 : i32
      %add3A_184 = arith.constant 0 : i32
      %add3A_185 = arith.addi %add3A_183, %add3A_184 : i32
      %dma_wait3A_186 = arith.constant 2 : i32
      %dma_wait3A_187 = arith.constant 0 : i32
      %dma_wait3A_188 = tpu.memref_slice %arg4[%dma_wait3A_186, %dma_wait3A_187] : memref<4x128xi32, #tpu.memory_space<vmem>> -> memref<1x128xi32, #tpu.memory_space<vmem>>
      %dma_wait3A_189 = tpu.memref_squeeze %dma_wait3A_188 : memref<1x128xi32, #tpu.memory_space<vmem>> -> memref<128xi32, #tpu.memory_space<vmem>>
      %dma_wait3A_190 = arith.constant 0 : i32
      %dma_wait3A_191 = tpu.memref_slice %arg2[%dma_wait3A_190] : memref<327680xi32, #tpu.memory_space<hbm>> -> memref<128xi32, #tpu.memory_space<hbm>>
      %dma_wait3A_192 = arith.constant 0 : i32
      %dma_wait3A_193 = tpu.memref_slice %arg4[%dma_wait3A_186, %dma_wait3A_192] : memref<4x128xi32, #tpu.memory_space<vmem>> -> memref<1x128xi32, #tpu.memory_space<vmem>>
      %dma_wait3A_194 = tpu.memref_squeeze %dma_wait3A_193 : memref<1x128xi32, #tpu.memory_space<vmem>> -> memref<128xi32, #tpu.memory_space<vmem>>
      %dma_wait3A_195 = arith.constant 0 : i32
      %dma_wait3A_196 = tpu.memref_slice %arg2[%dma_wait3A_195] : memref<327680xi32, #tpu.memory_space<hbm>> -> memref<128xi32, #tpu.memory_space<hbm>>
      tpu.wait_dma2 semaphore(%arg10 : memref<!tpu.dma_semaphore, #tpu.memory_space<semaphore_mem>>) src(%dma_wait3A_196 : memref<128xi32, #tpu.memory_space<hbm>>) dst(%dma_wait3A_194 : memref<128xi32, #tpu.memory_space<vmem>>)
      %dma_start3A_197 = arith.constant 2 : i32
      %dma_start3A_198 = arith.constant 0 : i32
      %dma_start3A_199 = tpu.memref_slice %arg4[%dma_start3A_197, %dma_start3A_198] : memref<4x128xi32, #tpu.memory_space<vmem>> -> memref<1x128xi32, #tpu.memory_space<vmem>>
      %dma_start3A_200 = tpu.memref_squeeze %dma_start3A_199 : memref<1x128xi32, #tpu.memory_space<vmem>> -> memref<128xi32, #tpu.memory_space<vmem>>
      %dma_start3A_201 = arith.constant 0 : i32
      %dma_start3A_202 = arith.constant 0 : i32
      %dma_start3A_203 = tpu.memref_slice %arg7[%dma_start3A_201, %dma_start3A_202] : memref<10112x128xf32, #tpu.memory_space<vmem_shared>> -> memref<10112x128xf32, #tpu.memory_space<vmem_shared>>
      tpu.enqueue_indirect_dma source(%arg6 : memref<128x128xf32, #tpu.memory_space<vmem>>) target(%dma_start3A_203 : memref<10112x128xf32, #tpu.memory_space<vmem_shared>>) offsets(%dma_start3A_200 : memref<128xi32, #tpu.memory_space<vmem>>) semaphore(%arg12 : memref<!tpu.dma_semaphore, #tpu.memory_space<semaphore_mem>>) {add = true}
      %dma_wait3A_204 = arith.constant 0 : i32
      %dma_wait3A_205 = arith.constant 0 : i32
      %dma_wait3A_206 = tpu.memref_slice %arg3[%dma_wait3A_204, %dma_wait3A_205] : memref<20224x128xf32, #tpu.memory_space<hbm>> -> memref<128x128xf32, #tpu.memory_space<hbm>>
      %dma_wait3A_207 = arith.constant 0 : i32
      %dma_wait3A_208 = arith.constant 0 : i32
      %dma_wait3A_209 = tpu.memref_slice %arg3[%dma_wait3A_207, %dma_wait3A_208] : memref<20224x128xf32, #tpu.memory_space<hbm>> -> memref<128x128xf32, #tpu.memory_space<hbm>>
      tpu.wait_dma2 semaphore(%arg12 : memref<!tpu.dma_semaphore, #tpu.memory_space<semaphore_mem>>) src(%dma_wait3A_209 : memref<128x128xf32, #tpu.memory_space<hbm>>) dst(%arg6 : memref<128x128xf32, #tpu.memory_space<vmem>>)
      %add3A_210 = arith.constant 2 : i32
      %add3A_211 = arith.addi %add3A_185, %add3A_210 : i32
      %mul3A_212 = arith.constant 32 : i32
      %mul3A_213 = arith.muli %add3A_211, %mul3A_212 : i32
      %add3A_214 = arith.addi %add3A, %mul3A_213 : i32
      %mul3A_215 = arith.constant 128 : i32
      %mul3A_216 = arith.muli %add3A_214, %mul3A_215 : i32
      %dma_start3A_217 = arith.constant 0 : i32
      %dma_start3A_218 = arith.constant 0 : i32
      %dma_start3A_219 = tpu.memref_slice %arg4[%dma_start3A_217, %dma_start3A_218] : memref<4x128xi32, #tpu.memory_space<vmem>> -> memref<1x128xi32, #tpu.memory_space<vmem>>
      %dma_start3A_220 = tpu.memref_squeeze %dma_start3A_219 : memref<1x128xi32, #tpu.memory_space<vmem>> -> memref<128xi32, #tpu.memory_space<vmem>>
      %dma_start3A_221 = tpu.memref_slice %arg2[%mul3A_216] : memref<327680xi32, #tpu.memory_space<hbm>> -> memref<128xi32, #tpu.memory_space<hbm>>
      %dma_start3A_222 = arith.constant 0 : i32
      %dma_start3A_223 = tpu.memref_slice %arg4[%dma_start3A_217, %dma_start3A_222] : memref<4x128xi32, #tpu.memory_space<vmem>> -> memref<1x128xi32, #tpu.memory_space<vmem>>
      %dma_start3A_224 = tpu.memref_squeeze %dma_start3A_223 : memref<1x128xi32, #tpu.memory_space<vmem>> -> memref<128xi32, #tpu.memory_space<vmem>>
      %dma_start3A_225 = tpu.memref_slice %arg2[%mul3A_216] : memref<327680xi32, #tpu.memory_space<hbm>> -> memref<128xi32, #tpu.memory_space<hbm>>
      tpu.enqueue_dma source(%dma_start3A_225 : memref<128xi32, #tpu.memory_space<hbm>>) target(%dma_start3A_224 : memref<128xi32, #tpu.memory_space<vmem>>) target_semaphore(%arg8 : memref<!tpu.dma_semaphore, #tpu.memory_space<semaphore_mem>>)
      %mul3A_226 = arith.constant 4 : i32
      %mul3A_227 = arith.muli %add3A_179, %mul3A_226 : i32
      %add3A_228 = arith.constant 2 : i32
      %add3A_229 = arith.addi %add3A_228, %mul3A_227 : i32
      %add3A_230 = arith.constant 1 : i32
      %add3A_231 = arith.addi %add3A_229, %add3A_230 : i32
      %dma_wait3A_232 = arith.constant 3 : i32
      %dma_wait3A_233 = arith.constant 0 : i32
      %dma_wait3A_234 = tpu.memref_slice %arg4[%dma_wait3A_232, %dma_wait3A_233] : memref<4x128xi32, #tpu.memory_space<vmem>> -> memref<1x128xi32, #tpu.memory_space<vmem>>
      %dma_wait3A_235 = tpu.memref_squeeze %dma_wait3A_234 : memref<1x128xi32, #tpu.memory_space<vmem>> -> memref<128xi32, #tpu.memory_space<vmem>>
      %dma_wait3A_236 = arith.constant 0 : i32
      %dma_wait3A_237 = tpu.memref_slice %arg2[%dma_wait3A_236] : memref<327680xi32, #tpu.memory_space<hbm>> -> memref<128xi32, #tpu.memory_space<hbm>>
      %dma_wait3A_238 = arith.constant 0 : i32
      %dma_wait3A_239 = tpu.memref_slice %arg4[%dma_wait3A_232, %dma_wait3A_238] : memref<4x128xi32, #tpu.memory_space<vmem>> -> memref<1x128xi32, #tpu.memory_space<vmem>>
      %dma_wait3A_240 = tpu.memref_squeeze %dma_wait3A_239 : memref<1x128xi32, #tpu.memory_space<vmem>> -> memref<128xi32, #tpu.memory_space<vmem>>
      %dma_wait3A_241 = arith.constant 0 : i32
      %dma_wait3A_242 = tpu.memref_slice %arg2[%dma_wait3A_241] : memref<327680xi32, #tpu.memory_space<hbm>> -> memref<128xi32, #tpu.memory_space<hbm>>
      tpu.wait_dma2 semaphore(%arg11 : memref<!tpu.dma_semaphore, #tpu.memory_space<semaphore_mem>>) src(%dma_wait3A_242 : memref<128xi32, #tpu.memory_space<hbm>>) dst(%dma_wait3A_240 : memref<128xi32, #tpu.memory_space<vmem>>)
      %dma_start3A_243 = arith.constant 3 : i32
      %dma_start3A_244 = arith.constant 0 : i32
      %dma_start3A_245 = tpu.memref_slice %arg4[%dma_start3A_243, %dma_start3A_244] : memref<4x128xi32, #tpu.memory_space<vmem>> -> memref<1x128xi32, #tpu.memory_space<vmem>>
      %dma_start3A_246 = tpu.memref_squeeze %dma_start3A_245 : memref<1x128xi32, #tpu.memory_space<vmem>> -> memref<128xi32, #tpu.memory_space<vmem>>
      %dma_start3A_247 = arith.constant 0 : i32
      %dma_start3A_248 = arith.constant 0 : i32
      %dma_start3A_249 = tpu.memref_slice %arg7[%dma_start3A_247, %dma_start3A_248] : memref<10112x128xf32, #tpu.memory_space<vmem_shared>> -> memref<10112x128xf32, #tpu.memory_space<vmem_shared>>
      tpu.enqueue_indirect_dma source(%arg6 : memref<128x128xf32, #tpu.memory_space<vmem>>) target(%dma_start3A_249 : memref<10112x128xf32, #tpu.memory_space<vmem_shared>>) offsets(%dma_start3A_246 : memref<128xi32, #tpu.memory_space<vmem>>) semaphore(%arg13 : memref<!tpu.dma_semaphore, #tpu.memory_space<semaphore_mem>>) {add = true}
      %dma_wait3A_250 = arith.constant 0 : i32
      %dma_wait3A_251 = arith.constant 0 : i32
      %dma_wait3A_252 = tpu.memref_slice %arg3[%dma_wait3A_250, %dma_wait3A_251] : memref<20224x128xf32, #tpu.memory_space<hbm>> -> memref<128x128xf32, #tpu.memory_space<hbm>>
      %dma_wait3A_253 = arith.constant 0 : i32
      %dma_wait3A_254 = arith.constant 0 : i32
      %dma_wait3A_255 = tpu.memref_slice %arg3[%dma_wait3A_253, %dma_wait3A_254] : memref<20224x128xf32, #tpu.memory_space<hbm>> -> memref<128x128xf32, #tpu.memory_space<hbm>>
      tpu.wait_dma2 semaphore(%arg13 : memref<!tpu.dma_semaphore, #tpu.memory_space<semaphore_mem>>) src(%dma_wait3A_255 : memref<128x128xf32, #tpu.memory_space<hbm>>) dst(%arg6 : memref<128x128xf32, #tpu.memory_space<vmem>>)
      %add3A_256 = arith.constant 2 : i32
      %add3A_257 = arith.addi %add3A_231, %add3A_256 : i32
      %mul3A_258 = arith.constant 32 : i32
      %mul3A_259 = arith.muli %add3A_257, %mul3A_258 : i32
      %add3A_260 = arith.addi %add3A, %mul3A_259 : i32
      %mul3A_261 = arith.constant 128 : i32
      %mul3A_262 = arith.muli %add3A_260, %mul3A_261 : i32
      %dma_start3A_263 = arith.constant 1 : i32
      %dma_start3A_264 = arith.constant 0 : i32
      %dma_start3A_265 = tpu.memref_slice %arg4[%dma_start3A_263, %dma_start3A_264] : memref<4x128xi32, #tpu.memory_space<vmem>> -> memref<1x128xi32, #tpu.memory_space<vmem>>
      %dma_start3A_266 = tpu.memref_squeeze %dma_start3A_265 : memref<1x128xi32, #tpu.memory_space<vmem>> -> memref<128xi32, #tpu.memory_space<vmem>>
      %dma_start3A_267 = tpu.memref_slice %arg2[%mul3A_262] : memref<327680xi32, #tpu.memory_space<hbm>> -> memref<128xi32, #tpu.memory_space<hbm>>
      %dma_start3A_268 = arith.constant 0 : i32
      %dma_start3A_269 = tpu.memref_slice %arg4[%dma_start3A_263, %dma_start3A_268] : memref<4x128xi32, #tpu.memory_space<vmem>> -> memref<1x128xi32, #tpu.memory_space<vmem>>
      %dma_start3A_270 = tpu.memref_squeeze %dma_start3A_269 : memref<1x128xi32, #tpu.memory_space<vmem>> -> memref<128xi32, #tpu.memory_space<vmem>>
      %dma_start3A_271 = tpu.memref_slice %arg2[%mul3A_262] : memref<327680xi32, #tpu.memory_space<hbm>> -> memref<128xi32, #tpu.memory_space<hbm>>
      tpu.enqueue_dma source(%dma_start3A_271 : memref<128xi32, #tpu.memory_space<hbm>>) target(%dma_start3A_270 : memref<128xi32, #tpu.memory_space<vmem>>) target_semaphore(%arg9 : memref<!tpu.dma_semaphore, #tpu.memory_space<semaphore_mem>>)
      %mul3A_272 = arith.constant 4 : i32
      %mul3A_273 = arith.muli %add3A_179, %mul3A_272 : i32
      %add3A_274 = arith.constant 2 : i32
      %add3A_275 = arith.addi %add3A_274, %mul3A_273 : i32
      %add3A_276 = arith.constant 2 : i32
      %add3A_277 = arith.addi %add3A_275, %add3A_276 : i32
      %dma_wait3A_278 = arith.constant 0 : i32
      %dma_wait3A_279 = arith.constant 0 : i32
      %dma_wait3A_280 = tpu.memref_slice %arg4[%dma_wait3A_278, %dma_wait3A_279] : memref<4x128xi32, #tpu.memory_space<vmem>> -> memref<1x128xi32, #tpu.memory_space<vmem>>
      %dma_wait3A_281 = tpu.memref_squeeze %dma_wait3A_280 : memref<1x128xi32, #tpu.memory_space<vmem>> -> memref<128xi32, #tpu.memory_space<vmem>>
      %dma_wait3A_282 = arith.constant 0 : i32
      %dma_wait3A_283 = tpu.memref_slice %arg2[%dma_wait3A_282] : memref<327680xi32, #tpu.memory_space<hbm>> -> memref<128xi32, #tpu.memory_space<hbm>>
      %dma_wait3A_284 = arith.constant 0 : i32
      %dma_wait3A_285 = tpu.memref_slice %arg4[%dma_wait3A_278, %dma_wait3A_284] : memref<4x128xi32, #tpu.memory_space<vmem>> -> memref<1x128xi32, #tpu.memory_space<vmem>>
      %dma_wait3A_286 = tpu.memref_squeeze %dma_wait3A_285 : memref<1x128xi32, #tpu.memory_space<vmem>> -> memref<128xi32, #tpu.memory_space<vmem>>
      %dma_wait3A_287 = arith.constant 0 : i32
      %dma_wait3A_288 = tpu.memref_slice %arg2[%dma_wait3A_287] : memref<327680xi32, #tpu.memory_space<hbm>> -> memref<128xi32, #tpu.memory_space<hbm>>
      tpu.wait_dma2 semaphore(%arg8 : memref<!tpu.dma_semaphore, #tpu.memory_space<semaphore_mem>>) src(%dma_wait3A_288 : memref<128xi32, #tpu.memory_space<hbm>>) dst(%dma_wait3A_286 : memref<128xi32, #tpu.memory_space<vmem>>)
      %dma_start3A_289 = arith.constant 0 : i32
      %dma_start3A_290 = arith.constant 0 : i32
      %dma_start3A_291 = tpu.memref_slice %arg4[%dma_start3A_289, %dma_start3A_290] : memref<4x128xi32, #tpu.memory_space<vmem>> -> memref<1x128xi32, #tpu.memory_space<vmem>>
      %dma_start3A_292 = tpu.memref_squeeze %dma_start3A_291 : memref<1x128xi32, #tpu.memory_space<vmem>> -> memref<128xi32, #tpu.memory_space<vmem>>
      %dma_start3A_293 = arith.constant 0 : i32
      %dma_start3A_294 = arith.constant 0 : i32
      %dma_start3A_295 = tpu.memref_slice %arg7[%dma_start3A_293, %dma_start3A_294] : memref<10112x128xf32, #tpu.memory_space<vmem_shared>> -> memref<10112x128xf32, #tpu.memory_space<vmem_shared>>
      tpu.enqueue_indirect_dma source(%arg6 : memref<128x128xf32, #tpu.memory_space<vmem>>) target(%dma_start3A_295 : memref<10112x128xf32, #tpu.memory_space<vmem_shared>>) offsets(%dma_start3A_292 : memref<128xi32, #tpu.memory_space<vmem>>) semaphore(%arg12 : memref<!tpu.dma_semaphore, #tpu.memory_space<semaphore_mem>>) {add = true}
      %dma_wait3A_296 = arith.constant 0 : i32
      %dma_wait3A_297 = arith.constant 0 : i32
      %dma_wait3A_298 = tpu.memref_slice %arg3[%dma_wait3A_296, %dma_wait3A_297] : memref<20224x128xf32, #tpu.memory_space<hbm>> -> memref<128x128xf32, #tpu.memory_space<hbm>>
      %dma_wait3A_299 = arith.constant 0 : i32
      %dma_wait3A_300 = arith.constant 0 : i32
      %dma_wait3A_301 = tpu.memref_slice %arg3[%dma_wait3A_299, %dma_wait3A_300] : memref<20224x128xf32, #tpu.memory_space<hbm>> -> memref<128x128xf32, #tpu.memory_space<hbm>>
      tpu.wait_dma2 semaphore(%arg12 : memref<!tpu.dma_semaphore, #tpu.memory_space<semaphore_mem>>) src(%dma_wait3A_301 : memref<128x128xf32, #tpu.memory_space<hbm>>) dst(%arg6 : memref<128x128xf32, #tpu.memory_space<vmem>>)
      %add3A_302 = arith.constant 2 : i32
      %add3A_303 = arith.addi %add3A_277, %add3A_302 : i32
      %mul3A_304 = arith.constant 32 : i32
      %mul3A_305 = arith.muli %add3A_303, %mul3A_304 : i32
      %add3A_306 = arith.addi %add3A, %mul3A_305 : i32
      %mul3A_307 = arith.constant 128 : i32
      %mul3A_308 = arith.muli %add3A_306, %mul3A_307 : i32
      %dma_start3A_309 = arith.constant 2 : i32
      %dma_start3A_310 = arith.constant 0 : i32
      %dma_start3A_311 = tpu.memref_slice %arg4[%dma_start3A_309, %dma_start3A_310] : memref<4x128xi32, #tpu.memory_space<vmem>> -> memref<1x128xi32, #tpu.memory_space<vmem>>
      %dma_start3A_312 = tpu.memref_squeeze %dma_start3A_311 : memref<1x128xi32, #tpu.memory_space<vmem>> -> memref<128xi32, #tpu.memory_space<vmem>>
      %dma_start3A_313 = tpu.memref_slice %arg2[%mul3A_308] : memref<327680xi32, #tpu.memory_space<hbm>> -> memref<128xi32, #tpu.memory_space<hbm>>
      %dma_start3A_314 = arith.constant 0 : i32
      %dma_start3A_315 = tpu.memref_slice %arg4[%dma_start3A_309, %dma_start3A_314] : memref<4x128xi32, #tpu.memory_space<vmem>> -> memref<1x128xi32, #tpu.memory_space<vmem>>
      %dma_start3A_316 = tpu.memref_squeeze %dma_start3A_315 : memref<1x128xi32, #tpu.memory_space<vmem>> -> memref<128xi32, #tpu.memory_space<vmem>>
      %dma_start3A_317 = tpu.memref_slice %arg2[%mul3A_308] : memref<327680xi32, #tpu.memory_space<hbm>> -> memref<128xi32, #tpu.memory_space<hbm>>
      tpu.enqueue_dma source(%dma_start3A_317 : memref<128xi32, #tpu.memory_space<hbm>>) target(%dma_start3A_316 : memref<128xi32, #tpu.memory_space<vmem>>) target_semaphore(%arg10 : memref<!tpu.dma_semaphore, #tpu.memory_space<semaphore_mem>>)
      %mul3A_318 = arith.constant 4 : i32
      %mul3A_319 = arith.muli %add3A_179, %mul3A_318 : i32
      %add3A_320 = arith.constant 2 : i32
      %add3A_321 = arith.addi %add3A_320, %mul3A_319 : i32
      %add3A_322 = arith.constant 3 : i32
      %add3A_323 = arith.addi %add3A_321, %add3A_322 : i32
      %dma_wait3A_324 = arith.constant 1 : i32
      %dma_wait3A_325 = arith.constant 0 : i32
      %dma_wait3A_326 = tpu.memref_slice %arg4[%dma_wait3A_324, %dma_wait3A_325] : memref<4x128xi32, #tpu.memory_space<vmem>> -> memref<1x128xi32, #tpu.memory_space<vmem>>
      %dma_wait3A_327 = tpu.memref_squeeze %dma_wait3A_326 : memref<1x128xi32, #tpu.memory_space<vmem>> -> memref<128xi32, #tpu.memory_space<vmem>>
      %dma_wait3A_328 = arith.constant 0 : i32
      %dma_wait3A_329 = tpu.memref_slice %arg2[%dma_wait3A_328] : memref<327680xi32, #tpu.memory_space<hbm>> -> memref<128xi32, #tpu.memory_space<hbm>>
      %dma_wait3A_330 = arith.constant 0 : i32
      %dma_wait3A_331 = tpu.memref_slice %arg4[%dma_wait3A_324, %dma_wait3A_330] : memref<4x128xi32, #tpu.memory_space<vmem>> -> memref<1x128xi32, #tpu.memory_space<vmem>>
      %dma_wait3A_332 = tpu.memref_squeeze %dma_wait3A_331 : memref<1x128xi32, #tpu.memory_space<vmem>> -> memref<128xi32, #tpu.memory_space<vmem>>
      %dma_wait3A_333 = arith.constant 0 : i32
      %dma_wait3A_334 = tpu.memref_slice %arg2[%dma_wait3A_333] : memref<327680xi32, #tpu.memory_space<hbm>> -> memref<128xi32, #tpu.memory_space<hbm>>
      tpu.wait_dma2 semaphore(%arg9 : memref<!tpu.dma_semaphore, #tpu.memory_space<semaphore_mem>>) src(%dma_wait3A_334 : memref<128xi32, #tpu.memory_space<hbm>>) dst(%dma_wait3A_332 : memref<128xi32, #tpu.memory_space<vmem>>)
      %dma_start3A_335 = arith.constant 1 : i32
      %dma_start3A_336 = arith.constant 0 : i32
      %dma_start3A_337 = tpu.memref_slice %arg4[%dma_start3A_335, %dma_start3A_336] : memref<4x128xi32, #tpu.memory_space<vmem>> -> memref<1x128xi32, #tpu.memory_space<vmem>>
      %dma_start3A_338 = tpu.memref_squeeze %dma_start3A_337 : memref<1x128xi32, #tpu.memory_space<vmem>> -> memref<128xi32, #tpu.memory_space<vmem>>
      %dma_start3A_339 = arith.constant 0 : i32
      %dma_start3A_340 = arith.constant 0 : i32
      %dma_start3A_341 = tpu.memref_slice %arg7[%dma_start3A_339, %dma_start3A_340] : memref<10112x128xf32, #tpu.memory_space<vmem_shared>> -> memref<10112x128xf32, #tpu.memory_space<vmem_shared>>
      tpu.enqueue_indirect_dma source(%arg6 : memref<128x128xf32, #tpu.memory_space<vmem>>) target(%dma_start3A_341 : memref<10112x128xf32, #tpu.memory_space<vmem_shared>>) offsets(%dma_start3A_338 : memref<128xi32, #tpu.memory_space<vmem>>) semaphore(%arg13 : memref<!tpu.dma_semaphore, #tpu.memory_space<semaphore_mem>>) {add = true}
      %dma_wait3A_342 = arith.constant 0 : i32
      %dma_wait3A_343 = arith.constant 0 : i32
      %dma_wait3A_344 = tpu.memref_slice %arg3[%dma_wait3A_342, %dma_wait3A_343] : memref<20224x128xf32, #tpu.memory_space<hbm>> -> memref<128x128xf32, #tpu.memory_space<hbm>>
      %dma_wait3A_345 = arith.constant 0 : i32
      %dma_wait3A_346 = arith.constant 0 : i32
      %dma_wait3A_347 = tpu.memref_slice %arg3[%dma_wait3A_345, %dma_wait3A_346] : memref<20224x128xf32, #tpu.memory_space<hbm>> -> memref<128x128xf32, #tpu.memory_space<hbm>>
      tpu.wait_dma2 semaphore(%arg13 : memref<!tpu.dma_semaphore, #tpu.memory_space<semaphore_mem>>) src(%dma_wait3A_347 : memref<128x128xf32, #tpu.memory_space<hbm>>) dst(%arg6 : memref<128x128xf32, #tpu.memory_space<vmem>>)
      %add3A_348 = arith.constant 2 : i32
      %add3A_349 = arith.addi %add3A_323, %add3A_348 : i32
      %mul3A_350 = arith.constant 32 : i32
      %mul3A_351 = arith.muli %add3A_349, %mul3A_350 : i32
      %add3A_352 = arith.addi %add3A, %mul3A_351 : i32
      %mul3A_353 = arith.constant 128 : i32
      %mul3A_354 = arith.muli %add3A_352, %mul3A_353 : i32
      %dma_start3A_355 = arith.constant 3 : i32
      %dma_start3A_356 = arith.constant 0 : i32
      %dma_start3A_357 = tpu.memref_slice %arg4[%dma_start3A_355, %dma_start3A_356] : memref<4x128xi32, #tpu.memory_space<vmem>> -> memref<1x128xi32, #tpu.memory_space<vmem>>
      %dma_start3A_358 = tpu.memref_squeeze %dma_start3A_357 : memref<1x128xi32, #tpu.memory_space<vmem>> -> memref<128xi32, #tpu.memory_space<vmem>>
      %dma_start3A_359 = tpu.memref_slice %arg2[%mul3A_354] : memref<327680xi32, #tpu.memory_space<hbm>> -> memref<128xi32, #tpu.memory_space<hbm>>
      %dma_start3A_360 = arith.constant 0 : i32
      %dma_start3A_361 = tpu.memref_slice %arg4[%dma_start3A_355, %dma_start3A_360] : memref<4x128xi32, #tpu.memory_space<vmem>> -> memref<1x128xi32, #tpu.memory_space<vmem>>
      %dma_start3A_362 = tpu.memref_squeeze %dma_start3A_361 : memref<1x128xi32, #tpu.memory_space<vmem>> -> memref<128xi32, #tpu.memory_space<vmem>>
      %dma_start3A_363 = tpu.memref_slice %arg2[%mul3A_354] : memref<327680xi32, #tpu.memory_space<hbm>> -> memref<128xi32, #tpu.memory_space<hbm>>
      tpu.enqueue_dma source(%dma_start3A_363 : memref<128xi32, #tpu.memory_space<hbm>>) target(%dma_start3A_362 : memref<128xi32, #tpu.memory_space<vmem>>) target_semaphore(%arg11 : memref<!tpu.dma_semaphore, #tpu.memory_space<semaphore_mem>>)
    }
    %scan3A_110 = arith.constant 19 : i32
    %dma_wait3A_111 = arith.constant 2 : i32
    %dma_wait3A_112 = arith.constant 0 : i32
    %dma_wait3A_113 = tpu.memref_slice %arg4[%dma_wait3A_111, %dma_wait3A_112] : memref<4x128xi32, #tpu.memory_space<vmem>> -> memref<1x128xi32, #tpu.memory_space<vmem>>
    %dma_wait3A_114 = tpu.memref_squeeze %dma_wait3A_113 : memref<1x128xi32, #tpu.memory_space<vmem>> -> memref<128xi32, #tpu.memory_space<vmem>>
    %dma_wait3A_115 = arith.constant 0 : i32
    %dma_wait3A_116 = tpu.memref_slice %arg2[%dma_wait3A_115] : memref<327680xi32, #tpu.memory_space<hbm>> -> memref<128xi32, #tpu.memory_space<hbm>>
    %dma_wait3A_117 = arith.constant 0 : i32
    %dma_wait3A_118 = tpu.memref_slice %arg4[%dma_wait3A_111, %dma_wait3A_117] : memref<4x128xi32, #tpu.memory_space<vmem>> -> memref<1x128xi32, #tpu.memory_space<vmem>>
    %dma_wait3A_119 = tpu.memref_squeeze %dma_wait3A_118 : memref<1x128xi32, #tpu.memory_space<vmem>> -> memref<128xi32, #tpu.memory_space<vmem>>
    %dma_wait3A_120 = arith.constant 0 : i32
    %dma_wait3A_121 = tpu.memref_slice %arg2[%dma_wait3A_120] : memref<327680xi32, #tpu.memory_space<hbm>> -> memref<128xi32, #tpu.memory_space<hbm>>
    tpu.wait_dma2 semaphore(%arg10 : memref<!tpu.dma_semaphore, #tpu.memory_space<semaphore_mem>>) src(%dma_wait3A_121 : memref<128xi32, #tpu.memory_space<hbm>>) dst(%dma_wait3A_119 : memref<128xi32, #tpu.memory_space<vmem>>)
    %dma_start3A_122 = arith.constant 2 : i32
    %dma_start3A_123 = arith.constant 0 : i32
    %dma_start3A_124 = tpu.memref_slice %arg4[%dma_start3A_122, %dma_start3A_123] : memref<4x128xi32, #tpu.memory_space<vmem>> -> memref<1x128xi32, #tpu.memory_space<vmem>>
    %dma_start3A_125 = tpu.memref_squeeze %dma_start3A_124 : memref<1x128xi32, #tpu.memory_space<vmem>> -> memref<128xi32, #tpu.memory_space<vmem>>
    %dma_start3A_126 = arith.constant 0 : i32
    %dma_start3A_127 = arith.constant 0 : i32
    %dma_start3A_128 = tpu.memref_slice %arg7[%dma_start3A_126, %dma_start3A_127] : memref<10112x128xf32, #tpu.memory_space<vmem_shared>> -> memref<10112x128xf32, #tpu.memory_space<vmem_shared>>
    tpu.enqueue_indirect_dma source(%arg6 : memref<128x128xf32, #tpu.memory_space<vmem>>) target(%dma_start3A_128 : memref<10112x128xf32, #tpu.memory_space<vmem_shared>>) offsets(%dma_start3A_125 : memref<128xi32, #tpu.memory_space<vmem>>) semaphore(%arg12 : memref<!tpu.dma_semaphore, #tpu.memory_space<semaphore_mem>>) {add = true}
    %dma_wait3A_129 = arith.constant 0 : i32
    %dma_wait3A_130 = arith.constant 0 : i32
    %dma_wait3A_131 = tpu.memref_slice %arg3[%dma_wait3A_129, %dma_wait3A_130] : memref<20224x128xf32, #tpu.memory_space<hbm>> -> memref<128x128xf32, #tpu.memory_space<hbm>>
    %dma_wait3A_132 = arith.constant 0 : i32
    %dma_wait3A_133 = arith.constant 0 : i32
    %dma_wait3A_134 = tpu.memref_slice %arg3[%dma_wait3A_132, %dma_wait3A_133] : memref<20224x128xf32, #tpu.memory_space<hbm>> -> memref<128x128xf32, #tpu.memory_space<hbm>>
    tpu.wait_dma2 semaphore(%arg12 : memref<!tpu.dma_semaphore, #tpu.memory_space<semaphore_mem>>) src(%dma_wait3A_134 : memref<128x128xf32, #tpu.memory_space<hbm>>) dst(%arg6 : memref<128x128xf32, #tpu.memory_space<vmem>>)
    %dma_wait3A_135 = arith.constant 3 : i32
    %dma_wait3A_136 = arith.constant 0 : i32
    %dma_wait3A_137 = tpu.memref_slice %arg4[%dma_wait3A_135, %dma_wait3A_136] : memref<4x128xi32, #tpu.memory_space<vmem>> -> memref<1x128xi32, #tpu.memory_space<vmem>>
    %dma_wait3A_138 = tpu.memref_squeeze %dma_wait3A_137 : memref<1x128xi32, #tpu.memory_space<vmem>> -> memref<128xi32, #tpu.memory_space<vmem>>
    %dma_wait3A_139 = arith.constant 0 : i32
    %dma_wait3A_140 = tpu.memref_slice %arg2[%dma_wait3A_139] : memref<327680xi32, #tpu.memory_space<hbm>> -> memref<128xi32, #tpu.memory_space<hbm>>
    %dma_wait3A_141 = arith.constant 0 : i32
    %dma_wait3A_142 = tpu.memref_slice %arg4[%dma_wait3A_135, %dma_wait3A_141] : memref<4x128xi32, #tpu.memory_space<vmem>> -> memref<1x128xi32, #tpu.memory_space<vmem>>
    %dma_wait3A_143 = tpu.memref_squeeze %dma_wait3A_142 : memref<1x128xi32, #tpu.memory_space<vmem>> -> memref<128xi32, #tpu.memory_space<vmem>>
    %dma_wait3A_144 = arith.constant 0 : i32
    %dma_wait3A_145 = tpu.memref_slice %arg2[%dma_wait3A_144] : memref<327680xi32, #tpu.memory_space<hbm>> -> memref<128xi32, #tpu.memory_space<hbm>>
    tpu.wait_dma2 semaphore(%arg11 : memref<!tpu.dma_semaphore, #tpu.memory_space<semaphore_mem>>) src(%dma_wait3A_145 : memref<128xi32, #tpu.memory_space<hbm>>) dst(%dma_wait3A_143 : memref<128xi32, #tpu.memory_space<vmem>>)
    %dma_start3A_146 = arith.constant 3 : i32
    %dma_start3A_147 = arith.constant 0 : i32
    %dma_start3A_148 = tpu.memref_slice %arg4[%dma_start3A_146, %dma_start3A_147] : memref<4x128xi32, #tpu.memory_space<vmem>> -> memref<1x128xi32, #tpu.memory_space<vmem>>
    %dma_start3A_149 = tpu.memref_squeeze %dma_start3A_148 : memref<1x128xi32, #tpu.memory_space<vmem>> -> memref<128xi32, #tpu.memory_space<vmem>>
    %dma_start3A_150 = arith.constant 0 : i32
    %dma_start3A_151 = arith.constant 0 : i32
    %dma_start3A_152 = tpu.memref_slice %arg7[%dma_start3A_150, %dma_start3A_151] : memref<10112x128xf32, #tpu.memory_space<vmem_shared>> -> memref<10112x128xf32, #tpu.memory_space<vmem_shared>>
    tpu.enqueue_indirect_dma source(%arg6 : memref<128x128xf32, #tpu.memory_space<vmem>>) target(%dma_start3A_152 : memref<10112x128xf32, #tpu.memory_space<vmem_shared>>) offsets(%dma_start3A_149 : memref<128xi32, #tpu.memory_space<vmem>>) semaphore(%arg13 : memref<!tpu.dma_semaphore, #tpu.memory_space<semaphore_mem>>) {add = true}
    %dma_wait3A_153 = arith.constant 0 : i32
    %dma_wait3A_154 = arith.constant 0 : i32
    %dma_wait3A_155 = tpu.memref_slice %arg3[%dma_wait3A_153, %dma_wait3A_154] : memref<20224x128xf32, #tpu.memory_space<hbm>> -> memref<128x128xf32, #tpu.memory_space<hbm>>
    %dma_wait3A_156 = arith.constant 0 : i32
    %dma_wait3A_157 = arith.constant 0 : i32
    %dma_wait3A_158 = tpu.memref_slice %arg3[%dma_wait3A_156, %dma_wait3A_157] : memref<20224x128xf32, #tpu.memory_space<hbm>> -> memref<128x128xf32, #tpu.memory_space<hbm>>
    tpu.wait_dma2 semaphore(%arg13 : memref<!tpu.dma_semaphore, #tpu.memory_space<semaphore_mem>>) src(%dma_wait3A_158 : memref<128x128xf32, #tpu.memory_space<hbm>>) dst(%arg6 : memref<128x128xf32, #tpu.memory_space<vmem>>)
    %dma_wait3A_159 = arith.constant 0 : i32
    %dma_wait3A_160 = arith.constant 0 : i32
    %dma_wait3A_161 = tpu.memref_slice %arg3[%dma_wait3A_159, %dma_wait3A_160] : memref<20224x128xf32, #tpu.memory_space<hbm>> -> memref<128x128xf32, #tpu.memory_space<hbm>>
    %dma_wait3A_162 = arith.constant 0 : i32
    %dma_wait3A_163 = arith.constant 0 : i32
    %dma_wait3A_164 = tpu.memref_slice %arg3[%dma_wait3A_162, %dma_wait3A_163] : memref<20224x128xf32, #tpu.memory_space<hbm>> -> memref<128x128xf32, #tpu.memory_space<hbm>>
    tpu.wait_dma2 semaphore(%arg12 : memref<!tpu.dma_semaphore, #tpu.memory_space<semaphore_mem>>) src(%dma_wait3A_164 : memref<128x128xf32, #tpu.memory_space<hbm>>) dst(%arg6 : memref<128x128xf32, #tpu.memory_space<vmem>>)
    %dma_wait3A_165 = arith.constant 0 : i32
    %dma_wait3A_166 = arith.constant 0 : i32
    %dma_wait3A_167 = tpu.memref_slice %arg3[%dma_wait3A_165, %dma_wait3A_166] : memref<20224x128xf32, #tpu.memory_space<hbm>> -> memref<128x128xf32, #tpu.memory_space<hbm>>
    %dma_wait3A_168 = arith.constant 0 : i32
    %dma_wait3A_169 = arith.constant 0 : i32
    %dma_wait3A_170 = tpu.memref_slice %arg3[%dma_wait3A_168, %dma_wait3A_169] : memref<20224x128xf32, #tpu.memory_space<hbm>> -> memref<128x128xf32, #tpu.memory_space<hbm>>
    tpu.wait_dma2 semaphore(%arg13 : memref<!tpu.dma_semaphore, #tpu.memory_space<semaphore_mem>>) src(%dma_wait3A_170 : memref<128x128xf32, #tpu.memory_space<hbm>>) dst(%arg6 : memref<128x128xf32, #tpu.memory_space<vmem>>)
    %barrier3A_171 = arith.constant 0 : index
    tpu.barrier barrier_id(%barrier3A_171)
    %mul3A_172 = arith.constant 10112 : i32
    %mul3A_173 = arith.muli %arg0, %mul3A_172 : i32
    %add3A_174 = arith.addi %mul3A_173, %mul3A_14 : i32
    "tpu.region"() ({
      %run_scoped3A = tpu.sem_alloc : memref<!tpu.dma_semaphore, #tpu.memory_space<semaphore_mem>>
      %dma_start3A_175 = arith.constant 0 : i32
      %dma_start3A_176 = tpu.memref_slice %arg3[%add3A_174, %dma_start3A_175] : memref<20224x128xf32, #tpu.memory_space<hbm>> -> memref<632x128xf32, #tpu.memory_space<hbm>>
      %dma_start3A_177 = arith.constant 0 : i32
      %dma_start3A_178 = tpu.memref_slice %arg7[%mul3A_14, %dma_start3A_177] : memref<10112x128xf32, #tpu.memory_space<vmem_shared>> -> memref<632x128xf32, #tpu.memory_space<vmem_shared>>
      tpu.enqueue_dma source(%dma_start3A_178 : memref<632x128xf32, #tpu.memory_space<vmem_shared>>) target(%dma_start3A_176 : memref<632x128xf32, #tpu.memory_space<hbm>>) target_semaphore(%run_scoped3A : memref<!tpu.dma_semaphore, #tpu.memory_space<semaphore_mem>>)
      %dma_wait3A_179 = arith.constant 0 : i32
      %dma_wait3A_180 = tpu.memref_slice %arg3[%add3A_174, %dma_wait3A_179] : memref<20224x128xf32, #tpu.memory_space<hbm>> -> memref<632x128xf32, #tpu.memory_space<hbm>>
      %dma_wait3A_181 = arith.constant 0 : i32
      %dma_wait3A_182 = tpu.memref_slice %arg7[%mul3A_14, %dma_wait3A_181] : memref<10112x128xf32, #tpu.memory_space<vmem_shared>> -> memref<632x128xf32, #tpu.memory_space<vmem_shared>>
      tpu.wait_dma2 semaphore(%run_scoped3A : memref<!tpu.dma_semaphore, #tpu.memory_space<semaphore_mem>>) src(%dma_wait3A_182 : memref<632x128xf32, #tpu.memory_space<vmem_shared>>) dst(%dma_wait3A_180 : memref<632x128xf32, #tpu.memory_space<hbm>>)
      tpu.yield
    }) : () -> ()
    return
  }
}

module attributes {stable_mosaic.version = 14 : i64} {
  func.func @body(%arg0: i32, %arg1: memref<632x128xf32, #tpu.memory_space<vmem>>, %arg2: memref<632x128xf32, #tpu.memory_space<vmem>>, %arg3: memref<632x128xf32, #tpu.memory_space<vmem>>, %arg4: memref<632x128xf32, #tpu.memory_space<vmem>>, %arg5: memref<632x128xf32, #tpu.memory_space<vmem>>, %arg6: memref<128x128xf32, #tpu.memory_space<vmem>>, %arg7: memref<128x128xf32, #tpu.memory_space<vmem>>, %arg8: memref<1x128xf32, #tpu.memory_space<vmem>>, %arg9: memref<632x128xf32, #tpu.memory_space<vmem>>) attributes {dimension_semantics = [#tpu.dimension_semantics<arbitrary>], iteration_bounds = array<i64: 16>, scalar_prefetch = 0 : i64, scratch_operands = 0 : i64, tpu.core_type = #tpu.core_type<tc>, window_params = [{transform_indices = @transform_0, window_bounds = array<i64: 632, 128>}, {transform_indices = @transform_1, window_bounds = array<i64: 632, 128>}, {transform_indices = @transform_2, window_bounds = array<i64: 632, 128>}, {transform_indices = @transform_3, window_bounds = array<i64: 632, 128>}, {transform_indices = @transform_4, window_bounds = array<i64: 632, 128>}, {pipeline_mode = #tpu.pipeline_mode<synchronous>, transform_indices = @transform_5, window_bounds = array<i64: 128, 128>}, {pipeline_mode = #tpu.pipeline_mode<synchronous>, transform_indices = @transform_6, window_bounds = array<i64: 128, 128>}, {pipeline_mode = #tpu.pipeline_mode<synchronous>, transform_indices = @transform_7, window_bounds = array<i64: 1, 128>}, {transform_indices = @transform_8, window_bounds = array<i64: 632, 128>}]} {
    %get3A = arith.constant 0 : index
    %get3A_0 = arith.constant 0 : index
    %get3A_1 = vector.load %arg1[%get3A, %get3A_0] : memref<632x128xf32, #tpu.memory_space<vmem>>, vector<632x128xf32>
    %get3A_2 = arith.constant 0 : index
    %get3A_3 = arith.constant 0 : index
    %get3A_4 = vector.load %arg2[%get3A_2, %get3A_3] : memref<632x128xf32, #tpu.memory_space<vmem>>, vector<632x128xf32>
    %add3A = arith.addf %get3A_1, %get3A_4 : vector<632x128xf32>
    %get3A_5 = arith.constant 0 : index
    %get3A_6 = arith.constant 0 : index
    %get3A_7 = vector.load %arg3[%get3A_5, %get3A_6] : memref<632x128xf32, #tpu.memory_space<vmem>>, vector<632x128xf32>
    %slice3A = vector.extract_strided_slice %get3A_7 {offsets = [0, 0], sizes = [632, 1], strides = [1, 1]} : vector<632x128xf32> to vector<632x1xf32>
    %get3A_8 = arith.constant 0 : index
    %get3A_9 = arith.constant 0 : index
    %get3A_10 = vector.load %arg4[%get3A_8, %get3A_9] : memref<632x128xf32, #tpu.memory_space<vmem>>, vector<632x128xf32>
    %slice3A_11 = vector.extract_strided_slice %get3A_10 {offsets = [0, 0], sizes = [632, 1], strides = [1, 1]} : vector<632x128xf32> to vector<632x1xf32>
    %add3A_12 = arith.addf %slice3A, %slice3A_11 : vector<632x1xf32>
    %max3A = arith.constant 1.000000e+00 : f32
    %max3A_13 = vector.broadcast %max3A : f32 to vector<632x1xf32>
    %max3A_14 = arith.maximumf %add3A_12, %max3A_13 : vector<632x1xf32>
    %div3A = vector.broadcast %max3A_14 : vector<632x1xf32> to vector<632x128xf32>
    %div3A_15 = arith.divf %add3A, %div3A : vector<632x128xf32>
    %get3A_16 = arith.constant 0 : index
    %get3A_17 = arith.constant 0 : index
    %get3A_18 = vector.load %arg6[%get3A_16, %get3A_17] : memref<128x128xf32, #tpu.memory_space<vmem>>, vector<128x128xf32>
    %dot_general3A = arith.constant dense<0.000000e+00> : vector<632x128xf32>
    %dot_general3A_19 = tpu.matmul %div3A_15, %get3A_18, %dot_general3A {dimension_numbers = #tpu.dot_dimension_numbers<[1], [1], [0], [0], [0, 0, 1, 0], [], []>, transpose_lhs_hint = false} : vector<632x128xf32>, vector<128x128xf32>, vector<632x128xf32> -> vector<632x128xf32>
    %get3A_20 = arith.constant 0 : index
    %get3A_21 = arith.constant 0 : index
    %get3A_22 = vector.load %arg5[%get3A_20, %get3A_21] : memref<632x128xf32, #tpu.memory_space<vmem>>, vector<632x128xf32>
    %get3A_23 = arith.constant 0 : index
    %get3A_24 = arith.constant 0 : index
    %get3A_25 = vector.load %arg7[%get3A_23, %get3A_24] : memref<128x128xf32, #tpu.memory_space<vmem>>, vector<128x128xf32>
    %dot_general3A_26 = arith.constant dense<0.000000e+00> : vector<632x128xf32>
    %dot_general3A_27 = tpu.matmul %get3A_22, %get3A_25, %dot_general3A_26 {dimension_numbers = #tpu.dot_dimension_numbers<[1], [1], [0], [0], [0, 0, 1, 0], [], []>, transpose_lhs_hint = false} : vector<632x128xf32>, vector<128x128xf32>, vector<632x128xf32> -> vector<632x128xf32>
    %add3A_28 = arith.addf %dot_general3A_19, %dot_general3A_27 : vector<632x128xf32>
    %get3A_29 = arith.constant 0 : index
    %get3A_30 = arith.constant 0 : index
    %get3A_31 = vector.load %arg8[%get3A_29, %get3A_30] : memref<1x128xf32, #tpu.memory_space<vmem>>, vector<1x128xf32>
    %add3A_32 = vector.broadcast %get3A_31 : vector<1x128xf32> to vector<632x128xf32>
    %add3A_33 = arith.addf %add3A_28, %add3A_32 : vector<632x128xf32>
    %max3A_34 = arith.constant 0.000000e+00 : f32
    %max3A_35 = vector.broadcast %max3A_34 : f32 to vector<632x128xf32>
    %max3A_36 = arith.maximumf %add3A_33, %max3A_35 : vector<632x128xf32>
    %swap3A = arith.constant 0 : index
    %swap3A_37 = arith.constant 0 : index
    %swap3A_38 = vector.load %arg9[%swap3A, %swap3A_37] : memref<632x128xf32, #tpu.memory_space<vmem>>, vector<632x128xf32>
    tpu.vector_store %arg9[%swap3A, %swap3A_37], %max3A_36 {strides = array<i32>} : memref<632x128xf32, #tpu.memory_space<vmem>>, vector<632x128xf32>,
    return
  }
  func.func @transform_0(%arg0: i32) -> (i32, i32) {
    %c0_i32 = arith.constant 0 : i32
    %c0_i32_0 = arith.constant 0 : i32
    return %arg0, %c0_i32 : i32, i32
  }
  func.func @transform_1(%arg0: i32) -> (i32, i32) {
    %add3A = arith.constant 16 : i32
    %add3A_0 = arith.addi %arg0, %add3A : i32
    %c0_i32 = arith.constant 0 : i32
    %c0_i32_1 = arith.constant 0 : i32
    return %add3A_0, %c0_i32 : i32, i32
  }
  func.func @transform_2(%arg0: i32) -> (i32, i32) {
    %c0_i32 = arith.constant 0 : i32
    %c0_i32_0 = arith.constant 0 : i32
    return %arg0, %c0_i32 : i32, i32
  }
  func.func @transform_3(%arg0: i32) -> (i32, i32) {
    %add3A = arith.constant 16 : i32
    %add3A_0 = arith.addi %arg0, %add3A : i32
    %c0_i32 = arith.constant 0 : i32
    %c0_i32_1 = arith.constant 0 : i32
    return %add3A_0, %c0_i32 : i32, i32
  }
  func.func @transform_4(%arg0: i32) -> (i32, i32) {
    %c0_i32 = arith.constant 0 : i32
    %c0_i32_0 = arith.constant 0 : i32
    return %arg0, %c0_i32 : i32, i32
  }
  func.func @transform_5(%arg0: i32) -> (i32, i32) {
    %c0_i32 = arith.constant 0 : i32
    %c0_i32_0 = arith.constant 0 : i32
    %c0_i32_1 = arith.constant 0 : i32
    return %c0_i32, %c0_i32_0 : i32, i32
  }
  func.func @transform_6(%arg0: i32) -> (i32, i32) {
    %c0_i32 = arith.constant 0 : i32
    %c0_i32_0 = arith.constant 0 : i32
    %c0_i32_1 = arith.constant 0 : i32
    return %c0_i32, %c0_i32_0 : i32, i32
  }
  func.func @transform_7(%arg0: i32) -> (i32, i32) {
    %c0_i32 = arith.constant 0 : i32
    %c0_i32_0 = arith.constant 0 : i32
    %c0_i32_1 = arith.constant 0 : i32
    return %c0_i32, %c0_i32_0 : i32, i32
  }
  func.func @transform_8(%arg0: i32) -> (i32, i32) {
    %c0_i32 = arith.constant 0 : i32
    %c0_i32_0 = arith.constant 0 : i32
    return %arg0, %c0_i32 : i32, i32
  }
}

module attributes {stable_mosaic.version = 14 : i64} {
  func.func @body(%arg0: i32, %arg1: memref<632x128xf32, #tpu.memory_space<vmem>>, %arg2: memref<632x128xf32, #tpu.memory_space<vmem>>, %arg3: memref<632x128xf32, #tpu.memory_space<vmem>>, %arg4: memref<632x128xf32, #tpu.memory_space<vmem>>, %arg5: memref<632x128xf32, #tpu.memory_space<vmem>>, %arg6: memref<128x128xf32, #tpu.memory_space<vmem>>, %arg7: memref<128x128xf32, #tpu.memory_space<vmem>>, %arg8: memref<1x128xf32, #tpu.memory_space<vmem>>, %arg9: memref<632x128xf32, #tpu.memory_space<vmem>>) attributes {dimension_semantics = [#tpu.dimension_semantics<arbitrary>], iteration_bounds = array<i64: 16>, scalar_prefetch = 0 : i64, scratch_operands = 0 : i64, tpu.core_type = #tpu.core_type<tc>, window_params = [{transform_indices = @transform_0, window_bounds = array<i64: 632, 128>}, {transform_indices = @transform_1, window_bounds = array<i64: 632, 128>}, {transform_indices = @transform_2, window_bounds = array<i64: 632, 128>}, {transform_indices = @transform_3, window_bounds = array<i64: 632, 128>}, {transform_indices = @transform_4, window_bounds = array<i64: 632, 128>}, {pipeline_mode = #tpu.pipeline_mode<synchronous>, transform_indices = @transform_5, window_bounds = array<i64: 128, 128>}, {pipeline_mode = #tpu.pipeline_mode<synchronous>, transform_indices = @transform_6, window_bounds = array<i64: 128, 128>}, {pipeline_mode = #tpu.pipeline_mode<synchronous>, transform_indices = @transform_7, window_bounds = array<i64: 1, 128>}, {transform_indices = @transform_8, window_bounds = array<i64: 632, 128>}]} {
    %get3A = arith.constant 0 : index
    %get3A_0 = arith.constant 0 : index
    %get3A_1 = vector.load %arg1[%get3A, %get3A_0] : memref<632x128xf32, #tpu.memory_space<vmem>>, vector<632x128xf32>
    %get3A_2 = arith.constant 0 : index
    %get3A_3 = arith.constant 0 : index
    %get3A_4 = vector.load %arg2[%get3A_2, %get3A_3] : memref<632x128xf32, #tpu.memory_space<vmem>>, vector<632x128xf32>
    %add3A = arith.addf %get3A_1, %get3A_4 : vector<632x128xf32>
    %get3A_5 = arith.constant 0 : index
    %get3A_6 = arith.constant 0 : index
    %get3A_7 = vector.load %arg3[%get3A_5, %get3A_6] : memref<632x128xf32, #tpu.memory_space<vmem>>, vector<632x128xf32>
    %slice3A = vector.extract_strided_slice %get3A_7 {offsets = [0, 0], sizes = [632, 1], strides = [1, 1]} : vector<632x128xf32> to vector<632x1xf32>
    %get3A_8 = arith.constant 0 : index
    %get3A_9 = arith.constant 0 : index
    %get3A_10 = vector.load %arg4[%get3A_8, %get3A_9] : memref<632x128xf32, #tpu.memory_space<vmem>>, vector<632x128xf32>
    %slice3A_11 = vector.extract_strided_slice %get3A_10 {offsets = [0, 0], sizes = [632, 1], strides = [1, 1]} : vector<632x128xf32> to vector<632x1xf32>
    %add3A_12 = arith.addf %slice3A, %slice3A_11 : vector<632x1xf32>
    %max3A = arith.constant 1.000000e+00 : f32
    %max3A_13 = vector.broadcast %max3A : f32 to vector<632x1xf32>
    %max3A_14 = arith.maximumf %add3A_12, %max3A_13 : vector<632x1xf32>
    %div3A = vector.broadcast %max3A_14 : vector<632x1xf32> to vector<632x128xf32>
    %div3A_15 = arith.divf %add3A, %div3A : vector<632x128xf32>
    %get3A_16 = arith.constant 0 : index
    %get3A_17 = arith.constant 0 : index
    %get3A_18 = vector.load %arg6[%get3A_16, %get3A_17] : memref<128x128xf32, #tpu.memory_space<vmem>>, vector<128x128xf32>
    %dot_general3A = arith.constant dense<0.000000e+00> : vector<632x128xf32>
    %dot_general3A_19 = tpu.matmul %div3A_15, %get3A_18, %dot_general3A {dimension_numbers = #tpu.dot_dimension_numbers<[1], [1], [0], [0], [0, 0, 1, 0], [], []>, transpose_lhs_hint = false} : vector<632x128xf32>, vector<128x128xf32>, vector<632x128xf32> -> vector<632x128xf32>
    %get3A_20 = arith.constant 0 : index
    %get3A_21 = arith.constant 0 : index
    %get3A_22 = vector.load %arg5[%get3A_20, %get3A_21] : memref<632x128xf32, #tpu.memory_space<vmem>>, vector<632x128xf32>
    %get3A_23 = arith.constant 0 : index
    %get3A_24 = arith.constant 0 : index
    %get3A_25 = vector.load %arg7[%get3A_23, %get3A_24] : memref<128x128xf32, #tpu.memory_space<vmem>>, vector<128x128xf32>
    %dot_general3A_26 = arith.constant dense<0.000000e+00> : vector<632x128xf32>
    %dot_general3A_27 = tpu.matmul %get3A_22, %get3A_25, %dot_general3A_26 {dimension_numbers = #tpu.dot_dimension_numbers<[1], [1], [0], [0], [0, 0, 1, 0], [], []>, transpose_lhs_hint = false} : vector<632x128xf32>, vector<128x128xf32>, vector<632x128xf32> -> vector<632x128xf32>
    %add3A_28 = arith.addf %dot_general3A_19, %dot_general3A_27 : vector<632x128xf32>
    %get3A_29 = arith.constant 0 : index
    %get3A_30 = arith.constant 0 : index
    %get3A_31 = vector.load %arg8[%get3A_29, %get3A_30] : memref<1x128xf32, #tpu.memory_space<vmem>>, vector<1x128xf32>
    %add3A_32 = vector.broadcast %get3A_31 : vector<1x128xf32> to vector<632x128xf32>
    %add3A_33 = arith.addf %add3A_28, %add3A_32 : vector<632x128xf32>
    %max3A_34 = arith.constant 0.000000e+00 : f32
    %max3A_35 = vector.broadcast %max3A_34 : f32 to vector<632x128xf32>
    %max3A_36 = arith.maximumf %add3A_33, %max3A_35 : vector<632x128xf32>
    %swap3A = arith.constant 0 : index
    %swap3A_37 = arith.constant 0 : index
    %swap3A_38 = vector.load %arg9[%swap3A, %swap3A_37] : memref<632x128xf32, #tpu.memory_space<vmem>>, vector<632x128xf32>
    tpu.vector_store %arg9[%swap3A, %swap3A_37], %max3A_36 {strides = array<i32>} : memref<632x128xf32, #tpu.memory_space<vmem>>, vector<632x128xf32>,
    return
  }
  func.func @transform_0(%arg0: i32) -> (i32, i32) {
    %c0_i32 = arith.constant 0 : i32
    %c0_i32_0 = arith.constant 0 : i32
    return %arg0, %c0_i32 : i32, i32
  }
  func.func @transform_1(%arg0: i32) -> (i32, i32) {
    %add3A = arith.constant 16 : i32
    %add3A_0 = arith.addi %arg0, %add3A : i32
    %c0_i32 = arith.constant 0 : i32
    %c0_i32_1 = arith.constant 0 : i32
    return %add3A_0, %c0_i32 : i32, i32
  }
  func.func @transform_2(%arg0: i32) -> (i32, i32) {
    %c0_i32 = arith.constant 0 : i32
    %c0_i32_0 = arith.constant 0 : i32
    return %arg0, %c0_i32 : i32, i32
  }
  func.func @transform_3(%arg0: i32) -> (i32, i32) {
    %add3A = arith.constant 16 : i32
    %add3A_0 = arith.addi %arg0, %add3A : i32
    %c0_i32 = arith.constant 0 : i32
    %c0_i32_1 = arith.constant 0 : i32
    return %add3A_0, %c0_i32 : i32, i32
  }
  func.func @transform_4(%arg0: i32) -> (i32, i32) {
    %c0_i32 = arith.constant 0 : i32
    %c0_i32_0 = arith.constant 0 : i32
    return %arg0, %c0_i32 : i32, i32
  }
  func.func @transform_5(%arg0: i32) -> (i32, i32) {
    %c0_i32 = arith.constant 0 : i32
    %c0_i32_0 = arith.constant 0 : i32
    %c0_i32_1 = arith.constant 0 : i32
    return %c0_i32, %c0_i32_0 : i32, i32
  }
  func.func @transform_6(%arg0: i32) -> (i32, i32) {
    %c0_i32 = arith.constant 0 : i32
    %c0_i32_0 = arith.constant 0 : i32
    %c0_i32_1 = arith.constant 0 : i32
    return %c0_i32, %c0_i32_0 : i32, i32
  }
  func.func @transform_7(%arg0: i32) -> (i32, i32) {
    %c0_i32 = arith.constant 0 : i32
    %c0_i32_0 = arith.constant 0 : i32
    %c0_i32_1 = arith.constant 0 : i32
    return %c0_i32, %c0_i32_0 : i32, i32
  }
  func.func @transform_8(%arg0: i32) -> (i32, i32) {
    %c0_i32 = arith.constant 0 : i32
    %c0_i32_0 = arith.constant 0 : i32
    return %arg0, %c0_i32 : i32, i32
  }
}

module attributes {stable_mosaic.version = 14 : i64} {
  func.func @body(%arg0: i32, %arg1: memref<64x128xf32, #tpu.memory_space<vmem>>, %arg2: memref<64x128xf32, #tpu.memory_space<vmem>>, %arg3: memref<64x128xf32, #tpu.memory_space<vmem>>, %arg4: memref<64x128xf32, #tpu.memory_space<vmem>>, %arg5: memref<128x128xf32, #tpu.memory_space<vmem>>, %arg6: memref<1x128xf32, #tpu.memory_space<vmem>>, %arg7: memref<64x128xf32, #tpu.memory_space<vmem>>) attributes {dimension_semantics = [#tpu.dimension_semantics<arbitrary>], iteration_bounds = array<i64: 1>, scalar_prefetch = 0 : i64, scratch_operands = 0 : i64, tpu.core_type = #tpu.core_type<tc>, window_params = [{transform_indices = @transform_0, window_bounds = array<i64: 64, 128>}, {transform_indices = @transform_1, window_bounds = array<i64: 64, 128>}, {transform_indices = @transform_2, window_bounds = array<i64: 64, 128>}, {transform_indices = @transform_3, window_bounds = array<i64: 64, 128>}, {pipeline_mode = #tpu.pipeline_mode<synchronous>, transform_indices = @transform_4, window_bounds = array<i64: 128, 128>}, {pipeline_mode = #tpu.pipeline_mode<synchronous>, transform_indices = @transform_5, window_bounds = array<i64: 1, 128>}, {pipeline_mode = #tpu.pipeline_mode<synchronous>, transform_indices = @transform_6, window_bounds = array<i64: 64, 128>}]} {
    %get3A = arith.constant 0 : index
    %get3A_0 = arith.constant 0 : index
    %get3A_1 = vector.load %arg1[%get3A, %get3A_0] : memref<64x128xf32, #tpu.memory_space<vmem>>, vector<64x128xf32>
    %get3A_2 = arith.constant 0 : index
    %get3A_3 = arith.constant 0 : index
    %get3A_4 = vector.load %arg2[%get3A_2, %get3A_3] : memref<64x128xf32, #tpu.memory_space<vmem>>, vector<64x128xf32>
    %add3A = arith.addf %get3A_1, %get3A_4 : vector<64x128xf32>
    %get3A_5 = arith.constant 0 : index
    %get3A_6 = arith.constant 0 : index
    %get3A_7 = vector.load %arg3[%get3A_5, %get3A_6] : memref<64x128xf32, #tpu.memory_space<vmem>>, vector<64x128xf32>
    %slice3A = vector.extract_strided_slice %get3A_7 {offsets = [0, 0], sizes = [64, 1], strides = [1, 1]} : vector<64x128xf32> to vector<64x1xf32>
    %get3A_8 = arith.constant 0 : index
    %get3A_9 = arith.constant 0 : index
    %get3A_10 = vector.load %arg4[%get3A_8, %get3A_9] : memref<64x128xf32, #tpu.memory_space<vmem>>, vector<64x128xf32>
    %slice3A_11 = vector.extract_strided_slice %get3A_10 {offsets = [0, 0], sizes = [64, 1], strides = [1, 1]} : vector<64x128xf32> to vector<64x1xf32>
    %add3A_12 = arith.addf %slice3A, %slice3A_11 : vector<64x1xf32>
    %max3A = arith.constant 1.000000e+00 : f32
    %max3A_13 = vector.broadcast %max3A : f32 to vector<64x1xf32>
    %max3A_14 = arith.maximumf %add3A_12, %max3A_13 : vector<64x1xf32>
    %div3A = vector.broadcast %max3A_14 : vector<64x1xf32> to vector<64x128xf32>
    %div3A_15 = arith.divf %add3A, %div3A : vector<64x128xf32>
    %get3A_16 = arith.constant 0 : index
    %get3A_17 = arith.constant 0 : index
    %get3A_18 = vector.load %arg5[%get3A_16, %get3A_17] : memref<128x128xf32, #tpu.memory_space<vmem>>, vector<128x128xf32>
    %dot_general3A = arith.constant dense<0.000000e+00> : vector<64x128xf32>
    %dot_general3A_19 = tpu.matmul %div3A_15, %get3A_18, %dot_general3A {dimension_numbers = #tpu.dot_dimension_numbers<[1], [1], [0], [0], [0, 0, 1, 0], [], []>, transpose_lhs_hint = false} : vector<64x128xf32>, vector<128x128xf32>, vector<64x128xf32> -> vector<64x128xf32>
    %get3A_20 = arith.constant 0 : index
    %get3A_21 = arith.constant 0 : index
    %get3A_22 = vector.load %arg6[%get3A_20, %get3A_21] : memref<1x128xf32, #tpu.memory_space<vmem>>, vector<1x128xf32>
    %add3A_23 = vector.broadcast %get3A_22 : vector<1x128xf32> to vector<64x128xf32>
    %add3A_24 = arith.addf %dot_general3A_19, %add3A_23 : vector<64x128xf32>
    %swap3A = arith.constant 0 : index
    %swap3A_25 = arith.constant 0 : index
    %swap3A_26 = vector.load %arg7[%swap3A, %swap3A_25] : memref<64x128xf32, #tpu.memory_space<vmem>>, vector<64x128xf32>
    tpu.vector_store %arg7[%swap3A, %swap3A_25], %add3A_24 {strides = array<i32>} : memref<64x128xf32, #tpu.memory_space<vmem>>, vector<64x128xf32>,
    return
  }
  func.func @transform_0(%arg0: i32) -> (i32, i32) {
    %c0_i32 = arith.constant 0 : i32
    %c0_i32_0 = arith.constant 0 : i32
    %c0_i32_1 = arith.constant 0 : i32
    return %c0_i32, %c0_i32_0 : i32, i32
  }
  func.func @transform_1(%arg0: i32) -> (i32, i32) {
    %c1_i32 = arith.constant 1 : i32
    %c0_i32 = arith.constant 0 : i32
    %c0_i32_0 = arith.constant 0 : i32
    return %c1_i32, %c0_i32 : i32, i32
  }
  func.func @transform_2(%arg0: i32) -> (i32, i32) {
    %c0_i32 = arith.constant 0 : i32
    %c0_i32_0 = arith.constant 0 : i32
    %c0_i32_1 = arith.constant 0 : i32
    return %c0_i32, %c0_i32_0 : i32, i32
  }
  func.func @transform_3(%arg0: i32) -> (i32, i32) {
    %c1_i32 = arith.constant 1 : i32
    %c0_i32 = arith.constant 0 : i32
    %c0_i32_0 = arith.constant 0 : i32
    return %c1_i32, %c0_i32 : i32, i32
  }
  func.func @transform_4(%arg0: i32) -> (i32, i32) {
    %c0_i32 = arith.constant 0 : i32
    %c0_i32_0 = arith.constant 0 : i32
    %c0_i32_1 = arith.constant 0 : i32
    return %c0_i32, %c0_i32_0 : i32, i32
  }
  func.func @transform_5(%arg0: i32) -> (i32, i32) {
    %c0_i32 = arith.constant 0 : i32
    %c0_i32_0 = arith.constant 0 : i32
    %c0_i32_1 = arith.constant 0 : i32
    return %c0_i32, %c0_i32_0 : i32, i32
  }
  func.func @transform_6(%arg0: i32) -> (i32, i32) {
    %c0_i32 = arith.constant 0 : i32
    %c0_i32_0 = arith.constant 0 : i32
    %c0_i32_1 = arith.constant 0 : i32
    return %c0_i32, %c0_i32_0 : i32, i32
  }
}

</mosaic_0001>

<sc_bundles>
// kernel: kernel.12.cloned.1.call-start
scs
__scs_entry_jumppad:
0x0: {  	(pc) =	sbr.rel $0x88, $3  }
0x1: {  	(tag) =	ssettag $0x0;
	lr =	simm.s32 $0x1  }
0x2: {  	[smem:$0x3F96] =	sst lr;
	_ =	strace $0xD0000000  }
0x3: {  	_ = 	snop  }
0x4: {  	_ = 	snop  }
0x5: {  	_ = 	snop  }
0x6: {  	_ = 	snop  }
0x7: {  	_ = 	snop  }
__scs_overlays_trampoline_lowered:
0x8: {  	[smem:$0x3FA5] =	sst s0  }
0x9: {  	[smem:$0x3FA6] =	sst s1  }
0xa: {  	[smem:$0x3FA7] =	sst s2  }
0xb: {  	[smem:$0x3FA8] =	sst s3  }
0xc: {  	[smem:$0x3FA9] =	sst s4  }
0xd: {  	[smem:$0x3FAA] =	sst s5  }
0xe: {  	[smem:$0x3FAB] =	sst s6  }
0xf: {  	[smem:$0x3FAC] =	sst s7  }
0x10: {  	[smem:$0x3FAD] =	sst s8  }
0x11: {  	[smem:$0x3FAE] =	sst s9;
	s0 =	simm.s32 @!p0 $0x0  }
0x12: {  	s1 =	sld [smem:$0x3F94];
	s0 =	simm.s32 @p0 $0x1  }
0x13: {  	[smem:$0x3FAF] =	sst s0;
	s0 =	simm.s32 @!p1 $0x0  }
0x14: {  	s2 =	sld [smem:$0x3F93];
	s0 =	simm.s32 @p1 $0x1  }
0x15: {  	[smem:$0x3FB0] =	sst s0;
	s0 =	simm.s32 @!p2 $0x0  }
0x16: {  	s3 =	sld [smem:$0x3FDB];
	s0 =	simm.s32 @p2 $0x1  }
0x17: {  	s4 =	simm.s32 $0x1BF5;
	[smem:$0x3FB2] =	sst s0  }
0x18: {  	s0 =	sld [smem:$0x3F95];
	_ =	swait.ge [sflag:s4], $0x0  }
0x19: {  	s7 =	sld [smem:$0x3F96]  }
0x1a: {  	s8 =	sadd.s32 $0xFFFFE003, lr  }
0x1b: {  	s9 =	sadd.s32 $0xFFFFFEF7, lr;
	s5 =	simm.s32 $0xFFFFFFFF;
	p2 =	slt.u32 s8, $0xFFFFF086  }
0x1c: {  	p1 =	slt.u32 s9, $0xF7A;
	s5 =	simm.s32 @!p2 $0x0  }
0x1d: {  	s5 =	simm.s32 @p1 $0x1;
	p0 =	seq.s32 s7, s2  }
0x1e: {  	s7 =	smul.u32 @!p0 $0xF7A, s2;
	p2 =	seq.s32 @!p0 s5, $0x0  }
0x1f: {  	s9 =	smul.u32 $0xF7A, s1;
	s8 =	simm.s32 @!p0 $0x1BF5;
	p2 =	por !p2, p0  }
0x20: {  	[sflag:s8] =	ssyncset.s32 @!p0 $0xFFFFF086;
	s6 =	sadd.s32 @!p0 s3, s7;
	s7 =	simm.s32 @!p0 $0x108  }
0x21: {  	s3 =	sadd.s32 s3, s9;
	s6 =	sadd.s32 @!p0 $0x88, s6;
	s7 =	simm.s32 @p2 $0x1082  }
0x22: {  	[simem:s7], [sflag:s8] =	dma.local @!p0 [hbm:s6], $0xF7A  }
0x23: {  	s9 =	sor.u32 $0xD0000000, s2;
	s6 =	simm.s32 $0x108;
	_ =	swait.ge @!p0 [sflag:s8], $0x0  }
0x24: {  	s3 =	sadd.s32 $0x88, s3;
	s6 =	simm.s32 @!p1 $0x1082;
	[sflag:s4] =	ssyncset.s32 $0xFFFFF086  }
0x25: {  	[simem:s6], [sflag:s4] =	dma.local [hbm:s3], $0xF7A  }
0x26: {  	[smem:$0x3F96] =	sst s1;
	(tag) =	ssettag s2;
	_ =	strace s9  }
0x27: {  	s1 =	sld [smem:$0x3FA6]  }
0x28: {  	s2 =	sld [smem:$0x3FA7]  }
0x29: {  	s4 =	sld [smem:$0x3FA9]  }
0x2a: {  	p0 =	seq.s32 s5, $0x0;
	s5 =	sld [smem:$0x3FAA]  }
0x2b: {  	s6 =	sld [smem:$0x3FAB]  }
0x2c: {  	s7 =	sld [smem:$0x3FAC]  }
0x2d: {  	s3 =	simm.s32 $0x108;
	s8 =	sld [smem:$0x3FAD]  }
0x2e: {  	s3 =	simm.s32 @!p0 $0x1082;
	s9 =	sld [smem:$0x3FAE]  }
0x2f: {  	lr =	sadd.s32 s0, s3;
	s0 =	sld [smem:$0x3FA5]  }
0x30: {  	s3 =	sld [smem:$0x3FA8]  }
0x31: {  	[smem:$0x3FB1] =	sst s10  }
0x32: {  	s10 =	sld [smem:$0x3FAF];
	_ =	sdelay $0x3  }
0x33: {  	p0 =	seq.s32 s10, $0x1;
	s10 =	sld [smem:$0x3FB1];
	_ =	sdelay $0x3  }
0x34: {  	[smem:$0x3FB1] =	sst s10  }
0x35: {  	s10 =	sld [smem:$0x3FB0];
	_ =	sdelay $0x3  }
0x36: {  	p1 =	seq.s32 s10, $0x1;
	s10 =	sld [smem:$0x3FB1];
	_ =	sdelay $0x3  }
0x37: {  	[smem:$0x3FB1] =	sst s10  }
0x38: {  	s10 =	sld [smem:$0x3FB2]  }
0x39: {  	_ = 	snop;
	(pc) =	sbr.ind lr, $3  }
0x3a: {  	_ = 	snop  }
0x3b: {  	_ = 	snop  }
0x3c: {  	p2 =	seq.s32 s10, $0x1;
	s10 =	sld [smem:$0x3FB1]  }
0x3d: {  	_ =	shalt  }
0x3e: {  	_ =	shalt  }
0x3f: {  	_ =	shalt  }
0x40: {  	_ =	shalt  }
0x41: {  	_ =	shalt  }
0x42: {  	_ =	shalt  }
0x43: {  	_ =	shalt  }
0x44: {  	_ =	shalt  }
0x45: {  	_ =	shalt  }
0x46: {  	_ =	shalt  }
0x47: {  	_ =	shalt  }
0x48: {  	_ =	shalt  }
0x49: {  	_ =	shalt  }
0x4a: {  	_ =	shalt  }
0x4b: {  	_ =	shalt  }
0x4c: {  	_ =	shalt  }
0x4d: {  	_ =	shalt  }
0x4e: {  	_ =	shalt  }
0x4f: {  	_ =	shalt  }
0x50: {  	_ =	shalt  }
0x51: {  	_ =	shalt  }
0x52: {  	_ =	shalt  }
0x53: {  	_ =	shalt  }
0x54: {  	_ =	shalt  }
0x55: {  	_ =	shalt  }
0x56: {  	_ =	shalt  }
0x57: {  	_ =	shalt  }
0x58: {  	_ =	shalt  }
0x59: {  	_ =	shalt  }
0x5a: {  	_ =	shalt  }
0x5b: {  	_ =	shalt  }
0x5c: {  	_ =	shalt  }
0x5d: {  	_ =	shalt  }
0x5e: {  	_ =	shalt  }
0x5f: {  	_ =	shalt  }
0x60: {  	_ =	shalt  }
0x61: {  	_ =	shalt  }
0x62: {  	_ =	shalt  }
0x63: {  	_ =	shalt  }
0x64: {  	_ =	shalt  }
0x65: {  	_ =	shalt  }
0x66: {  	_ =	shalt  }
0x67: {  	_ =	shalt  }
0x68: {  	_ =	shalt  }
0x69: {  	_ =	shalt  }
0x6a: {  	_ =	shalt  }
0x6b: {  	_ =	shalt  }
0x6c: {  	_ =	shalt  }
0x6d: {  	_ =	shalt  }
0x6e: {  	_ =	shalt  }
0x6f: {  	_ =	shalt  }
0x70: {  	_ =	shalt  }
0x71: {  	_ =	shalt  }
0x72: {  	_ =	shalt  }
0x73: {  	_ =	shalt  }
0x74: {  	_ =	shalt  }
0x75: {  	_ =	shalt  }
0x76: {  	_ =	shalt  }
0x77: {  	_ =	shalt  }
0x78: {  	_ =	shalt  }
0x79: {  	_ =	shalt  }
0x7a: {  	_ =	shalt  }
0x7b: {  	_ =	shalt  }
0x7c: {  	_ =	shalt  }
0x7d: {  	_ =	shalt  }
0x7e: {  	_ =	shalt  }
0x7f: {  	_ =	shalt  }
0x80: {  	_ =	shalt  }
0x81: {  	_ =	shalt  }
0x82: {  	_ =	shalt  }
0x83: {  	_ =	shalt  }
0x84: {  	_ =	shalt  }
0x85: {  	_ =	shalt  }
0x86: {  	_ =	shalt  }
0x87: {  	_ =	shalt  }
.Lfunc_end0:
.L_simem_size_0:
called_computation.1_lowered:
.L_overlay_start_0:
0x88: {  	s2 =	sld [smem:$0x3FD9]  }
0x89: {  	s3 =	sld [smem:$0x3FFE];
	_ =	sdelay $0x1  }
0x8a: {  	s1 =	srdreg.scid  }
0x8b: {  	s0 =	sand.u32 $0x1, s1  }
0x8c: {  	s17 =	sshll.u32 s0, $0xA;
	s2 =	sadd.s32 s3, s2  }
0x8d: {  	s2 =	sadd.s32 s2, s17  }
0x8e: {  	[smem:$0x3FBD] =	sst s2  }
0x8f: {  	_ = 	snop  }
0x90: {  	(tm) =	ssettm $0x1  }
0x91: {  	s18 =	sld [smem:$0x3FFB];
	_ =	sdelay $0x3  }
0x92: {  	_ =	strace s18  }
0x93: {  	s2 =	sld [smem:$0x3FFC];
	_ =	sdelay $0x3  }
0x94: {  	_ =	strace s2  }
0x95: {  	s2 =	sld [smem:$0x3FFD];
	_ =	sdelay $0x3  }
0x96: {  	_ =	strace s2  }
0x97: {  	_ =	strace $0x8FFFFFFF  }
0x98: {  	s19 =	sld [smem:$0x3FDB];
	_ =	sdelay $0x1  }
0x99: {  	s20 =	simm.s32 $_scs_section_size  }
0x9a: {  	s4 =	simm.s32 $_size__tile_overlayer_lowered;
	s5 =	simm.s32 $_tile_overlayer_lowered  }
0x9b: {  	s6 =	simm.s32 $0x1BFF;
	s21 =	sshll.u32 s5, $0x1;
	s3 =	sadd.s32 s20, s19  }
0x9c: {  	s22 =	simm.s32 $0x0;
	s4 =	sshll.u32 s4, $0x1;
	s5 =	sadd.s32 s21, s3  }
0x9d: {  	[timem:s22], [sflag:s6] =	dma.local [hbm:s5], s4  }
0x9e: {  	_ =	swait.ge [sflag:s6], s4  }
0x9f: {  	s4 =	ssub.s32 $0x0, s4;
	[sflag:s6] =	ssyncset.done $0x0  }
0xa0: {  	[sflag:s6] =	ssyncadd.s32 s4;
	_ =	sdelay $0x1  }
0xa1: {  	s23 =	simm.s32 $0x1B8B  }
0xa2: {  	_ =	swait.ge [sflag:s23], $0x1  }
0xa3: {  	[sflag:s23] =	ssyncset.done $0x0  }
0xa4: {  	[sflag:s23] =	ssyncadd.s32 $0xFFFFFFFF  }
0xa5: {  	s4 =	sld [smem:$0x0]  }
0xa6: {  	s5 =	sand.u32 $0xFFFFFFFE, s1  }
0xa7: {  	p0 =	sne.s32 s1, s5  }
0xa8: {  	s5 =	sshll.u32 @p0 s5, $0xE  }
0xa9: {  	s5 =	sadd.s32 @p0 $0x11B8D, s5;
	s6 =	sshll.u32 @p0 s4, $0x11  }
0xaa: {  	s5 =	sor.u32 @p0 s6, s5  }
0xab: {  	[sflag:s5] =	ssyncadd.remote.s32 @p0 $0x1;
	_ =	sdelay $0x1  }
0xac: {  	s5 =	simm.s32 @p0 $0x1B8D  }
0xad: {  	_ =	swait.eq @p0 [sflag:s5], $0x1  }
0xae: {  	[sflag:s5] =	ssyncadd.s32 @p0 $0xFFFFFFFF  }
0xaf: {  	s6 =	sshll.u32 @!p0 s1, $0xE  }
0xb0: {  	s6 =	sor.u32 @!p0 $0x4000, s6;
	s5 =	simm.s32 @!p0 $0x1B8D  }
0xb1: {  	s4 =	sshll.u32 @!p0 s4, $0x11;
	s6 =	sadd.s32 @!p0 $0x11B8D, s6;
	_ =	swait.eq @!p0 [sflag:s5], $0x1  }
0xb2: {  	s4 =	sor.u32 @!p0 s4, s6;
	[sflag:s5] =	ssyncadd.s32 @!p0 $0xFFFFFFFF  }
0xb3: {  	s25 =	simm.s32 $0x1B8E;
	s24 =	sld [smem:$0x3FFE];
	[sflag:s4] =	ssyncadd.remote.s32 @!p0 $0x1  }
0xb4: {  	s26 =	simm.s32 $execute0_lowered;
	[smem:$0x3FD2] =	sst s25  }
0xb5: {  	s5 =	sshll.u32 s26, $0x1;
	_ =	strace $0x80000049;
	[dreg:$0x1] =	wrdreg $0xFFFFFFFF  }
0xb6: {  	s28 =	simm.s32 $_size_execute0_lowered;
	s3 =	sadd.s32 s3, s5;
	[dreg:$0x0] =	wrdreg $0x0  }
0xb7: {  	s5 =	sshll.u32 s28, $0x1;
	[dreg:$0x2] =	wrdreg s3  }
0xb8: {  	[dreg:$0x3] =	wrdreg s5  }
0xb9: {  	[dreg:$0x4] =	wrdreg $0xC0  }
0xba: {  	_ =	task [dreg:s22], $0x5FFFF  }
0xbb: {  	[dreg:$0x1] =	wrdreg $0xFFFFFFFF  }
0xbc: {  	[dreg:$0x0] =	wrdreg $0x60  }
0xbd: {  	[dreg:$0x2] =	wrdreg s24  }
0xbe: {  	[dreg:$0x3] =	wrdreg $0x6A000  }
0xbf: {  	[dreg:$0x4] =	wrdreg $0xA  }
0xc0: {  	_ =	task.clear_ibuf [dreg:s22], $0x5FFFF;
	_ =	strace $0x90000049  }
0xc1: {  	s29 =	simm.s32 $0xA;
	_ =	strace $0x8000004B  }
0xc2: {  	_ =	swait.ge [sflag:s29], $0x1  }
0xc3: {  	[sflag:s29] =	ssyncadd.s32 $0xFFFFFFFF  }
0xc4: {  	_ =	strace $0x9000004B  }
0xc5: {  	_ =	sfence  }
0xc6: {  	s30 =	sld [smem:$0x0];
	_ =	sdelay $0x2  }
0xc7: {  	s31 =	sshll.u32 s1, $0xD;
	s1 =	sshrl.u32 s1, $0x2  }
0xc8: {  	s4 =	sand.u32 $0x4000, s31;
	s1 =	sadd.s32 s1, s30  }
0xc9: {  	s0 =	sor.u32 s4, s0;
	s1 =	sshll.u32 s1, $0x11  }
0xca: {  	s0 =	sor.u32 s1, s0  }
0xcb: {  	s0 =	sadd.s32 $0x8F2B, s0  }
0xcc: {  	[sflag:s0] =	ssyncadd.remote.s32 $0x1  }
0xcd: {  	_ =	sfence.sel $0xFFFF  }
0xce: {  	[dreg:$0x0] =	wrdreg $0xFFFFFFFF;
	(pc) =	sbr.abs _section_cstart, $3  }
0xcf: {  	[dreg:$0x1] =	wrdreg $0xFFFFFFFF  }
0xd0: {  	_ =	task.clear_ibuf [dreg:s22], $0x2FFFF;
	_ =	strace $0x9FFFFFFF  }
0xd1: {  	(tm) =	ssettm $0x7FFFFFFF  }
tec
execute0_lowered:
.L_overlay_start_1:
0x0: {  	(tag) =	ssettag $0x1  }
0x1: {  	s0 =	rddreg [dreg:$0x0];
	s1 =	srdreg.scid  }
0x2: {  	s7 =	stileid.u32;
	s2 =	rddreg [dreg:$0x1];
	s3 =	simm.s32 $0x0  }
0x3: {  	s19 =	simm.s32 $0x200;
	s20 =	simm.s32 $0x7;
	s21 =	simm.s32 $0x80  }
0x4: {  	s22 =	simm.s32 $0x1;
	s28 =	simm.s32 $0x3;
	s29 =	simm.s32 $0x5  }
0x5: {  	s30 =	simm.s32 $0x4;
	s31 =	simm.s32 $0x6;
	s4 =	smul.u32 $0x278, s7  }
0x6: {  	s1 =	sand.u32 $0x1, s1;
	s23 =	sshll.u32 s7, $0x5;
	s7 =	smul.u32 $0x4F000, s7  }
0x7: {  	[smem:$0x7FF] =	sst s3;
	s17 =	sadd.s32 $0xD600, s0;
	s5 =	smul.u32 $0x2780, s1  }
0x8: {  	_ =	strace $0x8000004A;
	s18 =	sshll.u32 s1, $0x4;
	s1 =	ssub.s32 $0x2, s1  }
0x9: {  	s26 =	sadd.s32 s23, s17;
	s6 =	sor.u32 s18, s23;
	s8 =	sshrl.u32 s1, $0x1  }
0xa: {  	s24 =	sshrl.u32 s7, $0x2;
	s18 =	sadd.s32 s18, s26;
	s23 =	simm.s32 $0x2A00  }
0xb: {  	s26 =	simm.s32 $0x180;
	s4 =	sadd.s32 s4, s5;
	s1 =	ssub.s32 s1, s8  }
0xc: {  	s8 =	sadd.s32 s24, s2;
	s24 =	simm.s32 $0x100;
	s4 =	sshll.u32 s4, $0x4  }
0xd: {  	s10 =	smax.u32 s1, $0x1;
	s11 =	sadd.s32 $0x2780, s8;
	s12 =	sadd.s32 $0x4F00, s8  }
0xe: {  	s13 =	sadd.s32 $0x7680, s8;
	s14 =	sadd.s32 $0x9E00, s8;
	s15 =	sadd.s32 $0xC580, s8  }
0xf: {  	s16 =	sadd.s32 $0xED00, s8;
	s0 =	sadd.s32 s4, s0;
	s4 =	sadd.s32 s17, s6  }
0x10: {  	s1 =	simm.s32 $0x0;
	s17 =	sadd.s32 $0x11480, s8;
	s6 =	sadd.s32 $0x200, s4  }
0x11: {  	s25 =	sadd.s32 $0x400, s4;
	s7 =	sadd.s32 $0x600, s4;
	[dreg:$0x3] =	wrdreg s6  }
0x12: {  	v0 =	vimm.f32 $0.0e+00;
	v1 =	vimm.f32 $1.000000000e+00;
	s9 =	sadd.s32 $0x66600, s0;
	[dreg:$0x4] =	wrdreg s25;
	s25 =	simm.s32 $0x2  }
.LBB2_1:
0x13: {  	s0 =	simm.s32 $0x0;
	s5 =	simm.s32 $0x200  }
.LBB2_2:
0x14: {  	p0 =	sne.s32 s5, $0x9C00;
	[tilespmem:s0+$0x270] =	vst v0  }
0x15: {  	[tilespmem:s0+$0x200] =	vst v0  }
0x16: {  	[tilespmem:s0+$0x210] =	vst v0  }
.Ltmp0:
0x17: {  	[tilespmem:s0+$0x220] =	vst v0;
	(pc) =	sbr.rel @p0 .LBB2_2-.Ltmp0, $4  }
0x18: {  	[tilespmem:s0+$0x230] =	vst v0  }
0x19: {  	[tilespmem:s0+$0x240] =	vst v0  }
0x1a: {  	[tilespmem:s0+$0x250] =	vst v0  }
0x1b: {  	[tilespmem:s0+$0x260] =	vst v0;
	s0 =	sshra.s32 s5, $0x2;
	s5 =	sadd.s32 $0x200, s5  }
0x1c: {  	[tilespmem:s0+$0x270] =	vst v0  }
0x1d: {  	[tilespmem:s0+$0x200] =	vst v0  }
0x1e: {  	[tilespmem:s0+$0x210] =	vst v0  }
0x1f: {  	[tilespmem:s0+$0x220] =	vst v0  }
0x20: {  	[tilespmem:s0+$0x230] =	vst v0  }
0x21: {  	[tilespmem:s0+$0x240] =	vst v0  }
0x22: {  	[tilespmem:s0+$0x250] =	vst v0  }
0x23: {  	[tilespmem:s0+$0x260] =	vst v0;
	s0 =	simm.s32 $0x0;
	s5 =	simm.s32 $0x200  }
.LBB2_4:
0x24: {  	p0 =	sne.s32 s5, $0xFE00;
	[tilespmem:s0+$0x2A70] =	vst v1  }
0x25: {  	[tilespmem:s0+$0x2A00] =	vst v1  }
0x26: {  	[tilespmem:s0+$0x2A10] =	vst v1  }
.Ltmp1:
0x27: {  	[tilespmem:s0+$0x2A20] =	vst v1;
	(pc) =	sbr.rel @p0 .LBB2_4-.Ltmp1, $4  }
0x28: {  	[tilespmem:s0+$0x2A30] =	vst v1  }
0x29: {  	[tilespmem:s0+$0x2A40] =	vst v1  }
0x2a: {  	[tilespmem:s0+$0x2A50] =	vst v1  }
0x2b: {  	[tilespmem:s0+$0x2A60] =	vst v1;
	s0 =	sshra.s32 s5, $0x2;
	s5 =	sadd.s32 $0x200, s5  }
0x2c: {  	[tilespmem:s0+$0x2A70] =	vst v1  }
0x2d: {  	[tilespmem:s0+$0x2A00] =	vst v1  }
0x2e: {  	[tilespmem:s0+$0x2A10] =	vst v1  }
0x2f: {  	[tilespmem:s0+$0x2A20] =	vst v1  }
0x30: {  	[tilespmem:s0+$0x2A30] =	vst v1  }
0x31: {  	[tilespmem:s0+$0x2A40] =	vst v1  }
0x32: {  	[tilespmem:s0+$0x2A50] =	vst v1  }
0x33: {  	[tilespmem:s0+$0x2A60] =	vst v1  }
0x34: {  	[spmem:s8] =	stream.linear.scatter [tilespmem:s19], [sflag:$0x7], $0x2780, $0x38;
	[tilespmem:$0x1A600] =	vst v63  }
0x35: {  	_ =	swait.ge [sflag:s20], $0x2780  }
0x36: {  	[sflag:s20] =	ssyncset.done $0x0  }
0x37: {  	[sflag:s20] =	ssyncadd.s32 $0xFFFFD880  }
0x38: {  	[spmem:s11] =	stream.linear.scatter [tilespmem:s19], [sflag:$0x7], $0x2780, $0x38;
	[tilespmem:$0x1A600] =	vst v63  }
0x39: {  	_ =	swait.ge [sflag:s20], $0x2780  }
0x3a: {  	[sflag:s20] =	ssyncset.done $0x0  }
0x3b: {  	[sflag:s20] =	ssyncadd.s32 $0xFFFFD880  }
0x3c: {  	[spmem:s12] =	stream.linear.scatter [tilespmem:s19], [sflag:$0x7], $0x2780, $0x38;
	[tilespmem:$0x1A600] =	vst v63  }
0x3d: {  	_ =	swait.ge [sflag:s20], $0x2780  }
0x3e: {  	[sflag:s20] =	ssyncset.done $0x0  }
0x3f: {  	[sflag:s20] =	ssyncadd.s32 $0xFFFFD880  }
0x40: {  	[spmem:s13] =	stream.linear.scatter [tilespmem:s19], [sflag:$0x7], $0x2780, $0x38;
	[tilespmem:$0x1A600] =	vst v63  }
0x41: {  	_ =	swait.ge [sflag:s20], $0x2780  }
0x42: {  	[sflag:s20] =	ssyncset.done $0x0  }
0x43: {  	[sflag:s20] =	ssyncadd.s32 $0xFFFFD880  }
0x44: {  	[spmem:s14] =	stream.linear.scatter [tilespmem:s19], [sflag:$0x7], $0x2780, $0x38;
	[tilespmem:$0x1A600] =	vst v63  }
0x45: {  	_ =	swait.ge [sflag:s20], $0x2780  }
0x46: {  	[sflag:s20] =	ssyncset.done $0x0  }
0x47: {  	[sflag:s20] =	ssyncadd.s32 $0xFFFFD880  }
0x48: {  	[spmem:s15] =	stream.linear.scatter [tilespmem:s19], [sflag:$0x7], $0x2780, $0x38;
	[tilespmem:$0x1A600] =	vst v63  }
0x49: {  	_ =	swait.ge [sflag:s20], $0x2780  }
0x4a: {  	[sflag:s20] =	ssyncset.done $0x0  }
0x4b: {  	[sflag:s20] =	ssyncadd.s32 $0xFFFFD880  }
0x4c: {  	[spmem:s16] =	stream.linear.scatter [tilespmem:s19], [sflag:$0x7], $0x2780, $0x38;
	[tilespmem:$0x1A600] =	vst v63  }
0x4d: {  	_ =	swait.ge [sflag:s20], $0x2780  }
0x4e: {  	[sflag:s20] =	ssyncset.done $0x0  }
0x4f: {  	[sflag:s20] =	ssyncadd.s32 $0xFFFFD880  }
0x50: {  	[spmem:s17] =	stream.linear.scatter [tilespmem:s19], [sflag:$0x7], $0x2780, $0x38;
	[tilespmem:$0x1A600] =	vst v63  }
0x51: {  	_ =	swait.ge [sflag:s20], $0x2780  }
0x52: {  	[sflag:s20] =	ssyncset.done $0x0  }
0x53: {  	[sflag:s20] =	ssyncadd.s32 $0xFFFFD880  }
0x54: {  	s0 =	simm.s32 $0x0;
	[bflag:$0x0] =	sbarrier.arrive $0xFFFF  }
0x55: {  	[tilespmem:s0], [sflag:$0x1] =	stream.linear.gather [hbm4b:s4+s0], $0x80, $0x38;
	[tilespmem:$0x1A600] =	vst v63  }
0x56: {  	s5 =	rddreg [dreg:$0x3]  }
0x57: {  	[tilespmem:s21], [sflag:$0x2] =	stream.linear.gather [hbm4b:s5+s0], $0x80, $0x38;
	[tilespmem:$0x1A600] =	vst v63  }
0x58: {  	_ =	swait.ge [sflag:s22], $0x80  }
0x59: {  	[sflag:s22] =	ssyncset.done $0x0  }
0x5a: {  	[sflag:s22] =	ssyncadd.s32 $0xFFFFFF80  }
0x5b: {  	[spmem:s2] =	stream.indirect.scatter.add.f32 [tilespmem:s23], [sflag:$0x5], $0x80, s0, s21, $0xb8;
	[tilespmem:$0x1A600] =	vst v63  }
0x5c: {  	s6 =	rddreg [dreg:$0x4]  }
0x5d: {  	[tilespmem:s24], [sflag:$0x3] =	stream.linear.gather [hbm4b:s6+s0], $0x80, $0x38;
	[tilespmem:$0x1A600] =	vst v63  }
0x5e: {  	_ =	swait.ge [sflag:s25], $0x80  }
0x5f: {  	[sflag:s25] =	ssyncset.done $0x0  }
0x60: {  	[sflag:s25] =	ssyncadd.s32 $0xFFFFFF80  }
0x61: {  	[spmem:s2] =	stream.indirect.scatter.add.f32 [tilespmem:s23], [sflag:$0x6], $0x80, s21, s21, $0xb8;
	[tilespmem:$0x1A600] =	vst v63  }
0x62: {  	_ = 	snop  }
0x63: {  	[tilespmem:s26], [sflag:$0x4] =	stream.linear.gather [hbm4b:s7+s0], $0x80, $0x38;
	[tilespmem:$0x1A600] =	vst v63  }
0x64: {  	_ =	swait.ge [sflag:s28], $0x80  }
0x65: {  	[sflag:s28] =	ssyncset.done $0x0  }
0x66: {  	[sflag:s28] =	ssyncadd.s32 $0xFFFFFF80  }
0x67: {  	[spmem:s2] =	stream.indirect.scatter.add.f32 [tilespmem:s23], [sflag:$0x5], $0x80, s24, s21, $0xb8;
	[tilespmem:$0x1A600] =	vst v63  }
0x68: {  	_ =	swait.ge [sflag:s29], $0x4000  }
0x69: {  	s5 =	sadd.s32 $0x0, s18;
	[sflag:s29] =	ssyncset.done $0x0  }
0x6a: {  	s6 =	sadd.s32 $0x800, s5;
	[sflag:s29] =	ssyncadd.s32 $0xFFFFC000  }
0x6b: {  	[tilespmem:s3], [sflag:$0x1] =	stream.linear.gather [hbm4b:s6+s3], $0x80, $0x38;
	[tilespmem:$0x1A600] =	vst v63  }
0x6c: {  	_ =	swait.ge [sflag:s30], $0x80  }
0x6d: {  	[sflag:s30] =	ssyncset.done $0x0  }
0x6e: {  	[sflag:s30] =	ssyncadd.s32 $0xFFFFFF80  }
0x6f: {  	[spmem:s2] =	stream.indirect.scatter.add.f32 [tilespmem:s23], [sflag:$0x6], $0x80, s26, s21, $0xb8;
	[tilespmem:$0x1A600] =	vst v63  }
0x70: {  	_ =	swait.ge [sflag:s31], $0x4000  }
0x71: {  	[sflag:s31] =	ssyncset.done $0x0  }
0x72: {  	s6 =	sadd.s32 $0xA00, s5;
	[sflag:s31] =	ssyncadd.s32 $0xFFFFC000  }
0x73: {  	[tilespmem:s21], [sflag:$0x2] =	stream.linear.gather [hbm4b:s6+s3], $0x80, $0x38;
	[tilespmem:$0x1A600] =	vst v63  }
0x74: {  	_ =	swait.ge [sflag:s22], $0x80  }
0x75: {  	[sflag:s22] =	ssyncset.done $0x0  }
0x76: {  	[sflag:s22] =	ssyncadd.s32 $0xFFFFFF80  }
0x77: {  	[spmem:s2] =	stream.indirect.scatter.add.f32 [tilespmem:s23], [sflag:$0x5], $0x80, s3, s21, $0xb8;
	[tilespmem:$0x1A600] =	vst v63  }
0x78: {  	_ =	swait.ge [sflag:s29], $0x4000  }
0x79: {  	[sflag:s29] =	ssyncset.done $0x0  }
0x7a: {  	s6 =	sadd.s32 $0xC00, s5;
	[sflag:s29] =	ssyncadd.s32 $0xFFFFC000  }
0x7b: {  	[tilespmem:s24], [sflag:$0x3] =	stream.linear.gather [hbm4b:s6+s3], $0x80, $0x38;
	[tilespmem:$0x1A600] =	vst v63  }
0x7c: {  	_ =	swait.ge [sflag:s25], $0x80  }
0x7d: {  	[sflag:s25] =	ssyncset.done $0x0  }
0x7e: {  	[sflag:s25] =	ssyncadd.s32 $0xFFFFFF80  }
0x7f: {  	[spmem:s2] =	stream.indirect.scatter.add.f32 [tilespmem:s23], [sflag:$0x6], $0x80, s21, s21, $0xb8;
	[tilespmem:$0x1A600] =	vst v63  }
0x80: {  	_ =	swait.ge [sflag:s31], $0x4000  }
0x81: {  	[sflag:s31] =	ssyncset.done $0x0  }
0x82: {  	s0 =	simm.s32 $0x800;
	s5 =	sadd.s32 $0xE00, s5;
	[sflag:s31] =	ssyncadd.s32 $0xFFFFC000  }
.LBB2_6:
0x83: {  	[tilespmem:s26], [sflag:$0x4] =	stream.linear.gather [hbm4b:s5+s3], $0x80, $0x38;
	[tilespmem:$0x1A600] =	vst v63  }
0x84: {  	s5 =	smov.u32 s0  }
0x85: {  	p0 =	sne.s32 s0, $0x9000;
	s0 =	sadd.s32 $0x800, s0;
	_ =	swait.ge [sflag:s28], $0x80  }
0x86: {  	[sflag:s28] =	ssyncset.done $0x0  }
0x87: {  	[sflag:s28] =	ssyncadd.s32 $0xFFFFFF80  }
0x88: {  	[spmem:s2] =	stream.indirect.scatter.add.f32 [tilespmem:s23], [sflag:$0x5], $0x80, s24, s21, $0xb8;
	[tilespmem:$0x1A600] =	vst v63  }
0x89: {  	_ =	swait.ge [sflag:s29], $0x4000  }
0x8a: {  	s5 =	sadd.s32 s5, s18;
	[sflag:s29] =	ssyncset.done $0x0  }
0x8b: {  	s6 =	sadd.s32 $0x800, s5;
	[sflag:s29] =	ssyncadd.s32 $0xFFFFC000  }
0x8c: {  	[tilespmem:s3], [sflag:$0x1] =	stream.linear.gather [hbm4b:s6+s3], $0x80, $0x38;
	[tilespmem:$0x1A600] =	vst v63  }
0x8d: {  	_ =	swait.ge [sflag:s30], $0x80  }
0x8e: {  	[sflag:s30] =	ssyncset.done $0x0  }
0x8f: {  	[sflag:s30] =	ssyncadd.s32 $0xFFFFFF80  }
0x90: {  	[spmem:s2] =	stream.indirect.scatter.add.f32 [tilespmem:s23], [sflag:$0x6], $0x80, s26, s21, $0xb8;
	[tilespmem:$0x1A600] =	vst v63  }
0x91: {  	_ =	swait.ge [sflag:s31], $0x4000  }
0x92: {  	[sflag:s31] =	ssyncset.done $0x0  }
0x93: {  	s6 =	sadd.s32 $0xA00, s5;
	[sflag:s31] =	ssyncadd.s32 $0xFFFFC000  }
0x94: {  	[tilespmem:s21], [sflag:$0x2] =	stream.linear.gather [hbm4b:s6+s3], $0x80, $0x38;
	[tilespmem:$0x1A600] =	vst v63  }
0x95: {  	_ =	swait.ge [sflag:s22], $0x80  }
0x96: {  	[sflag:s22] =	ssyncset.done $0x0  }
0x97: {  	[sflag:s22] =	ssyncadd.s32 $0xFFFFFF80  }
0x98: {  	[spmem:s2] =	stream.indirect.scatter.add.f32 [tilespmem:s23], [sflag:$0x5], $0x80, s3, s21, $0xb8;
	[tilespmem:$0x1A600] =	vst v63  }
0x99: {  	_ =	swait.ge [sflag:s29], $0x4000  }
0x9a: {  	[sflag:s29] =	ssyncset.done $0x0  }
0x9b: {  	s6 =	sadd.s32 $0xC00, s5;
	[sflag:s29] =	ssyncadd.s32 $0xFFFFC000  }
0x9c: {  	[tilespmem:s24], [sflag:$0x3] =	stream.linear.gather [hbm4b:s6+s3], $0x80, $0x38;
	[tilespmem:$0x1A600] =	vst v63  }
0x9d: {  	_ =	swait.ge [sflag:s25], $0x80  }
0x9e: {  	[sflag:s25] =	ssyncset.done $0x0  }
.Ltmp2:
0x9f: {  	[sflag:s25] =	ssyncadd.s32 $0xFFFFFF80;
	(pc) =	sbr.rel @p0 .LBB2_6-.Ltmp2, $4  }
0xa0: {  	[spmem:s2] =	stream.indirect.scatter.add.f32 [tilespmem:s23], [sflag:$0x6], $0x80, s21, s21, $0xb8;
	[tilespmem:$0x1A600] =	vst v63  }
0xa1: {  	_ =	swait.ge [sflag:s31], $0x4000  }
0xa2: {  	[sflag:s31] =	ssyncset.done $0x0  }
0xa3: {  	s5 =	sadd.s32 $0xE00, s5;
	[sflag:s31] =	ssyncadd.s32 $0xFFFFC000  }
0xa4: {  	[tilespmem:s26], [sflag:$0x4] =	stream.linear.gather [hbm4b:s5+s3], $0x80, $0x38;
	[tilespmem:$0x1A600] =	vst v63  }
0xa5: {  	_ =	swait.ge [sflag:s28], $0x80  }
0xa6: {  	[sflag:s28] =	ssyncset.done $0x0  }
0xa7: {  	[sflag:s28] =	ssyncadd.s32 $0xFFFFFF80  }
0xa8: {  	[spmem:s2] =	stream.indirect.scatter.add.f32 [tilespmem:s23], [sflag:$0x5], $0x80, s24, s21, $0xb8;
	[tilespmem:$0x1A600] =	vst v63  }
0xa9: {  	_ =	swait.ge [sflag:s29], $0x4000  }
0xaa: {  	[sflag:s29] =	ssyncset.done $0x0  }
0xab: {  	[sflag:s29] =	ssyncadd.s32 $0xFFFFC000  }
0xac: {  	_ =	swait.ge [sflag:s30], $0x80  }
0xad: {  	[sflag:s30] =	ssyncset.done $0x0  }
0xae: {  	[sflag:s30] =	ssyncadd.s32 $0xFFFFFF80  }
0xaf: {  	[spmem:s2] =	stream.indirect.scatter.add.f32 [tilespmem:s23], [sflag:$0x6], $0x80, s26, s21, $0xb8;
	[tilespmem:$0x1A600] =	vst v63  }
0xb0: {  	_ =	swait.ge [sflag:s31], $0x4000  }
0xb1: {  	[sflag:s31] =	ssyncset.done $0x0  }
0xb2: {  	[sflag:s31] =	ssyncadd.s32 $0xFFFFC000  }
0xb3: {  	_ =	swait.ge [sflag:s29], $0x4000  }
0xb4: {  	[sflag:s29] =	ssyncset.done $0x0  }
0xb5: {  	[sflag:s29] =	ssyncadd.s32 $0xFFFFC000  }
0xb6: {  	s0 =	stileid.u32;
	_ =	swait.ge [sflag:s31], $0x4000  }
0xb7: {  	s6 =	sshrl.u32 s8, $0x3;
	s1 =	sadd.s32 $0x1, s1;
	[sflag:s31] =	ssyncset.done $0x0  }
0xb8: {  	s0 =	sshll.u32 s0, $0x6;
	p0 =	sne.s32 s1, s10;
	[sflag:s31] =	ssyncadd.s32 $0xFFFFC000  }
.Ltmp3:
0xb9: {  	s0 =	sor.u32 $0x1C07, s0;
	[bflag:$0x0] =	sbarrier.arrive $0xFFFF;
	(pc) =	sbr.rel @p0 .LBB2_1-.Ltmp3, $4  }
0xba: {  	[hbm:s9], [sflag:s0] =	dma.local [spmem:s6], $0x2780  }
0xbb: {  	_ =	swait.ge [sflag:s20], $0x2780  }
0xbc: {  	[sflag:s20] =	ssyncset.done $0x0  }
0xbd: {  	[sflag:s20] =	ssyncadd.s32 $0xFFFFD880  }
0xbe: {  	_ =	sfence.sel $0x180000  }
0xbf: {  	[bflag:$0x0] =	sbarrier.arrive $0xFFFF  }
0xc0: {  	_ =	strace $0x9000004A  }
0xc1: {  	s0 =	stileid.u32;
	[bflag:$0x2] =	sbarrier.arrive $0xFFFF  }
0xc2: {  	p0 =	sne.s32 s0, $0x0;
	s0 =	rddreg [dreg:$0x2]  }
0xc3: {  	s0 =	sadd.s32 @!p0 $0x100000, s0  }
0xc4: {  	[sflag:s0] =	ssyncadd.tile.s32 @!p0 $0x1;
	_ =	shalt  }
.Lfunc_end2:
_tile_overlayer_lowered:
.L_overlay_start_2:
0xc5: {  	(tag) =	ssettag $0x2  }
0xc6: {  	s0 =	rddreg [dreg:$0x0];
	s2 =	stileid.u32  }
0xc7: {  	s1 =	rddreg [dreg:$0x1];
	p0 =	sne.s32 s2, $0x0  }
0xc8: {  	s3 =	rddreg [dreg:$0x2];
	[bflag:$0x3] =	sbarrier.arrive $0xFFFF;
	s2 =	simm.s32 @!p0 $0x1C07  }
0xc9: {  	[timem:s3], [sflag:s2] =	dma.local @!p0 [hbm:s0], s1  }
0xca: {  	s0 =	simm.s32 @!p0 $0x7  }
0xcb: {  	_ =	swait.ge @!p0 [sflag:s0], s1  }
0xcc: {  	s1 =	ssub.s32 @!p0 $0x0, s1;
	[sflag:s0] =	ssyncset.done @!p0 $0x0  }
0xcd: {  	[sflag:s0] =	ssyncadd.s32 @!p0 s1  }
0xce: {  	[bflag:$0x3] =	sbarrier.arrive $0xFFFF  }
0xcf: {  	_ =	shalt  }

// kernel: kernel.15.cloned.1.call-start
scs
__scs_entry_jumppad:
0x0: {  	(pc) =	sbr.rel $0x88, $3  }
0x1: {  	(tag) =	ssettag $0x0;
	lr =	simm.s32 $0x1  }
0x2: {  	[smem:$0x3F96] =	sst lr;
	_ =	strace $0xD0000000  }
0x3: {  	_ = 	snop  }
0x4: {  	_ = 	snop  }
0x5: {  	_ = 	snop  }
0x6: {  	_ = 	snop  }
0x7: {  	_ = 	snop  }
__scs_overlays_trampoline_lowered:
0x8: {  	[smem:$0x3FA5] =	sst s0  }
0x9: {  	[smem:$0x3FA6] =	sst s1  }
0xa: {  	[smem:$0x3FA7] =	sst s2  }
0xb: {  	[smem:$0x3FA8] =	sst s3  }
0xc: {  	[smem:$0x3FA9] =	sst s4  }
0xd: {  	[smem:$0x3FAA] =	sst s5  }
0xe: {  	[smem:$0x3FAB] =	sst s6  }
0xf: {  	[smem:$0x3FAC] =	sst s7  }
0x10: {  	[smem:$0x3FAD] =	sst s8  }
0x11: {  	[smem:$0x3FAE] =	sst s9;
	s0 =	simm.s32 @!p0 $0x0  }
0x12: {  	s1 =	sld [smem:$0x3F94];
	s0 =	simm.s32 @p0 $0x1  }
0x13: {  	[smem:$0x3FAF] =	sst s0;
	s0 =	simm.s32 @!p1 $0x0  }
0x14: {  	s2 =	sld [smem:$0x3F93];
	s0 =	simm.s32 @p1 $0x1  }
0x15: {  	[smem:$0x3FB0] =	sst s0;
	s0 =	simm.s32 @!p2 $0x0  }
0x16: {  	s3 =	sld [smem:$0x3FDB];
	s0 =	simm.s32 @p2 $0x1  }
0x17: {  	s4 =	simm.s32 $0x1BF5;
	[smem:$0x3FB2] =	sst s0  }
0x18: {  	s0 =	sld [smem:$0x3F95];
	_ =	swait.ge [sflag:s4], $0x0  }
0x19: {  	s7 =	sld [smem:$0x3F96]  }
0x1a: {  	s8 =	sadd.s32 $0xFFFFE003, lr  }
0x1b: {  	s9 =	sadd.s32 $0xFFFFFEF7, lr;
	s5 =	simm.s32 $0xFFFFFFFF;
	p2 =	slt.u32 s8, $0xFFFFF086  }
0x1c: {  	p1 =	slt.u32 s9, $0xF7A;
	s5 =	simm.s32 @!p2 $0x0  }
0x1d: {  	s5 =	simm.s32 @p1 $0x1;
	p0 =	seq.s32 s7, s2  }
0x1e: {  	s7 =	smul.u32 @!p0 $0xF7A, s2;
	p2 =	seq.s32 @!p0 s5, $0x0  }
0x1f: {  	s9 =	smul.u32 $0xF7A, s1;
	s8 =	simm.s32 @!p0 $0x1BF5;
	p2 =	por !p2, p0  }
0x20: {  	[sflag:s8] =	ssyncset.s32 @!p0 $0xFFFFF086;
	s6 =	sadd.s32 @!p0 s3, s7;
	s7 =	simm.s32 @!p0 $0x108  }
0x21: {  	s3 =	sadd.s32 s3, s9;
	s6 =	sadd.s32 @!p0 $0x88, s6;
	s7 =	simm.s32 @p2 $0x1082  }
0x22: {  	[simem:s7], [sflag:s8] =	dma.local @!p0 [hbm:s6], $0xF7A  }
0x23: {  	s9 =	sor.u32 $0xD0000000, s2;
	s6 =	simm.s32 $0x108;
	_ =	swait.ge @!p0 [sflag:s8], $0x0  }
0x24: {  	s3 =	sadd.s32 $0x88, s3;
	s6 =	simm.s32 @!p1 $0x1082;
	[sflag:s4] =	ssyncset.s32 $0xFFFFF086  }
0x25: {  	[simem:s6], [sflag:s4] =	dma.local [hbm:s3], $0xF7A  }
0x26: {  	[smem:$0x3F96] =	sst s1;
	(tag) =	ssettag s2;
	_ =	strace s9  }
0x27: {  	s1 =	sld [smem:$0x3FA6]  }
0x28: {  	s2 =	sld [smem:$0x3FA7]  }
0x29: {  	s4 =	sld [smem:$0x3FA9]  }
0x2a: {  	p0 =	seq.s32 s5, $0x0;
	s5 =	sld [smem:$0x3FAA]  }
0x2b: {  	s6 =	sld [smem:$0x3FAB]  }
0x2c: {  	s7 =	sld [smem:$0x3FAC]  }
0x2d: {  	s3 =	simm.s32 $0x108;
	s8 =	sld [smem:$0x3FAD]  }
0x2e: {  	s3 =	simm.s32 @!p0 $0x1082;
	s9 =	sld [smem:$0x3FAE]  }
0x2f: {  	lr =	sadd.s32 s0, s3;
	s0 =	sld [smem:$0x3FA5]  }
0x30: {  	s3 =	sld [smem:$0x3FA8]  }
0x31: {  	[smem:$0x3FB1] =	sst s10  }
0x32: {  	s10 =	sld [smem:$0x3FAF];
	_ =	sdelay $0x3  }
0x33: {  	p0 =	seq.s32 s10, $0x1;
	s10 =	sld [smem:$0x3FB1];
	_ =	sdelay $0x3  }
0x34: {  	[smem:$0x3FB1] =	sst s10  }
0x35: {  	s10 =	sld [smem:$0x3FB0];
	_ =	sdelay $0x3  }
0x36: {  	p1 =	seq.s32 s10, $0x1;
	s10 =	sld [smem:$0x3FB1];
	_ =	sdelay $0x3  }
0x37: {  	[smem:$0x3FB1] =	sst s10  }
0x38: {  	s10 =	sld [smem:$0x3FB2]  }
0x39: {  	_ = 	snop;
	(pc) =	sbr.ind lr, $3  }
0x3a: {  	_ = 	snop  }
0x3b: {  	_ = 	snop  }
0x3c: {  	p2 =	seq.s32 s10, $0x1;
	s10 =	sld [smem:$0x3FB1]  }
0x3d: {  	_ =	shalt  }
0x3e: {  	_ =	shalt  }
0x3f: {  	_ =	shalt  }
0x40: {  	_ =	shalt  }
0x41: {  	_ =	shalt  }
0x42: {  	_ =	shalt  }
0x43: {  	_ =	shalt  }
0x44: {  	_ =	shalt  }
0x45: {  	_ =	shalt  }
0x46: {  	_ =	shalt  }
0x47: {  	_ =	shalt  }
0x48: {  	_ =	shalt  }
0x49: {  	_ =	shalt  }
0x4a: {  	_ =	shalt  }
0x4b: {  	_ =	shalt  }
0x4c: {  	_ =	shalt  }
0x4d: {  	_ =	shalt  }
0x4e: {  	_ =	shalt  }
0x4f: {  	_ =	shalt  }
0x50: {  	_ =	shalt  }
0x51: {  	_ =	shalt  }
0x52: {  	_ =	shalt  }
0x53: {  	_ =	shalt  }
0x54: {  	_ =	shalt  }
0x55: {  	_ =	shalt  }
0x56: {  	_ =	shalt  }
0x57: {  	_ =	shalt  }
0x58: {  	_ =	shalt  }
0x59: {  	_ =	shalt  }
0x5a: {  	_ =	shalt  }
0x5b: {  	_ =	shalt  }
0x5c: {  	_ =	shalt  }
0x5d: {  	_ =	shalt  }
0x5e: {  	_ =	shalt  }
0x5f: {  	_ =	shalt  }
0x60: {  	_ =	shalt  }
0x61: {  	_ =	shalt  }
0x62: {  	_ =	shalt  }
0x63: {  	_ =	shalt  }
0x64: {  	_ =	shalt  }
0x65: {  	_ =	shalt  }
0x66: {  	_ =	shalt  }
0x67: {  	_ =	shalt  }
0x68: {  	_ =	shalt  }
0x69: {  	_ =	shalt  }
0x6a: {  	_ =	shalt  }
0x6b: {  	_ =	shalt  }
0x6c: {  	_ =	shalt  }
0x6d: {  	_ =	shalt  }
0x6e: {  	_ =	shalt  }
0x6f: {  	_ =	shalt  }
0x70: {  	_ =	shalt  }
0x71: {  	_ =	shalt  }
0x72: {  	_ =	shalt  }
0x73: {  	_ =	shalt  }
0x74: {  	_ =	shalt  }
0x75: {  	_ =	shalt  }
0x76: {  	_ =	shalt  }
0x77: {  	_ =	shalt  }
0x78: {  	_ =	shalt  }
0x79: {  	_ =	shalt  }
0x7a: {  	_ =	shalt  }
0x7b: {  	_ =	shalt  }
0x7c: {  	_ =	shalt  }
0x7d: {  	_ =	shalt  }
0x7e: {  	_ =	shalt  }
0x7f: {  	_ =	shalt  }
0x80: {  	_ =	shalt  }
0x81: {  	_ =	shalt  }
0x82: {  	_ =	shalt  }
0x83: {  	_ =	shalt  }
0x84: {  	_ =	shalt  }
0x85: {  	_ =	shalt  }
0x86: {  	_ =	shalt  }
0x87: {  	_ =	shalt  }
.Lfunc_end0:
.L_simem_size_0:
called_computation.2_lowered:
.L_overlay_start_0:
0x88: {  	s2 =	sld [smem:$0x3FD9]  }
0x89: {  	s3 =	sld [smem:$0x3FFE];
	_ =	sdelay $0x1  }
0x8a: {  	s1 =	srdreg.scid  }
0x8b: {  	s0 =	sand.u32 $0x1, s1  }
0x8c: {  	s16 =	sshll.u32 s0, $0xA;
	s2 =	sadd.s32 s3, s2  }
0x8d: {  	s2 =	sadd.s32 s2, s16  }
0x8e: {  	[smem:$0x3FBD] =	sst s2  }
0x8f: {  	_ = 	snop  }
0x90: {  	(tm) =	ssettm $0x1  }
0x91: {  	s17 =	sld [smem:$0x3FFB];
	_ =	sdelay $0x3  }
0x92: {  	_ =	strace s17  }
0x93: {  	s2 =	sld [smem:$0x3FFC];
	_ =	sdelay $0x3  }
0x94: {  	_ =	strace s2  }
0x95: {  	s2 =	sld [smem:$0x3FFD];
	_ =	sdelay $0x3  }
0x96: {  	_ =	strace s2  }
0x97: {  	_ =	strace $0x8FFFFFFF  }
0x98: {  	s18 =	sld [smem:$0x3FDB];
	_ =	sdelay $0x1  }
0x99: {  	s19 =	simm.s32 $_scs_section_size  }
0x9a: {  	s4 =	simm.s32 $_size__tile_overlayer_lowered;
	s5 =	simm.s32 $_tile_overlayer_lowered  }
0x9b: {  	s22 =	simm.s32 $0x1BFF;
	s21 =	sshll.u32 s5, $0x1;
	s2 =	sadd.s32 s19, s18  }
0x9c: {  	s6 =	simm.s32 $0x0;
	s20 =	sshll.u32 s4, $0x1;
	s4 =	sadd.s32 s21, s2  }
0x9d: {  	[timem:s6], [sflag:s22] =	dma.local [hbm:s4], s20  }
0x9e: {  	_ =	swait.ge [sflag:s22], s20  }
0x9f: {  	s3 =	ssub.s32 $0x0, s20;
	[sflag:s22] =	ssyncset.done $0x0  }
0xa0: {  	[sflag:s22] =	ssyncadd.s32 s3;
	_ =	sdelay $0x1  }
0xa1: {  	s23 =	simm.s32 $0x1B8B  }
0xa2: {  	_ =	swait.ge [sflag:s23], $0x1  }
0xa3: {  	[sflag:s23] =	ssyncset.done $0x0  }
0xa4: {  	s25 =	simm.s32 $0x1B8E;
	s24 =	sld [smem:$0x3FFE];
	[sflag:s23] =	ssyncadd.s32 $0xFFFFFFFF  }
0xa5: {  	s26 =	simm.s32 $execute0_lowered;
	[smem:$0x3FD2] =	sst s25  }
0xa6: {  	s4 =	sshll.u32 s26, $0x1;
	_ =	strace $0x8000004C;
	[dreg:$0x1] =	wrdreg $0xFFFFFFFF  }
0xa7: {  	s28 =	simm.s32 $_size_execute0_lowered;
	s2 =	sadd.s32 s2, s4;
	[dreg:$0x0] =	wrdreg $0x0  }
0xa8: {  	s4 =	sshll.u32 s28, $0x1;
	[dreg:$0x2] =	wrdreg s2  }
0xa9: {  	[dreg:$0x3] =	wrdreg s4  }
0xaa: {  	[dreg:$0x4] =	wrdreg $0xC0  }
0xab: {  	_ =	task [dreg:s6], $0x5FFFF  }
0xac: {  	[dreg:$0x1] =	wrdreg $0xFFFFFFFF  }
0xad: {  	[dreg:$0x0] =	wrdreg $0x60  }
0xae: {  	[dreg:$0x2] =	wrdreg s24  }
0xaf: {  	[dreg:$0x3] =	wrdreg $0xAC000  }
0xb0: {  	[dreg:$0x4] =	wrdreg $0x9  }
0xb1: {  	_ =	task.clear_ibuf [dreg:s6], $0x5FFFF;
	_ =	strace $0x9000004C  }
0xb2: {  	s29 =	simm.s32 $0x9;
	_ =	strace $0x8000004E  }
0xb3: {  	_ =	swait.ge [sflag:s29], $0x1  }
0xb4: {  	[sflag:s29] =	ssyncadd.s32 $0xFFFFFFFF  }
0xb5: {  	_ =	strace $0x9000004E  }
0xb6: {  	_ =	sfence  }
0xb7: {  	s30 =	sld [smem:$0x0];
	_ =	sdelay $0x2  }
0xb8: {  	s31 =	sshll.u32 s1, $0xD;
	s1 =	sshrl.u32 s1, $0x2  }
0xb9: {  	s3 =	sand.u32 $0x4000, s31;
	s1 =	sadd.s32 s1, s30  }
0xba: {  	s0 =	sor.u32 s3, s0;
	s1 =	sshll.u32 s1, $0x11  }
0xbb: {  	s0 =	sor.u32 s1, s0  }
0xbc: {  	s0 =	sadd.s32 $0x8F2B, s0  }
0xbd: {  	[sflag:s0] =	ssyncadd.remote.s32 $0x1  }
0xbe: {  	_ =	sfence.sel $0xFFFF  }
0xbf: {  	[dreg:$0x0] =	wrdreg $0xFFFFFFFF;
	(pc) =	sbr.abs _section_cstart, $3  }
0xc0: {  	[dreg:$0x1] =	wrdreg $0xFFFFFFFF  }
0xc1: {  	_ =	task.clear_ibuf [dreg:s6], $0x2FFFF;
	_ =	strace $0x9FFFFFFF  }
0xc2: {  	(tm) =	ssettm $0x7FFFFFFF  }
0xc3: {  	_ =	shalt  }
tec
execute0_lowered:
.L_overlay_start_1:
0x0: {  	(tag) =	ssettag $0x1  }
0x1: {  	s0 =	rddreg [dreg:$0x0]  }
0x2: {  	s2 =	rddreg [dreg:$0x1]  }
0x3: {  	s1 =	srdreg.scid;
	s12 =	stileid.u32  }
0x4: {  	s3 =	simm.s32 $0x0;
	s28 =	simm.s32 $0x80;
	s29 =	simm.s32 $0x280  }
0x5: {  	s30 =	simm.s32 $0x1;
	s31 =	simm.s32 $0x400;
	s1 =	sand.u32 $0x1, s1  }
0x6: {  	s5 =	smul.u32 $0x278, s12;
	[smem:$0x7FF] =	sst s3;
	s4 =	sadd.s32 $0x17600, s0  }
0x7: {  	s7 =	sadd.s32 $0x3600, s0;
	s8 =	sadd.s32 $0xD600, s0;
	s16 =	smul.u32 $0x4F000, s12  }
0x8: {  	s9 =	sshll.u32 s12, $0x5;
	s12 =	simm.s32 $0x4;
	s6 =	smul.u32 $0x2780, s1  }
0x9: {  	_ =	strace $0x8000004D;
	s23 =	ssub.s32 $0x2, s1;
	s1 =	sshll.u32 s1, $0x4  }
0xa: {  	s10 =	sshrl.u32 s23, $0x1;
	s11 =	sor.u32 s1, s9;
	s19 =	sshrl.u32 s16, $0x2  }
0xb: {  	s5 =	sadd.s32 s5, s6;
	s24 =	ssub.s32 s23, s10;
	s25 =	sor.u32 $0x200, s11  }
0xc: {  	s26 =	sadd.s32 s7, s11;
	s13 =	sadd.s32 s8, s11;
	s15 =	sor.u32 $0x400, s11  }
0xd: {  	s18 =	sor.u32 $0x600, s11;
	s10 =	simm.s32 $0x180;
	[dreg:$0x4] =	wrdreg s26  }
0xe: {  	s5 =	sshll.u32 s5, $0x4;
	[dreg:$0x5] =	wrdreg s13;
	s14 =	sadd.s32 s7, s25  }
0xf: {  	s6 =	sadd.s32 s8, s25;
	s17 =	sadd.s32 s7, s15;
	s11 =	sadd.s32 s7, s18  }
0x10: {  	s13 =	sadd.s32 s19, s2;
	s20 =	smax.u32 s24, $0x1;
	[dreg:$0x6] =	wrdreg s14  }
0x11: {  	s25 =	sadd.s32 s9, s8;
	s26 =	sadd.s32 s9, s7;
	[dreg:$0x7] =	wrdreg s6  }
0x12: {  	s7 =	simm.s32 $0x300;
	s9 =	simm.s32 $0x3;
	[dreg:$0x8] =	wrdreg s17  }
0x13: {  	s0 =	sadd.s32 s5, s0;
	s6 =	sadd.s32 s8, s15;
	[dreg:$0xa] =	wrdreg s11  }
0x14: {  	[dreg:$0xd] =	wrdreg s20;
	s21 =	sadd.s32 $0x2780, s13;
	s22 =	sadd.s32 $0x4F00, s13  }
0x15: {  	s23 =	sadd.s32 $0x7680, s13;
	s24 =	sadd.s32 $0x9E00, s13;
	[dreg:$0x9] =	wrdreg s6  }
0x16: {  	s20 =	sadd.s32 $0xC580, s13;
	s5 =	simm.s32 $0x4400;
	[dreg:$0xe] =	wrdreg s21  }
0x17: {  	s11 =	simm.s32 $0x380;
	s14 =	simm.s32 $0x0;
	[dreg:$0xf] =	wrdreg s22  }
0x18: {  	s6 =	sadd.s32 s8, s18;
	s0 =	sadd.s32 $0xB5600, s0;
	[dreg:$0x10] =	wrdreg s23  }
0x19: {  	[dreg:$0x11] =	wrdreg s24;
	s21 =	sadd.s32 $0xED00, s13;
	s22 =	sadd.s32 $0x11480, s13  }
0x1a: {  	s23 =	sadd.s32 s1, s26;
	s24 =	simm.s32 $0x8400;
	[dreg:$0xb] =	wrdreg s6  }
0x1b: {  	s26 =	simm.s32 $0x200;
	s8 =	simm.s32 $0x6;
	[dreg:$0xc] =	wrdreg s0  }
0x1c: {  	s0 =	sadd.s32 s1, s25;
	s25 =	simm.s32 $0x7;
	s1 =	simm.s32 $0x2  }
0x1d: {  	v0 =	vimm.f32 $0.0e+00;
	s6 =	simm.s32 $0x100;
	[dreg:$0x3] =	wrdreg s0;
	s0 =	simm.s32 $0x5  }
.LBB2_1:
0x1e: {  	s15 =	simm.s32 $0x0;
	s16 =	simm.s32 $0x200  }
.LBB2_2:
0x1f: {  	p0 =	sne.s32 s16, $0x9C00;
	[tilespmem:s15+$0x8470] =	vst v0  }
0x20: {  	[tilespmem:s15+$0x8400] =	vst v0  }
0x21: {  	[tilespmem:s15+$0x8410] =	vst v0  }
.Ltmp0:
0x22: {  	[tilespmem:s15+$0x8420] =	vst v0;
	(pc) =	sbr.rel @p0 .LBB2_2-.Ltmp0, $4  }
0x23: {  	[tilespmem:s15+$0x8430] =	vst v0  }
0x24: {  	[tilespmem:s15+$0x8440] =	vst v0  }
0x25: {  	[tilespmem:s15+$0x8450] =	vst v0  }
0x26: {  	[tilespmem:s15+$0x8460] =	vst v0;
	s15 =	sshra.s32 s16, $0x2;
	s16 =	sadd.s32 $0x200, s16  }
0x27: {  	[tilespmem:s15+$0x8470] =	vst v0  }
0x28: {  	[tilespmem:s15+$0x8400] =	vst v0  }
0x29: {  	[tilespmem:s15+$0x8410] =	vst v0  }
0x2a: {  	[tilespmem:s15+$0x8420] =	vst v0  }
0x2b: {  	[tilespmem:s15+$0x8430] =	vst v0  }
0x2c: {  	[tilespmem:s15+$0x8440] =	vst v0  }
0x2d: {  	[tilespmem:s15+$0x8450] =	vst v0  }
0x2e: {  	[tilespmem:s15+$0x8460] =	vst v0  }
0x2f: {  	[spmem:s13] =	stream.linear.scatter [tilespmem:s24], [sflag:$0x7], $0x2780, $0x38;
	[tilespmem:$0x1E800] =	vst v63  }
0x30: {  	_ =	swait.ge [sflag:s25], $0x2780  }
0x31: {  	[sflag:s25] =	ssyncset.done $0x0  }
0x32: {  	s17 =	rddreg [dreg:$0xe];
	[sflag:s25] =	ssyncadd.s32 $0xFFFFD880  }
0x33: {  	[spmem:s17] =	stream.linear.scatter [tilespmem:s24], [sflag:$0x7], $0x2780, $0x38;
	[tilespmem:$0x1E800] =	vst v63  }
0x34: {  	_ =	swait.ge [sflag:s25], $0x2780  }
0x35: {  	[sflag:s25] =	ssyncset.done $0x0  }
0x36: {  	s18 =	rddreg [dreg:$0xf];
	[sflag:s25] =	ssyncadd.s32 $0xFFFFD880  }
0x37: {  	[spmem:s18] =	stream.linear.scatter [tilespmem:s24], [sflag:$0x7], $0x2780, $0x38;
	[tilespmem:$0x1E800] =	vst v63  }
0x38: {  	_ =	swait.ge [sflag:s25], $0x2780  }
0x39: {  	[sflag:s25] =	ssyncset.done $0x0  }
0x3a: {  	s19 =	rddreg [dreg:$0x10];
	[sflag:s25] =	ssyncadd.s32 $0xFFFFD880  }
0x3b: {  	[spmem:s19] =	stream.linear.scatter [tilespmem:s24], [sflag:$0x7], $0x2780, $0x38;
	[tilespmem:$0x1E800] =	vst v63  }
0x3c: {  	_ =	swait.ge [sflag:s25], $0x2780  }
0x3d: {  	[sflag:s25] =	ssyncset.done $0x0  }
0x3e: {  	s16 =	rddreg [dreg:$0x11];
	[sflag:s25] =	ssyncadd.s32 $0xFFFFD880  }
0x3f: {  	[spmem:s16] =	stream.linear.scatter [tilespmem:s24], [sflag:$0x7], $0x2780, $0x38;
	[tilespmem:$0x1E800] =	vst v63  }
0x40: {  	_ =	swait.ge [sflag:s25], $0x2780  }
0x41: {  	[sflag:s25] =	ssyncset.done $0x0  }
0x42: {  	[sflag:s25] =	ssyncadd.s32 $0xFFFFD880  }
0x43: {  	[spmem:s20] =	stream.linear.scatter [tilespmem:s24], [sflag:$0x7], $0x2780, $0x38;
	[tilespmem:$0x1E800] =	vst v63  }
0x44: {  	_ =	swait.ge [sflag:s25], $0x2780  }
0x45: {  	[sflag:s25] =	ssyncset.done $0x0  }
0x46: {  	[sflag:s25] =	ssyncadd.s32 $0xFFFFD880  }
0x47: {  	[spmem:s21] =	stream.linear.scatter [tilespmem:s24], [sflag:$0x7], $0x2780, $0x38;
	[tilespmem:$0x1E800] =	vst v63  }
0x48: {  	_ =	swait.ge [sflag:s25], $0x2780  }
0x49: {  	[sflag:s25] =	ssyncset.done $0x0  }
0x4a: {  	[sflag:s25] =	ssyncadd.s32 $0xFFFFD880  }
0x4b: {  	[spmem:s22] =	stream.linear.scatter [tilespmem:s24], [sflag:$0x7], $0x2780, $0x38;
	[tilespmem:$0x1E800] =	vst v63  }
0x4c: {  	_ =	swait.ge [sflag:s25], $0x2780  }
0x4d: {  	[sflag:s25] =	ssyncset.done $0x0  }
0x4e: {  	[sflag:s25] =	ssyncadd.s32 $0xFFFFD880  }
0x4f: {  	[bflag:$0x0] =	sbarrier.arrive $0xFFFF  }
0x50: {  	s15 =	simm.s32 $0x0;
	s16 =	rddreg [dreg:$0x4]  }
0x51: {  	[tilespmem:s15], [sflag:$0x1] =	stream.linear.gather [hbm4b:s16+s15], $0x80, $0x38;
	[tilespmem:$0x1E800] =	vst v63  }
0x52: {  	s17 =	rddreg [dreg:$0x5]  }
0x53: {  	[tilespmem:s26], [sflag:$0x1] =	stream.linear.gather [hbm4b:s17+s15], $0x80, $0x38;
	[tilespmem:$0x1E800] =	vst v63  }
0x54: {  	s18 =	rddreg [dreg:$0x6]  }
0x55: {  	[tilespmem:s28], [sflag:$0x2] =	stream.linear.gather [hbm4b:s18+s15], $0x80, $0x38;
	[tilespmem:$0x1E800] =	vst v63  }
0x56: {  	s19 =	rddreg [dreg:$0x7]  }
0x57: {  	[tilespmem:s29], [sflag:$0x2] =	stream.linear.gather [hbm4b:s19+s15], $0x80, $0x38;
	[tilespmem:$0x1E800] =	vst v63  }
0x58: {  	_ =	swait.ge [sflag:s30], $0x80  }
0x59: {  	[sflag:s30] =	ssyncset.done $0x0  }
0x5a: {  	[sflag:s30] =	ssyncadd.s32 $0xFFFFFF80  }
0x5b: {  	_ =	swait.ge [sflag:s30], $0x80  }
0x5c: {  	[sflag:s30] =	ssyncset.done $0x0  }
0x5d: {  	[sflag:s30] =	ssyncadd.s32 $0xFFFFFF80  }
0x5e: {  	[tilespmem:s31], [sflag:$0x5] =	stream.indirect.gather [hbm4b:s4+s28], $0x80, s15, s28, $0xb8;
	[tilespmem:$0x1E800] =	vst v63  }
0x5f: {  	_ =	swait.ge [sflag:s0], $0x4000  }
0x60: {  	[sflag:s0] =	ssyncset.done $0x0  }
0x61: {  	[sflag:s0] =	ssyncadd.s32 $0xFFFFC000  }
0x62: {  	_ =	swait.ge [sflag:s1], $0x80  }
0x63: {  	[sflag:s1] =	ssyncset.done $0x0  }
0x64: {  	[sflag:s1] =	ssyncadd.s32 $0xFFFFFF80  }
0x65: {  	_ =	swait.ge [sflag:s1], $0x80  }
0x66: {  	[sflag:s1] =	ssyncset.done $0x0  }
0x67: {  	[sflag:s1] =	ssyncadd.s32 $0xFFFFFF80  }
0x68: {  	[tilespmem:s5], [sflag:$0x6] =	stream.indirect.gather [hbm4b:s4+s28], $0x80, s28, s28, $0xb8;
	[tilespmem:$0x1E800] =	vst v63  }
0x69: {  	_ = 	snop  }
0x6a: {  	[spmem:s2] =	stream.indirect.scatter.add.f32 [tilespmem:s31], [sflag:$0x7], $0x80, s26, s28, $0xb8;
	[tilespmem:$0x1E800] =	vst v63  }
0x6b: {  	_ =	swait.ge [sflag:s25], $0x4000  }
0x6c: {  	[sflag:s25] =	ssyncset.done $0x0  }
0x6d: {  	s17 =	rddreg [dreg:$0x8];
	[sflag:s25] =	ssyncadd.s32 $0xFFFFC000  }
0x6e: {  	[tilespmem:s6], [sflag:$0x3] =	stream.linear.gather [hbm4b:s17+s15], $0x80, $0x38;
	[tilespmem:$0x1E800] =	vst v63  }
0x6f: {  	s18 =	rddreg [dreg:$0x9]  }
0x70: {  	[tilespmem:s7], [sflag:$0x3] =	stream.linear.gather [hbm4b:s18+s15], $0x80, $0x38;
	[tilespmem:$0x1E800] =	vst v63  }
0x71: {  	_ =	swait.ge [sflag:s8], $0x4000  }
0x72: {  	[sflag:s8] =	ssyncset.done $0x0  }
0x73: {  	[sflag:s8] =	ssyncadd.s32 $0xFFFFC000  }
0x74: {  	_ =	swait.ge [sflag:s9], $0x80  }
0x75: {  	[sflag:s9] =	ssyncset.done $0x0  }
0x76: {  	[sflag:s9] =	ssyncadd.s32 $0xFFFFFF80  }
0x77: {  	_ =	swait.ge [sflag:s9], $0x80  }
0x78: {  	[sflag:s9] =	ssyncset.done $0x0  }
0x79: {  	[sflag:s9] =	ssyncadd.s32 $0xFFFFFF80  }
0x7a: {  	[tilespmem:s31], [sflag:$0x5] =	stream.indirect.gather [hbm4b:s4+s28], $0x80, s6, s28, $0xb8;
	[tilespmem:$0x1E800] =	vst v63  }
0x7b: {  	_ = 	snop  }
0x7c: {  	[spmem:s2] =	stream.indirect.scatter.add.f32 [tilespmem:s5], [sflag:$0x7], $0x80, s29, s28, $0xb8;
	[tilespmem:$0x1E800] =	vst v63  }
0x7d: {  	_ =	swait.ge [sflag:s25], $0x4000  }
0x7e: {  	[sflag:s25] =	ssyncset.done $0x0  }
0x7f: {  	s19 =	rddreg [dreg:$0xa];
	[sflag:s25] =	ssyncadd.s32 $0xFFFFC000  }
0x80: {  	[tilespmem:s10], [sflag:$0x4] =	stream.linear.gather [hbm4b:s19+s15], $0x80, $0x38;
	[tilespmem:$0x1E800] =	vst v63  }
0x81: {  	s17 =	rddreg [dreg:$0xb]  }
0x82: {  	[tilespmem:s11], [sflag:$0x4] =	stream.linear.gather [hbm4b:s17+s15], $0x80, $0x38;
	[tilespmem:$0x1E800] =	vst v63  }
0x83: {  	_ =	swait.ge [sflag:s0], $0x4000  }
0x84: {  	[sflag:s0] =	ssyncset.done $0x0  }
0x85: {  	[sflag:s0] =	ssyncadd.s32 $0xFFFFC000  }
0x86: {  	_ =	swait.ge [sflag:s12], $0x80  }
0x87: {  	[sflag:s12] =	ssyncset.done $0x0  }
0x88: {  	[sflag:s12] =	ssyncadd.s32 $0xFFFFFF80  }
0x89: {  	_ =	swait.ge [sflag:s12], $0x80  }
0x8a: {  	[sflag:s12] =	ssyncset.done $0x0  }
0x8b: {  	[sflag:s12] =	ssyncadd.s32 $0xFFFFFF80  }
0x8c: {  	[tilespmem:s5], [sflag:$0x6] =	stream.indirect.gather [hbm4b:s4+s28], $0x80, s10, s28, $0xb8;
	[tilespmem:$0x1E800] =	vst v63  }
0x8d: {  	_ = 	snop  }
0x8e: {  	[spmem:s2] =	stream.indirect.scatter.add.f32 [tilespmem:s31], [sflag:$0x7], $0x80, s7, s28, $0xb8;
	[tilespmem:$0x1E800] =	vst v63  }
0x8f: {  	_ =	swait.ge [sflag:s25], $0x4000  }
0x90: {  	s15 =	sadd.s32 $0x0, s23;
	[sflag:s25] =	ssyncset.done $0x0;
	s18 =	rddreg [dreg:$0x3]  }
0x91: {  	s17 =	sadd.s32 $0x800, s15;
	[sflag:s25] =	ssyncadd.s32 $0xFFFFC000;
	s16 =	sadd.s32 $0x0, s18  }
0x92: {  	[tilespmem:s3], [sflag:$0x1] =	stream.linear.gather [hbm4b:s17+s3], $0x80, $0x38;
	[tilespmem:$0x1E800] =	vst v63  }
0x93: {  	s19 =	sadd.s32 $0x800, s16  }
0x94: {  	[tilespmem:s26], [sflag:$0x1] =	stream.linear.gather [hbm4b:s19+s3], $0x80, $0x38;
	[tilespmem:$0x1E800] =	vst v63  }
0x95: {  	_ =	swait.ge [sflag:s8], $0x4000  }
0x96: {  	[sflag:s8] =	ssyncset.done $0x0  }
0x97: {  	[sflag:s8] =	ssyncadd.s32 $0xFFFFC000  }
0x98: {  	_ =	swait.ge [sflag:s30], $0x80  }
0x99: {  	[sflag:s30] =	ssyncset.done $0x0  }
0x9a: {  	[sflag:s30] =	ssyncadd.s32 $0xFFFFFF80  }
0x9b: {  	_ =	swait.ge [sflag:s30], $0x80  }
0x9c: {  	[sflag:s30] =	ssyncset.done $0x0  }
0x9d: {  	[sflag:s30] =	ssyncadd.s32 $0xFFFFFF80  }
0x9e: {  	[tilespmem:s31], [sflag:$0x5] =	stream.indirect.gather [hbm4b:s4+s28], $0x80, s3, s28, $0xb8;
	[tilespmem:$0x1E800] =	vst v63  }
0x9f: {  	_ = 	snop  }
0xa0: {  	[spmem:s2] =	stream.indirect.scatter.add.f32 [tilespmem:s5], [sflag:$0x7], $0x80, s11, s28, $0xb8;
	[tilespmem:$0x1E800] =	vst v63  }
0xa1: {  	_ =	swait.ge [sflag:s25], $0x4000  }
0xa2: {  	[sflag:s25] =	ssyncset.done $0x0  }
0xa3: {  	s18 =	sadd.s32 $0xA00, s15;
	[sflag:s25] =	ssyncadd.s32 $0xFFFFC000  }
0xa4: {  	[tilespmem:s28], [sflag:$0x2] =	stream.linear.gather [hbm4b:s18+s3], $0x80, $0x38;
	[tilespmem:$0x1E800] =	vst v63  }
0xa5: {  	s19 =	sadd.s32 $0xA00, s16  }
0xa6: {  	[tilespmem:s29], [sflag:$0x2] =	stream.linear.gather [hbm4b:s19+s3], $0x80, $0x38;
	[tilespmem:$0x1E800] =	vst v63  }
0xa7: {  	_ =	swait.ge [sflag:s0], $0x4000  }
0xa8: {  	[sflag:s0] =	ssyncset.done $0x0  }
0xa9: {  	[sflag:s0] =	ssyncadd.s32 $0xFFFFC000  }
0xaa: {  	_ =	swait.ge [sflag:s1], $0x80  }
0xab: {  	[sflag:s1] =	ssyncset.done $0x0  }
0xac: {  	[sflag:s1] =	ssyncadd.s32 $0xFFFFFF80  }
0xad: {  	_ =	swait.ge [sflag:s1], $0x80  }
0xae: {  	[sflag:s1] =	ssyncset.done $0x0  }
0xaf: {  	[sflag:s1] =	ssyncadd.s32 $0xFFFFFF80  }
0xb0: {  	[tilespmem:s5], [sflag:$0x6] =	stream.indirect.gather [hbm4b:s4+s28], $0x80, s28, s28, $0xb8;
	[tilespmem:$0x1E800] =	vst v63  }
0xb1: {  	_ = 	snop  }
0xb2: {  	[spmem:s2] =	stream.indirect.scatter.add.f32 [tilespmem:s31], [sflag:$0x7], $0x80, s26, s28, $0xb8;
	[tilespmem:$0x1E800] =	vst v63  }
0xb3: {  	_ =	swait.ge [sflag:s25], $0x4000  }
0xb4: {  	[sflag:s25] =	ssyncset.done $0x0  }
0xb5: {  	s18 =	sadd.s32 $0xC00, s15;
	[sflag:s25] =	ssyncadd.s32 $0xFFFFC000  }
0xb6: {  	[tilespmem:s6], [sflag:$0x3] =	stream.linear.gather [hbm4b:s18+s3], $0x80, $0x38;
	[tilespmem:$0x1E800] =	vst v63  }
0xb7: {  	s19 =	sadd.s32 $0xC00, s16  }
0xb8: {  	[tilespmem:s7], [sflag:$0x3] =	stream.linear.gather [hbm4b:s19+s3], $0x80, $0x38;
	[tilespmem:$0x1E800] =	vst v63  }
0xb9: {  	_ =	swait.ge [sflag:s8], $0x4000  }
0xba: {  	[sflag:s8] =	ssyncset.done $0x0  }
0xbb: {  	[sflag:s8] =	ssyncadd.s32 $0xFFFFC000  }
0xbc: {  	_ =	swait.ge [sflag:s9], $0x80  }
0xbd: {  	[sflag:s9] =	ssyncset.done $0x0  }
0xbe: {  	[sflag:s9] =	ssyncadd.s32 $0xFFFFFF80  }
0xbf: {  	_ =	swait.ge [sflag:s9], $0x80  }
0xc0: {  	[sflag:s9] =	ssyncset.done $0x0  }
0xc1: {  	[sflag:s9] =	ssyncadd.s32 $0xFFFFFF80  }
0xc2: {  	[tilespmem:s31], [sflag:$0x5] =	stream.indirect.gather [hbm4b:s4+s28], $0x80, s6, s28, $0xb8;
	[tilespmem:$0x1E800] =	vst v63  }
0xc3: {  	_ = 	snop  }
0xc4: {  	[spmem:s2] =	stream.indirect.scatter.add.f32 [tilespmem:s5], [sflag:$0x7], $0x80, s29, s28, $0xb8;
	[tilespmem:$0x1E800] =	vst v63  }
0xc5: {  	_ =	swait.ge [sflag:s25], $0x4000  }
0xc6: {  	[sflag:s25] =	ssyncset.done $0x0  }
0xc7: {  	s15 =	sadd.s32 $0xE00, s15;
	[sflag:s25] =	ssyncadd.s32 $0xFFFFC000  }
0xc8: {  	[tilespmem:s10], [sflag:$0x4] =	stream.linear.gather [hbm4b:s15+s3], $0x80, $0x38;
	[tilespmem:$0x1E800] =	vst v63  }
0xc9: {  	s16 =	sadd.s32 $0xE00, s16;
	s15 =	simm.s32 $0x800  }
.LBB2_4:
0xca: {  	[tilespmem:s11], [sflag:$0x4] =	stream.linear.gather [hbm4b:s16+s3], $0x80, $0x38;
	[tilespmem:$0x1E800] =	vst v63  }
0xcb: {  	_ =	swait.ge [sflag:s0], $0x4000  }
0xcc: {  	[sflag:s0] =	ssyncset.done $0x0  }
0xcd: {  	[sflag:s0] =	ssyncadd.s32 $0xFFFFC000  }
0xce: {  	_ =	swait.ge [sflag:s12], $0x80  }
0xcf: {  	[sflag:s12] =	ssyncset.done $0x0  }
0xd0: {  	[sflag:s12] =	ssyncadd.s32 $0xFFFFFF80  }
0xd1: {  	_ =	swait.ge [sflag:s12], $0x80  }
0xd2: {  	[sflag:s12] =	ssyncset.done $0x0  }
0xd3: {  	[sflag:s12] =	ssyncadd.s32 $0xFFFFFF80  }
0xd4: {  	[tilespmem:s5], [sflag:$0x6] =	stream.indirect.gather [hbm4b:s4+s28], $0x80, s10, s28, $0xb8;
	[tilespmem:$0x1E800] =	vst v63  }
0xd5: {  	_ = 	snop  }
0xd6: {  	[spmem:s2] =	stream.indirect.scatter.add.f32 [tilespmem:s31], [sflag:$0x7], $0x80, s7, s28, $0xb8;
	[tilespmem:$0x1E800] =	vst v63  }
0xd7: {  	s17 =	smov.u32 s15;
	_ =	swait.ge [sflag:s25], $0x4000  }
0xd8: {  	s16 =	sadd.s32 s17, s23;
	[sflag:s25] =	ssyncset.done $0x0;
	s18 =	rddreg [dreg:$0x3]  }
0xd9: {  	s19 =	sadd.s32 $0x800, s16;
	[sflag:s25] =	ssyncadd.s32 $0xFFFFC000;
	s17 =	sadd.s32 s17, s18  }
0xda: {  	[tilespmem:s3], [sflag:$0x1] =	stream.linear.gather [hbm4b:s19+s3], $0x80, $0x38;
	[tilespmem:$0x1E800] =	vst v63  }
0xdb: {  	s18 =	sadd.s32 $0x800, s17  }
0xdc: {  	[tilespmem:s26], [sflag:$0x1] =	stream.linear.gather [hbm4b:s18+s3], $0x80, $0x38;
	[tilespmem:$0x1E800] =	vst v63  }
0xdd: {  	_ =	swait.ge [sflag:s8], $0x4000  }
0xde: {  	[sflag:s8] =	ssyncset.done $0x0  }
0xdf: {  	[sflag:s8] =	ssyncadd.s32 $0xFFFFC000  }
0xe0: {  	_ =	swait.ge [sflag:s30], $0x80  }
0xe1: {  	[sflag:s30] =	ssyncset.done $0x0  }
0xe2: {  	[sflag:s30] =	ssyncadd.s32 $0xFFFFFF80  }
0xe3: {  	_ =	swait.ge [sflag:s30], $0x80  }
0xe4: {  	[sflag:s30] =	ssyncset.done $0x0  }
0xe5: {  	[sflag:s30] =	ssyncadd.s32 $0xFFFFFF80  }
0xe6: {  	[tilespmem:s31], [sflag:$0x5] =	stream.indirect.gather [hbm4b:s4+s28], $0x80, s3, s28, $0xb8;
	[tilespmem:$0x1E800] =	vst v63  }
0xe7: {  	_ = 	snop  }
0xe8: {  	[spmem:s2] =	stream.indirect.scatter.add.f32 [tilespmem:s5], [sflag:$0x7], $0x80, s11, s28, $0xb8;
	[tilespmem:$0x1E800] =	vst v63  }
0xe9: {  	_ =	swait.ge [sflag:s25], $0x4000  }
0xea: {  	[sflag:s25] =	ssyncset.done $0x0  }
0xeb: {  	s18 =	sadd.s32 $0xA00, s16;
	[sflag:s25] =	ssyncadd.s32 $0xFFFFC000  }
0xec: {  	[tilespmem:s28], [sflag:$0x2] =	stream.linear.gather [hbm4b:s18+s3], $0x80, $0x38;
	[tilespmem:$0x1E800] =	vst v63  }
0xed: {  	s19 =	sadd.s32 $0xA00, s17  }
0xee: {  	[tilespmem:s29], [sflag:$0x2] =	stream.linear.gather [hbm4b:s19+s3], $0x80, $0x38;
	[tilespmem:$0x1E800] =	vst v63  }
0xef: {  	_ =	swait.ge [sflag:s0], $0x4000  }
0xf0: {  	[sflag:s0] =	ssyncset.done $0x0  }
0xf1: {  	[sflag:s0] =	ssyncadd.s32 $0xFFFFC000  }
0xf2: {  	_ =	swait.ge [sflag:s1], $0x80  }
0xf3: {  	[sflag:s1] =	ssyncset.done $0x0  }
0xf4: {  	[sflag:s1] =	ssyncadd.s32 $0xFFFFFF80  }
0xf5: {  	_ =	swait.ge [sflag:s1], $0x80  }
0xf6: {  	[sflag:s1] =	ssyncset.done $0x0  }
0xf7: {  	[sflag:s1] =	ssyncadd.s32 $0xFFFFFF80  }
0xf8: {  	[tilespmem:s5], [sflag:$0x6] =	stream.indirect.gather [hbm4b:s4+s28], $0x80, s28, s28, $0xb8;
	[tilespmem:$0x1E800] =	vst v63  }
0xf9: {  	_ = 	snop  }
0xfa: {  	[spmem:s2] =	stream.indirect.scatter.add.f32 [tilespmem:s31], [sflag:$0x7], $0x80, s26, s28, $0xb8;
	[tilespmem:$0x1E800] =	vst v63  }
0xfb: {  	_ =	swait.ge [sflag:s25], $0x4000  }
0xfc: {  	[sflag:s25] =	ssyncset.done $0x0  }
0xfd: {  	s18 =	sadd.s32 $0xC00, s16;
	[sflag:s25] =	ssyncadd.s32 $0xFFFFC000  }
0xfe: {  	[tilespmem:s6], [sflag:$0x3] =	stream.linear.gather [hbm4b:s18+s3], $0x80, $0x38;
	[tilespmem:$0x1E800] =	vst v63  }
0xff: {  	s19 =	sadd.s32 $0xC00, s17  }
0x100: {  	[tilespmem:s7], [sflag:$0x3] =	stream.linear.gather [hbm4b:s19+s3], $0x80, $0x38;
	[tilespmem:$0x1E800] =	vst v63  }
0x101: {  	_ =	swait.ge [sflag:s8], $0x4000  }
0x102: {  	[sflag:s8] =	ssyncset.done $0x0  }
0x103: {  	[sflag:s8] =	ssyncadd.s32 $0xFFFFC000  }
0x104: {  	_ =	swait.ge [sflag:s9], $0x80  }
0x105: {  	[sflag:s9] =	ssyncset.done $0x0  }
0x106: {  	[sflag:s9] =	ssyncadd.s32 $0xFFFFFF80  }
0x107: {  	_ =	swait.ge [sflag:s9], $0x80  }
0x108: {  	[sflag:s9] =	ssyncset.done $0x0  }
0x109: {  	[sflag:s9] =	ssyncadd.s32 $0xFFFFFF80  }
0x10a: {  	[tilespmem:s31], [sflag:$0x5] =	stream.indirect.gather [hbm4b:s4+s28], $0x80, s6, s28, $0xb8;
	[tilespmem:$0x1E800] =	vst v63  }
0x10b: {  	p0 =	sne.s32 s15, $0x9000  }
0x10c: {  	[spmem:s2] =	stream.indirect.scatter.add.f32 [tilespmem:s5], [sflag:$0x7], $0x80, s29, s28, $0xb8;
	[tilespmem:$0x1E800] =	vst v63  }
.Ltmp1:
0x10d: {  	_ = 	snop;
	(pc) =	sbr.rel @p0 .LBB2_4-.Ltmp1, $4  }
0x10e: {  	_ =	swait.ge [sflag:s25], $0x4000  }
0x10f: {  	s15 =	sadd.s32 $0x800, s15;
	[sflag:s25] =	ssyncset.done $0x0  }
0x110: {  	s19 =	sadd.s32 $0xE00, s16;
	s16 =	sadd.s32 $0xE00, s17;
	[sflag:s25] =	ssyncadd.s32 $0xFFFFC000  }
0x111: {  	[tilespmem:s10], [sflag:$0x4] =	stream.linear.gather [hbm4b:s19+s3], $0x80, $0x38;
	[tilespmem:$0x1E800] =	vst v63  }
0x112: {  	[tilespmem:s11], [sflag:$0x4] =	stream.linear.gather [hbm4b:s16+s3], $0x80, $0x38;
	[tilespmem:$0x1E800] =	vst v63  }
0x113: {  	_ =	swait.ge [sflag:s0], $0x4000  }
0x114: {  	[sflag:s0] =	ssyncset.done $0x0  }
0x115: {  	[sflag:s0] =	ssyncadd.s32 $0xFFFFC000  }
0x116: {  	_ =	swait.ge [sflag:s12], $0x80  }
0x117: {  	[sflag:s12] =	ssyncset.done $0x0  }
0x118: {  	[sflag:s12] =	ssyncadd.s32 $0xFFFFFF80  }
0x119: {  	_ =	swait.ge [sflag:s12], $0x80  }
0x11a: {  	[sflag:s12] =	ssyncset.done $0x0  }
0x11b: {  	[sflag:s12] =	ssyncadd.s32 $0xFFFFFF80  }
0x11c: {  	[tilespmem:s5], [sflag:$0x6] =	stream.indirect.gather [hbm4b:s4+s28], $0x80, s10, s28, $0xb8;
	[tilespmem:$0x1E800] =	vst v63  }
0x11d: {  	_ = 	snop  }
0x11e: {  	[spmem:s2] =	stream.indirect.scatter.add.f32 [tilespmem:s31], [sflag:$0x7], $0x80, s7, s28, $0xb8;
	[tilespmem:$0x1E800] =	vst v63  }
0x11f: {  	_ =	swait.ge [sflag:s25], $0x4000  }
0x120: {  	[sflag:s25] =	ssyncset.done $0x0  }
0x121: {  	[sflag:s25] =	ssyncadd.s32 $0xFFFFC000  }
0x122: {  	_ =	swait.ge [sflag:s8], $0x4000  }
0x123: {  	[sflag:s8] =	ssyncset.done $0x0  }
0x124: {  	[sflag:s8] =	ssyncadd.s32 $0xFFFFC000  }
0x125: {  	[spmem:s2] =	stream.indirect.scatter.add.f32 [tilespmem:s5], [sflag:$0x7], $0x80, s11, s28, $0xb8;
	[tilespmem:$0x1E800] =	vst v63  }
0x126: {  	_ =	swait.ge [sflag:s25], $0x4000  }
0x127: {  	[sflag:s25] =	ssyncset.done $0x0  }
0x128: {  	s15 =	stileid.u32;
	[sflag:s25] =	ssyncadd.s32 $0xFFFFC000  }
0x129: {  	s15 =	sshll.u32 s15, $0x6;
	[bflag:$0x0] =	sbarrier.arrive $0xFFFF  }
0x12a: {  	s18 =	sshrl.u32 s13, $0x3;
	s15 =	sor.u32 $0x1C07, s15;
	s17 =	rddreg [dreg:$0xc]  }
0x12b: {  	[hbm:s17], [sflag:s15] =	dma.local [spmem:s18], $0x2780  }
0x12c: {  	_ =	swait.ge [sflag:s25], $0x2780  }
0x12d: {  	s14 =	sadd.s32 $0x1, s14;
	s19 =	rddreg [dreg:$0xd]  }
0x12e: {  	p0 =	sne.s32 s14, s19  }
.Ltmp2:
0x12f: {  	_ = 	snop;
	(pc) =	sbr.rel @p0 .LBB2_1-.Ltmp2, $3  }
0x130: {  	_ =	sdelay $0x1  }
0x131: {  	[sflag:s25] =	ssyncset.done $0x0  }
0x132: {  	[sflag:s25] =	ssyncadd.s32 $0xFFFFD880  }
0x133: {  	_ =	sfence.sel $0x180000  }
0x134: {  	[bflag:$0x0] =	sbarrier.arrive $0xFFFF  }
0x135: {  	_ =	strace $0x9000004D  }
0x136: {  	s0 =	stileid.u32;
	[bflag:$0x2] =	sbarrier.arrive $0xFFFF  }
0x137: {  	p0 =	sne.s32 s0, $0x0;
	s0 =	rddreg [dreg:$0x2]  }
0x138: {  	s0 =	sadd.s32 @!p0 $0x100000, s0  }
0x139: {  	[sflag:s0] =	ssyncadd.tile.s32 @!p0 $0x1;
	_ =	shalt  }
.Lfunc_end2:
_tile_overlayer_lowered:
.L_overlay_start_2:
0x13a: {  	(tag) =	ssettag $0x2  }
0x13b: {  	s0 =	rddreg [dreg:$0x0];
	s2 =	stileid.u32  }
0x13c: {  	s1 =	rddreg [dreg:$0x1];
	p0 =	sne.s32 s2, $0x0  }
0x13d: {  	s3 =	rddreg [dreg:$0x2];
	[bflag:$0x3] =	sbarrier.arrive $0xFFFF;
	s2 =	simm.s32 @!p0 $0x1C07  }
0x13e: {  	[timem:s3], [sflag:s2] =	dma.local @!p0 [hbm:s0], s1  }
0x13f: {  	s0 =	simm.s32 @!p0 $0x7  }
0x140: {  	_ =	swait.ge @!p0 [sflag:s0], s1  }
0x141: {  	s1 =	ssub.s32 @!p0 $0x0, s1;
	[sflag:s0] =	ssyncset.done @!p0 $0x0  }
0x142: {  	[sflag:s0] =	ssyncadd.s32 @!p0 s1  }
0x143: {  	[bflag:$0x3] =	sbarrier.arrive $0xFFFF  }
0x144: {  	_ =	shalt  }

// kernel: kernel.18.cloned.1.call-start
scs
__scs_entry_jumppad:
0x0: {  	(pc) =	sbr.rel $0x88, $3  }
0x1: {  	(tag) =	ssettag $0x0;
	lr =	simm.s32 $0x1  }
0x2: {  	[smem:$0x3F96] =	sst lr;
	_ =	strace $0xD0000000  }
0x3: {  	_ = 	snop  }
0x4: {  	_ = 	snop  }
0x5: {  	_ = 	snop  }
0x6: {  	_ = 	snop  }
0x7: {  	_ = 	snop  }
__scs_overlays_trampoline_lowered:
0x8: {  	[smem:$0x3FA5] =	sst s0  }
0x9: {  	[smem:$0x3FA6] =	sst s1  }
0xa: {  	[smem:$0x3FA7] =	sst s2  }
0xb: {  	[smem:$0x3FA8] =	sst s3  }
0xc: {  	[smem:$0x3FA9] =	sst s4  }
0xd: {  	[smem:$0x3FAA] =	sst s5  }
0xe: {  	[smem:$0x3FAB] =	sst s6  }
0xf: {  	[smem:$0x3FAC] =	sst s7  }
0x10: {  	[smem:$0x3FAD] =	sst s8  }
0x11: {  	[smem:$0x3FAE] =	sst s9;
	s0 =	simm.s32 @!p0 $0x0  }
0x12: {  	s1 =	sld [smem:$0x3F94];
	s0 =	simm.s32 @p0 $0x1  }
0x13: {  	[smem:$0x3FAF] =	sst s0;
	s0 =	simm.s32 @!p1 $0x0  }
0x14: {  	s2 =	sld [smem:$0x3F93];
	s0 =	simm.s32 @p1 $0x1  }
0x15: {  	[smem:$0x3FB0] =	sst s0;
	s0 =	simm.s32 @!p2 $0x0  }
0x16: {  	s3 =	sld [smem:$0x3FDB];
	s0 =	simm.s32 @p2 $0x1  }
0x17: {  	s4 =	simm.s32 $0x1BF5;
	[smem:$0x3FB2] =	sst s0  }
0x18: {  	s0 =	sld [smem:$0x3F95];
	_ =	swait.ge [sflag:s4], $0x0  }
0x19: {  	s7 =	sld [smem:$0x3F96]  }
0x1a: {  	s8 =	sadd.s32 $0xFFFFE003, lr  }
0x1b: {  	s9 =	sadd.s32 $0xFFFFFEF7, lr;
	s5 =	simm.s32 $0xFFFFFFFF;
	p2 =	slt.u32 s8, $0xFFFFF086  }
0x1c: {  	p1 =	slt.u32 s9, $0xF7A;
	s5 =	simm.s32 @!p2 $0x0  }
0x1d: {  	s5 =	simm.s32 @p1 $0x1;
	p0 =	seq.s32 s7, s2  }
0x1e: {  	s7 =	smul.u32 @!p0 $0xF7A, s2;
	p2 =	seq.s32 @!p0 s5, $0x0  }
0x1f: {  	s9 =	smul.u32 $0xF7A, s1;
	s8 =	simm.s32 @!p0 $0x1BF5;
	p2 =	por !p2, p0  }
0x20: {  	[sflag:s8] =	ssyncset.s32 @!p0 $0xFFFFF086;
	s6 =	sadd.s32 @!p0 s3, s7;
	s7 =	simm.s32 @!p0 $0x108  }
0x21: {  	s3 =	sadd.s32 s3, s9;
	s6 =	sadd.s32 @!p0 $0x88, s6;
	s7 =	simm.s32 @p2 $0x1082  }
0x22: {  	[simem:s7], [sflag:s8] =	dma.local @!p0 [hbm:s6], $0xF7A  }
0x23: {  	s9 =	sor.u32 $0xD0000000, s2;
	s6 =	simm.s32 $0x108;
	_ =	swait.ge @!p0 [sflag:s8], $0x0  }
0x24: {  	s3 =	sadd.s32 $0x88, s3;
	s6 =	simm.s32 @!p1 $0x1082;
	[sflag:s4] =	ssyncset.s32 $0xFFFFF086  }
0x25: {  	[simem:s6], [sflag:s4] =	dma.local [hbm:s3], $0xF7A  }
0x26: {  	[smem:$0x3F96] =	sst s1;
	(tag) =	ssettag s2;
	_ =	strace s9  }
0x27: {  	s1 =	sld [smem:$0x3FA6]  }
0x28: {  	s2 =	sld [smem:$0x3FA7]  }
0x29: {  	s4 =	sld [smem:$0x3FA9]  }
0x2a: {  	p0 =	seq.s32 s5, $0x0;
	s5 =	sld [smem:$0x3FAA]  }
0x2b: {  	s6 =	sld [smem:$0x3FAB]  }
0x2c: {  	s7 =	sld [smem:$0x3FAC]  }
0x2d: {  	s3 =	simm.s32 $0x108;
	s8 =	sld [smem:$0x3FAD]  }
0x2e: {  	s3 =	simm.s32 @!p0 $0x1082;
	s9 =	sld [smem:$0x3FAE]  }
0x2f: {  	lr =	sadd.s32 s0, s3;
	s0 =	sld [smem:$0x3FA5]  }
0x30: {  	s3 =	sld [smem:$0x3FA8]  }
0x31: {  	[smem:$0x3FB1] =	sst s10  }
0x32: {  	s10 =	sld [smem:$0x3FAF];
	_ =	sdelay $0x3  }
0x33: {  	p0 =	seq.s32 s10, $0x1;
	s10 =	sld [smem:$0x3FB1];
	_ =	sdelay $0x3  }
0x34: {  	[smem:$0x3FB1] =	sst s10  }
0x35: {  	s10 =	sld [smem:$0x3FB0];
	_ =	sdelay $0x3  }
0x36: {  	p1 =	seq.s32 s10, $0x1;
	s10 =	sld [smem:$0x3FB1];
	_ =	sdelay $0x3  }
0x37: {  	[smem:$0x3FB1] =	sst s10  }
0x38: {  	s10 =	sld [smem:$0x3FB2]  }
0x39: {  	_ = 	snop;
	(pc) =	sbr.ind lr, $3  }
0x3a: {  	_ = 	snop  }
0x3b: {  	_ = 	snop  }
0x3c: {  	p2 =	seq.s32 s10, $0x1;
	s10 =	sld [smem:$0x3FB1]  }
0x3d: {  	_ =	shalt  }
0x3e: {  	_ =	shalt  }
0x3f: {  	_ =	shalt  }
0x40: {  	_ =	shalt  }
0x41: {  	_ =	shalt  }
0x42: {  	_ =	shalt  }
0x43: {  	_ =	shalt  }
0x44: {  	_ =	shalt  }
0x45: {  	_ =	shalt  }
0x46: {  	_ =	shalt  }
0x47: {  	_ =	shalt  }
0x48: {  	_ =	shalt  }
0x49: {  	_ =	shalt  }
0x4a: {  	_ =	shalt  }
0x4b: {  	_ =	shalt  }
0x4c: {  	_ =	shalt  }
0x4d: {  	_ =	shalt  }
0x4e: {  	_ =	shalt  }
0x4f: {  	_ =	shalt  }
0x50: {  	_ =	shalt  }
0x51: {  	_ =	shalt  }
0x52: {  	_ =	shalt  }
0x53: {  	_ =	shalt  }
0x54: {  	_ =	shalt  }
0x55: {  	_ =	shalt  }
0x56: {  	_ =	shalt  }
0x57: {  	_ =	shalt  }
0x58: {  	_ =	shalt  }
0x59: {  	_ =	shalt  }
0x5a: {  	_ =	shalt  }
0x5b: {  	_ =	shalt  }
0x5c: {  	_ =	shalt  }
0x5d: {  	_ =	shalt  }
0x5e: {  	_ =	shalt  }
0x5f: {  	_ =	shalt  }
0x60: {  	_ =	shalt  }
0x61: {  	_ =	shalt  }
0x62: {  	_ =	shalt  }
0x63: {  	_ =	shalt  }
0x64: {  	_ =	shalt  }
0x65: {  	_ =	shalt  }
0x66: {  	_ =	shalt  }
0x67: {  	_ =	shalt  }
0x68: {  	_ =	shalt  }
0x69: {  	_ =	shalt  }
0x6a: {  	_ =	shalt  }
0x6b: {  	_ =	shalt  }
0x6c: {  	_ =	shalt  }
0x6d: {  	_ =	shalt  }
0x6e: {  	_ =	shalt  }
0x6f: {  	_ =	shalt  }
0x70: {  	_ =	shalt  }
0x71: {  	_ =	shalt  }
0x72: {  	_ =	shalt  }
0x73: {  	_ =	shalt  }
0x74: {  	_ =	shalt  }
0x75: {  	_ =	shalt  }
0x76: {  	_ =	shalt  }
0x77: {  	_ =	shalt  }
0x78: {  	_ =	shalt  }
0x79: {  	_ =	shalt  }
0x7a: {  	_ =	shalt  }
0x7b: {  	_ =	shalt  }
0x7c: {  	_ =	shalt  }
0x7d: {  	_ =	shalt  }
0x7e: {  	_ =	shalt  }
0x7f: {  	_ =	shalt  }
0x80: {  	_ =	shalt  }
0x81: {  	_ =	shalt  }
0x82: {  	_ =	shalt  }
0x83: {  	_ =	shalt  }
0x84: {  	_ =	shalt  }
0x85: {  	_ =	shalt  }
0x86: {  	_ =	shalt  }
0x87: {  	_ =	shalt  }
.Lfunc_end0:
.L_simem_size_0:
called_computation.3_lowered:
.L_overlay_start_0:
0x88: {  	s2 =	sld [smem:$0x3FD9]  }
0x89: {  	s3 =	sld [smem:$0x3FFE];
	_ =	sdelay $0x1  }
0x8a: {  	s1 =	srdreg.scid  }
0x8b: {  	s0 =	sand.u32 $0x1, s1  }
0x8c: {  	s16 =	sshll.u32 s0, $0xA;
	s2 =	sadd.s32 s3, s2  }
0x8d: {  	s2 =	sadd.s32 s2, s16  }
0x8e: {  	[smem:$0x3FBD] =	sst s2  }
0x8f: {  	_ = 	snop  }
0x90: {  	(tm) =	ssettm $0x1  }
0x91: {  	s17 =	sld [smem:$0x3FFB];
	_ =	sdelay $0x3  }
0x92: {  	_ =	strace s17  }
0x93: {  	s2 =	sld [smem:$0x3FFC];
	_ =	sdelay $0x3  }
0x94: {  	_ =	strace s2  }
0x95: {  	s2 =	sld [smem:$0x3FFD];
	_ =	sdelay $0x3  }
0x96: {  	_ =	strace s2  }
0x97: {  	_ =	strace $0x8FFFFFFF  }
0x98: {  	s18 =	sld [smem:$0x3FDB];
	_ =	sdelay $0x1  }
0x99: {  	s19 =	simm.s32 $_scs_section_size  }
0x9a: {  	s4 =	simm.s32 $_size__tile_overlayer_lowered;
	s5 =	simm.s32 $_tile_overlayer_lowered  }
0x9b: {  	s22 =	simm.s32 $0x1BFF;
	s21 =	sshll.u32 s5, $0x1;
	s2 =	sadd.s32 s19, s18  }
0x9c: {  	s6 =	simm.s32 $0x0;
	s20 =	sshll.u32 s4, $0x1;
	s4 =	sadd.s32 s21, s2  }
0x9d: {  	[timem:s6], [sflag:s22] =	dma.local [hbm:s4], s20  }
0x9e: {  	_ =	swait.ge [sflag:s22], s20  }
0x9f: {  	s3 =	ssub.s32 $0x0, s20;
	[sflag:s22] =	ssyncset.done $0x0  }
0xa0: {  	[sflag:s22] =	ssyncadd.s32 s3;
	_ =	sdelay $0x1  }
0xa1: {  	s23 =	simm.s32 $0x1B8B  }
0xa2: {  	_ =	swait.ge [sflag:s23], $0x1  }
0xa3: {  	[sflag:s23] =	ssyncset.done $0x0  }
0xa4: {  	s25 =	simm.s32 $0x1B8E;
	s24 =	sld [smem:$0x3FFE];
	[sflag:s23] =	ssyncadd.s32 $0xFFFFFFFF  }
0xa5: {  	s26 =	simm.s32 $execute0_lowered;
	[smem:$0x3FD2] =	sst s25  }
0xa6: {  	s4 =	sshll.u32 s26, $0x1;
	_ =	strace $0x8000004F;
	[dreg:$0x1] =	wrdreg $0xFFFFFFFF  }
0xa7: {  	s28 =	simm.s32 $_size_execute0_lowered;
	s2 =	sadd.s32 s2, s4;
	[dreg:$0x0] =	wrdreg $0x0  }
0xa8: {  	s4 =	sshll.u32 s28, $0x1;
	[dreg:$0x2] =	wrdreg s2  }
0xa9: {  	[dreg:$0x3] =	wrdreg s4  }
0xaa: {  	[dreg:$0x4] =	wrdreg $0xC0  }
0xab: {  	_ =	task [dreg:s6], $0x5FFFF  }
0xac: {  	[dreg:$0x1] =	wrdreg $0xFFFFFFFF  }
0xad: {  	[dreg:$0x0] =	wrdreg $0x60  }
0xae: {  	[dreg:$0x2] =	wrdreg s24  }
0xaf: {  	[dreg:$0x3] =	wrdreg $0x88800  }
0xb0: {  	[dreg:$0x4] =	wrdreg $0x8AC00  }
0xb1: {  	[dreg:$0x5] =	wrdreg $0x9  }
0xb2: {  	_ =	task.clear_ibuf [dreg:s6], $0x6FFFF;
	_ =	strace $0x9000004F  }
0xb3: {  	s29 =	simm.s32 $0x9;
	_ =	strace $0x80000051  }
0xb4: {  	_ =	swait.ge [sflag:s29], $0x1  }
0xb5: {  	[sflag:s29] =	ssyncadd.s32 $0xFFFFFFFF  }
0xb6: {  	_ =	strace $0x90000051  }
0xb7: {  	_ =	sfence  }
0xb8: {  	s30 =	sld [smem:$0x0];
	_ =	sdelay $0x2  }
0xb9: {  	s31 =	sshll.u32 s1, $0xD;
	s1 =	sshrl.u32 s1, $0x2  }
0xba: {  	s3 =	sand.u32 $0x4000, s31;
	s1 =	sadd.s32 s1, s30  }
0xbb: {  	s0 =	sor.u32 s3, s0;
	s1 =	sshll.u32 s1, $0x11  }
0xbc: {  	s0 =	sor.u32 s1, s0  }
0xbd: {  	s0 =	sadd.s32 $0x8F2B, s0  }
0xbe: {  	[sflag:s0] =	ssyncadd.remote.s32 $0x1  }
0xbf: {  	_ =	sfence.sel $0xFFFF  }
0xc0: {  	[dreg:$0x0] =	wrdreg $0xFFFFFFFF;
	(pc) =	sbr.abs _section_cstart, $3  }
0xc1: {  	[dreg:$0x1] =	wrdreg $0xFFFFFFFF  }
0xc2: {  	_ =	task.clear_ibuf [dreg:s6], $0x2FFFF;
	_ =	strace $0x9FFFFFFF  }
0xc3: {  	(tm) =	ssettm $0x7FFFFFFF  }
tec
execute0_lowered:
.L_overlay_start_1:
0x0: {  	(tag) =	ssettag $0x1  }
0x1: {  	s5 =	rddreg [dreg:$0x0]  }
0x2: {  	s1 =	rddreg [dreg:$0x1]  }
0x3: {  	s2 =	rddreg [dreg:$0x2]  }
0x4: {  	s0 =	rddreg [dreg:$0x3]  }
0x5: {  	s3 =	srdreg.scid;
	s4 =	simm.s32 $0x0;
	s18 =	simm.s32 $0x4080  }
0x6: {  	s19 =	simm.s32 $0x1;
	s20 =	simm.s32 $0x0;
	s8 =	sand.u32 $0x1, s3  }
0x7: {  	s3 =	stileid.u32;
	[smem:$0x7FF] =	sst s4;
	s15 =	sadd.s32 $0x3600, s5  }
0x8: {  	s14 =	sadd.s32 $0x3EE00, s5;
	s6 =	sshll.u32 s3, $0xA;
	s7 =	sshll.u32 s8, $0xD  }
0x9: {  	_ =	strace $0x80000050;
	s9 =	ssub.s32 $0x2, s8;
	s11 =	sshll.u32 s3, $0x1  }
0xa: {  	p0 =	sgt.u32 s3, $0x8;
	p2 =	sgt.u32 s3, $0x7;
	s7 =	sadd.s32 s6, s7  }
0xb: {  	s28 =	sshrl.u32 s9, $0x1;
	s12 =	sor.u32 s8, s11;
	s7 =	sshrl.u32 s7, $0x3  }
0xc: {  	s9 =	ssub.s32 s9, s28;
	s29 =	sshll.u32 s12, $0x4;
	s11 =	sshll.u32 s12, $0xB  }
0xd: {  	s13 =	sor.u32 $0x20, s12;
	s17 =	sor.u32 $0x40, s12;
	s10 =	sadd.s32 s7, s5  }
0xe: {  	s5 =	sadd.s32 s6, s1;
	s6 =	sadd.s32 s6, s2;
	s9 =	smax.u32 s9, $0x1  }
0xf: {  	s11 =	sadd.s32 s15, s11;
	s16 =	sshll.u32 s13, $0x4;
	s13 =	sshll.u32 s13, $0xB  }
0x10: {  	s30 =	sshll.u32 s17, $0x4;
	s31 =	sshll.u32 s17, $0xB;
	p1 =	sgt.u32 s17, $0x4E  }
0x11: {  	s17 =	simm.s32 $0x80;
	s7 =	sadd.s32 $0x2AE00, s10;
	s8 =	sadd.s32 $0x2B600, s10  }
0x12: {  	s10 =	sadd.s32 s14, s29;
	s12 =	sadd.s32 s14, s16;
	s13 =	sadd.s32 s15, s13  }
0x13: {  	v0 =	vimm.f32 $0.0e+00;
	v1 =	vimm.f32 $1.000000000e+00;
	s14 =	sadd.s32 s14, s30;
	s15 =	sadd.s32 s15, s31;
	s16 =	simm.s32 $0x2  }
.LBB2_1:
0x14: {  	[tilespmem:$0x8080] =	vst v0  }
0x15: {  	[tilespmem:$0x8090] =	vst v0  }
0x16: {  	[tilespmem:$0x80A0] =	vst v0  }
0x17: {  	[tilespmem:$0x80B0] =	vst v0  }
0x18: {  	[tilespmem:$0x80C0] =	vst v0  }
0x19: {  	[tilespmem:$0x80D0] =	vst v0  }
0x1a: {  	[tilespmem:$0x80E0] =	vst v0  }
0x1b: {  	[tilespmem:$0x80F0] =	vst v0  }
0x1c: {  	[tilespmem:$0x8480] =	vst v0  }
0x1d: {  	[tilespmem:$0x8490] =	vst v0  }
0x1e: {  	[tilespmem:$0x84A0] =	vst v0  }
0x1f: {  	[tilespmem:$0x84B0] =	vst v0  }
0x20: {  	[tilespmem:$0x84C0] =	vst v0  }
0x21: {  	[tilespmem:$0x84D0] =	vst v0  }
0x22: {  	[tilespmem:$0x84E0] =	vst v0  }
0x23: {  	[tilespmem:$0x84F0] =	vst v0  }
0x24: {  	[tilespmem:$0x8100] =	vst v0  }
0x25: {  	[tilespmem:$0x8110] =	vst v0  }
0x26: {  	[tilespmem:$0x8120] =	vst v0  }
0x27: {  	[tilespmem:$0x8130] =	vst v0  }
0x28: {  	[tilespmem:$0x8140] =	vst v0  }
0x29: {  	[tilespmem:$0x8150] =	vst v0  }
0x2a: {  	[tilespmem:$0x8160] =	vst v0  }
0x2b: {  	[tilespmem:$0x8170] =	vst v0  }
0x2c: {  	[tilespmem:$0x8500] =	vst v0  }
0x2d: {  	[tilespmem:$0x8510] =	vst v0  }
0x2e: {  	[tilespmem:$0x8520] =	vst v0  }
0x2f: {  	[tilespmem:$0x8530] =	vst v0  }
0x30: {  	[tilespmem:$0x8540] =	vst v0  }
0x31: {  	[tilespmem:$0x8550] =	vst v0  }
0x32: {  	[tilespmem:$0x8560] =	vst v0  }
0x33: {  	[tilespmem:$0x8570] =	vst v0  }
0x34: {  	[tilespmem:$0x8180] =	vst v0  }
0x35: {  	[tilespmem:$0x8190] =	vst v0  }
0x36: {  	[tilespmem:$0x81A0] =	vst v0  }
0x37: {  	[tilespmem:$0x81B0] =	vst v0  }
0x38: {  	[tilespmem:$0x81C0] =	vst v0  }
0x39: {  	[tilespmem:$0x81D0] =	vst v0  }
0x3a: {  	[tilespmem:$0x81E0] =	vst v0  }
0x3b: {  	[tilespmem:$0x81F0] =	vst v0  }
0x3c: {  	[tilespmem:$0x8580] =	vst v0  }
0x3d: {  	[tilespmem:$0x8590] =	vst v0  }
0x3e: {  	[tilespmem:$0x85A0] =	vst v0  }
0x3f: {  	[tilespmem:$0x85B0] =	vst v0  }
0x40: {  	[tilespmem:$0x85C0] =	vst v0  }
0x41: {  	[tilespmem:$0x85D0] =	vst v0  }
0x42: {  	[tilespmem:$0x85E0] =	vst v0  }
0x43: {  	[tilespmem:$0x85F0] =	vst v0  }
0x44: {  	[tilespmem:$0x8200] =	vst v0  }
0x45: {  	[tilespmem:$0x8210] =	vst v0  }
0x46: {  	[tilespmem:$0x8220] =	vst v0  }
0x47: {  	[tilespmem:$0x8230] =	vst v0  }
0x48: {  	[tilespmem:$0x8240] =	vst v0  }
0x49: {  	[tilespmem:$0x8250] =	vst v0  }
0x4a: {  	[tilespmem:$0x8260] =	vst v0  }
0x4b: {  	[tilespmem:$0x8270] =	vst v0  }
0x4c: {  	[tilespmem:$0x8600] =	vst v0  }
0x4d: {  	[tilespmem:$0x8610] =	vst v0  }
0x4e: {  	[tilespmem:$0x8620] =	vst v0  }
0x4f: {  	[tilespmem:$0x8630] =	vst v0  }
0x50: {  	[tilespmem:$0x8640] =	vst v0  }
0x51: {  	[tilespmem:$0x8650] =	vst v0  }
0x52: {  	[tilespmem:$0x8660] =	vst v0  }
0x53: {  	[tilespmem:$0x8670] =	vst v0  }
0x54: {  	[tilespmem:$0x8280] =	vst v0  }
0x55: {  	[tilespmem:$0x8290] =	vst v0  }
0x56: {  	[tilespmem:$0x82A0] =	vst v0  }
0x57: {  	[tilespmem:$0x82B0] =	vst v0  }
0x58: {  	[tilespmem:$0x82C0] =	vst v0  }
0x59: {  	[tilespmem:$0x82D0] =	vst v0  }
0x5a: {  	[tilespmem:$0x82E0] =	vst v0  }
0x5b: {  	[tilespmem:$0x82F0] =	vst v0  }
0x5c: {  	[tilespmem:$0x8680] =	vst v0  }
0x5d: {  	[tilespmem:$0x8690] =	vst v0  }
0x5e: {  	[tilespmem:$0x86A0] =	vst v0  }
0x5f: {  	[tilespmem:$0x86B0] =	vst v0  }
0x60: {  	[tilespmem:$0x86C0] =	vst v0  }
0x61: {  	[tilespmem:$0x86D0] =	vst v0  }
0x62: {  	[tilespmem:$0x86E0] =	vst v0  }
0x63: {  	[tilespmem:$0x86F0] =	vst v0  }
0x64: {  	[tilespmem:$0x8300] =	vst v0  }
0x65: {  	[tilespmem:$0x8310] =	vst v0  }
0x66: {  	[tilespmem:$0x8320] =	vst v0  }
0x67: {  	[tilespmem:$0x8330] =	vst v0  }
0x68: {  	[tilespmem:$0x8340] =	vst v0  }
0x69: {  	[tilespmem:$0x8350] =	vst v0  }
0x6a: {  	[tilespmem:$0x8360] =	vst v0  }
0x6b: {  	[tilespmem:$0x8370] =	vst v0  }
0x6c: {  	[tilespmem:$0x8700] =	vst v0  }
0x6d: {  	[tilespmem:$0x8710] =	vst v0  }
0x6e: {  	[tilespmem:$0x8720] =	vst v0  }
0x6f: {  	[tilespmem:$0x8730] =	vst v0  }
0x70: {  	[tilespmem:$0x8740] =	vst v0  }
0x71: {  	[tilespmem:$0x8750] =	vst v0  }
0x72: {  	[tilespmem:$0x8760] =	vst v0  }
0x73: {  	[tilespmem:$0x8770] =	vst v0  }
0x74: {  	[tilespmem:$0x8380] =	vst v0  }
0x75: {  	[tilespmem:$0x8390] =	vst v0  }
0x76: {  	[tilespmem:$0x83A0] =	vst v0  }
0x77: {  	[tilespmem:$0x83B0] =	vst v0  }
0x78: {  	[tilespmem:$0x83C0] =	vst v0  }
0x79: {  	[tilespmem:$0x83D0] =	vst v0  }
0x7a: {  	[tilespmem:$0x83E0] =	vst v0  }
0x7b: {  	[tilespmem:$0x83F0] =	vst v0  }
0x7c: {  	[tilespmem:$0x8780] =	vst v0  }
0x7d: {  	[tilespmem:$0x8790] =	vst v0  }
0x7e: {  	[tilespmem:$0x87A0] =	vst v0  }
0x7f: {  	[tilespmem:$0x87B0] =	vst v0  }
0x80: {  	[tilespmem:$0x87C0] =	vst v0  }
0x81: {  	[tilespmem:$0x87D0] =	vst v0  }
0x82: {  	[tilespmem:$0x87E0] =	vst v0  }
0x83: {  	[tilespmem:$0x87F0] =	vst v0  }
0x84: {  	[tilespmem:$0x8400] =	vst v0  }
0x85: {  	[tilespmem:$0x8410] =	vst v0  }
0x86: {  	[tilespmem:$0x8420] =	vst v0  }
0x87: {  	[tilespmem:$0x8430] =	vst v0  }
0x88: {  	[tilespmem:$0x8440] =	vst v0  }
0x89: {  	[tilespmem:$0x8450] =	vst v0  }
0x8a: {  	[tilespmem:$0x8460] =	vst v0  }
0x8b: {  	[tilespmem:$0x8470] =	vst v0  }
0x8c: {  	[tilespmem:$0x8800] =	vst v0  }
0x8d: {  	[tilespmem:$0x8810] =	vst v0  }
0x8e: {  	[tilespmem:$0x8820] =	vst v0  }
0x8f: {  	[tilespmem:$0x8830] =	vst v0  }
0x90: {  	[tilespmem:$0x8840] =	vst v0  }
0x91: {  	[tilespmem:$0x8850] =	vst v0  }
0x92: {  	[tilespmem:$0x8860] =	vst v0  }
0x93: {  	[tilespmem:$0x8870] =	vst v0;
	s21 =	simm.s32 $0x0;
	s22 =	simm.s32 $0x200  }
.LBB2_2:
0x94: {  	p3 =	sne.s32 s22, $0xFE00;
	[tilespmem:s21+$0x40F0] =	vst v1  }
0x95: {  	[tilespmem:s21+$0x4080] =	vst v1  }
0x96: {  	[tilespmem:s21+$0x4090] =	vst v1  }
.Ltmp0:
0x97: {  	[tilespmem:s21+$0x40A0] =	vst v1;
	(pc) =	sbr.rel @p3 .LBB2_2-.Ltmp0, $4  }
0x98: {  	[tilespmem:s21+$0x40B0] =	vst v1  }
0x99: {  	[tilespmem:s21+$0x40C0] =	vst v1  }
0x9a: {  	[tilespmem:s21+$0x40D0] =	vst v1  }
0x9b: {  	[tilespmem:s21+$0x40E0] =	vst v1;
	s21 =	sshra.s32 s22, $0x2;
	s22 =	sadd.s32 $0x200, s22  }
0x9c: {  	[tilespmem:s21+$0x40F0] =	vst v1  }
0x9d: {  	[tilespmem:s21+$0x4080] =	vst v1  }
0x9e: {  	[tilespmem:s21+$0x4090] =	vst v1  }
0x9f: {  	[tilespmem:s21+$0x40A0] =	vst v1  }
0xa0: {  	[tilespmem:s21+$0x40B0] =	vst v1  }
0xa1: {  	[tilespmem:s21+$0x40C0] =	vst v1  }
0xa2: {  	[tilespmem:s21+$0x40D0] =	vst v1  }
0xa3: {  	[tilespmem:s21+$0x40E0] =	vst v1;
	s21 =	simm.s32 @!p0 $0x8080  }
0xa4: {  	[spmem:s5] =	stream.linear.scatter @!p0 [tilespmem:s21], [sflag:$0x1], $0x400, $0x38;
	[tilespmem:$0x8D00] =	vst v63  }
0xa5: {  	s21 =	simm.s32 @!p0 $0x1  }
0xa6: {  	_ =	swait.ge @!p0 [sflag:s21], $0x400  }
0xa7: {  	[sflag:s21] =	ssyncset.done @!p0 $0x0  }
0xa8: {  	s22 =	simm.s32 @!p0 $0x8480;
	[sflag:s21] =	ssyncadd.s32 @!p0 $0xFFFFFC00  }
0xa9: {  	[spmem:s6] =	stream.linear.scatter @!p0 [tilespmem:s22], [sflag:$0x1], $0x400, $0x38;
	[tilespmem:$0x8D00] =	vst v63  }
0xaa: {  	_ =	swait.ge @!p0 [sflag:s21], $0x400  }
0xab: {  	[sflag:s21] =	ssyncset.done @!p0 $0x0  }
0xac: {  	[sflag:s21] =	ssyncadd.s32 @!p0 $0xFFFFFC00  }
0xad: {  	[bflag:$0x0] =	sbarrier.arrive $0xFFFF  }
0xae: {  	[tilespmem:s4], [sflag:$0x2] =	stream.linear.gather [hbm4b:s10+s4], $0x80, $0x38;
	[tilespmem:$0x8D00] =	vst v63  }
0xaf: {  	_ =	swait.ge [sflag:s16], $0x80  }
0xb0: {  	[sflag:s16] =	ssyncset.done $0x0  }
0xb1: {  	[sflag:s16] =	ssyncadd.s32 $0xFFFFFF80  }
0xb2: {  	[tilespmem:s17], [sflag:$0x2] =	stream.linear.gather [hbm4b:s11+s4], $0x4000, $0x38;
	[tilespmem:$0x8D00] =	vst v63  }
0xb3: {  	_ =	swait.ge [sflag:s16], $0x4000  }
0xb4: {  	[sflag:s16] =	ssyncset.done $0x0  }
0xb5: {  	[sflag:s16] =	ssyncadd.s32 $0xFFFFC000  }
0xb6: {  	[spmem:s1] =	stream.indirect.scatter.add.f32 [tilespmem:s17], [sflag:$0x2], $0x80, s4, s17, $0xb8;
	[tilespmem:$0x8D00] =	vst v63  }
0xb7: {  	_ =	swait.ge [sflag:s16], $0x4000  }
0xb8: {  	[sflag:s16] =	ssyncset.done $0x0  }
0xb9: {  	[sflag:s16] =	ssyncadd.s32 $0xFFFFC000  }
0xba: {  	[spmem:s2] =	stream.indirect.scatter.add.f32 [tilespmem:s18], [sflag:$0x1], $0x80, s4, s17, $0xb8;
	[tilespmem:$0x8D00] =	vst v63  }
0xbb: {  	_ =	swait.ge [sflag:s19], $0x4000  }
0xbc: {  	[sflag:s19] =	ssyncset.done $0x0  }
0xbd: {  	[sflag:s19] =	ssyncadd.s32 $0xFFFFC000  }
0xbe: {  	[tilespmem:s4], [sflag:$0x2] =	stream.linear.gather [hbm4b:s12+s4], $0x80, $0x38;
	[tilespmem:$0x8D00] =	vst v63  }
0xbf: {  	_ =	swait.ge [sflag:s16], $0x80  }
0xc0: {  	[sflag:s16] =	ssyncset.done $0x0  }
0xc1: {  	[sflag:s16] =	ssyncadd.s32 $0xFFFFFF80  }
0xc2: {  	[tilespmem:s17], [sflag:$0x2] =	stream.linear.gather [hbm4b:s13+s4], $0x4000, $0x38;
	[tilespmem:$0x8D00] =	vst v63  }
0xc3: {  	_ =	swait.ge [sflag:s16], $0x4000  }
0xc4: {  	[sflag:s16] =	ssyncset.done $0x0  }
0xc5: {  	[sflag:s16] =	ssyncadd.s32 $0xFFFFC000  }
0xc6: {  	[spmem:s1] =	stream.indirect.scatter.add.f32 [tilespmem:s17], [sflag:$0x2], $0x80, s4, s17, $0xb8;
	[tilespmem:$0x8D00] =	vst v63  }
0xc7: {  	_ =	swait.ge [sflag:s16], $0x4000  }
0xc8: {  	[sflag:s16] =	ssyncset.done $0x0  }
0xc9: {  	[sflag:s16] =	ssyncadd.s32 $0xFFFFC000  }
0xca: {  	[spmem:s2] =	stream.indirect.scatter.add.f32 [tilespmem:s18], [sflag:$0x1], $0x80, s4, s17, $0xb8;
	[tilespmem:$0x8D00] =	vst v63  }
0xcb: {  	_ =	swait.ge [sflag:s19], $0x4000  }
0xcc: {  	[sflag:s19] =	ssyncset.done $0x0  }
0xcd: {  	s22 =	simm.s32 @!p1 $0x2;
	s21 =	simm.s32 @!p1 $0x0;
	[sflag:s19] =	ssyncadd.s32 $0xFFFFC000  }
0xce: {  	[tilespmem:s21], [sflag:$0x2] =	stream.linear.gather @!p1 [hbm4b:s14+s21], $0x80, $0x38;
	[tilespmem:$0x8D00] =	vst v63  }
0xcf: {  	_ =	swait.ge @!p1 [sflag:s22], $0x80  }
0xd0: {  	[sflag:s22] =	ssyncset.done @!p1 $0x0  }
0xd1: {  	s23 =	simm.s32 @!p1 $0x80;
	[sflag:s22] =	ssyncadd.s32 @!p1 $0xFFFFFF80  }
0xd2: {  	[tilespmem:s23], [sflag:$0x2] =	stream.linear.gather @!p1 [hbm4b:s15+s21], $0x4000, $0x38;
	[tilespmem:$0x8D00] =	vst v63  }
0xd3: {  	_ =	swait.ge @!p1 [sflag:s22], $0x4000  }
0xd4: {  	[sflag:s22] =	ssyncset.done @!p1 $0x0  }
0xd5: {  	[sflag:s22] =	ssyncadd.s32 @!p1 $0xFFFFC000  }
0xd6: {  	[spmem:s1] =	stream.indirect.scatter.add.f32 @!p1 [tilespmem:s23], [sflag:$0x2], $0x80, s21, s23, $0xb8;
	[tilespmem:$0x8D00] =	vst v63  }
0xd7: {  	_ =	swait.ge @!p1 [sflag:s22], $0x4000  }
0xd8: {  	[sflag:s22] =	ssyncset.done @!p1 $0x0  }
0xd9: {  	[sflag:s22] =	ssyncadd.s32 @!p1 $0xFFFFC000;
	s22 =	simm.s32 @!p1 $0x4080  }
0xda: {  	[spmem:s2] =	stream.indirect.scatter.add.f32 @!p1 [tilespmem:s22], [sflag:$0x1], $0x80, s21, s23, $0xb8;
	[tilespmem:$0x8D00] =	vst v63  }
0xdb: {  	s21 =	simm.s32 @!p1 $0x1  }
0xdc: {  	_ =	swait.ge @!p1 [sflag:s21], $0x4000  }
0xdd: {  	[sflag:s21] =	ssyncset.done @!p1 $0x0  }
0xde: {  	[sflag:s21] =	ssyncadd.s32 @!p1 $0xFFFFC000;
	s21 =	sshll.u32 @!p2 s3, $0x6  }
0xdf: {  	s22 =	sshrl.u32 @!p2 s5, $0x3;
	[bflag:$0x0] =	sbarrier.arrive $0xFFFF;
	s21 =	sor.u32 @!p2 $0x1C01, s21  }
0xe0: {  	[hbm:s7], [sflag:s21] =	dma.local @!p2 [spmem:s22], $0x80  }
0xe1: {  	s22 =	simm.s32 @!p2 $0x1  }
0xe2: {  	s20 =	sadd.s32 $0x1, s20;
	_ =	swait.ge @!p2 [sflag:s22], $0x80  }
0xe3: {  	p3 =	sne.s32 s20, s9;
	[sflag:s22] =	ssyncset.done @!p2 $0x0  }
.Ltmp1:
0xe4: {  	s23 =	sshrl.u32 @!p2 s6, $0x3;
	[sflag:s22] =	ssyncadd.s32 @!p2 $0xFFFFFF80;
	(pc) =	sbr.rel @p3 .LBB2_1-.Ltmp1, $4  }
0xe5: {  	[hbm:s8], [sflag:s21] =	dma.local @!p2 [spmem:s23], $0x80  }
0xe6: {  	_ =	swait.ge @!p2 [sflag:s22], $0x80  }
0xe7: {  	[sflag:s22] =	ssyncset.done @!p2 $0x0  }
0xe8: {  	[sflag:s22] =	ssyncadd.s32 @!p2 $0xFFFFFF80  }
0xe9: {  	_ =	sfence.sel $0x180000  }
0xea: {  	[bflag:$0x0] =	sbarrier.arrive $0xFFFF  }
0xeb: {  	p0 =	sne.s32 s3, $0x0;
	_ =	strace $0x90000050  }
0xec: {  	s0 =	sadd.s32 @!p0 $0x100000, s0;
	[bflag:$0x2] =	sbarrier.arrive $0xFFFF  }
0xed: {  	[sflag:s0] =	ssyncadd.tile.s32 @!p0 $0x1;
	_ =	shalt  }
.Lfunc_end2:
_tile_overlayer_lowered:
.L_overlay_start_2:
0xee: {  	(tag) =	ssettag $0x2  }
0xef: {  	s0 =	rddreg [dreg:$0x0];
	s2 =	stileid.u32  }
0xf0: {  	s1 =	rddreg [dreg:$0x1];
	p0 =	sne.s32 s2, $0x0  }
0xf1: {  	s3 =	rddreg [dreg:$0x2];
	[bflag:$0x3] =	sbarrier.arrive $0xFFFF;
	s2 =	simm.s32 @!p0 $0x1C01  }
0xf2: {  	[timem:s3], [sflag:s2] =	dma.local @!p0 [hbm:s0], s1  }
0xf3: {  	s0 =	simm.s32 @!p0 $0x1  }
0xf4: {  	_ =	swait.ge @!p0 [sflag:s0], s1  }
0xf5: {  	s1 =	ssub.s32 @!p0 $0x0, s1;
	[sflag:s0] =	ssyncset.done @!p0 $0x0  }
0xf6: {  	[sflag:s0] =	ssyncadd.s32 @!p0 s1  }
0xf7: {  	[bflag:$0x3] =	sbarrier.arrive $0xFFFF  }
0xf8: {  	_ =	shalt  }

// kernel: kernel.9.cloned.1.call-start
scs
__scs_entry_jumppad:
0x0: {  	(pc) =	sbr.rel $0x88, $3  }
0x1: {  	(tag) =	ssettag $0x0;
	lr =	simm.s32 $0x1  }
0x2: {  	[smem:$0x3F96] =	sst lr;
	_ =	strace $0xD0000000  }
0x3: {  	_ = 	snop  }
0x4: {  	_ = 	snop  }
0x5: {  	_ = 	snop  }
0x6: {  	_ = 	snop  }
0x7: {  	_ = 	snop  }
__scs_overlays_trampoline_lowered:
0x8: {  	[smem:$0x3FA5] =	sst s0  }
0x9: {  	[smem:$0x3FA6] =	sst s1  }
0xa: {  	[smem:$0x3FA7] =	sst s2  }
0xb: {  	[smem:$0x3FA8] =	sst s3  }
0xc: {  	[smem:$0x3FA9] =	sst s4  }
0xd: {  	[smem:$0x3FAA] =	sst s5  }
0xe: {  	[smem:$0x3FAB] =	sst s6  }
0xf: {  	[smem:$0x3FAC] =	sst s7  }
0x10: {  	[smem:$0x3FAD] =	sst s8  }
0x11: {  	[smem:$0x3FAE] =	sst s9;
	s0 =	simm.s32 @!p0 $0x0  }
0x12: {  	s1 =	sld [smem:$0x3F94];
	s0 =	simm.s32 @p0 $0x1  }
0x13: {  	[smem:$0x3FAF] =	sst s0;
	s0 =	simm.s32 @!p1 $0x0  }
0x14: {  	s2 =	sld [smem:$0x3F93];
	s0 =	simm.s32 @p1 $0x1  }
0x15: {  	[smem:$0x3FB0] =	sst s0;
	s0 =	simm.s32 @!p2 $0x0  }
0x16: {  	s3 =	sld [smem:$0x3FDB];
	s0 =	simm.s32 @p2 $0x1  }
0x17: {  	s4 =	simm.s32 $0x1BF5;
	[smem:$0x3FB2] =	sst s0  }
0x18: {  	s0 =	sld [smem:$0x3F95];
	_ =	swait.ge [sflag:s4], $0x0  }
0x19: {  	s7 =	sld [smem:$0x3F96]  }
0x1a: {  	s8 =	sadd.s32 $0xFFFFE003, lr  }
0x1b: {  	s9 =	sadd.s32 $0xFFFFFEF7, lr;
	s5 =	simm.s32 $0xFFFFFFFF;
	p2 =	slt.u32 s8, $0xFFFFF086  }
0x1c: {  	p1 =	slt.u32 s9, $0xF7A;
	s5 =	simm.s32 @!p2 $0x0  }
0x1d: {  	s5 =	simm.s32 @p1 $0x1;
	p0 =	seq.s32 s7, s2  }
0x1e: {  	s7 =	smul.u32 @!p0 $0xF7A, s2;
	p2 =	seq.s32 @!p0 s5, $0x0  }
0x1f: {  	s9 =	smul.u32 $0xF7A, s1;
	s8 =	simm.s32 @!p0 $0x1BF5;
	p2 =	por !p2, p0  }
0x20: {  	[sflag:s8] =	ssyncset.s32 @!p0 $0xFFFFF086;
	s6 =	sadd.s32 @!p0 s3, s7;
	s7 =	simm.s32 @!p0 $0x108  }
0x21: {  	s3 =	sadd.s32 s3, s9;
	s6 =	sadd.s32 @!p0 $0x88, s6;
	s7 =	simm.s32 @p2 $0x1082  }
0x22: {  	[simem:s7], [sflag:s8] =	dma.local @!p0 [hbm:s6], $0xF7A  }
0x23: {  	s9 =	sor.u32 $0xD0000000, s2;
	s6 =	simm.s32 $0x108;
	_ =	swait.ge @!p0 [sflag:s8], $0x0  }
0x24: {  	s3 =	sadd.s32 $0x88, s3;
	s6 =	simm.s32 @!p1 $0x1082;
	[sflag:s4] =	ssyncset.s32 $0xFFFFF086  }
0x25: {  	[simem:s6], [sflag:s4] =	dma.local [hbm:s3], $0xF7A  }
0x26: {  	[smem:$0x3F96] =	sst s1;
	(tag) =	ssettag s2;
	_ =	strace s9  }
0x27: {  	s1 =	sld [smem:$0x3FA6]  }
0x28: {  	s2 =	sld [smem:$0x3FA7]  }
0x29: {  	s4 =	sld [smem:$0x3FA9]  }
0x2a: {  	p0 =	seq.s32 s5, $0x0;
	s5 =	sld [smem:$0x3FAA]  }
0x2b: {  	s6 =	sld [smem:$0x3FAB]  }
0x2c: {  	s7 =	sld [smem:$0x3FAC]  }
0x2d: {  	s3 =	simm.s32 $0x108;
	s8 =	sld [smem:$0x3FAD]  }
0x2e: {  	s3 =	simm.s32 @!p0 $0x1082;
	s9 =	sld [smem:$0x3FAE]  }
0x2f: {  	lr =	sadd.s32 s0, s3;
	s0 =	sld [smem:$0x3FA5]  }
0x30: {  	s3 =	sld [smem:$0x3FA8]  }
0x31: {  	[smem:$0x3FB1] =	sst s10  }
0x32: {  	s10 =	sld [smem:$0x3FAF];
	_ =	sdelay $0x3  }
0x33: {  	p0 =	seq.s32 s10, $0x1;
	s10 =	sld [smem:$0x3FB1];
	_ =	sdelay $0x3  }
0x34: {  	[smem:$0x3FB1] =	sst s10  }
0x35: {  	s10 =	sld [smem:$0x3FB0];
	_ =	sdelay $0x3  }
0x36: {  	p1 =	seq.s32 s10, $0x1;
	s10 =	sld [smem:$0x3FB1];
	_ =	sdelay $0x3  }
0x37: {  	[smem:$0x3FB1] =	sst s10  }
0x38: {  	s10 =	sld [smem:$0x3FB2]  }
0x39: {  	_ = 	snop;
	(pc) =	sbr.ind lr, $3  }
0x3a: {  	_ = 	snop  }
0x3b: {  	_ = 	snop  }
0x3c: {  	p2 =	seq.s32 s10, $0x1;
	s10 =	sld [smem:$0x3FB1]  }
0x3d: {  	_ =	shalt  }
0x3e: {  	_ =	shalt  }
0x3f: {  	_ =	shalt  }
0x40: {  	_ =	shalt  }
0x41: {  	_ =	shalt  }
0x42: {  	_ =	shalt  }
0x43: {  	_ =	shalt  }
0x44: {  	_ =	shalt  }
0x45: {  	_ =	shalt  }
0x46: {  	_ =	shalt  }
0x47: {  	_ =	shalt  }
0x48: {  	_ =	shalt  }
0x49: {  	_ =	shalt  }
0x4a: {  	_ =	shalt  }
0x4b: {  	_ =	shalt  }
0x4c: {  	_ =	shalt  }
0x4d: {  	_ =	shalt  }
0x4e: {  	_ =	shalt  }
0x4f: {  	_ =	shalt  }
0x50: {  	_ =	shalt  }
0x51: {  	_ =	shalt  }
0x52: {  	_ =	shalt  }
0x53: {  	_ =	shalt  }
0x54: {  	_ =	shalt  }
0x55: {  	_ =	shalt  }
0x56: {  	_ =	shalt  }
0x57: {  	_ =	shalt  }
0x58: {  	_ =	shalt  }
0x59: {  	_ =	shalt  }
0x5a: {  	_ =	shalt  }
0x5b: {  	_ =	shalt  }
0x5c: {  	_ =	shalt  }
0x5d: {  	_ =	shalt  }
0x5e: {  	_ =	shalt  }
0x5f: {  	_ =	shalt  }
0x60: {  	_ =	shalt  }
0x61: {  	_ =	shalt  }
0x62: {  	_ =	shalt  }
0x63: {  	_ =	shalt  }
0x64: {  	_ =	shalt  }
0x65: {  	_ =	shalt  }
0x66: {  	_ =	shalt  }
0x67: {  	_ =	shalt  }
0x68: {  	_ =	shalt  }
0x69: {  	_ =	shalt  }
0x6a: {  	_ =	shalt  }
0x6b: {  	_ =	shalt  }
0x6c: {  	_ =	shalt  }
0x6d: {  	_ =	shalt  }
0x6e: {  	_ =	shalt  }
0x6f: {  	_ =	shalt  }
0x70: {  	_ =	shalt  }
0x71: {  	_ =	shalt  }
0x72: {  	_ =	shalt  }
0x73: {  	_ =	shalt  }
0x74: {  	_ =	shalt  }
0x75: {  	_ =	shalt  }
0x76: {  	_ =	shalt  }
0x77: {  	_ =	shalt  }
0x78: {  	_ =	shalt  }
0x79: {  	_ =	shalt  }
0x7a: {  	_ =	shalt  }
0x7b: {  	_ =	shalt  }
0x7c: {  	_ =	shalt  }
0x7d: {  	_ =	shalt  }
0x7e: {  	_ =	shalt  }
0x7f: {  	_ =	shalt  }
0x80: {  	_ =	shalt  }
0x81: {  	_ =	shalt  }
0x82: {  	_ =	shalt  }
0x83: {  	_ =	shalt  }
0x84: {  	_ =	shalt  }
0x85: {  	_ =	shalt  }
0x86: {  	_ =	shalt  }
0x87: {  	_ =	shalt  }
.Lfunc_end0:
.L_simem_size_0:
called_computation_lowered:
.L_overlay_start_0:
0x88: {  	s2 =	sld [smem:$0x3FD9]  }
0x89: {  	s3 =	sld [smem:$0x3FFE];
	_ =	sdelay $0x1  }
0x8a: {  	s1 =	srdreg.scid  }
0x8b: {  	s0 =	sand.u32 $0x1, s1  }
0x8c: {  	s17 =	sshll.u32 s0, $0xA;
	s2 =	sadd.s32 s3, s2  }
0x8d: {  	s2 =	sadd.s32 s2, s17  }
0x8e: {  	[smem:$0x3FBD] =	sst s2  }
0x8f: {  	_ = 	snop  }
0x90: {  	s2 =	sld [smem:$0x3FC9];
	(tm) =	ssettm $0x1  }
0x91: {  	s18 =	sld [smem:$0x3FFB];
	_ =	sdelay $0x3  }
0x92: {  	_ =	strace s18  }
0x93: {  	s3 =	sld [smem:$0x3FFC];
	_ =	sdelay $0x3  }
0x94: {  	_ =	strace s3  }
0x95: {  	s3 =	sld [smem:$0x3FFD];
	_ =	sdelay $0x3  }
0x96: {  	_ =	strace s3  }
0x97: {  	_ =	strace $0x8FFFFFFF  }
0x98: {  	s19 =	sld [smem:$0x3FDB];
	_ =	sdelay $0x1  }
0x99: {  	s4 =	simm.s32 $_scs_section_size  }
0x9a: {  	s5 =	simm.s32 $_size__tile_overlayer_lowered;
	s6 =	simm.s32 $_tile_overlayer_lowered  }
0x9b: {  	s22 =	simm.s32 $0x1BFF;
	s21 =	sshll.u32 s6, $0x1;
	s3 =	sadd.s32 s4, s19  }
0x9c: {  	s7 =	simm.s32 $0x0;
	s20 =	sshll.u32 s5, $0x1;
	s5 =	sadd.s32 s21, s3  }
0x9d: {  	[timem:s7], [sflag:s22] =	dma.local [hbm:s5], s20  }
0x9e: {  	_ =	swait.ge [sflag:s22], s20  }
0x9f: {  	s4 =	ssub.s32 $0x0, s20;
	[sflag:s22] =	ssyncset.done $0x0  }
0xa0: {  	[sflag:s22] =	ssyncadd.s32 s4;
	_ =	sdelay $0x1  }
0xa1: {  	s23 =	simm.s32 $0x1B8B  }
0xa2: {  	_ =	swait.ge [sflag:s23], $0x1  }
0xa3: {  	[sflag:s23] =	ssyncset.done $0x0  }
0xa4: {  	s25 =	simm.s32 $0x1B8E;
	s24 =	sld [smem:$0x3FFE];
	[sflag:s23] =	ssyncadd.s32 $0xFFFFFFFF  }
0xa5: {  	s26 =	simm.s32 $execute0_lowered;
	[smem:$0x3FD2] =	sst s25  }
0xa6: {  	s5 =	sshll.u32 s26, $0x1;
	_ =	strace $0x80000046;
	[dreg:$0x1] =	wrdreg $0xFFFFFFFF  }
0xa7: {  	s28 =	simm.s32 $_size_execute0_lowered;
	s3 =	sadd.s32 s3, s5;
	[dreg:$0x0] =	wrdreg $0x0  }
0xa8: {  	s5 =	sshll.u32 s28, $0x1;
	[dreg:$0x2] =	wrdreg s3  }
0xa9: {  	[dreg:$0x3] =	wrdreg s5  }
0xaa: {  	[dreg:$0x4] =	wrdreg $0xC0  }
0xab: {  	_ =	task [dreg:s7], $0x5FFFF  }
0xac: {  	[dreg:$0x1] =	wrdreg $0xFFFFFFFF  }
0xad: {  	[dreg:$0x0] =	wrdreg $0x60  }
0xae: {  	[dreg:$0x2] =	wrdreg s2  }
0xaf: {  	[dreg:$0x3] =	wrdreg s24  }
0xb0: {  	[dreg:$0x4] =	wrdreg $0xAC000  }
0xb1: {  	[dreg:$0x5] =	wrdreg $0x9  }
0xb2: {  	_ =	task.clear_ibuf [dreg:s7], $0x6FFFF;
	_ =	strace $0x90000046  }
0xb3: {  	s29 =	simm.s32 $0x9;
	_ =	strace $0x80000048  }
0xb4: {  	_ =	swait.ge [sflag:s29], $0x1  }
0xb5: {  	[sflag:s29] =	ssyncadd.s32 $0xFFFFFFFF  }
0xb6: {  	_ =	strace $0x90000048  }
0xb7: {  	_ =	sfence  }
0xb8: {  	s30 =	sld [smem:$0x0];
	_ =	sdelay $0x2  }
0xb9: {  	s31 =	sshll.u32 s1, $0xD;
	s1 =	sshrl.u32 s1, $0x2  }
0xba: {  	s3 =	sand.u32 $0x4000, s31;
	s1 =	sadd.s32 s1, s30  }
0xbb: {  	s0 =	sor.u32 s3, s0;
	s1 =	sshll.u32 s1, $0x11  }
0xbc: {  	s0 =	sor.u32 s1, s0  }
0xbd: {  	s0 =	sadd.s32 $0x8F2B, s0  }
0xbe: {  	[sflag:s0] =	ssyncadd.remote.s32 $0x1  }
0xbf: {  	_ =	sfence.sel $0xFFFF  }
0xc0: {  	[dreg:$0x0] =	wrdreg $0xFFFFFFFF;
	(pc) =	sbr.abs _section_cstart, $3  }
0xc1: {  	[dreg:$0x1] =	wrdreg $0xFFFFFFFF  }
0xc2: {  	_ =	task.clear_ibuf [dreg:s7], $0x2FFFF;
	_ =	strace $0x9FFFFFFF  }
0xc3: {  	(tm) =	ssettm $0x7FFFFFFF  }
tec
execute0_lowered:
.L_overlay_start_1:
0x0: {  	(tag) =	ssettag $0x1  }
0x1: {  	s1 =	rddreg [dreg:$0x0]  }
0x2: {  	s0 =	rddreg [dreg:$0x1]  }
0x3: {  	s3 =	rddreg [dreg:$0x2];
	s2 =	srdreg.scid  }
0x4: {  	s12 =	stileid.u32;
	s4 =	simm.s32 $0x0;
	s28 =	simm.s32 $0x80  }
0x5: {  	s29 =	simm.s32 $0x280;
	s30 =	simm.s32 $0x1;
	s31 =	simm.s32 $0x400  }
0x6: {  	s2 =	sand.u32 $0x1, s2;
	s5 =	smul.u32 $0x278, s12;
	[smem:$0x7FF] =	sst s4  }
0x7: {  	s7 =	sadd.s32 $0x3600, s0;
	s8 =	sadd.s32 $0xD600, s0;
	s16 =	smul.u32 $0x4F000, s12  }
0x8: {  	s9 =	sshll.u32 s12, $0x5;
	s12 =	simm.s32 $0x4;
	s6 =	smul.u32 $0x2780, s2  }
0x9: {  	_ =	strace $0x80000047;
	s23 =	ssub.s32 $0x2, s2;
	s2 =	sshll.u32 s2, $0x4  }
0xa: {  	s10 =	sshrl.u32 s23, $0x1;
	s11 =	sor.u32 s2, s9;
	s19 =	sshrl.u32 s16, $0x2  }
0xb: {  	s5 =	sadd.s32 s5, s6;
	s24 =	ssub.s32 s23, s10;
	s25 =	sor.u32 $0x200, s11  }
0xc: {  	s26 =	sadd.s32 s7, s11;
	s13 =	sadd.s32 s8, s11;
	s15 =	sor.u32 $0x400, s11  }
0xd: {  	s18 =	sor.u32 $0x600, s11;
	s10 =	simm.s32 $0x180;
	[dreg:$0x5] =	wrdreg s26  }
0xe: {  	s5 =	sshll.u32 s5, $0x4;
	[dreg:$0x6] =	wrdreg s13;
	s14 =	sadd.s32 s7, s25  }
0xf: {  	s6 =	sadd.s32 s8, s25;
	s17 =	sadd.s32 s7, s15;
	s11 =	sadd.s32 s7, s18  }
0x10: {  	s13 =	sadd.s32 s19, s3;
	s20 =	smax.u32 s24, $0x1;
	[dreg:$0x7] =	wrdreg s14  }
0x11: {  	s25 =	sadd.s32 s9, s8;
	s26 =	sadd.s32 s9, s7;
	[dreg:$0x8] =	wrdreg s6  }
0x12: {  	s7 =	simm.s32 $0x300;
	s9 =	simm.s32 $0x3;
	[dreg:$0x9] =	wrdreg s17  }
0x13: {  	s0 =	sadd.s32 s5, s0;
	s6 =	sadd.s32 s8, s15;
	[dreg:$0xb] =	wrdreg s11  }
0x14: {  	[dreg:$0xe] =	wrdreg s20;
	s21 =	sadd.s32 $0x2780, s13;
	s22 =	sadd.s32 $0x4F00, s13  }
0x15: {  	s23 =	sadd.s32 $0x7680, s13;
	s24 =	sadd.s32 $0x9E00, s13;
	[dreg:$0xa] =	wrdreg s6  }
0x16: {  	s20 =	sadd.s32 $0xC580, s13;
	s5 =	simm.s32 $0x4400;
	[dreg:$0xf] =	wrdreg s21  }
0x17: {  	s11 =	simm.s32 $0x380;
	s14 =	simm.s32 $0x0;
	[dreg:$0x10] =	wrdreg s22  }
0x18: {  	s6 =	sadd.s32 s8, s18;
	s0 =	sadd.s32 $0x17600, s0;
	[dreg:$0x11] =	wrdreg s23  }
0x19: {  	[dreg:$0x12] =	wrdreg s24;
	s21 =	sadd.s32 $0xED00, s13;
	s22 =	sadd.s32 $0x11480, s13  }
0x1a: {  	s23 =	sadd.s32 s2, s26;
	s24 =	simm.s32 $0x8400;
	[dreg:$0xc] =	wrdreg s6  }
0x1b: {  	s26 =	simm.s32 $0x200;
	s8 =	simm.s32 $0x6;
	[dreg:$0xd] =	wrdreg s0  }
0x1c: {  	s0 =	sadd.s32 s2, s25;
	s25 =	simm.s32 $0x7;
	s2 =	simm.s32 $0x2  }
0x1d: {  	v0 =	vimm.f32 $0.0e+00;
	s6 =	simm.s32 $0x100;
	[dreg:$0x4] =	wrdreg s0;
	s0 =	simm.s32 $0x5  }
.LBB2_1:
0x1e: {  	s15 =	simm.s32 $0x0;
	s16 =	simm.s32 $0x200  }
.LBB2_2:
0x1f: {  	p0 =	sne.s32 s16, $0x9C00;
	[tilespmem:s15+$0x8470] =	vst v0  }
0x20: {  	[tilespmem:s15+$0x8400] =	vst v0  }
0x21: {  	[tilespmem:s15+$0x8410] =	vst v0  }
.Ltmp0:
0x22: {  	[tilespmem:s15+$0x8420] =	vst v0;
	(pc) =	sbr.rel @p0 .LBB2_2-.Ltmp0, $4  }
0x23: {  	[tilespmem:s15+$0x8430] =	vst v0  }
0x24: {  	[tilespmem:s15+$0x8440] =	vst v0  }
0x25: {  	[tilespmem:s15+$0x8450] =	vst v0  }
0x26: {  	[tilespmem:s15+$0x8460] =	vst v0;
	s15 =	sshra.s32 s16, $0x2;
	s16 =	sadd.s32 $0x200, s16  }
0x27: {  	[tilespmem:s15+$0x8470] =	vst v0  }
0x28: {  	[tilespmem:s15+$0x8400] =	vst v0  }
0x29: {  	[tilespmem:s15+$0x8410] =	vst v0  }
0x2a: {  	[tilespmem:s15+$0x8420] =	vst v0  }
0x2b: {  	[tilespmem:s15+$0x8430] =	vst v0  }
0x2c: {  	[tilespmem:s15+$0x8440] =	vst v0  }
0x2d: {  	[tilespmem:s15+$0x8450] =	vst v0  }
0x2e: {  	[tilespmem:s15+$0x8460] =	vst v0  }
0x2f: {  	[spmem:s13] =	stream.linear.scatter [tilespmem:s24], [sflag:$0x7], $0x2780, $0x38;
	[tilespmem:$0x1E800] =	vst v63  }
0x30: {  	_ =	swait.ge [sflag:s25], $0x2780  }
0x31: {  	[sflag:s25] =	ssyncset.done $0x0  }
0x32: {  	s17 =	rddreg [dreg:$0xf];
	[sflag:s25] =	ssyncadd.s32 $0xFFFFD880  }
0x33: {  	[spmem:s17] =	stream.linear.scatter [tilespmem:s24], [sflag:$0x7], $0x2780, $0x38;
	[tilespmem:$0x1E800] =	vst v63  }
0x34: {  	_ =	swait.ge [sflag:s25], $0x2780  }
0x35: {  	[sflag:s25] =	ssyncset.done $0x0  }
0x36: {  	s18 =	rddreg [dreg:$0x10];
	[sflag:s25] =	ssyncadd.s32 $0xFFFFD880  }
0x37: {  	[spmem:s18] =	stream.linear.scatter [tilespmem:s24], [sflag:$0x7], $0x2780, $0x38;
	[tilespmem:$0x1E800] =	vst v63  }
0x38: {  	_ =	swait.ge [sflag:s25], $0x2780  }
0x39: {  	[sflag:s25] =	ssyncset.done $0x0  }
0x3a: {  	s19 =	rddreg [dreg:$0x11];
	[sflag:s25] =	ssyncadd.s32 $0xFFFFD880  }
0x3b: {  	[spmem:s19] =	stream.linear.scatter [tilespmem:s24], [sflag:$0x7], $0x2780, $0x38;
	[tilespmem:$0x1E800] =	vst v63  }
0x3c: {  	_ =	swait.ge [sflag:s25], $0x2780  }
0x3d: {  	[sflag:s25] =	ssyncset.done $0x0  }
0x3e: {  	s16 =	rddreg [dreg:$0x12];
	[sflag:s25] =	ssyncadd.s32 $0xFFFFD880  }
0x3f: {  	[spmem:s16] =	stream.linear.scatter [tilespmem:s24], [sflag:$0x7], $0x2780, $0x38;
	[tilespmem:$0x1E800] =	vst v63  }
0x40: {  	_ =	swait.ge [sflag:s25], $0x2780  }
0x41: {  	[sflag:s25] =	ssyncset.done $0x0  }
0x42: {  	[sflag:s25] =	ssyncadd.s32 $0xFFFFD880  }
0x43: {  	[spmem:s20] =	stream.linear.scatter [tilespmem:s24], [sflag:$0x7], $0x2780, $0x38;
	[tilespmem:$0x1E800] =	vst v63  }
0x44: {  	_ =	swait.ge [sflag:s25], $0x2780  }
0x45: {  	[sflag:s25] =	ssyncset.done $0x0  }
0x46: {  	[sflag:s25] =	ssyncadd.s32 $0xFFFFD880  }
0x47: {  	[spmem:s21] =	stream.linear.scatter [tilespmem:s24], [sflag:$0x7], $0x2780, $0x38;
	[tilespmem:$0x1E800] =	vst v63  }
0x48: {  	_ =	swait.ge [sflag:s25], $0x2780  }
0x49: {  	[sflag:s25] =	ssyncset.done $0x0  }
0x4a: {  	[sflag:s25] =	ssyncadd.s32 $0xFFFFD880  }
0x4b: {  	[spmem:s22] =	stream.linear.scatter [tilespmem:s24], [sflag:$0x7], $0x2780, $0x38;
	[tilespmem:$0x1E800] =	vst v63  }
0x4c: {  	_ =	swait.ge [sflag:s25], $0x2780  }
0x4d: {  	[sflag:s25] =	ssyncset.done $0x0  }
0x4e: {  	[sflag:s25] =	ssyncadd.s32 $0xFFFFD880  }
0x4f: {  	[bflag:$0x0] =	sbarrier.arrive $0xFFFF  }
0x50: {  	s15 =	simm.s32 $0x0;
	s16 =	rddreg [dreg:$0x5]  }
0x51: {  	[tilespmem:s15], [sflag:$0x1] =	stream.linear.gather [hbm4b:s16+s15], $0x80, $0x38;
	[tilespmem:$0x1E800] =	vst v63  }
0x52: {  	s17 =	rddreg [dreg:$0x6]  }
0x53: {  	[tilespmem:s26], [sflag:$0x1] =	stream.linear.gather [hbm4b:s17+s15], $0x80, $0x38;
	[tilespmem:$0x1E800] =	vst v63  }
0x54: {  	s18 =	rddreg [dreg:$0x7]  }
0x55: {  	[tilespmem:s28], [sflag:$0x2] =	stream.linear.gather [hbm4b:s18+s15], $0x80, $0x38;
	[tilespmem:$0x1E800] =	vst v63  }
0x56: {  	s19 =	rddreg [dreg:$0x8]  }
0x57: {  	[tilespmem:s29], [sflag:$0x2] =	stream.linear.gather [hbm4b:s19+s15], $0x80, $0x38;
	[tilespmem:$0x1E800] =	vst v63  }
0x58: {  	_ =	swait.ge [sflag:s30], $0x80  }
0x59: {  	[sflag:s30] =	ssyncset.done $0x0  }
0x5a: {  	[sflag:s30] =	ssyncadd.s32 $0xFFFFFF80  }
0x5b: {  	_ =	swait.ge [sflag:s30], $0x80  }
0x5c: {  	[sflag:s30] =	ssyncset.done $0x0  }
0x5d: {  	[sflag:s30] =	ssyncadd.s32 $0xFFFFFF80  }
0x5e: {  	[tilespmem:s31], [sflag:$0x5] =	stream.indirect.gather [hbm4b:s1+s28], $0x80, s15, s28, $0xb8;
	[tilespmem:$0x1E800] =	vst v63  }
0x5f: {  	_ =	swait.ge [sflag:s0], $0x4000  }
0x60: {  	[sflag:s0] =	ssyncset.done $0x0  }
0x61: {  	[sflag:s0] =	ssyncadd.s32 $0xFFFFC000  }
0x62: {  	_ =	swait.ge [sflag:s2], $0x80  }
0x63: {  	[sflag:s2] =	ssyncset.done $0x0  }
0x64: {  	[sflag:s2] =	ssyncadd.s32 $0xFFFFFF80  }
0x65: {  	_ =	swait.ge [sflag:s2], $0x80  }
0x66: {  	[sflag:s2] =	ssyncset.done $0x0  }
0x67: {  	[sflag:s2] =	ssyncadd.s32 $0xFFFFFF80  }
0x68: {  	[tilespmem:s5], [sflag:$0x6] =	stream.indirect.gather [hbm4b:s1+s28], $0x80, s28, s28, $0xb8;
	[tilespmem:$0x1E800] =	vst v63  }
0x69: {  	_ = 	snop  }
0x6a: {  	[spmem:s3] =	stream.indirect.scatter.add.f32 [tilespmem:s31], [sflag:$0x7], $0x80, s26, s28, $0xb8;
	[tilespmem:$0x1E800] =	vst v63  }
0x6b: {  	_ =	swait.ge [sflag:s25], $0x4000  }
0x6c: {  	[sflag:s25] =	ssyncset.done $0x0  }
0x6d: {  	s17 =	rddreg [dreg:$0x9];
	[sflag:s25] =	ssyncadd.s32 $0xFFFFC000  }
0x6e: {  	[tilespmem:s6], [sflag:$0x3] =	stream.linear.gather [hbm4b:s17+s15], $0x80, $0x38;
	[tilespmem:$0x1E800] =	vst v63  }
0x6f: {  	s18 =	rddreg [dreg:$0xa]  }
0x70: {  	[tilespmem:s7], [sflag:$0x3] =	stream.linear.gather [hbm4b:s18+s15], $0x80, $0x38;
	[tilespmem:$0x1E800] =	vst v63  }
0x71: {  	_ =	swait.ge [sflag:s8], $0x4000  }
0x72: {  	[sflag:s8] =	ssyncset.done $0x0  }
0x73: {  	[sflag:s8] =	ssyncadd.s32 $0xFFFFC000  }
0x74: {  	_ =	swait.ge [sflag:s9], $0x80  }
0x75: {  	[sflag:s9] =	ssyncset.done $0x0  }
0x76: {  	[sflag:s9] =	ssyncadd.s32 $0xFFFFFF80  }
0x77: {  	_ =	swait.ge [sflag:s9], $0x80  }
0x78: {  	[sflag:s9] =	ssyncset.done $0x0  }
0x79: {  	[sflag:s9] =	ssyncadd.s32 $0xFFFFFF80  }
0x7a: {  	[tilespmem:s31], [sflag:$0x5] =	stream.indirect.gather [hbm4b:s1+s28], $0x80, s6, s28, $0xb8;
	[tilespmem:$0x1E800] =	vst v63  }
0x7b: {  	_ = 	snop  }
0x7c: {  	[spmem:s3] =	stream.indirect.scatter.add.f32 [tilespmem:s5], [sflag:$0x7], $0x80, s29, s28, $0xb8;
	[tilespmem:$0x1E800] =	vst v63  }
0x7d: {  	_ =	swait.ge [sflag:s25], $0x4000  }
0x7e: {  	[sflag:s25] =	ssyncset.done $0x0  }
0x7f: {  	s19 =	rddreg [dreg:$0xb];
	[sflag:s25] =	ssyncadd.s32 $0xFFFFC000  }
0x80: {  	[tilespmem:s10], [sflag:$0x4] =	stream.linear.gather [hbm4b:s19+s15], $0x80, $0x38;
	[tilespmem:$0x1E800] =	vst v63  }
0x81: {  	s17 =	rddreg [dreg:$0xc]  }
0x82: {  	[tilespmem:s11], [sflag:$0x4] =	stream.linear.gather [hbm4b:s17+s15], $0x80, $0x38;
	[tilespmem:$0x1E800] =	vst v63  }
0x83: {  	_ =	swait.ge [sflag:s0], $0x4000  }
0x84: {  	[sflag:s0] =	ssyncset.done $0x0  }
0x85: {  	[sflag:s0] =	ssyncadd.s32 $0xFFFFC000  }
0x86: {  	_ =	swait.ge [sflag:s12], $0x80  }
0x87: {  	[sflag:s12] =	ssyncset.done $0x0  }
0x88: {  	[sflag:s12] =	ssyncadd.s32 $0xFFFFFF80  }
0x89: {  	_ =	swait.ge [sflag:s12], $0x80  }
0x8a: {  	[sflag:s12] =	ssyncset.done $0x0  }
0x8b: {  	[sflag:s12] =	ssyncadd.s32 $0xFFFFFF80  }
0x8c: {  	[tilespmem:s5], [sflag:$0x6] =	stream.indirect.gather [hbm4b:s1+s28], $0x80, s10, s28, $0xb8;
	[tilespmem:$0x1E800] =	vst v63  }
0x8d: {  	_ = 	snop  }
0x8e: {  	[spmem:s3] =	stream.indirect.scatter.add.f32 [tilespmem:s31], [sflag:$0x7], $0x80, s7, s28, $0xb8;
	[tilespmem:$0x1E800] =	vst v63  }
0x8f: {  	_ =	swait.ge [sflag:s25], $0x4000  }
0x90: {  	s15 =	sadd.s32 $0x0, s23;
	[sflag:s25] =	ssyncset.done $0x0;
	s18 =	rddreg [dreg:$0x4]  }
0x91: {  	s17 =	sadd.s32 $0x800, s15;
	[sflag:s25] =	ssyncadd.s32 $0xFFFFC000;
	s16 =	sadd.s32 $0x0, s18  }
0x92: {  	[tilespmem:s4], [sflag:$0x1] =	stream.linear.gather [hbm4b:s17+s4], $0x80, $0x38;
	[tilespmem:$0x1E800] =	vst v63  }
0x93: {  	s19 =	sadd.s32 $0x800, s16  }
0x94: {  	[tilespmem:s26], [sflag:$0x1] =	stream.linear.gather [hbm4b:s19+s4], $0x80, $0x38;
	[tilespmem:$0x1E800] =	vst v63  }
0x95: {  	_ =	swait.ge [sflag:s8], $0x4000  }
0x96: {  	[sflag:s8] =	ssyncset.done $0x0  }
0x97: {  	[sflag:s8] =	ssyncadd.s32 $0xFFFFC000  }
0x98: {  	_ =	swait.ge [sflag:s30], $0x80  }
0x99: {  	[sflag:s30] =	ssyncset.done $0x0  }
0x9a: {  	[sflag:s30] =	ssyncadd.s32 $0xFFFFFF80  }
0x9b: {  	_ =	swait.ge [sflag:s30], $0x80  }
0x9c: {  	[sflag:s30] =	ssyncset.done $0x0  }
0x9d: {  	[sflag:s30] =	ssyncadd.s32 $0xFFFFFF80  }
0x9e: {  	[tilespmem:s31], [sflag:$0x5] =	stream.indirect.gather [hbm4b:s1+s28], $0x80, s4, s28, $0xb8;
	[tilespmem:$0x1E800] =	vst v63  }
0x9f: {  	_ = 	snop  }
0xa0: {  	[spmem:s3] =	stream.indirect.scatter.add.f32 [tilespmem:s5], [sflag:$0x7], $0x80, s11, s28, $0xb8;
	[tilespmem:$0x1E800] =	vst v63  }
0xa1: {  	_ =	swait.ge [sflag:s25], $0x4000  }
0xa2: {  	[sflag:s25] =	ssyncset.done $0x0  }
0xa3: {  	s18 =	sadd.s32 $0xA00, s15;
	[sflag:s25] =	ssyncadd.s32 $0xFFFFC000  }
0xa4: {  	[tilespmem:s28], [sflag:$0x2] =	stream.linear.gather [hbm4b:s18+s4], $0x80, $0x38;
	[tilespmem:$0x1E800] =	vst v63  }
0xa5: {  	s19 =	sadd.s32 $0xA00, s16  }
0xa6: {  	[tilespmem:s29], [sflag:$0x2] =	stream.linear.gather [hbm4b:s19+s4], $0x80, $0x38;
	[tilespmem:$0x1E800] =	vst v63  }
0xa7: {  	_ =	swait.ge [sflag:s0], $0x4000  }
0xa8: {  	[sflag:s0] =	ssyncset.done $0x0  }
0xa9: {  	[sflag:s0] =	ssyncadd.s32 $0xFFFFC000  }
0xaa: {  	_ =	swait.ge [sflag:s2], $0x80  }
0xab: {  	[sflag:s2] =	ssyncset.done $0x0  }
0xac: {  	[sflag:s2] =	ssyncadd.s32 $0xFFFFFF80  }
0xad: {  	_ =	swait.ge [sflag:s2], $0x80  }
0xae: {  	[sflag:s2] =	ssyncset.done $0x0  }
0xaf: {  	[sflag:s2] =	ssyncadd.s32 $0xFFFFFF80  }
0xb0: {  	[tilespmem:s5], [sflag:$0x6] =	stream.indirect.gather [hbm4b:s1+s28], $0x80, s28, s28, $0xb8;
	[tilespmem:$0x1E800] =	vst v63  }
0xb1: {  	_ = 	snop  }
0xb2: {  	[spmem:s3] =	stream.indirect.scatter.add.f32 [tilespmem:s31], [sflag:$0x7], $0x80, s26, s28, $0xb8;
	[tilespmem:$0x1E800] =	vst v63  }
0xb3: {  	_ =	swait.ge [sflag:s25], $0x4000  }
0xb4: {  	[sflag:s25] =	ssyncset.done $0x0  }
0xb5: {  	s18 =	sadd.s32 $0xC00, s15;
	[sflag:s25] =	ssyncadd.s32 $0xFFFFC000  }
0xb6: {  	[tilespmem:s6], [sflag:$0x3] =	stream.linear.gather [hbm4b:s18+s4], $0x80, $0x38;
	[tilespmem:$0x1E800] =	vst v63  }
0xb7: {  	s19 =	sadd.s32 $0xC00, s16  }
0xb8: {  	[tilespmem:s7], [sflag:$0x3] =	stream.linear.gather [hbm4b:s19+s4], $0x80, $0x38;
	[tilespmem:$0x1E800] =	vst v63  }
0xb9: {  	_ =	swait.ge [sflag:s8], $0x4000  }
0xba: {  	[sflag:s8] =	ssyncset.done $0x0  }
0xbb: {  	[sflag:s8] =	ssyncadd.s32 $0xFFFFC000  }
0xbc: {  	_ =	swait.ge [sflag:s9], $0x80  }
0xbd: {  	[sflag:s9] =	ssyncset.done $0x0  }
0xbe: {  	[sflag:s9] =	ssyncadd.s32 $0xFFFFFF80  }
0xbf: {  	_ =	swait.ge [sflag:s9], $0x80  }
0xc0: {  	[sflag:s9] =	ssyncset.done $0x0  }
0xc1: {  	[sflag:s9] =	ssyncadd.s32 $0xFFFFFF80  }
0xc2: {  	[tilespmem:s31], [sflag:$0x5] =	stream.indirect.gather [hbm4b:s1+s28], $0x80, s6, s28, $0xb8;
	[tilespmem:$0x1E800] =	vst v63  }
0xc3: {  	_ = 	snop  }
0xc4: {  	[spmem:s3] =	stream.indirect.scatter.add.f32 [tilespmem:s5], [sflag:$0x7], $0x80, s29, s28, $0xb8;
	[tilespmem:$0x1E800] =	vst v63  }
0xc5: {  	_ =	swait.ge [sflag:s25], $0x4000  }
0xc6: {  	[sflag:s25] =	ssyncset.done $0x0  }
0xc7: {  	s15 =	sadd.s32 $0xE00, s15;
	[sflag:s25] =	ssyncadd.s32 $0xFFFFC000  }
0xc8: {  	[tilespmem:s10], [sflag:$0x4] =	stream.linear.gather [hbm4b:s15+s4], $0x80, $0x38;
	[tilespmem:$0x1E800] =	vst v63  }
0xc9: {  	s16 =	sadd.s32 $0xE00, s16;
	s15 =	simm.s32 $0x800  }
.LBB2_4:
0xca: {  	[tilespmem:s11], [sflag:$0x4] =	stream.linear.gather [hbm4b:s16+s4], $0x80, $0x38;
	[tilespmem:$0x1E800] =	vst v63  }
0xcb: {  	_ =	swait.ge [sflag:s0], $0x4000  }
0xcc: {  	[sflag:s0] =	ssyncset.done $0x0  }
0xcd: {  	[sflag:s0] =	ssyncadd.s32 $0xFFFFC000  }
0xce: {  	_ =	swait.ge [sflag:s12], $0x80  }
0xcf: {  	[sflag:s12] =	ssyncset.done $0x0  }
0xd0: {  	[sflag:s12] =	ssyncadd.s32 $0xFFFFFF80  }
0xd1: {  	_ =	swait.ge [sflag:s12], $0x80  }
0xd2: {  	[sflag:s12] =	ssyncset.done $0x0  }
0xd3: {  	[sflag:s12] =	ssyncadd.s32 $0xFFFFFF80  }
0xd4: {  	[tilespmem:s5], [sflag:$0x6] =	stream.indirect.gather [hbm4b:s1+s28], $0x80, s10, s28, $0xb8;
	[tilespmem:$0x1E800] =	vst v63  }
0xd5: {  	_ = 	snop  }
0xd6: {  	[spmem:s3] =	stream.indirect.scatter.add.f32 [tilespmem:s31], [sflag:$0x7], $0x80, s7, s28, $0xb8;
	[tilespmem:$0x1E800] =	vst v63  }
0xd7: {  	s17 =	smov.u32 s15;
	_ =	swait.ge [sflag:s25], $0x4000  }
0xd8: {  	s16 =	sadd.s32 s17, s23;
	[sflag:s25] =	ssyncset.done $0x0;
	s18 =	rddreg [dreg:$0x4]  }
0xd9: {  	s19 =	sadd.s32 $0x800, s16;
	[sflag:s25] =	ssyncadd.s32 $0xFFFFC000;
	s17 =	sadd.s32 s17, s18  }
0xda: {  	[tilespmem:s4], [sflag:$0x1] =	stream.linear.gather [hbm4b:s19+s4], $0x80, $0x38;
	[tilespmem:$0x1E800] =	vst v63  }
0xdb: {  	s18 =	sadd.s32 $0x800, s17  }
0xdc: {  	[tilespmem:s26], [sflag:$0x1] =	stream.linear.gather [hbm4b:s18+s4], $0x80, $0x38;
	[tilespmem:$0x1E800] =	vst v63  }
0xdd: {  	_ =	swait.ge [sflag:s8], $0x4000  }
0xde: {  	[sflag:s8] =	ssyncset.done $0x0  }
0xdf: {  	[sflag:s8] =	ssyncadd.s32 $0xFFFFC000  }
0xe0: {  	_ =	swait.ge [sflag:s30], $0x80  }
0xe1: {  	[sflag:s30] =	ssyncset.done $0x0  }
0xe2: {  	[sflag:s30] =	ssyncadd.s32 $0xFFFFFF80  }
0xe3: {  	_ =	swait.ge [sflag:s30], $0x80  }
0xe4: {  	[sflag:s30] =	ssyncset.done $0x0  }
0xe5: {  	[sflag:s30] =	ssyncadd.s32 $0xFFFFFF80  }
0xe6: {  	[tilespmem:s31], [sflag:$0x5] =	stream.indirect.gather [hbm4b:s1+s28], $0x80, s4, s28, $0xb8;
	[tilespmem:$0x1E800] =	vst v63  }
0xe7: {  	_ = 	snop  }
0xe8: {  	[spmem:s3] =	stream.indirect.scatter.add.f32 [tilespmem:s5], [sflag:$0x7], $0x80, s11, s28, $0xb8;
	[tilespmem:$0x1E800] =	vst v63  }
0xe9: {  	_ =	swait.ge [sflag:s25], $0x4000  }
0xea: {  	[sflag:s25] =	ssyncset.done $0x0  }
0xeb: {  	s18 =	sadd.s32 $0xA00, s16;
	[sflag:s25] =	ssyncadd.s32 $0xFFFFC000  }
0xec: {  	[tilespmem:s28], [sflag:$0x2] =	stream.linear.gather [hbm4b:s18+s4], $0x80, $0x38;
	[tilespmem:$0x1E800] =	vst v63  }
0xed: {  	s19 =	sadd.s32 $0xA00, s17  }
0xee: {  	[tilespmem:s29], [sflag:$0x2] =	stream.linear.gather [hbm4b:s19+s4], $0x80, $0x38;
	[tilespmem:$0x1E800] =	vst v63  }
0xef: {  	_ =	swait.ge [sflag:s0], $0x4000  }
0xf0: {  	[sflag:s0] =	ssyncset.done $0x0  }
0xf1: {  	[sflag:s0] =	ssyncadd.s32 $0xFFFFC000  }
0xf2: {  	_ =	swait.ge [sflag:s2], $0x80  }
0xf3: {  	[sflag:s2] =	ssyncset.done $0x0  }
0xf4: {  	[sflag:s2] =	ssyncadd.s32 $0xFFFFFF80  }
0xf5: {  	_ =	swait.ge [sflag:s2], $0x80  }
0xf6: {  	[sflag:s2] =	ssyncset.done $0x0  }
0xf7: {  	[sflag:s2] =	ssyncadd.s32 $0xFFFFFF80  }
0xf8: {  	[tilespmem:s5], [sflag:$0x6] =	stream.indirect.gather [hbm4b:s1+s28], $0x80, s28, s28, $0xb8;
	[tilespmem:$0x1E800] =	vst v63  }
0xf9: {  	_ = 	snop  }
0xfa: {  	[spmem:s3] =	stream.indirect.scatter.add.f32 [tilespmem:s31], [sflag:$0x7], $0x80, s26, s28, $0xb8;
	[tilespmem:$0x1E800] =	vst v63  }
0xfb: {  	_ =	swait.ge [sflag:s25], $0x4000  }
0xfc: {  	[sflag:s25] =	ssyncset.done $0x0  }
0xfd: {  	s18 =	sadd.s32 $0xC00, s16;
	[sflag:s25] =	ssyncadd.s32 $0xFFFFC000  }
0xfe: {  	[tilespmem:s6], [sflag:$0x3] =	stream.linear.gather [hbm4b:s18+s4], $0x80, $0x38;
	[tilespmem:$0x1E800] =	vst v63  }
0xff: {  	s19 =	sadd.s32 $0xC00, s17  }
0x100: {  	[tilespmem:s7], [sflag:$0x3] =	stream.linear.gather [hbm4b:s19+s4], $0x80, $0x38;
	[tilespmem:$0x1E800] =	vst v63  }
0x101: {  	_ =	swait.ge [sflag:s8], $0x4000  }
0x102: {  	[sflag:s8] =	ssyncset.done $0x0  }
0x103: {  	[sflag:s8] =	ssyncadd.s32 $0xFFFFC000  }
0x104: {  	_ =	swait.ge [sflag:s9], $0x80  }
0x105: {  	[sflag:s9] =	ssyncset.done $0x0  }
0x106: {  	[sflag:s9] =	ssyncadd.s32 $0xFFFFFF80  }
0x107: {  	_ =	swait.ge [sflag:s9], $0x80  }
0x108: {  	[sflag:s9] =	ssyncset.done $0x0  }
0x109: {  	[sflag:s9] =	ssyncadd.s32 $0xFFFFFF80  }
0x10a: {  	[tilespmem:s31], [sflag:$0x5] =	stream.indirect.gather [hbm4b:s1+s28], $0x80, s6, s28, $0xb8;
	[tilespmem:$0x1E800] =	vst v63  }
0x10b: {  	p0 =	sne.s32 s15, $0x9000  }
0x10c: {  	[spmem:s3] =	stream.indirect.scatter.add.f32 [tilespmem:s5], [sflag:$0x7], $0x80, s29, s28, $0xb8;
	[tilespmem:$0x1E800] =	vst v63  }
.Ltmp1:
0x10d: {  	_ = 	snop;
	(pc) =	sbr.rel @p0 .LBB2_4-.Ltmp1, $4  }
0x10e: {  	_ =	swait.ge [sflag:s25], $0x4000  }
0x10f: {  	s15 =	sadd.s32 $0x800, s15;
	[sflag:s25] =	ssyncset.done $0x0  }
0x110: {  	s19 =	sadd.s32 $0xE00, s16;
	s16 =	sadd.s32 $0xE00, s17;
	[sflag:s25] =	ssyncadd.s32 $0xFFFFC000  }
0x111: {  	[tilespmem:s10], [sflag:$0x4] =	stream.linear.gather [hbm4b:s19+s4], $0x80, $0x38;
	[tilespmem:$0x1E800] =	vst v63  }
0x112: {  	[tilespmem:s11], [sflag:$0x4] =	stream.linear.gather [hbm4b:s16+s4], $0x80, $0x38;
	[tilespmem:$0x1E800] =	vst v63  }
0x113: {  	_ =	swait.ge [sflag:s0], $0x4000  }
0x114: {  	[sflag:s0] =	ssyncset.done $0x0  }
0x115: {  	[sflag:s0] =	ssyncadd.s32 $0xFFFFC000  }
0x116: {  	_ =	swait.ge [sflag:s12], $0x80  }
0x117: {  	[sflag:s12] =	ssyncset.done $0x0  }
0x118: {  	[sflag:s12] =	ssyncadd.s32 $0xFFFFFF80  }
0x119: {  	_ =	swait.ge [sflag:s12], $0x80  }
0x11a: {  	[sflag:s12] =	ssyncset.done $0x0  }
0x11b: {  	[sflag:s12] =	ssyncadd.s32 $0xFFFFFF80  }
0x11c: {  	[tilespmem:s5], [sflag:$0x6] =	stream.indirect.gather [hbm4b:s1+s28], $0x80, s10, s28, $0xb8;
	[tilespmem:$0x1E800] =	vst v63  }
0x11d: {  	_ = 	snop  }
0x11e: {  	[spmem:s3] =	stream.indirect.scatter.add.f32 [tilespmem:s31], [sflag:$0x7], $0x80, s7, s28, $0xb8;
	[tilespmem:$0x1E800] =	vst v63  }
0x11f: {  	_ =	swait.ge [sflag:s25], $0x4000  }
0x120: {  	[sflag:s25] =	ssyncset.done $0x0  }
0x121: {  	[sflag:s25] =	ssyncadd.s32 $0xFFFFC000  }
0x122: {  	_ =	swait.ge [sflag:s8], $0x4000  }
0x123: {  	[sflag:s8] =	ssyncset.done $0x0  }
0x124: {  	[sflag:s8] =	ssyncadd.s32 $0xFFFFC000  }
0x125: {  	[spmem:s3] =	stream.indirect.scatter.add.f32 [tilespmem:s5], [sflag:$0x7], $0x80, s11, s28, $0xb8;
	[tilespmem:$0x1E800] =	vst v63  }
0x126: {  	_ =	swait.ge [sflag:s25], $0x4000  }
0x127: {  	[sflag:s25] =	ssyncset.done $0x0  }
0x128: {  	s15 =	stileid.u32;
	[sflag:s25] =	ssyncadd.s32 $0xFFFFC000  }
0x129: {  	s15 =	sshll.u32 s15, $0x6;
	[bflag:$0x0] =	sbarrier.arrive $0xFFFF  }
0x12a: {  	s18 =	sshrl.u32 s13, $0x3;
	s15 =	sor.u32 $0x1C07, s15;
	s17 =	rddreg [dreg:$0xd]  }
0x12b: {  	[hbm:s17], [sflag:s15] =	dma.local [spmem:s18], $0x2780  }
0x12c: {  	_ =	swait.ge [sflag:s25], $0x2780  }
0x12d: {  	s14 =	sadd.s32 $0x1, s14;
	s19 =	rddreg [dreg:$0xe]  }
0x12e: {  	p0 =	sne.s32 s14, s19  }
.Ltmp2:
0x12f: {  	_ = 	snop;
	(pc) =	sbr.rel @p0 .LBB2_1-.Ltmp2, $3  }
0x130: {  	_ =	sdelay $0x1  }
0x131: {  	[sflag:s25] =	ssyncset.done $0x0  }
0x132: {  	[sflag:s25] =	ssyncadd.s32 $0xFFFFD880  }
0x133: {  	_ =	sfence.sel $0x180000  }
0x134: {  	[bflag:$0x0] =	sbarrier.arrive $0xFFFF  }
0x135: {  	_ =	strace $0x90000047  }
0x136: {  	s0 =	stileid.u32;
	[bflag:$0x2] =	sbarrier.arrive $0xFFFF  }
0x137: {  	p0 =	sne.s32 s0, $0x0;
	s0 =	rddreg [dreg:$0x3]  }
0x138: {  	s0 =	sadd.s32 @!p0 $0x100000, s0  }
0x139: {  	[sflag:s0] =	ssyncadd.tile.s32 @!p0 $0x1;
	_ =	shalt  }
.Lfunc_end2:
_tile_overlayer_lowered:
.L_overlay_start_2:
0x13a: {  	(tag) =	ssettag $0x2  }
0x13b: {  	s0 =	rddreg [dreg:$0x0];
	s2 =	stileid.u32  }
0x13c: {  	s1 =	rddreg [dreg:$0x1];
	p0 =	sne.s32 s2, $0x0  }
0x13d: {  	s3 =	rddreg [dreg:$0x2];
	[bflag:$0x3] =	sbarrier.arrive $0xFFFF;
	s2 =	simm.s32 @!p0 $0x1C07  }
0x13e: {  	[timem:s3], [sflag:s2] =	dma.local @!p0 [hbm:s0], s1  }
0x13f: {  	s0 =	simm.s32 @!p0 $0x7  }
0x140: {  	_ =	swait.ge @!p0 [sflag:s0], s1  }
0x141: {  	s1 =	ssub.s32 @!p0 $0x0, s1;
	[sflag:s0] =	ssyncset.done @!p0 $0x0  }
0x142: {  	[sflag:s0] =	ssyncadd.s32 @!p0 s1  }
0x143: {  	[bflag:$0x3] =	sbarrier.arrive $0xFFFF  }
0x144: {  	_ =	shalt  }

</sc_bundles>
